<compile_context>
chip_gen: v7x
topology: tpu7x:2x2x1
jax: 0.10.2.dev20260603
libtpu: 0.0.44.dev20260713+nightly
codegen_flags: <defaults>
</compile_context>

<pallas_src>
import functools

import jax
import jax.numpy as jnp
from jax import lax
from jax.experimental import pallas as pl
from jax.experimental.pallas import tpu as pltpu
from jax.experimental.pallas import tpu_sc as plsc

N = 10000
E = 320000
D = 128
VOCAB = 1000
T = 4
N_SLT = 4
N_SRT = 9

NC, NS = 2, 16
NW = NC * NS
NPAD = 10240
NIDX = NPAD * T
HBINS = NPAD * N_SLT
EPT = E // NW
CE = 80
NCH = EPT // CE
GCH = 128
GPT = NIDX // NW
GNCH = GPT // GCH

_mesh = plsc.VectorSubcoreMesh(
    core_axis_name="c", subcore_axis_name="s", num_cores=NC, num_subcores=NS)


def _wid():
    return lax.axis_index("s") * NC + lax.axis_index("c")


def _drain(hbm_ref, buf, sem):
    pltpu.make_async_copy(hbm_ref.at[pl.ds(0, buf.shape[0])], buf, sem).wait()


def _k1_body(table_h, tidx_h, dst_h, typ_h, out0_h, hist_h,
             tidx_v, dst_v, typ_v, rows0, rows1, ob0, ob1, hacc_v,
             isem, g0, g1, w0, w1):
    wid = _wid()
    wsems = (w0, w1)

    pltpu.async_copy(tidx_h.at[pl.ds(wid * GPT, GPT)], tidx_v, isem)
    pltpu.async_copy(dst_h.at[pl.ds(wid * EPT, EPT)], dst_v, isem)
    pltpu.async_copy(typ_h.at[pl.ds(wid * EPT, EPT)], typ_v, isem)

    def zero(i, _):
        hacc_v[pl.ds(i * 16, 16)] = jnp.zeros((16,), jnp.float32)
        return 0
    lax.fori_loop(0, HBINS // 16, zero, 0)

    _drain(tidx_h, tidx_v, isem)
    _drain(dst_h, dst_v, isem)
    _drain(typ_h, typ_v, isem)

    rows = (rows0, rows1)
    obs = (ob0, ob1)
    gs = (g0, g1)

    def start_g(i, b):
        @pl.when(i < GNCH)
        def _():
            pltpu.async_copy(
                table_h.at[tidx_v.at[pl.ds(i * GCH, GCH)]], rows[b], gs[b])

    def pool_write(i, b):
        _drain(table_h, rows[b], gs[b])
        rb = rows[b]
        o = obs[b]

        @pl.when(i >= 2)
        def _():
            pltpu.make_async_copy(
                out0_h.at[pl.ds(0, GCH // 4)], o, wsems[b]).wait()

        def prow(r, _):
            def pcol(c, _):
                s = (rb[4 * r, pl.ds(c * 16, 16)]
                     + rb[4 * r + 1, pl.ds(c * 16, 16)]
                     + rb[4 * r + 2, pl.ds(c * 16, 16)]
                     + rb[4 * r + 3, pl.ds(c * 16, 16)])
                o[r, pl.ds(c * 16, 16)] = s
                return 0
            lax.fori_loop(0, D // 16, pcol, 0)
            return 0
        lax.fori_loop(0, GCH // 4, prow, 0)
        base = wid * (GPT // 4) + i * (GCH // 4)
        pltpu.async_copy(o, out0_h.at[pl.ds(base, GCH // 4)], wsems[b])

    start_g(0, 0)

    ones = jnp.ones((16,), jnp.float32)
    HPG = EPT // 16 // (GNCH // 2)

    def hstep(j, _):
        dk = dst_v[pl.ds(j * 16, 16)]
        tk = typ_v[pl.ds(j * 16, 16)]
        plsc.addupdate_scatter(hacc_v, [tk * NPAD + dk], ones)
        return 0

    def gbody(j, _):
        i0 = 2 * j
        start_g(i0 + 1, 1)
        lax.fori_loop(j * HPG, (j + 1) * HPG, hstep, 0)
        pool_write(i0, 0)
        start_g(i0 + 2, 0)
        pool_write(i0 + 1, 1)
        return 0
    lax.fori_loop(0, GNCH // 2, gbody, 0)
    pltpu.make_async_copy(out0_h.at[pl.ds(0, GCH // 4)], obs[0], wsems[0]).wait()
    pltpu.make_async_copy(out0_h.at[pl.ds(0, GCH // 4)], obs[1], wsems[1]).wait()
    pltpu.sync_copy(hacc_v, hist_h.at[wid])


_k1 = functools.partial(
    pl.kernel, _k1_body,
    out_type=(jax.ShapeDtypeStruct((NPAD, D), jnp.float32),
              jax.ShapeDtypeStruct((NW, HBINS), jnp.float32)),
    mesh=_mesh,
    compiler_params=pltpu.CompilerParams(needs_layout_passes=False),
    scratch_types=[
        pltpu.VMEM((GPT,), jnp.int32),
        pltpu.VMEM((EPT,), jnp.int32),
        pltpu.VMEM((EPT,), jnp.int32),
        pltpu.VMEM((GCH, D), jnp.float32),
        pltpu.VMEM((GCH, D), jnp.float32),
        pltpu.VMEM((GCH // 4, D), jnp.float32),
        pltpu.VMEM((GCH // 4, D), jnp.float32),
        pltpu.VMEM((HBINS,), jnp.float32),
        pltpu.SemaphoreType.DMA,
        pltpu.SemaphoreType.DMA,
        pltpu.SemaphoreType.DMA,
        pltpu.SemaphoreType.DMA,
        pltpu.SemaphoreType.DMA,
    ])()


def _k3_body(x_h, src_h, dst_h, ap_h, sacc,
             s0, s1, d0, d1, rows0, rows1, zb_v,
             i0s, i1s, g0, g1):
    cid = lax.axis_index("c")
    sid = lax.axis_index("s")
    wid = sid * NC + cid
    ebase = wid * EPT

    srcs = (s0, s1)
    dsts = (d0, d1)
    rows = (rows0, rows1)
    isems = (i0s, i1s)
    gsems = (g0, g1)

    def start_idx(i, b):
        @pl.when(i < NCH)
        def _():
            base = ebase + i * CE
            pltpu.async_copy(src_h.at[pl.ds(base, CE)], srcs[b], isems[b])
            pltpu.async_copy(dst_h.at[pl.ds(base, CE)], dsts[b], isems[b])

    def wait_idx(i, b):
        @pl.when(i < NCH)
        def _():
            _drain(src_h, srcs[b], isems[b])
            _drain(dst_h, dsts[b], isems[b])

    def start_g(i, b):
        @pl.when(i < NCH)
        def _():
            pltpu.async_copy(x_h.at[srcs[b]], rows[b], gsems[b])

    def zvb(i, _):
        def zrow(j, _):
            zb_v[i, pl.ds(j * 16, 16)] = jnp.zeros((16,), jnp.float32)
            return 0
        lax.fori_loop(0, D // 16, zrow, 0)
        return 0
    lax.fori_loop(0, 64, zvb, 0)
    rbase = sid * (NPAD // NS)

    def zs(i, _):
        pltpu.sync_copy(zb_v, sacc.at[pl.ds(rbase + i * 64, 64)])
        return 0
    lax.fori_loop(0, NPAD // NS // 64, zs, 0)
    plsc.subcore_barrier()

    start_idx(0, 0)
    wait_idx(0, 0)
    start_g(0, 0)
    start_idx(1, 1)

    def half(i, b):
        wait_idx(i + 1, 1 - b)
        start_g(i + 1, 1 - b)
        _drain(x_h, rows[b], gsems[b])
        pltpu.sync_copy(rows[b], sacc.at[dsts[b]], add=True)
        start_idx(i + 2, b)

    def ebody(j, _):
        i0 = 2 * j
        half(i0, 0)
        half(i0 + 1, 1)
        return 0
    lax.fori_loop(0, NCH // 2, ebody, 0)
    half(NCH - 1, 0)
    plsc.subcore_barrier()

    pltpu.sync_copy(sacc.at[pl.ds(rbase, NPAD // NS)],
                    ap_h.at[cid, pl.ds(rbase, NPAD // NS)])


_k3 = functools.partial(
    pl.kernel, _k3_body,
    out_type=jax.ShapeDtypeStruct((NC, NPAD, D), jnp.float32),
    mesh=_mesh,
    scratch_types=[
        pltpu.VMEM_SHARED((NPAD, D), jnp.float32),
        pltpu.VMEM((CE,), jnp.int32),
        pltpu.VMEM((CE,), jnp.int32),
        pltpu.VMEM((CE,), jnp.int32),
        pltpu.VMEM((CE,), jnp.int32),
        pltpu.VMEM((CE, D), jnp.float32),
        pltpu.VMEM((CE, D), jnp.float32),
        pltpu.VMEM((64, D), jnp.float32),
        pltpu.SemaphoreType.DMA,
        pltpu.SemaphoreType.DMA,
        pltpu.SemaphoreType.DMA,
        pltpu.SemaphoreType.DMA,
    ])()


def _k6_body(p_h, q_h, src_h, dst_h, ef_h,
             s0, s1, d0, d1, pb0, pb1, qb0, qb1, ob0, ob1,
             i0s, i1s, gp0, gp1, gq0, gq1, w0, w1):
    wid = _wid()
    ebase = wid * EPT

    srcs = (s0, s1)
    dsts = (d0, d1)
    pbs = (pb0, pb1)
    qbs = (qb0, qb1)
    obs = (ob0, ob1)
    isems = (i0s, i1s)
    gpsems = (gp0, gp1)
    gqsems = (gq0, gq1)
    wsems = (w0, w1)

    def start_idx(i, b):
        @pl.when(i < NCH)
        def _():
            base = ebase + i * CE
            pltpu.async_copy(src_h.at[pl.ds(base, CE)], srcs[b], isems[b])
            pltpu.async_copy(dst_h.at[pl.ds(base, CE)], dsts[b], isems[b])

    def wait_idx(i, b):
        @pl.when(i < NCH)
        def _():
            _drain(src_h, srcs[b], isems[b])
            _drain(dst_h, dsts[b], isems[b])

    def start_g(i, b):
        @pl.when(i < NCH)
        def _():
            pltpu.async_copy(p_h.at[srcs[b]], pbs[b], gpsems[b])
            pltpu.async_copy(q_h.at[dsts[b]], qbs[b], gqsems[b])

    start_idx(0, 0)
    wait_idx(0, 0)
    start_g(0, 0)
    start_idx(1, 1)

    def half(i, b):
        wait_idx(i + 1, 1 - b)
        start_g(i + 1, 1 - b)
        _drain(p_h, pbs[b], gpsems[b])
        _drain(q_h, qbs[b], gqsems[b])
        pb = pbs[b]
        qb = qbs[b]
        o = obs[b]

        @pl.when(i >= 2)
        def _():
            pltpu.make_async_copy(
                ef_h.at[pl.ds(0, CE // 8)], o, wsems[b]).wait()

        def add(j, _):
            o[j // 8, pl.ds((j % 8) * 16, 16)] = pb[j] + qb[j]
            return 0
        lax.fori_loop(0, CE, add, 0)
        start_idx(i + 2, b)
        pltpu.async_copy(o, ef_h.at[pl.ds((ebase + i * CE) // 8, CE // 8)],
                         wsems[b])

    def ebody(j, _):
        i0 = 2 * j
        half(i0, 0)
        half(i0 + 1, 1)
        return 0
    lax.fori_loop(0, NCH // 2, ebody, 0)
    half(NCH - 1, 0)
    pltpu.make_async_copy(ef_h.at[pl.ds(0, CE // 8)], obs[1], wsems[1]).wait()
    pltpu.make_async_copy(ef_h.at[pl.ds(0, CE // 8)], obs[0], wsems[0]).wait()


_k6 = functools.partial(
    pl.kernel, _k6_body,
    out_type=jax.ShapeDtypeStruct((E * 16 // 128, 128), jnp.float32),
    mesh=_mesh,
    compiler_params=pltpu.CompilerParams(use_tc_tiling_on_sc=False),
    scratch_types=[
        pltpu.VMEM((CE,), jnp.int32),
        pltpu.VMEM((CE,), jnp.int32),
        pltpu.VMEM((CE,), jnp.int32),
        pltpu.VMEM((CE,), jnp.int32),
        pltpu.VMEM((CE, 16), jnp.float32),
        pltpu.VMEM((CE, 16), jnp.float32),
        pltpu.VMEM((CE, 16), jnp.float32),
        pltpu.VMEM((CE, 16), jnp.float32),
        pltpu.VMEM((CE // 8, 128), jnp.float32),
        pltpu.VMEM((CE // 8, 128), jnp.float32),
        pltpu.SemaphoreType.DMA,
        pltpu.SemaphoreType.DMA,
        pltpu.SemaphoreType.DMA,
        pltpu.SemaphoreType.DMA,
        pltpu.SemaphoreType.DMA,
        pltpu.SemaphoreType.DMA,
        pltpu.SemaphoreType.DMA,
        pltpu.SemaphoreType.DMA,
    ])()


EROWS = E * 16 // 128
RPT = EROWS // NW
RCH = CE // 8


def _k8_body(zp_h, out_h, zb0, zb1, pcls, g0, g1):
    wid = _wid()
    rbase = wid * RPT
    zbs = (zb0, zb1)
    gsems = (g0, g1)

    def start(i, b):
        @pl.when(i < NCH)
        def _():
            pltpu.async_copy(zp_h.at[pl.ds(rbase + i * RCH, RCH)],
                             zbs[b], gsems[b])

    start(0, 0)
    lane8 = jnp.arange(16, dtype=jnp.int32)
    rowv = lane8 // 8
    lanebase = (lane8 % 8) * 16

    def half(i, b):
        start(i + 1, 1 - b)
        _drain(zp_h, zbs[b], gsems[b])
        zb = zbs[b]
        for k in range(5):
            rv = rowv + 2 * k
            for c in range(N_SRT):
                g = plsc.load_gather(zb, [rv, lanebase + c])
                pcls[c, pl.ds(i * CE + 16 * k, 16)] = g

    def ebody(j, _):
        i0 = 2 * j
        half(i0, 0)
        half(i0 + 1, 1)
        return 0
    lax.fori_loop(0, NCH // 2, ebody, 0)
    half(NCH - 1, 0)

    for c in range(N_SRT):
        pltpu.sync_copy(pcls.at[c], out_h.at[c, pl.ds(wid * EPT, EPT)])


_k8 = functools.partial(
    pl.kernel, _k8_body,
    out_type=jax.ShapeDtypeStruct((N_SRT, E), jnp.float32),
    mesh=_mesh,
    compiler_params=pltpu.CompilerParams(
        needs_layout_passes=False, use_tc_tiling_on_sc=False),
    scratch_types=[
        pltpu.VMEM((RCH, 128), jnp.float32),
        pltpu.VMEM((RCH, 128), jnp.float32),
        pltpu.VMEM((N_SRT, EPT), jnp.float32),
        pltpu.SemaphoreType.DMA,
        pltpu.SemaphoreType.DMA,
    ])()


def _k2b_body(x_ref, hp_ref, re1_ref, re2_ref, wc1_ref, wc2_ref,
              b1_ref, b2_ref, ones_ref, add1_ref, add2_ref, invd_ref):
    cnt = jnp.sum(hp_ref[...], axis=0)
    dn = (((0,), (0,)), ((), ()))
    deg = lax.dot_general(cnt, ones_ref[...], dn,
                          preferred_element_type=jnp.float32)
    invd = 1.0 / jnp.maximum(deg, 1.0)
    mean_x = jnp.mean(x_ref[...], axis=0, keepdims=True)
    ctx1 = jnp.dot(mean_x, wc1_ref[...], preferred_element_type=jnp.float32)
    ctx2 = jnp.dot(mean_x, wc2_ref[...], preferred_element_type=jnp.float32)
    r1 = lax.dot_general(cnt, re1_ref[...], dn,
                         preferred_element_type=jnp.float32)
    r2 = lax.dot_general(cnt, re2_ref[...], dn,
                         preferred_element_type=jnp.float32)
    add1_ref[...] = r1 * invd + ctx1 + b1_ref[...][None, :]
    add2_ref[...] = r2 * invd + ctx2 + b2_ref[...][None, :]
    invd_ref[...] = invd


def _k2b(x, hp4, re1, re2, wc1, wc2, b1, b2):
    ones = jnp.ones((N_SLT, 1), jnp.float32)
    return pl.pallas_call(
        _k2b_body,
        out_shape=(jax.ShapeDtypeStruct((NPAD, D), jnp.float32),
                   jax.ShapeDtypeStruct((NPAD, D), jnp.float32),
                   jax.ShapeDtypeStruct((NPAD, 1), jnp.float32)),
    )(x, hp4, re1, re2, wc1, wc2, b1, b2, ones)


def _k4_body(xp_ref, ap_ref, invd_ref, addc_ref, ws_ref, wm_ref, out_ref):
    a = ap_ref[0] + ap_ref[1]
    h = jnp.dot(xp_ref[...], ws_ref[...], preferred_element_type=jnp.float32)
    m = jnp.dot(a, wm_ref[...], preferred_element_type=jnp.float32)
    out_ref[...] = jnp.maximum(h + m * invd_ref[...] + addc_ref[...], 0.0)


def _k4(xprev, ap, invd, addc, w_self, w_msg):
    blk = 256
    return pl.pallas_call(
        _k4_body,
        grid=(NPAD // blk,),
        in_specs=[
            pl.BlockSpec((blk, D), lambda i: (i, 0)),
            pl.BlockSpec((NC, blk, D), lambda i: (0, i, 0)),
            pl.BlockSpec((blk, 1), lambda i: (i, 0)),
            pl.BlockSpec((blk, D), lambda i: (i, 0)),
            pl.BlockSpec((D, D), lambda i: (0, 0)),
            pl.BlockSpec((D, D), lambda i: (0, 0)),
        ],
        out_specs=pl.BlockSpec((blk, D), lambda i: (i, 0)),
        out_shape=jax.ShapeDtypeStruct((NPAD, D), jnp.float32),
    )(xprev, ap, invd, addc, w_self, w_msg)


def _k4b_body(xp_ref, ap_ref, invd_ref, addc_ref, ws_ref, wm_ref,
              wg_ref, bg_ref, out_ref, pq_ref):
    a = ap_ref[0] + ap_ref[1]
    h = jnp.dot(xp_ref[...], ws_ref[...], preferred_element_type=jnp.float32)
    m = jnp.dot(a, wm_ref[...], preferred_element_type=jnp.float32)
    out = jnp.maximum(h + m * invd_ref[...] + addc_ref[...], 0.0)
    out_ref[...] = out
    pq = jnp.dot(out, wg_ref[...], preferred_element_type=jnp.float32)
    pq_ref[...] = pq + bg_ref[...][None, :]


def _k4b(xprev, ap, invd, addc, w_self, w_msg, wg_pad, bg_pad):
    blk = 256
    return pl.pallas_call(
        _k4b_body,
        grid=(NPAD // blk,),
        in_specs=[
            pl.BlockSpec((blk, D), lambda i: (i, 0)),
            pl.BlockSpec((NC, blk, D), lambda i: (0, i, 0)),
            pl.BlockSpec((blk, 1), lambda i: (i, 0)),
            pl.BlockSpec((blk, D), lambda i: (i, 0)),
            pl.BlockSpec((D, D), lambda i: (0, 0)),
            pl.BlockSpec((D, D), lambda i: (0, 0)),
            pl.BlockSpec((D, 32), lambda i: (0, 0)),
            pl.BlockSpec((32,), lambda i: (0,)),
        ],
        out_specs=(pl.BlockSpec((blk, D), lambda i: (i, 0)),
                   pl.BlockSpec((blk, 32), lambda i: (i, 0))),
        out_shape=(jax.ShapeDtypeStruct((NPAD, D), jnp.float32),
                   jax.ShapeDtypeStruct((NPAD, 32), jnp.float32)),
    )(xprev, ap, invd, addc, w_self, w_msg, wg_pad, bg_pad)


def _k5_body(x_ref, wz_ref, bz_ref, npt_ref):
    x = x_ref[...]
    dn = (((0,), (1,)), ((), ()))
    logits = lax.dot_general(wz_ref[...], x, dn,
                             preferred_element_type=jnp.float32)
    logits = logits + bz_ref[...]
    m = jnp.max(logits, axis=0, keepdims=True)
    z = logits - m
    ls = jnp.log(jnp.sum(jnp.exp(z), axis=0, keepdims=True))
    npt_ref[...] = z - ls


def _k5(out2, w_z, b_z):
    blk = 512
    grid = (N + blk - 1) // blk
    return pl.pallas_call(
        _k5_body,
        grid=(grid,),
        in_specs=[
            pl.BlockSpec((blk, D), lambda i: (i, 0)),
            pl.BlockSpec((D, VOCAB), lambda i: (0, 0)),
            pl.BlockSpec((VOCAB, 1), lambda i: (0, 0)),
        ],
        out_specs=pl.BlockSpec((VOCAB, blk), lambda i: (0, i)),
        out_shape=jax.ShapeDtypeStruct((VOCAB, N), jnp.float32),
    )(out2, w_z, b_z.reshape(VOCAB, 1))


def _k7_body(ef_ref, bmean_ref, bsum_ref, out_ref):
    z = ef_ref[...]
    lane = lax.broadcasted_iota(jnp.int32, z.shape, 1)
    valid = (lane % 16) < N_SRT
    zv = jnp.where(valid, z, 0.0)
    mean = jnp.dot(zv, bmean_ref[...], preferred_element_type=jnp.float32)
    zc = z - mean
    e = jnp.where(valid, jnp.exp(zc), 0.0)
    s = jnp.dot(e, bsum_ref[...], preferred_element_type=jnp.float32)
    out_ref[...] = zc - jnp.log(s)


def _k7(efp, bmean, bsum):
    blk = 4000
    return pl.pallas_call(
        _k7_body,
        grid=(EROWS // blk,),
        in_specs=[
            pl.BlockSpec((blk, 128), lambda i: (i, 0)),
            pl.BlockSpec((128, 128), lambda i: (0, 0)),
            pl.BlockSpec((128, 128), lambda i: (0, 0)),
        ],
        out_specs=pl.BlockSpec((blk, 128), lambda i: (i, 0)),
        out_shape=jax.ShapeDtypeStruct((EROWS, 128), jnp.float32),
    )(efp, bmean, bsum)


def kernel(x, tgt_x, tgt_edge_index, tgt_edge_type, embed_table,
           W_self1, W_msg1, W_ctx1, rel_emb1, b1,
           W_self2, W_msg2, W_ctx2, rel_emb2, b2,
           W_z, b_z, W_g, b_g):
    src = tgt_edge_index[0].astype(jnp.int32)
    dst = tgt_edge_index[1].astype(jnp.int32)
    typ = tgt_edge_type.astype(jnp.int32)
    tidx = jnp.concatenate(
        [tgt_x.astype(jnp.int32).reshape(-1),
         jnp.zeros((NIDX - N * T,), jnp.int32)])

    out0, hist = _k1(embed_table, tidx, dst, typ)
    hp4 = hist.reshape(NW, N_SLT, NPAD)
    add1, add2, invd = _k2b(x, hp4, rel_emb1, rel_emb2, W_ctx1, W_ctx2, b1, b2)

    wg_pad = jnp.zeros((D, 32), jnp.float32)
    wg_pad = wg_pad.at[:, :N_SRT].set(W_g[:D])
    wg_pad = wg_pad.at[:, 16:16 + N_SRT].set(W_g[D:])
    bg_pad = jnp.zeros((32,), jnp.float32).at[16:16 + N_SRT].set(b_g)

    ap1 = _k3(out0, src, dst)
    out1 = _k4(out0, ap1, invd, add1, W_self1, W_msg1)
    ap2 = _k3(out1, src, dst)
    out2, pq = _k4b(out1, ap2, invd, add2, W_self2, W_msg2, wg_pad, bg_pad)

    efp = _k6(pq[:, :16], pq[:, 16:], src, dst)
    npt = _k5(out2, W_z, b_z)
    node_pred = npt.T
    grp = jnp.arange(128, dtype=jnp.int32) // 16
    bgrp = (grp[:, None] == grp[None, :]).astype(jnp.float32)
    zp = _k7(efp, bgrp / float(N_SRT), bgrp)
    edge_pred = _k8(zp).T
    return (node_pred, edge_pred)

# --- scband reference (transcript-rebuilt; emitter-appended) ---
"""Pipeline reference for scband-decoder-38070590112039 (READ-ONLY COPY).

The authoritative reference and input builder live on the scoring server;
editing this copy changes nothing except your own understanding.
"""

import jax, jax.numpy as jnp
import numpy as np

N_NODES = 10000
E = 320000
D = 128
VOCAB = 1000
T = 4
N_SLT = 4   # len(SltEdgeTypes)
N_SRT = 9   # len(SrtEdgeTypes)


def gcn_dec_layer(src_x, out_x, edge_index, edge_type, W_self, W_msg, W_ctx, rel_emb, b):
    src = edge_index[0]
    dst = edge_index[1]
    msg = out_x[src] @ W_msg + rel_emb[edge_type]
    agg = jax.ops.segment_sum(msg, dst, num_segments=out_x.shape[0])
    deg = jax.ops.segment_sum(jnp.ones((edge_index.shape[1],), dtype=out_x.dtype), dst, num_segments=out_x.shape[0])
    agg = agg / jnp.maximum(deg, 1.0)[:, None]
    ctx = jnp.mean(src_x, axis=0) @ W_ctx
    return jax.nn.relu(out_x @ W_self + agg + ctx[None, :] + b)


def setup_inputs(seed: int = 0) -> dict:
    key = jax.random.key(seed)
    ks = jax.random.split(key, 20)
    s = 1.0 / np.sqrt(D)
    inp = {}
    inp["x"] = jax.random.normal(ks[0], (N_NODES, D), dtype=jnp.float32)
    inp["tgt_x"] = jax.random.randint(ks[1], (N_NODES, T), 0, VOCAB)
    inp["tgt_edge_index"] = jax.random.randint(ks[2], (2, E), 0, N_NODES)
    inp["tgt_edge_type"] = jax.random.randint(ks[3], (E,), 0, N_SLT)
    inp["embed_table"] = jax.random.normal(ks[4], (VOCAB, D), dtype=jnp.float32) * s
    inp["W_self1"] = jax.random.normal(ks[5], (D, D), dtype=jnp.float32) * s
    inp["W_msg1"] = jax.random.normal(ks[6], (D, D), dtype=jnp.float32) * s
    inp["W_ctx1"] = jax.random.normal(ks[7], (D, D), dtype=jnp.float32) * s
    inp["rel_emb1"] = jax.random.normal(ks[8], (N_SLT, D), dtype=jnp.float32) * s
    inp["b1"] = jnp.zeros((D,), dtype=jnp.float32)
    inp["W_self2"] = jax.random.normal(ks[9], (D, D), dtype=jnp.float32) * s
    inp["W_msg2"] = jax.random.normal(ks[10], (D, D), dtype=jnp.float32) * s
    inp["W_ctx2"] = jax.random.normal(ks[11], (D, D), dtype=jnp.float32) * s
    inp["rel_emb2"] = jax.random.normal(ks[12], (N_SLT, D), dtype=jnp.float32) * s
    inp["b2"] = jnp.zeros((D,), dtype=jnp.float32)
    inp["W_z"] = jax.random.normal(ks[13], (D, VOCAB), dtype=jnp.float32) * s
    inp["b_z"] = jnp.zeros((VOCAB,), dtype=jnp.float32)
    inp["W_g"] = jax.random.normal(ks[14], (2 * D, N_SRT), dtype=jnp.float32) * (1.0 / np.sqrt(2 * D))
    inp["b_g"] = jnp.zeros((N_SRT,), dtype=jnp.float32)
    return inp


def reference(x, tgt_x, tgt_edge_index, tgt_edge_type, embed_table,
              W_self1, W_msg1, W_ctx1, rel_emb1, b1,
              W_self2, W_msg2, W_ctx2, rel_emb2, b2,
              W_z, b_z, W_g, b_g):
    # training branch of Decoder.forward
    out_x = jnp.sum(embed_table[tgt_x], axis=1)                     # embeds + sum over dim=1
    out_x = gcn_dec_layer(x, out_x, tgt_edge_index, tgt_edge_type, W_self1, W_msg1, W_ctx1, rel_emb1, b1)
    out_x = gcn_dec_layer(x, out_x, tgt_edge_index, tgt_edge_type, W_self2, W_msg2, W_ctx2, rel_emb2, b2)
    node_logits = out_x @ W_z + b_z
    out_node_pred = jax.nn.log_softmax(node_logits, axis=1)
    ef = out_x[tgt_edge_index]                                      # [2, E, D]
    ef = jnp.transpose(ef, (1, 0, 2)).reshape(tgt_edge_index.shape[1], 2 * out_x.shape[1])
    edge_logits = ef @ W_g + b_g
    out_edge_pred = jax.nn.log_softmax(edge_logits, axis=1)
    return (out_node_pred, out_edge_pred)

if __name__ == "__main__":
    import jax
    _d = setup_inputs()
    print(jax.jit(kernel)(*tuple(_d.values())))

</pallas_src>

<mosaic_0001>
#map = affine_map<(d0, d1) -> (0, 0)>
#map1 = affine_map<(d0, d1) -> (0)>
#map2 = affine_map<(d0, d1) -> (0, 0, 0)>
module attributes {stable_mosaic.version = 14 : i64} {
  func.func @_k3_body(%arg0: i32, %arg1: i32, %arg2: memref<10240x128xf32, #tpu.memory_space<hbm>>, %arg3: memref<320000xi32, #tpu.memory_space<hbm>>, %arg4: memref<320000xi32, #tpu.memory_space<hbm>>, %arg5: memref<2x10240x128xf32, #tpu.memory_space<hbm>>, %arg6: memref<10240x128xf32, #tpu.memory_space<vmem_shared>>, %arg7: memref<80xi32, #tpu.memory_space<vmem>>, %arg8: memref<80xi32, #tpu.memory_space<vmem>>, %arg9: memref<80xi32, #tpu.memory_space<vmem>>, %arg10: memref<80xi32, #tpu.memory_space<vmem>>, %arg11: memref<80x128xf32, #tpu.memory_space<vmem>>, %arg12: memref<80x128xf32, #tpu.memory_space<vmem>>, %arg13: memref<64x128xf32, #tpu.memory_space<vmem>>, %arg14: memref<!tpu.dma_semaphore, #tpu.memory_space<semaphore_mem>>, %arg15: memref<!tpu.dma_semaphore, #tpu.memory_space<semaphore_mem>>, %arg16: memref<!tpu.dma_semaphore, #tpu.memory_space<semaphore_mem>>, %arg17: memref<!tpu.dma_semaphore, #tpu.memory_space<semaphore_mem>>) attributes {dimension_semantics = [#tpu.dimension_semantics<core_parallel>, #tpu.dimension_semantics<subcore_parallel>], iteration_bounds = array<i64: 2, 16>, scalar_prefetch = 0 : i64, scratch_operands = 12 : i64, tpu.core_type = #tpu.core_type<sc_vector_subcore>, window_params = [{transform_indices = #map}, {transform_indices = #map1}, {transform_indices = #map1}, {transform_indices = #map2}]} {
    %mul3A = arith.constant 2 : i32
    %mul3A_0 = arith.muli %arg1, %mul3A : i32
    %add3A = arith.addi %mul3A_0, %arg0 : i32
    %mul3A_1 = arith.constant 10000 : i32
    %mul3A_2 = arith.muli %add3A, %mul3A_1 : i32
    %scan3A = arith.constant 0 : i32
    %scan3A_3 = arith.constant 0 : i32
    %scan3A_4 = arith.constant 64 : i32
    %scan3A_5 = arith.addi %scan3A_3, %scan3A_4 : i32
    %scan3A_6 = arith.constant 1 : i32
    %scan3A_7 = scf.for %scan3A_53 = %scan3A_3 to %scan3A_5 step %scan3A_6 iter_args(%scan3A_54 = %scan3A) -> (i32)  : i32 {
      %scan3A_55 = arith.constant 0 : i32
      %scan3A_56 = arith.constant 0 : i32
      %scan3A_57 = arith.constant 8 : i32
      %scan3A_58 = arith.addi %scan3A_56, %scan3A_57 : i32
      %scan3A_59 = arith.constant 1 : i32
      %scan3A_60 = scf.for %scan3A_63 = %scan3A_56 to %scan3A_58 step %scan3A_59 iter_args(%scan3A_64 = %scan3A_55) -> (i32)  : i32 {
        %broadcast_in_dim3A = arith.constant 0.000000e+00 : f32
        %broadcast_in_dim3A_65 = vector.broadcast %broadcast_in_dim3A : f32 to vector<16xf32>
        %mul3A_66 = arith.constant 16 : i32
        %mul3A_67 = arith.muli %scan3A_63, %mul3A_66 : i32
        %swap3A = arith.index_cast %scan3A_53 : i32 to index
        %swap3A_68 = arith.index_cast %mul3A_67 : i32 to index
        %swap3A_69 = tpu.vector_load %arg13[%swap3A, %swap3A_68] {strides = array<i32>} : memref<64x128xf32, #tpu.memory_space<vmem>>, vector<1x16xf32>,
        %swap3A_70 = vector.shape_cast %swap3A_69 : vector<1x16xf32> to vector<16xf32>
        %swap3A_71 = vector.shape_cast %broadcast_in_dim3A_65 : vector<16xf32> to vector<1x16xf32>
        tpu.vector_store %arg13[%swap3A, %swap3A_68], %swap3A_71 {strides = array<i32>} : memref<64x128xf32, #tpu.memory_space<vmem>>, vector<1x16xf32>,
        %scan3A_72 = arith.constant 0 : i32
        scf.yield %scan3A_72 : i32
      }
      %scan3A_61 = arith.constant 8 : i32
      %scan3A_62 = arith.constant 0 : i32
      scf.yield %scan3A_62 : i32
    }
    %scan3A_8 = arith.constant 64 : i32
    %mul3A_9 = arith.constant 640 : i32
    %mul3A_10 = arith.muli %arg1, %mul3A_9 : i32
    %scan3A_11 = arith.constant 0 : i32
    %scan3A_12 = arith.constant 0 : i32
    %scan3A_13 = arith.constant 10 : i32
    %scan3A_14 = arith.addi %scan3A_12, %scan3A_13 : i32
    %scan3A_15 = arith.constant 1 : i32
    %scan3A_16 = scf.for %scan3A_53 = %scan3A_12 to %scan3A_14 step %scan3A_15 iter_args(%scan3A_54 = %scan3A_11) -> (i32)  : i32 {
      %mul3A_55 = arith.constant 64 : i32
      %mul3A_56 = arith.muli %scan3A_53, %mul3A_55 : i32
      %add3A_57 = arith.addi %mul3A_10, %mul3A_56 : i32
      "tpu.region"() ({
        %run_scoped3A = tpu.sem_alloc : memref<!tpu.dma_semaphore, #tpu.memory_space<semaphore_mem>>
        %dma_start3A_59 = arith.constant 0 : i32
        %dma_start3A_60 = tpu.memref_slice %arg6[%add3A_57, %dma_start3A_59] : memref<10240x128xf32, #tpu.memory_space<vmem_shared>> -> memref<64x128xf32, #tpu.memory_space<vmem_shared>>
        %dma_start3A_61 = arith.constant 0 : i32
        %dma_start3A_62 = tpu.memref_slice %arg6[%add3A_57, %dma_start3A_61] : memref<10240x128xf32, #tpu.memory_space<vmem_shared>> -> memref<64x128xf32, #tpu.memory_space<vmem_shared>>
        tpu.enqueue_dma source(%arg13 : memref<64x128xf32, #tpu.memory_space<vmem>>) target(%dma_start3A_62 : memref<64x128xf32, #tpu.memory_space<vmem_shared>>) target_semaphore(%run_scoped3A : memref<!tpu.dma_semaphore, #tpu.memory_space<semaphore_mem>>)
        %dma_wait3A_63 = arith.constant 0 : i32
        %dma_wait3A_64 = tpu.memref_slice %arg6[%add3A_57, %dma_wait3A_63] : memref<10240x128xf32, #tpu.memory_space<vmem_shared>> -> memref<64x128xf32, #tpu.memory_space<vmem_shared>>
        %dma_wait3A_65 = arith.constant 0 : i32
        %dma_wait3A_66 = tpu.memref_slice %arg6[%add3A_57, %dma_wait3A_65] : memref<10240x128xf32, #tpu.memory_space<vmem_shared>> -> memref<64x128xf32, #tpu.memory_space<vmem_shared>>
        tpu.wait_dma2 semaphore(%run_scoped3A : memref<!tpu.dma_semaphore, #tpu.memory_space<semaphore_mem>>) src(%arg13 : memref<64x128xf32, #tpu.memory_space<vmem>>) dst(%dma_wait3A_66 : memref<64x128xf32, #tpu.memory_space<vmem_shared>>)
        tpu.yield
      }) : () -> ()
      %scan3A_58 = arith.constant 0 : i32
      scf.yield %scan3A_58 : i32
    }
    %scan3A_17 = arith.constant 10 : i32
    %barrier3A = arith.constant 0 : index
    tpu.barrier barrier_id(%barrier3A)
    %add3A_18 = arith.constant 0 : i32
    %add3A_19 = arith.addi %mul3A_2, %add3A_18 : i32
    %dma_start3A = tpu.memref_slice %arg3[%add3A_19] : memref<320000xi32, #tpu.memory_space<hbm>> -> memref<80xi32, #tpu.memory_space<hbm>>
    %dma_start3A_20 = tpu.memref_slice %arg3[%add3A_19] : memref<320000xi32, #tpu.memory_space<hbm>> -> memref<80xi32, #tpu.memory_space<hbm>>
    tpu.enqueue_dma source(%dma_start3A_20 : memref<80xi32, #tpu.memory_space<hbm>>) target(%arg7 : memref<80xi32, #tpu.memory_space<vmem>>) target_semaphore(%arg14 : memref<!tpu.dma_semaphore, #tpu.memory_space<semaphore_mem>>)
    %dma_start3A_21 = tpu.memref_slice %arg4[%add3A_19] : memref<320000xi32, #tpu.memory_space<hbm>> -> memref<80xi32, #tpu.memory_space<hbm>>
    %dma_start3A_22 = tpu.memref_slice %arg4[%add3A_19] : memref<320000xi32, #tpu.memory_space<hbm>> -> memref<80xi32, #tpu.memory_space<hbm>>
    tpu.enqueue_dma source(%dma_start3A_22 : memref<80xi32, #tpu.memory_space<hbm>>) target(%arg9 : memref<80xi32, #tpu.memory_space<vmem>>) target_semaphore(%arg14 : memref<!tpu.dma_semaphore, #tpu.memory_space<semaphore_mem>>)
    %dma_wait3A = arith.constant 0 : i32
    %dma_wait3A_23 = tpu.memref_slice %arg3[%dma_wait3A] : memref<320000xi32, #tpu.memory_space<hbm>> -> memref<80xi32, #tpu.memory_space<hbm>>
    %dma_wait3A_24 = arith.constant 0 : i32
    %dma_wait3A_25 = tpu.memref_slice %arg3[%dma_wait3A_24] : memref<320000xi32, #tpu.memory_space<hbm>> -> memref<80xi32, #tpu.memory_space<hbm>>
    tpu.wait_dma2 semaphore(%arg14 : memref<!tpu.dma_semaphore, #tpu.memory_space<semaphore_mem>>) src(%dma_wait3A_25 : memref<80xi32, #tpu.memory_space<hbm>>) dst(%arg7 : memref<80xi32, #tpu.memory_space<vmem>>)
    %dma_wait3A_26 = arith.constant 0 : i32
    %dma_wait3A_27 = tpu.memref_slice %arg4[%dma_wait3A_26] : memref<320000xi32, #tpu.memory_space<hbm>> -> memref<80xi32, #tpu.memory_space<hbm>>
    %dma_wait3A_28 = arith.constant 0 : i32
    %dma_wait3A_29 = tpu.memref_slice %arg4[%dma_wait3A_28] : memref<320000xi32, #tpu.memory_space<hbm>> -> memref<80xi32, #tpu.memory_space<hbm>>
    tpu.wait_dma2 semaphore(%arg14 : memref<!tpu.dma_semaphore, #tpu.memory_space<semaphore_mem>>) src(%dma_wait3A_29 : memref<80xi32, #tpu.memory_space<hbm>>) dst(%arg9 : memref<80xi32, #tpu.memory_space<vmem>>)
    %dma_start3A_30 = arith.constant 0 : i32
    %dma_start3A_31 = arith.constant 0 : i32
    %dma_start3A_32 = tpu.memref_slice %arg2[%dma_start3A_30, %dma_start3A_31] : memref<10240x128xf32, #tpu.memory_space<hbm>> -> memref<10240x128xf32, #tpu.memory_space<hbm>>
    tpu.enqueue_indirect_dma source(%dma_start3A_32 : memref<10240x128xf32, #tpu.memory_space<hbm>>) target(%arg11 : memref<80x128xf32, #tpu.memory_space<vmem>>) offsets(%arg7 : memref<80xi32, #tpu.memory_space<vmem>>) semaphore(%arg16 : memref<!tpu.dma_semaphore, #tpu.memory_space<semaphore_mem>>)
    %add3A_33 = arith.constant 80 : i32
    %add3A_34 = arith.addi %mul3A_2, %add3A_33 : i32
    %dma_start3A_35 = tpu.memref_slice %arg3[%add3A_34] : memref<320000xi32, #tpu.memory_space<hbm>> -> memref<80xi32, #tpu.memory_space<hbm>>
    %dma_start3A_36 = tpu.memref_slice %arg3[%add3A_34] : memref<320000xi32, #tpu.memory_space<hbm>> -> memref<80xi32, #tpu.memory_space<hbm>>
    tpu.enqueue_dma source(%dma_start3A_36 : memref<80xi32, #tpu.memory_space<hbm>>) target(%arg8 : memref<80xi32, #tpu.memory_space<vmem>>) target_semaphore(%arg15 : memref<!tpu.dma_semaphore, #tpu.memory_space<semaphore_mem>>)
    %dma_start3A_37 = tpu.memref_slice %arg4[%add3A_34] : memref<320000xi32, #tpu.memory_space<hbm>> -> memref<80xi32, #tpu.memory_space<hbm>>
    %dma_start3A_38 = tpu.memref_slice %arg4[%add3A_34] : memref<320000xi32, #tpu.memory_space<hbm>> -> memref<80xi32, #tpu.memory_space<hbm>>
    tpu.enqueue_dma source(%dma_start3A_38 : memref<80xi32, #tpu.memory_space<hbm>>) target(%arg10 : memref<80xi32, #tpu.memory_space<vmem>>) target_semaphore(%arg15 : memref<!tpu.dma_semaphore, #tpu.memory_space<semaphore_mem>>)
    %scan3A_39 = arith.constant 0 : i32
    %scan3A_40 = arith.constant 0 : i32
    %scan3A_41 = arith.constant 62 : i32
    %scan3A_42 = arith.addi %scan3A_40, %scan3A_41 : i32
    %scan3A_43 = arith.constant 1 : i32
    %scan3A_44 = scf.for %scan3A_53 = %scan3A_40 to %scan3A_42 step %scan3A_43 iter_args(%scan3A_54 = %scan3A_39) -> (i32)  : i32 {
      %mul3A_55 = arith.constant 2 : i32
      %mul3A_56 = arith.muli %mul3A_55, %scan3A_53 : i32
      %add3A_57 = arith.constant 1 : i32
      %add3A_58 = arith.addi %mul3A_56, %add3A_57 : i32
      %lt3A = arith.constant 125 : i32
      %lt3A_59 = arith.cmpi slt, %add3A_58, %lt3A : i32
      %convert_element_type3A = arith.extui %lt3A_59 : i1 to i32
      %cond3A = arith.constant 0 : i32
      %cond3A_60 = arith.cmpi ne, %convert_element_type3A, %cond3A : i32
      scf.if %cond3A_60 {
        %dma_wait3A_111 = arith.constant 0 : i32
        %dma_wait3A_112 = tpu.memref_slice %arg3[%dma_wait3A_111] : memref<320000xi32, #tpu.memory_space<hbm>> -> memref<80xi32, #tpu.memory_space<hbm>>
        %dma_wait3A_113 = arith.constant 0 : i32
        %dma_wait3A_114 = tpu.memref_slice %arg3[%dma_wait3A_113] : memref<320000xi32, #tpu.memory_space<hbm>> -> memref<80xi32, #tpu.memory_space<hbm>>
        tpu.wait_dma2 semaphore(%arg15 : memref<!tpu.dma_semaphore, #tpu.memory_space<semaphore_mem>>) src(%dma_wait3A_114 : memref<80xi32, #tpu.memory_space<hbm>>) dst(%arg8 : memref<80xi32, #tpu.memory_space<vmem>>)
        %dma_wait3A_115 = arith.constant 0 : i32
        %dma_wait3A_116 = tpu.memref_slice %arg4[%dma_wait3A_115] : memref<320000xi32, #tpu.memory_space<hbm>> -> memref<80xi32, #tpu.memory_space<hbm>>
        %dma_wait3A_117 = arith.constant 0 : i32
        %dma_wait3A_118 = tpu.memref_slice %arg4[%dma_wait3A_117] : memref<320000xi32, #tpu.memory_space<hbm>> -> memref<80xi32, #tpu.memory_space<hbm>>
        tpu.wait_dma2 semaphore(%arg15 : memref<!tpu.dma_semaphore, #tpu.memory_space<semaphore_mem>>) src(%dma_wait3A_118 : memref<80xi32, #tpu.memory_space<hbm>>) dst(%arg10 : memref<80xi32, #tpu.memory_space<vmem>>)
      } else {
      }
      %add3A_61 = arith.constant 1 : i32
      %add3A_62 = arith.addi %mul3A_56, %add3A_61 : i32
      %lt3A_63 = arith.constant 125 : i32
      %lt3A_64 = arith.cmpi slt, %add3A_62, %lt3A_63 : i32
      %convert_element_type3A_65 = arith.extui %lt3A_64 : i1 to i32
      %cond3A_66 = arith.constant 0 : i32
      %cond3A_67 = arith.cmpi ne, %convert_element_type3A_65, %cond3A_66 : i32
      scf.if %cond3A_67 {
        %dma_start3A_111 = arith.constant 0 : i32
        %dma_start3A_112 = arith.constant 0 : i32
        %dma_start3A_113 = tpu.memref_slice %arg2[%dma_start3A_111, %dma_start3A_112] : memref<10240x128xf32, #tpu.memory_space<hbm>> -> memref<10240x128xf32, #tpu.memory_space<hbm>>
        tpu.enqueue_indirect_dma source(%dma_start3A_113 : memref<10240x128xf32, #tpu.memory_space<hbm>>) target(%arg12 : memref<80x128xf32, #tpu.memory_space<vmem>>) offsets(%arg8 : memref<80xi32, #tpu.memory_space<vmem>>) semaphore(%arg17 : memref<!tpu.dma_semaphore, #tpu.memory_space<semaphore_mem>>)
      } else {
      }
      %dma_wait3A_68 = arith.constant 0 : i32
      %dma_wait3A_69 = arith.constant 0 : i32
      %dma_wait3A_70 = tpu.memref_slice %arg2[%dma_wait3A_68, %dma_wait3A_69] : memref<10240x128xf32, #tpu.memory_space<hbm>> -> memref<80x128xf32, #tpu.memory_space<hbm>>
      %dma_wait3A_71 = arith.constant 0 : i32
      %dma_wait3A_72 = arith.constant 0 : i32
      %dma_wait3A_73 = tpu.memref_slice %arg2[%dma_wait3A_71, %dma_wait3A_72] : memref<10240x128xf32, #tpu.memory_space<hbm>> -> memref<80x128xf32, #tpu.memory_space<hbm>>
      tpu.wait_dma2 semaphore(%arg16 : memref<!tpu.dma_semaphore, #tpu.memory_space<semaphore_mem>>) src(%dma_wait3A_73 : memref<80x128xf32, #tpu.memory_space<hbm>>) dst(%arg11 : memref<80x128xf32, #tpu.memory_space<vmem>>)
      "tpu.region"() ({
        %run_scoped3A = tpu.sem_alloc : memref<!tpu.dma_semaphore, #tpu.memory_space<semaphore_mem>>
        %dma_start3A_111 = arith.constant 0 : i32
        %dma_start3A_112 = arith.constant 0 : i32
        %dma_start3A_113 = tpu.memref_slice %arg6[%dma_start3A_111, %dma_start3A_112] : memref<10240x128xf32, #tpu.memory_space<vmem_shared>> -> memref<10240x128xf32, #tpu.memory_space<vmem_shared>>
        tpu.enqueue_indirect_dma source(%arg11 : memref<80x128xf32, #tpu.memory_space<vmem>>) target(%dma_start3A_113 : memref<10240x128xf32, #tpu.memory_space<vmem_shared>>) offsets(%arg9 : memref<80xi32, #tpu.memory_space<vmem>>) semaphore(%run_scoped3A : memref<!tpu.dma_semaphore, #tpu.memory_space<semaphore_mem>>) {add = true}
        %dma_wait3A_114 = arith.constant 0 : i32
        %dma_wait3A_115 = arith.constant 0 : i32
        %dma_wait3A_116 = tpu.memref_slice %arg6[%dma_wait3A_114, %dma_wait3A_115] : memref<10240x128xf32, #tpu.memory_space<vmem_shared>> -> memref<10240x128xf32, #tpu.memory_space<vmem_shared>>
        tpu.wait_indirect_dma semaphore(%run_scoped3A : memref<!tpu.dma_semaphore, #tpu.memory_space<semaphore_mem>>) src(%arg11 : memref<80x128xf32, #tpu.memory_space<vmem>>) dst(%dma_wait3A_116 : memref<10240x128xf32, #tpu.memory_space<vmem_shared>>)
        tpu.yield
      }) : () -> ()
      %add3A_74 = arith.constant 2 : i32
      %add3A_75 = arith.addi %mul3A_56, %add3A_74 : i32
      %lt3A_76 = arith.constant 125 : i32
      %lt3A_77 = arith.cmpi slt, %add3A_75, %lt3A_76 : i32
      %convert_element_type3A_78 = arith.extui %lt3A_77 : i1 to i32
      %cond3A_79 = arith.constant 0 : i32
      %cond3A_80 = arith.cmpi ne, %convert_element_type3A_78, %cond3A_79 : i32
      scf.if %cond3A_80 {
        %mul3A_111 = arith.constant 80 : i32
        %mul3A_112 = arith.muli %add3A_75, %mul3A_111 : i32
        %add3A_113 = arith.addi %mul3A_2, %mul3A_112 : i32
        %dma_start3A_114 = tpu.memref_slice %arg3[%add3A_113] : memref<320000xi32, #tpu.memory_space<hbm>> -> memref<80xi32, #tpu.memory_space<hbm>>
        %dma_start3A_115 = tpu.memref_slice %arg3[%add3A_113] : memref<320000xi32, #tpu.memory_space<hbm>> -> memref<80xi32, #tpu.memory_space<hbm>>
        tpu.enqueue_dma source(%dma_start3A_115 : memref<80xi32, #tpu.memory_space<hbm>>) target(%arg7 : memref<80xi32, #tpu.memory_space<vmem>>) target_semaphore(%arg14 : memref<!tpu.dma_semaphore, #tpu.memory_space<semaphore_mem>>)
        %dma_start3A_116 = tpu.memref_slice %arg4[%add3A_113] : memref<320000xi32, #tpu.memory_space<hbm>> -> memref<80xi32, #tpu.memory_space<hbm>>
        %dma_start3A_117 = tpu.memref_slice %arg4[%add3A_113] : memref<320000xi32, #tpu.memory_space<hbm>> -> memref<80xi32, #tpu.memory_space<hbm>>
        tpu.enqueue_dma source(%dma_start3A_117 : memref<80xi32, #tpu.memory_space<hbm>>) target(%arg9 : memref<80xi32, #tpu.memory_space<vmem>>) target_semaphore(%arg14 : memref<!tpu.dma_semaphore, #tpu.memory_space<semaphore_mem>>)
      } else {
      }
      %add3A_81 = arith.constant 1 : i32
      %add3A_82 = arith.addi %mul3A_56, %add3A_81 : i32
      %add3A_83 = arith.constant 1 : i32
      %add3A_84 = arith.addi %add3A_82, %add3A_83 : i32
      %lt3A_85 = arith.constant 125 : i32
      %lt3A_86 = arith.cmpi slt, %add3A_84, %lt3A_85 : i32
      %convert_element_type3A_87 = arith.extui %lt3A_86 : i1 to i32
      %cond3A_88 = arith.constant 0 : i32
      %cond3A_89 = arith.cmpi ne, %convert_element_type3A_87, %cond3A_88 : i32
      scf.if %cond3A_89 {
        %dma_wait3A_111 = arith.constant 0 : i32
        %dma_wait3A_112 = tpu.memref_slice %arg3[%dma_wait3A_111] : memref<320000xi32, #tpu.memory_space<hbm>> -> memref<80xi32, #tpu.memory_space<hbm>>
        %dma_wait3A_113 = arith.constant 0 : i32
        %dma_wait3A_114 = tpu.memref_slice %arg3[%dma_wait3A_113] : memref<320000xi32, #tpu.memory_space<hbm>> -> memref<80xi32, #tpu.memory_space<hbm>>
        tpu.wait_dma2 semaphore(%arg14 : memref<!tpu.dma_semaphore, #tpu.memory_space<semaphore_mem>>) src(%dma_wait3A_114 : memref<80xi32, #tpu.memory_space<hbm>>) dst(%arg7 : memref<80xi32, #tpu.memory_space<vmem>>)
        %dma_wait3A_115 = arith.constant 0 : i32
        %dma_wait3A_116 = tpu.memref_slice %arg4[%dma_wait3A_115] : memref<320000xi32, #tpu.memory_space<hbm>> -> memref<80xi32, #tpu.memory_space<hbm>>
        %dma_wait3A_117 = arith.constant 0 : i32
        %dma_wait3A_118 = tpu.memref_slice %arg4[%dma_wait3A_117] : memref<320000xi32, #tpu.memory_space<hbm>> -> memref<80xi32, #tpu.memory_space<hbm>>
        tpu.wait_dma2 semaphore(%arg14 : memref<!tpu.dma_semaphore, #tpu.memory_space<semaphore_mem>>) src(%dma_wait3A_118 : memref<80xi32, #tpu.memory_space<hbm>>) dst(%arg9 : memref<80xi32, #tpu.memory_space<vmem>>)
      } else {
      }
      %add3A_90 = arith.constant 1 : i32
      %add3A_91 = arith.addi %add3A_82, %add3A_90 : i32
      %lt3A_92 = arith.constant 125 : i32
      %lt3A_93 = arith.cmpi slt, %add3A_91, %lt3A_92 : i32
      %convert_element_type3A_94 = arith.extui %lt3A_93 : i1 to i32
      %cond3A_95 = arith.constant 0 : i32
      %cond3A_96 = arith.cmpi ne, %convert_element_type3A_94, %cond3A_95 : i32
      scf.if %cond3A_96 {
        %dma_start3A_111 = arith.constant 0 : i32
        %dma_start3A_112 = arith.constant 0 : i32
        %dma_start3A_113 = tpu.memref_slice %arg2[%dma_start3A_111, %dma_start3A_112] : memref<10240x128xf32, #tpu.memory_space<hbm>> -> memref<10240x128xf32, #tpu.memory_space<hbm>>
        tpu.enqueue_indirect_dma source(%dma_start3A_113 : memref<10240x128xf32, #tpu.memory_space<hbm>>) target(%arg11 : memref<80x128xf32, #tpu.memory_space<vmem>>) offsets(%arg7 : memref<80xi32, #tpu.memory_space<vmem>>) semaphore(%arg16 : memref<!tpu.dma_semaphore, #tpu.memory_space<semaphore_mem>>)
      } else {
      }
      %dma_wait3A_97 = arith.constant 0 : i32
      %dma_wait3A_98 = arith.constant 0 : i32
      %dma_wait3A_99 = tpu.memref_slice %arg2[%dma_wait3A_97, %dma_wait3A_98] : memref<10240x128xf32, #tpu.memory_space<hbm>> -> memref<80x128xf32, #tpu.memory_space<hbm>>
      %dma_wait3A_100 = arith.constant 0 : i32
      %dma_wait3A_101 = arith.constant 0 : i32
      %dma_wait3A_102 = tpu.memref_slice %arg2[%dma_wait3A_100, %dma_wait3A_101] : memref<10240x128xf32, #tpu.memory_space<hbm>> -> memref<80x128xf32, #tpu.memory_space<hbm>>
      tpu.wait_dma2 semaphore(%arg17 : memref<!tpu.dma_semaphore, #tpu.memory_space<semaphore_mem>>) src(%dma_wait3A_102 : memref<80x128xf32, #tpu.memory_space<hbm>>) dst(%arg12 : memref<80x128xf32, #tpu.memory_space<vmem>>)
      "tpu.region"() ({
        %run_scoped3A = tpu.sem_alloc : memref<!tpu.dma_semaphore, #tpu.memory_space<semaphore_mem>>
        %dma_start3A_111 = arith.constant 0 : i32
        %dma_start3A_112 = arith.constant 0 : i32
        %dma_start3A_113 = tpu.memref_slice %arg6[%dma_start3A_111, %dma_start3A_112] : memref<10240x128xf32, #tpu.memory_space<vmem_shared>> -> memref<10240x128xf32, #tpu.memory_space<vmem_shared>>
        tpu.enqueue_indirect_dma source(%arg12 : memref<80x128xf32, #tpu.memory_space<vmem>>) target(%dma_start3A_113 : memref<10240x128xf32, #tpu.memory_space<vmem_shared>>) offsets(%arg10 : memref<80xi32, #tpu.memory_space<vmem>>) semaphore(%run_scoped3A : memref<!tpu.dma_semaphore, #tpu.memory_space<semaphore_mem>>) {add = true}
        %dma_wait3A_114 = arith.constant 0 : i32
        %dma_wait3A_115 = arith.constant 0 : i32
        %dma_wait3A_116 = tpu.memref_slice %arg6[%dma_wait3A_114, %dma_wait3A_115] : memref<10240x128xf32, #tpu.memory_space<vmem_shared>> -> memref<10240x128xf32, #tpu.memory_space<vmem_shared>>
        tpu.wait_indirect_dma semaphore(%run_scoped3A : memref<!tpu.dma_semaphore, #tpu.memory_space<semaphore_mem>>) src(%arg12 : memref<80x128xf32, #tpu.memory_space<vmem>>) dst(%dma_wait3A_116 : memref<10240x128xf32, #tpu.memory_space<vmem_shared>>)
        tpu.yield
      }) : () -> ()
      %add3A_103 = arith.constant 2 : i32
      %add3A_104 = arith.addi %add3A_82, %add3A_103 : i32
      %lt3A_105 = arith.constant 125 : i32
      %lt3A_106 = arith.cmpi slt, %add3A_104, %lt3A_105 : i32
      %convert_element_type3A_107 = arith.extui %lt3A_106 : i1 to i32
      %cond3A_108 = arith.constant 0 : i32
      %cond3A_109 = arith.cmpi ne, %convert_element_type3A_107, %cond3A_108 : i32
      scf.if %cond3A_109 {
        %mul3A_111 = arith.constant 80 : i32
        %mul3A_112 = arith.muli %add3A_104, %mul3A_111 : i32
        %add3A_113 = arith.addi %mul3A_2, %mul3A_112 : i32
        %dma_start3A_114 = tpu.memref_slice %arg3[%add3A_113] : memref<320000xi32, #tpu.memory_space<hbm>> -> memref<80xi32, #tpu.memory_space<hbm>>
        %dma_start3A_115 = tpu.memref_slice %arg3[%add3A_113] : memref<320000xi32, #tpu.memory_space<hbm>> -> memref<80xi32, #tpu.memory_space<hbm>>
        tpu.enqueue_dma source(%dma_start3A_115 : memref<80xi32, #tpu.memory_space<hbm>>) target(%arg8 : memref<80xi32, #tpu.memory_space<vmem>>) target_semaphore(%arg15 : memref<!tpu.dma_semaphore, #tpu.memory_space<semaphore_mem>>)
        %dma_start3A_116 = tpu.memref_slice %arg4[%add3A_113] : memref<320000xi32, #tpu.memory_space<hbm>> -> memref<80xi32, #tpu.memory_space<hbm>>
        %dma_start3A_117 = tpu.memref_slice %arg4[%add3A_113] : memref<320000xi32, #tpu.memory_space<hbm>> -> memref<80xi32, #tpu.memory_space<hbm>>
        tpu.enqueue_dma source(%dma_start3A_117 : memref<80xi32, #tpu.memory_space<hbm>>) target(%arg10 : memref<80xi32, #tpu.memory_space<vmem>>) target_semaphore(%arg15 : memref<!tpu.dma_semaphore, #tpu.memory_space<semaphore_mem>>)
      } else {
      }
      %scan3A_110 = arith.constant 0 : i32
      scf.yield %scan3A_110 : i32
    }
    %scan3A_45 = arith.constant 62 : i32
    %dma_wait3A_46 = arith.constant 0 : i32
    %dma_wait3A_47 = arith.constant 0 : i32
    %dma_wait3A_48 = tpu.memref_slice %arg2[%dma_wait3A_46, %dma_wait3A_47] : memref<10240x128xf32, #tpu.memory_space<hbm>> -> memref<80x128xf32, #tpu.memory_space<hbm>>
    %dma_wait3A_49 = arith.constant 0 : i32
    %dma_wait3A_50 = arith.constant 0 : i32
    %dma_wait3A_51 = tpu.memref_slice %arg2[%dma_wait3A_49, %dma_wait3A_50] : memref<10240x128xf32, #tpu.memory_space<hbm>> -> memref<80x128xf32, #tpu.memory_space<hbm>>
    tpu.wait_dma2 semaphore(%arg16 : memref<!tpu.dma_semaphore, #tpu.memory_space<semaphore_mem>>) src(%dma_wait3A_51 : memref<80x128xf32, #tpu.memory_space<hbm>>) dst(%arg11 : memref<80x128xf32, #tpu.memory_space<vmem>>)
    "tpu.region"() ({
      %run_scoped3A = tpu.sem_alloc : memref<!tpu.dma_semaphore, #tpu.memory_space<semaphore_mem>>
      %dma_start3A_53 = arith.constant 0 : i32
      %dma_start3A_54 = arith.constant 0 : i32
      %dma_start3A_55 = tpu.memref_slice %arg6[%dma_start3A_53, %dma_start3A_54] : memref<10240x128xf32, #tpu.memory_space<vmem_shared>> -> memref<10240x128xf32, #tpu.memory_space<vmem_shared>>
      tpu.enqueue_indirect_dma source(%arg11 : memref<80x128xf32, #tpu.memory_space<vmem>>) target(%dma_start3A_55 : memref<10240x128xf32, #tpu.memory_space<vmem_shared>>) offsets(%arg9 : memref<80xi32, #tpu.memory_space<vmem>>) semaphore(%run_scoped3A : memref<!tpu.dma_semaphore, #tpu.memory_space<semaphore_mem>>) {add = true}
      %dma_wait3A_56 = arith.constant 0 : i32
      %dma_wait3A_57 = arith.constant 0 : i32
      %dma_wait3A_58 = tpu.memref_slice %arg6[%dma_wait3A_56, %dma_wait3A_57] : memref<10240x128xf32, #tpu.memory_space<vmem_shared>> -> memref<10240x128xf32, #tpu.memory_space<vmem_shared>>
      tpu.wait_indirect_dma semaphore(%run_scoped3A : memref<!tpu.dma_semaphore, #tpu.memory_space<semaphore_mem>>) src(%arg11 : memref<80x128xf32, #tpu.memory_space<vmem>>) dst(%dma_wait3A_58 : memref<10240x128xf32, #tpu.memory_space<vmem_shared>>)
      tpu.yield
    }) : () -> ()
    %barrier3A_52 = arith.constant 0 : index
    tpu.barrier barrier_id(%barrier3A_52)
    "tpu.region"() ({
      %run_scoped3A = tpu.sem_alloc : memref<!tpu.dma_semaphore, #tpu.memory_space<semaphore_mem>>
      %dma_start3A_53 = arith.constant 0 : i32
      %dma_start3A_54 = tpu.memref_slice %arg5[%arg0, %mul3A_10, %dma_start3A_53] : memref<2x10240x128xf32, #tpu.memory_space<hbm>> -> memref<1x640x128xf32, #tpu.memory_space<hbm>>
      %dma_start3A_55 = tpu.memref_squeeze %dma_start3A_54 : memref<1x640x128xf32, #tpu.memory_space<hbm>> -> memref<640x128xf32, #tpu.memory_space<hbm>>
      %dma_start3A_56 = arith.constant 0 : i32
      %dma_start3A_57 = tpu.memref_slice %arg6[%mul3A_10, %dma_start3A_56] : memref<10240x128xf32, #tpu.memory_space<vmem_shared>> -> memref<640x128xf32, #tpu.memory_space<vmem_shared>>
      tpu.enqueue_dma source(%dma_start3A_57 : memref<640x128xf32, #tpu.memory_space<vmem_shared>>) target(%dma_start3A_55 : memref<640x128xf32, #tpu.memory_space<hbm>>) target_semaphore(%run_scoped3A : memref<!tpu.dma_semaphore, #tpu.memory_space<semaphore_mem>>)
      %dma_wait3A_58 = arith.constant 0 : i32
      %dma_wait3A_59 = tpu.memref_slice %arg5[%arg0, %mul3A_10, %dma_wait3A_58] : memref<2x10240x128xf32, #tpu.memory_space<hbm>> -> memref<1x640x128xf32, #tpu.memory_space<hbm>>
      %dma_wait3A_60 = tpu.memref_squeeze %dma_wait3A_59 : memref<1x640x128xf32, #tpu.memory_space<hbm>> -> memref<640x128xf32, #tpu.memory_space<hbm>>
      %dma_wait3A_61 = arith.constant 0 : i32
      %dma_wait3A_62 = tpu.memref_slice %arg6[%mul3A_10, %dma_wait3A_61] : memref<10240x128xf32, #tpu.memory_space<vmem_shared>> -> memref<640x128xf32, #tpu.memory_space<vmem_shared>>
      tpu.wait_dma2 semaphore(%run_scoped3A : memref<!tpu.dma_semaphore, #tpu.memory_space<semaphore_mem>>) src(%dma_wait3A_62 : memref<640x128xf32, #tpu.memory_space<vmem_shared>>) dst(%dma_wait3A_60 : memref<640x128xf32, #tpu.memory_space<hbm>>)
      tpu.yield
    }) : () -> ()
    return
  }
}

#map = affine_map<(d0, d1) -> (0, 0)>
#map1 = affine_map<(d0, d1) -> (0)>
module attributes {stable_mosaic.version = 14 : i64} {
  func.func @_k1_body(%arg0: i32, %arg1: i32, %arg2: memref<1000x128xf32, #tpu.memory_space<hbm>>, %arg3: memref<40960xi32, #tpu.memory_space<hbm>>, %arg4: memref<320000xi32, #tpu.memory_space<hbm>>, %arg5: memref<320000xi32, #tpu.memory_space<hbm>>, %arg6: memref<10240x128xf32, #tpu.memory_space<hbm>>, %arg7: memref<32x40960xf32, #tpu.memory_space<hbm>>, %arg8: memref<1280xi32, #tpu.memory_space<vmem>>, %arg9: memref<10000xi32, #tpu.memory_space<vmem>>, %arg10: memref<10000xi32, #tpu.memory_space<vmem>>, %arg11: memref<128x128xf32, #tpu.memory_space<vmem>>, %arg12: memref<128x128xf32, #tpu.memory_space<vmem>>, %arg13: memref<32x128xf32, #tpu.memory_space<vmem>>, %arg14: memref<32x128xf32, #tpu.memory_space<vmem>>, %arg15: memref<40960xf32, #tpu.memory_space<vmem>>, %arg16: memref<!tpu.dma_semaphore, #tpu.memory_space<semaphore_mem>>, %arg17: memref<!tpu.dma_semaphore, #tpu.memory_space<semaphore_mem>>, %arg18: memref<!tpu.dma_semaphore, #tpu.memory_space<semaphore_mem>>, %arg19: memref<!tpu.dma_semaphore, #tpu.memory_space<semaphore_mem>>, %arg20: memref<!tpu.dma_semaphore, #tpu.memory_space<semaphore_mem>>) attributes {dimension_semantics = [#tpu.dimension_semantics<core_parallel>, #tpu.dimension_semantics<subcore_parallel>], iteration_bounds = array<i64: 2, 16>, scalar_prefetch = 0 : i64, scratch_operands = 13 : i64, tpu.core_type = #tpu.core_type<sc_vector_subcore>, window_params = [{transform_indices = #map}, {transform_indices = #map1}, {transform_indices = #map1}, {transform_indices = #map1}, {transform_indices = #map}, {transform_indices = #map}]} {
    %mul3A = arith.constant 2 : i32
    %mul3A_0 = arith.muli %arg1, %mul3A : i32
    %add3A = arith.addi %mul3A_0, %arg0 : i32
    %mul3A_1 = arith.constant 1280 : i32
    %mul3A_2 = arith.muli %add3A, %mul3A_1 : i32
    %dma_start3A = tpu.memref_slice %arg3[%mul3A_2] : memref<40960xi32, #tpu.memory_space<hbm>> -> memref<1280xi32, #tpu.memory_space<hbm>>
    %dma_start3A_3 = tpu.memref_slice %arg3[%mul3A_2] : memref<40960xi32, #tpu.memory_space<hbm>> -> memref<1280xi32, #tpu.memory_space<hbm>>
    tpu.enqueue_dma source(%dma_start3A_3 : memref<1280xi32, #tpu.memory_space<hbm>>) target(%arg8 : memref<1280xi32, #tpu.memory_space<vmem>>) target_semaphore(%arg16 : memref<!tpu.dma_semaphore, #tpu.memory_space<semaphore_mem>>)
    %mul3A_4 = arith.constant 10000 : i32
    %mul3A_5 = arith.muli %add3A, %mul3A_4 : i32
    %dma_start3A_6 = tpu.memref_slice %arg4[%mul3A_5] : memref<320000xi32, #tpu.memory_space<hbm>> -> memref<10000xi32, #tpu.memory_space<hbm>>
    %dma_start3A_7 = tpu.memref_slice %arg4[%mul3A_5] : memref<320000xi32, #tpu.memory_space<hbm>> -> memref<10000xi32, #tpu.memory_space<hbm>>
    tpu.enqueue_dma source(%dma_start3A_7 : memref<10000xi32, #tpu.memory_space<hbm>>) target(%arg9 : memref<10000xi32, #tpu.memory_space<vmem>>) target_semaphore(%arg16 : memref<!tpu.dma_semaphore, #tpu.memory_space<semaphore_mem>>)
    %mul3A_8 = arith.constant 10000 : i32
    %mul3A_9 = arith.muli %add3A, %mul3A_8 : i32
    %dma_start3A_10 = tpu.memref_slice %arg5[%mul3A_9] : memref<320000xi32, #tpu.memory_space<hbm>> -> memref<10000xi32, #tpu.memory_space<hbm>>
    %dma_start3A_11 = tpu.memref_slice %arg5[%mul3A_9] : memref<320000xi32, #tpu.memory_space<hbm>> -> memref<10000xi32, #tpu.memory_space<hbm>>
    tpu.enqueue_dma source(%dma_start3A_11 : memref<10000xi32, #tpu.memory_space<hbm>>) target(%arg10 : memref<10000xi32, #tpu.memory_space<vmem>>) target_semaphore(%arg16 : memref<!tpu.dma_semaphore, #tpu.memory_space<semaphore_mem>>)
    %scan3A = arith.constant 0 : i32
    %scan3A_12 = arith.constant 0 : i32
    %scan3A_13 = arith.constant 2560 : i32
    %scan3A_14 = arith.addi %scan3A_12, %scan3A_13 : i32
    %scan3A_15 = arith.constant 1 : i32
    %scan3A_16 = scf.for %scan3A_54 = %scan3A_12 to %scan3A_14 step %scan3A_15 iter_args(%scan3A_55 = %scan3A) -> (i32)  : i32 {
      %broadcast_in_dim3A_56 = arith.constant 0.000000e+00 : f32
      %broadcast_in_dim3A_57 = vector.broadcast %broadcast_in_dim3A_56 : f32 to vector<16xf32>
      %mul3A_58 = arith.constant 16 : i32
      %mul3A_59 = arith.muli %scan3A_54, %mul3A_58 : i32
      %swap3A = arith.index_cast %mul3A_59 : i32 to index
      %swap3A_60 = tpu.vector_load %arg15[%swap3A] {strides = array<i32>} : memref<40960xf32, #tpu.memory_space<vmem>>, vector<16xf32>,
      tpu.vector_store %arg15[%swap3A], %broadcast_in_dim3A_57 {strides = array<i32>} : memref<40960xf32, #tpu.memory_space<vmem>>, vector<16xf32>,
      %scan3A_61 = arith.constant 0 : i32
      scf.yield %scan3A_61 : i32
    }
    %scan3A_17 = arith.constant 2560 : i32
    %dma_wait3A = arith.constant 0 : i32
    %dma_wait3A_18 = tpu.memref_slice %arg3[%dma_wait3A] : memref<40960xi32, #tpu.memory_space<hbm>> -> memref<1280xi32, #tpu.memory_space<hbm>>
    %dma_wait3A_19 = arith.constant 0 : i32
    %dma_wait3A_20 = tpu.memref_slice %arg3[%dma_wait3A_19] : memref<40960xi32, #tpu.memory_space<hbm>> -> memref<1280xi32, #tpu.memory_space<hbm>>
    tpu.wait_dma2 semaphore(%arg16 : memref<!tpu.dma_semaphore, #tpu.memory_space<semaphore_mem>>) src(%dma_wait3A_20 : memref<1280xi32, #tpu.memory_space<hbm>>) dst(%arg8 : memref<1280xi32, #tpu.memory_space<vmem>>)
    %dma_wait3A_21 = arith.constant 0 : i32
    %dma_wait3A_22 = tpu.memref_slice %arg4[%dma_wait3A_21] : memref<320000xi32, #tpu.memory_space<hbm>> -> memref<10000xi32, #tpu.memory_space<hbm>>
    %dma_wait3A_23 = arith.constant 0 : i32
    %dma_wait3A_24 = tpu.memref_slice %arg4[%dma_wait3A_23] : memref<320000xi32, #tpu.memory_space<hbm>> -> memref<10000xi32, #tpu.memory_space<hbm>>
    tpu.wait_dma2 semaphore(%arg16 : memref<!tpu.dma_semaphore, #tpu.memory_space<semaphore_mem>>) src(%dma_wait3A_24 : memref<10000xi32, #tpu.memory_space<hbm>>) dst(%arg9 : memref<10000xi32, #tpu.memory_space<vmem>>)
    %dma_wait3A_25 = arith.constant 0 : i32
    %dma_wait3A_26 = tpu.memref_slice %arg5[%dma_wait3A_25] : memref<320000xi32, #tpu.memory_space<hbm>> -> memref<10000xi32, #tpu.memory_space<hbm>>
    %dma_wait3A_27 = arith.constant 0 : i32
    %dma_wait3A_28 = tpu.memref_slice %arg5[%dma_wait3A_27] : memref<320000xi32, #tpu.memory_space<hbm>> -> memref<10000xi32, #tpu.memory_space<hbm>>
    tpu.wait_dma2 semaphore(%arg16 : memref<!tpu.dma_semaphore, #tpu.memory_space<semaphore_mem>>) src(%dma_wait3A_28 : memref<10000xi32, #tpu.memory_space<hbm>>) dst(%arg10 : memref<10000xi32, #tpu.memory_space<vmem>>)
    %dma_start3A_29 = arith.constant 0 : i32
    %dma_start3A_30 = tpu.memref_slice %arg8[%dma_start3A_29] : memref<1280xi32, #tpu.memory_space<vmem>> -> memref<128xi32, #tpu.memory_space<vmem>>
    %dma_start3A_31 = arith.constant 0 : i32
    %dma_start3A_32 = arith.constant 0 : i32
    %dma_start3A_33 = tpu.memref_slice %arg2[%dma_start3A_31, %dma_start3A_32] : memref<1000x128xf32, #tpu.memory_space<hbm>> -> memref<1000x128xf32, #tpu.memory_space<hbm>>
    tpu.enqueue_indirect_dma source(%dma_start3A_33 : memref<1000x128xf32, #tpu.memory_space<hbm>>) target(%arg11 : memref<128x128xf32, #tpu.memory_space<vmem>>) offsets(%dma_start3A_30 : memref<128xi32, #tpu.memory_space<vmem>>) semaphore(%arg17 : memref<!tpu.dma_semaphore, #tpu.memory_space<semaphore_mem>>)
    %broadcast_in_dim3A = arith.constant 1.000000e+00 : f32
    %broadcast_in_dim3A_34 = vector.broadcast %broadcast_in_dim3A : f32 to vector<16xf32>
    %scan3A_35 = arith.constant 0 : i32
    %scan3A_36 = arith.constant 0 : i32
    %scan3A_37 = arith.constant 5 : i32
    %scan3A_38 = arith.addi %scan3A_36, %scan3A_37 : i32
    %scan3A_39 = arith.constant 1 : i32
    %scan3A_40 = scf.for %scan3A_54 = %scan3A_36 to %scan3A_38 step %scan3A_39 iter_args(%scan3A_55 = %scan3A_35) -> (i32)  : i32 {
      %mul3A_56 = arith.constant 2 : i32
      %mul3A_57 = arith.muli %mul3A_56, %scan3A_54 : i32
      %add3A_58 = arith.constant 1 : i32
      %add3A_59 = arith.addi %mul3A_57, %add3A_58 : i32
      %lt3A = arith.constant 10 : i32
      %lt3A_60 = arith.cmpi slt, %add3A_59, %lt3A : i32
      %convert_element_type3A = arith.extui %lt3A_60 : i1 to i32
      %cond3A = arith.constant 0 : i32
      %cond3A_61 = arith.cmpi ne, %convert_element_type3A, %cond3A : i32
      scf.if %cond3A_61 {
        %mul3A_141 = arith.constant 128 : i32
        %mul3A_142 = arith.muli %add3A_59, %mul3A_141 : i32
        %dma_start3A_143 = tpu.memref_slice %arg8[%mul3A_142] : memref<1280xi32, #tpu.memory_space<vmem>> -> memref<128xi32, #tpu.memory_space<vmem>>
        %dma_start3A_144 = arith.constant 0 : i32
        %dma_start3A_145 = arith.constant 0 : i32
        %dma_start3A_146 = tpu.memref_slice %arg2[%dma_start3A_144, %dma_start3A_145] : memref<1000x128xf32, #tpu.memory_space<hbm>> -> memref<1000x128xf32, #tpu.memory_space<hbm>>
        tpu.enqueue_indirect_dma source(%dma_start3A_146 : memref<1000x128xf32, #tpu.memory_space<hbm>>) target(%arg12 : memref<128x128xf32, #tpu.memory_space<vmem>>) offsets(%dma_start3A_143 : memref<128xi32, #tpu.memory_space<vmem>>) semaphore(%arg18 : memref<!tpu.dma_semaphore, #tpu.memory_space<semaphore_mem>>)
      } else {
      }
      %mul3A_62 = arith.constant 125 : i32
      %mul3A_63 = arith.muli %scan3A_54, %mul3A_62 : i32
      %add3A_64 = arith.constant 1 : i32
      %add3A_65 = arith.addi %scan3A_54, %add3A_64 : i32
      %mul3A_66 = arith.constant 125 : i32
      %mul3A_67 = arith.muli %add3A_65, %mul3A_66 : i32
      %while3A = arith.constant 0 : i32
      %while3A_68 = arith.subi %mul3A_67, %mul3A_63 : i32
      %while3A_69 = arith.addi %mul3A_63, %while3A_68 : i32
      %while3A_70 = arith.constant 1 : i32
      %while3A_71 = arith.divsi %while3A_68, %while3A_70 : i32
      %while3A_72 = arith.muli %while3A_71, %while3A_70 : i32
      %while3A_73 = arith.addi %mul3A_63, %while3A_72 : i32
      %while3A_74 = arith.constant 1 : i32
      %while3A_75 = scf.for %while3A_141 = %mul3A_63 to %while3A_73 step %while3A_74 iter_args(%while3A_142 = %while3A) -> (i32)  : i32 {
        %mul3A_143 = arith.constant 16 : i32
        %mul3A_144 = arith.muli %while3A_141, %mul3A_143 : i32
        %get3A = arith.index_cast %mul3A_144 : i32 to index
        %get3A_145 = tpu.vector_load %arg9[%get3A] {strides = array<i32>} : memref<10000xi32, #tpu.memory_space<vmem>>, vector<16xi32>,
        %mul3A_146 = arith.constant 16 : i32
        %mul3A_147 = arith.muli %while3A_141, %mul3A_146 : i32
        %get3A_148 = arith.index_cast %mul3A_147 : i32 to index
        %get3A_149 = tpu.vector_load %arg10[%get3A_148] {strides = array<i32>} : memref<10000xi32, #tpu.memory_space<vmem>>, vector<16xi32>,
        %mul3A_150 = arith.constant 10240 : i32
        %mul3A_151 = vector.broadcast %mul3A_150 : i32 to vector<16xi32>
        %mul3A_152 = arith.muli %get3A_149, %mul3A_151 : vector<16xi32>
        %add3A_153 = arith.addi %mul3A_152, %get3A_145 : vector<16xi32>
        tpu.vector_store_idx %arg15[%add3A_153], %broadcast_in_dim3A_34 {add = true} : memref<40960xf32, #tpu.memory_space<vmem>>[vector<16xi32>], vector<16xf32>,
        %while3A_154 = arith.constant 0 : i32
        scf.yield %while3A_154 : i32
      }
      %while3A_76 = arith.constant 1 : i32
      %while3A_77 = scf.for %while3A_141 = %while3A_73 to %while3A_69 step %while3A_76 iter_args(%while3A_142 = %while3A_75) -> (i32)  : i32 {
        %mul3A_143 = arith.constant 16 : i32
        %mul3A_144 = arith.muli %while3A_141, %mul3A_143 : i32
        %get3A = arith.index_cast %mul3A_144 : i32 to index
        %get3A_145 = tpu.vector_load %arg9[%get3A] {strides = array<i32>} : memref<10000xi32, #tpu.memory_space<vmem>>, vector<16xi32>,
        %mul3A_146 = arith.constant 16 : i32
        %mul3A_147 = arith.muli %while3A_141, %mul3A_146 : i32
        %get3A_148 = arith.index_cast %mul3A_147 : i32 to index
        %get3A_149 = tpu.vector_load %arg10[%get3A_148] {strides = array<i32>} : memref<10000xi32, #tpu.memory_space<vmem>>, vector<16xi32>,
        %mul3A_150 = arith.constant 10240 : i32
        %mul3A_151 = vector.broadcast %mul3A_150 : i32 to vector<16xi32>
        %mul3A_152 = arith.muli %get3A_149, %mul3A_151 : vector<16xi32>
        %add3A_153 = arith.addi %mul3A_152, %get3A_145 : vector<16xi32>
        tpu.vector_store_idx %arg15[%add3A_153], %broadcast_in_dim3A_34 {add = true} : memref<40960xf32, #tpu.memory_space<vmem>>[vector<16xi32>], vector<16xf32>,
        %while3A_154 = arith.constant 0 : i32
        scf.yield %while3A_154 : i32
      }
      %dma_wait3A_78 = arith.constant 0 : i32
      %dma_wait3A_79 = arith.constant 0 : i32
      %dma_wait3A_80 = tpu.memref_slice %arg2[%dma_wait3A_78, %dma_wait3A_79] : memref<1000x128xf32, #tpu.memory_space<hbm>> -> memref<128x128xf32, #tpu.memory_space<hbm>>
      %dma_wait3A_81 = arith.constant 0 : i32
      %dma_wait3A_82 = arith.constant 0 : i32
      %dma_wait3A_83 = tpu.memref_slice %arg2[%dma_wait3A_81, %dma_wait3A_82] : memref<1000x128xf32, #tpu.memory_space<hbm>> -> memref<128x128xf32, #tpu.memory_space<hbm>>
      tpu.wait_dma2 semaphore(%arg17 : memref<!tpu.dma_semaphore, #tpu.memory_space<semaphore_mem>>) src(%dma_wait3A_83 : memref<128x128xf32, #tpu.memory_space<hbm>>) dst(%arg11 : memref<128x128xf32, #tpu.memory_space<vmem>>)
      %ge3A = arith.constant 2 : i32
      %ge3A_84 = arith.cmpi sge, %mul3A_57, %ge3A : i32
      %convert_element_type3A_85 = arith.extui %ge3A_84 : i1 to i32
      %cond3A_86 = arith.constant 0 : i32
      %cond3A_87 = arith.cmpi ne, %convert_element_type3A_85, %cond3A_86 : i32
      scf.if %cond3A_87 {
        %dma_wait3A_141 = arith.constant 0 : i32
        %dma_wait3A_142 = arith.constant 0 : i32
        %dma_wait3A_143 = tpu.memref_slice %arg6[%dma_wait3A_141, %dma_wait3A_142] : memref<10240x128xf32, #tpu.memory_space<hbm>> -> memref<32x128xf32, #tpu.memory_space<hbm>>
        %dma_wait3A_144 = arith.constant 0 : i32
        %dma_wait3A_145 = arith.constant 0 : i32
        %dma_wait3A_146 = tpu.memref_slice %arg6[%dma_wait3A_144, %dma_wait3A_145] : memref<10240x128xf32, #tpu.memory_space<hbm>> -> memref<32x128xf32, #tpu.memory_space<hbm>>
        tpu.wait_dma2 semaphore(%arg19 : memref<!tpu.dma_semaphore, #tpu.memory_space<semaphore_mem>>) src(%dma_wait3A_146 : memref<32x128xf32, #tpu.memory_space<hbm>>) dst(%arg13 : memref<32x128xf32, #tpu.memory_space<vmem>>)
      } else {
      }
      %scan3A_88 = arith.constant 0 : i32
      %scan3A_89 = arith.constant 0 : i32
      %scan3A_90 = arith.constant 32 : i32
      %scan3A_91 = arith.addi %scan3A_89, %scan3A_90 : i32
      %scan3A_92 = arith.constant 1 : i32
      %scan3A_93 = scf.for %scan3A_141 = %scan3A_89 to %scan3A_91 step %scan3A_92 iter_args(%scan3A_142 = %scan3A_88) -> (i32)  : i32 {
        %scan3A_143 = arith.constant 0 : i32
        %scan3A_144 = arith.constant 0 : i32
        %scan3A_145 = arith.constant 8 : i32
        %scan3A_146 = arith.addi %scan3A_144, %scan3A_145 : i32
        %scan3A_147 = arith.constant 1 : i32
        %scan3A_148 = scf.for %scan3A_151 = %scan3A_144 to %scan3A_146 step %scan3A_147 iter_args(%scan3A_152 = %scan3A_143) -> (i32)  : i32 {
          %mul3A_153 = arith.constant 4 : i32
          %mul3A_154 = arith.muli %mul3A_153, %scan3A_141 : i32
          %mul3A_155 = arith.constant 16 : i32
          %mul3A_156 = arith.muli %scan3A_151, %mul3A_155 : i32
          %get3A = arith.index_cast %mul3A_154 : i32 to index
          %get3A_157 = arith.index_cast %mul3A_156 : i32 to index
          %get3A_158 = tpu.vector_load %arg11[%get3A, %get3A_157] {strides = array<i32>} : memref<128x128xf32, #tpu.memory_space<vmem>>, vector<16xf32>,
          %mul3A_159 = arith.constant 4 : i32
          %mul3A_160 = arith.muli %mul3A_159, %scan3A_141 : i32
          %add3A_161 = arith.constant 1 : i32
          %add3A_162 = arith.addi %mul3A_160, %add3A_161 : i32
          %mul3A_163 = arith.constant 16 : i32
          %mul3A_164 = arith.muli %scan3A_151, %mul3A_163 : i32
          %get3A_165 = arith.index_cast %add3A_162 : i32 to index
          %get3A_166 = arith.index_cast %mul3A_164 : i32 to index
          %get3A_167 = tpu.vector_load %arg11[%get3A_165, %get3A_166] {strides = array<i32>} : memref<128x128xf32, #tpu.memory_space<vmem>>, vector<16xf32>,
          %add3A_168 = arith.addf %get3A_158, %get3A_167 : vector<16xf32>
          %mul3A_169 = arith.constant 4 : i32
          %mul3A_170 = arith.muli %mul3A_169, %scan3A_141 : i32
          %add3A_171 = arith.constant 2 : i32
          %add3A_172 = arith.addi %mul3A_170, %add3A_171 : i32
          %mul3A_173 = arith.constant 16 : i32
          %mul3A_174 = arith.muli %scan3A_151, %mul3A_173 : i32
          %get3A_175 = arith.index_cast %add3A_172 : i32 to index
          %get3A_176 = arith.index_cast %mul3A_174 : i32 to index
          %get3A_177 = tpu.vector_load %arg11[%get3A_175, %get3A_176] {strides = array<i32>} : memref<128x128xf32, #tpu.memory_space<vmem>>, vector<16xf32>,
          %add3A_178 = arith.addf %add3A_168, %get3A_177 : vector<16xf32>
          %mul3A_179 = arith.constant 4 : i32
          %mul3A_180 = arith.muli %mul3A_179, %scan3A_141 : i32
          %add3A_181 = arith.constant 3 : i32
          %add3A_182 = arith.addi %mul3A_180, %add3A_181 : i32
          %mul3A_183 = arith.constant 16 : i32
          %mul3A_184 = arith.muli %scan3A_151, %mul3A_183 : i32
          %get3A_185 = arith.index_cast %add3A_182 : i32 to index
          %get3A_186 = arith.index_cast %mul3A_184 : i32 to index
          %get3A_187 = tpu.vector_load %arg11[%get3A_185, %get3A_186] {strides = array<i32>} : memref<128x128xf32, #tpu.memory_space<vmem>>, vector<16xf32>,
          %add3A_188 = arith.addf %add3A_178, %get3A_187 : vector<16xf32>
          %mul3A_189 = arith.constant 16 : i32
          %mul3A_190 = arith.muli %scan3A_151, %mul3A_189 : i32
          %swap3A = arith.index_cast %scan3A_141 : i32 to index
          %swap3A_191 = arith.index_cast %mul3A_190 : i32 to index
          %swap3A_192 = tpu.vector_load %arg13[%swap3A, %swap3A_191] {strides = array<i32>} : memref<32x128xf32, #tpu.memory_space<vmem>>, vector<16xf32>,
          tpu.vector_store %arg13[%swap3A, %swap3A_191], %add3A_188 {strides = array<i32>} : memref<32x128xf32, #tpu.memory_space<vmem>>, vector<16xf32>,
          %scan3A_193 = arith.constant 0 : i32
          scf.yield %scan3A_193 : i32
        }
        %scan3A_149 = arith.constant 8 : i32
        %scan3A_150 = arith.constant 0 : i32
        scf.yield %scan3A_150 : i32
      }
      %scan3A_94 = arith.constant 32 : i32
      %mul3A_95 = arith.constant 320 : i32
      %mul3A_96 = arith.muli %add3A, %mul3A_95 : i32
      %mul3A_97 = arith.constant 32 : i32
      %mul3A_98 = arith.muli %mul3A_57, %mul3A_97 : i32
      %add3A_99 = arith.addi %mul3A_96, %mul3A_98 : i32
      %dma_start3A_100 = arith.constant 0 : i32
      %dma_start3A_101 = tpu.memref_slice %arg6[%add3A_99, %dma_start3A_100] : memref<10240x128xf32, #tpu.memory_space<hbm>> -> memref<32x128xf32, #tpu.memory_space<hbm>>
      %dma_start3A_102 = arith.constant 0 : i32
      %dma_start3A_103 = tpu.memref_slice %arg6[%add3A_99, %dma_start3A_102] : memref<10240x128xf32, #tpu.memory_space<hbm>> -> memref<32x128xf32, #tpu.memory_space<hbm>>
      tpu.enqueue_dma source(%arg13 : memref<32x128xf32, #tpu.memory_space<vmem>>) target(%dma_start3A_103 : memref<32x128xf32, #tpu.memory_space<hbm>>) target_semaphore(%arg19 : memref<!tpu.dma_semaphore, #tpu.memory_space<semaphore_mem>>)
      %add3A_104 = arith.constant 2 : i32
      %add3A_105 = arith.addi %mul3A_57, %add3A_104 : i32
      %lt3A_106 = arith.constant 10 : i32
      %lt3A_107 = arith.cmpi slt, %add3A_105, %lt3A_106 : i32
      %convert_element_type3A_108 = arith.extui %lt3A_107 : i1 to i32
      %cond3A_109 = arith.constant 0 : i32
      %cond3A_110 = arith.cmpi ne, %convert_element_type3A_108, %cond3A_109 : i32
      scf.if %cond3A_110 {
        %mul3A_141 = arith.constant 128 : i32
        %mul3A_142 = arith.muli %add3A_105, %mul3A_141 : i32
        %dma_start3A_143 = tpu.memref_slice %arg8[%mul3A_142] : memref<1280xi32, #tpu.memory_space<vmem>> -> memref<128xi32, #tpu.memory_space<vmem>>
        %dma_start3A_144 = arith.constant 0 : i32
        %dma_start3A_145 = arith.constant 0 : i32
        %dma_start3A_146 = tpu.memref_slice %arg2[%dma_start3A_144, %dma_start3A_145] : memref<1000x128xf32, #tpu.memory_space<hbm>> -> memref<1000x128xf32, #tpu.memory_space<hbm>>
        tpu.enqueue_indirect_dma source(%dma_start3A_146 : memref<1000x128xf32, #tpu.memory_space<hbm>>) target(%arg11 : memref<128x128xf32, #tpu.memory_space<vmem>>) offsets(%dma_start3A_143 : memref<128xi32, #tpu.memory_space<vmem>>) semaphore(%arg17 : memref<!tpu.dma_semaphore, #tpu.memory_space<semaphore_mem>>)
      } else {
      }
      %add3A_111 = arith.constant 1 : i32
      %add3A_112 = arith.addi %mul3A_57, %add3A_111 : i32
      %dma_wait3A_113 = arith.constant 0 : i32
      %dma_wait3A_114 = arith.constant 0 : i32
      %dma_wait3A_115 = tpu.memref_slice %arg2[%dma_wait3A_113, %dma_wait3A_114] : memref<1000x128xf32, #tpu.memory_space<hbm>> -> memref<128x128xf32, #tpu.memory_space<hbm>>
      %dma_wait3A_116 = arith.constant 0 : i32
      %dma_wait3A_117 = arith.constant 0 : i32
      %dma_wait3A_118 = tpu.memref_slice %arg2[%dma_wait3A_116, %dma_wait3A_117] : memref<1000x128xf32, #tpu.memory_space<hbm>> -> memref<128x128xf32, #tpu.memory_space<hbm>>
      tpu.wait_dma2 semaphore(%arg18 : memref<!tpu.dma_semaphore, #tpu.memory_space<semaphore_mem>>) src(%dma_wait3A_118 : memref<128x128xf32, #tpu.memory_space<hbm>>) dst(%arg12 : memref<128x128xf32, #tpu.memory_space<vmem>>)
      %ge3A_119 = arith.constant 2 : i32
      %ge3A_120 = arith.cmpi sge, %add3A_112, %ge3A_119 : i32
      %convert_element_type3A_121 = arith.extui %ge3A_120 : i1 to i32
      %cond3A_122 = arith.constant 0 : i32
      %cond3A_123 = arith.cmpi ne, %convert_element_type3A_121, %cond3A_122 : i32
      scf.if %cond3A_123 {
        %dma_wait3A_141 = arith.constant 0 : i32
        %dma_wait3A_142 = arith.constant 0 : i32
        %dma_wait3A_143 = tpu.memref_slice %arg6[%dma_wait3A_141, %dma_wait3A_142] : memref<10240x128xf32, #tpu.memory_space<hbm>> -> memref<32x128xf32, #tpu.memory_space<hbm>>
        %dma_wait3A_144 = arith.constant 0 : i32
        %dma_wait3A_145 = arith.constant 0 : i32
        %dma_wait3A_146 = tpu.memref_slice %arg6[%dma_wait3A_144, %dma_wait3A_145] : memref<10240x128xf32, #tpu.memory_space<hbm>> -> memref<32x128xf32, #tpu.memory_space<hbm>>
        tpu.wait_dma2 semaphore(%arg20 : memref<!tpu.dma_semaphore, #tpu.memory_space<semaphore_mem>>) src(%dma_wait3A_146 : memref<32x128xf32, #tpu.memory_space<hbm>>) dst(%arg14 : memref<32x128xf32, #tpu.memory_space<vmem>>)
      } else {
      }
      %scan3A_124 = arith.constant 0 : i32
      %scan3A_125 = arith.constant 0 : i32
      %scan3A_126 = arith.constant 32 : i32
      %scan3A_127 = arith.addi %scan3A_125, %scan3A_126 : i32
      %scan3A_128 = arith.constant 1 : i32
      %scan3A_129 = scf.for %scan3A_141 = %scan3A_125 to %scan3A_127 step %scan3A_128 iter_args(%scan3A_142 = %scan3A_124) -> (i32)  : i32 {
        %scan3A_143 = arith.constant 0 : i32
        %scan3A_144 = arith.constant 0 : i32
        %scan3A_145 = arith.constant 8 : i32
        %scan3A_146 = arith.addi %scan3A_144, %scan3A_145 : i32
        %scan3A_147 = arith.constant 1 : i32
        %scan3A_148 = scf.for %scan3A_151 = %scan3A_144 to %scan3A_146 step %scan3A_147 iter_args(%scan3A_152 = %scan3A_143) -> (i32)  : i32 {
          %mul3A_153 = arith.constant 4 : i32
          %mul3A_154 = arith.muli %mul3A_153, %scan3A_141 : i32
          %mul3A_155 = arith.constant 16 : i32
          %mul3A_156 = arith.muli %scan3A_151, %mul3A_155 : i32
          %get3A = arith.index_cast %mul3A_154 : i32 to index
          %get3A_157 = arith.index_cast %mul3A_156 : i32 to index
          %get3A_158 = tpu.vector_load %arg12[%get3A, %get3A_157] {strides = array<i32>} : memref<128x128xf32, #tpu.memory_space<vmem>>, vector<16xf32>,
          %mul3A_159 = arith.constant 4 : i32
          %mul3A_160 = arith.muli %mul3A_159, %scan3A_141 : i32
          %add3A_161 = arith.constant 1 : i32
          %add3A_162 = arith.addi %mul3A_160, %add3A_161 : i32
          %mul3A_163 = arith.constant 16 : i32
          %mul3A_164 = arith.muli %scan3A_151, %mul3A_163 : i32
          %get3A_165 = arith.index_cast %add3A_162 : i32 to index
          %get3A_166 = arith.index_cast %mul3A_164 : i32 to index
          %get3A_167 = tpu.vector_load %arg12[%get3A_165, %get3A_166] {strides = array<i32>} : memref<128x128xf32, #tpu.memory_space<vmem>>, vector<16xf32>,
          %add3A_168 = arith.addf %get3A_158, %get3A_167 : vector<16xf32>
          %mul3A_169 = arith.constant 4 : i32
          %mul3A_170 = arith.muli %mul3A_169, %scan3A_141 : i32
          %add3A_171 = arith.constant 2 : i32
          %add3A_172 = arith.addi %mul3A_170, %add3A_171 : i32
          %mul3A_173 = arith.constant 16 : i32
          %mul3A_174 = arith.muli %scan3A_151, %mul3A_173 : i32
          %get3A_175 = arith.index_cast %add3A_172 : i32 to index
          %get3A_176 = arith.index_cast %mul3A_174 : i32 to index
          %get3A_177 = tpu.vector_load %arg12[%get3A_175, %get3A_176] {strides = array<i32>} : memref<128x128xf32, #tpu.memory_space<vmem>>, vector<16xf32>,
          %add3A_178 = arith.addf %add3A_168, %get3A_177 : vector<16xf32>
          %mul3A_179 = arith.constant 4 : i32
          %mul3A_180 = arith.muli %mul3A_179, %scan3A_141 : i32
          %add3A_181 = arith.constant 3 : i32
          %add3A_182 = arith.addi %mul3A_180, %add3A_181 : i32
          %mul3A_183 = arith.constant 16 : i32
          %mul3A_184 = arith.muli %scan3A_151, %mul3A_183 : i32
          %get3A_185 = arith.index_cast %add3A_182 : i32 to index
          %get3A_186 = arith.index_cast %mul3A_184 : i32 to index
          %get3A_187 = tpu.vector_load %arg12[%get3A_185, %get3A_186] {strides = array<i32>} : memref<128x128xf32, #tpu.memory_space<vmem>>, vector<16xf32>,
          %add3A_188 = arith.addf %add3A_178, %get3A_187 : vector<16xf32>
          %mul3A_189 = arith.constant 16 : i32
          %mul3A_190 = arith.muli %scan3A_151, %mul3A_189 : i32
          %swap3A = arith.index_cast %scan3A_141 : i32 to index
          %swap3A_191 = arith.index_cast %mul3A_190 : i32 to index
          %swap3A_192 = tpu.vector_load %arg14[%swap3A, %swap3A_191] {strides = array<i32>} : memref<32x128xf32, #tpu.memory_space<vmem>>, vector<16xf32>,
          tpu.vector_store %arg14[%swap3A, %swap3A_191], %add3A_188 {strides = array<i32>} : memref<32x128xf32, #tpu.memory_space<vmem>>, vector<16xf32>,
          %scan3A_193 = arith.constant 0 : i32
          scf.yield %scan3A_193 : i32
        }
        %scan3A_149 = arith.constant 8 : i32
        %scan3A_150 = arith.constant 0 : i32
        scf.yield %scan3A_150 : i32
      }
      %scan3A_130 = arith.constant 32 : i32
      %mul3A_131 = arith.constant 320 : i32
      %mul3A_132 = arith.muli %add3A, %mul3A_131 : i32
      %mul3A_133 = arith.constant 32 : i32
      %mul3A_134 = arith.muli %add3A_112, %mul3A_133 : i32
      %add3A_135 = arith.addi %mul3A_132, %mul3A_134 : i32
      %dma_start3A_136 = arith.constant 0 : i32
      %dma_start3A_137 = tpu.memref_slice %arg6[%add3A_135, %dma_start3A_136] : memref<10240x128xf32, #tpu.memory_space<hbm>> -> memref<32x128xf32, #tpu.memory_space<hbm>>
      %dma_start3A_138 = arith.constant 0 : i32
      %dma_start3A_139 = tpu.memref_slice %arg6[%add3A_135, %dma_start3A_138] : memref<10240x128xf32, #tpu.memory_space<hbm>> -> memref<32x128xf32, #tpu.memory_space<hbm>>
      tpu.enqueue_dma source(%arg14 : memref<32x128xf32, #tpu.memory_space<vmem>>) target(%dma_start3A_139 : memref<32x128xf32, #tpu.memory_space<hbm>>) target_semaphore(%arg20 : memref<!tpu.dma_semaphore, #tpu.memory_space<semaphore_mem>>)
      %scan3A_140 = arith.constant 0 : i32
      scf.yield %scan3A_140 : i32
    }
    %scan3A_41 = arith.constant 5 : i32
    %dma_wait3A_42 = arith.constant 0 : i32
    %dma_wait3A_43 = arith.constant 0 : i32
    %dma_wait3A_44 = tpu.memref_slice %arg6[%dma_wait3A_42, %dma_wait3A_43] : memref<10240x128xf32, #tpu.memory_space<hbm>> -> memref<32x128xf32, #tpu.memory_space<hbm>>
    %dma_wait3A_45 = arith.constant 0 : i32
    %dma_wait3A_46 = arith.constant 0 : i32
    %dma_wait3A_47 = tpu.memref_slice %arg6[%dma_wait3A_45, %dma_wait3A_46] : memref<10240x128xf32, #tpu.memory_space<hbm>> -> memref<32x128xf32, #tpu.memory_space<hbm>>
    tpu.wait_dma2 semaphore(%arg19 : memref<!tpu.dma_semaphore, #tpu.memory_space<semaphore_mem>>) src(%dma_wait3A_47 : memref<32x128xf32, #tpu.memory_space<hbm>>) dst(%arg13 : memref<32x128xf32, #tpu.memory_space<vmem>>)
    %dma_wait3A_48 = arith.constant 0 : i32
    %dma_wait3A_49 = arith.constant 0 : i32
    %dma_wait3A_50 = tpu.memref_slice %arg6[%dma_wait3A_48, %dma_wait3A_49] : memref<10240x128xf32, #tpu.memory_space<hbm>> -> memref<32x128xf32, #tpu.memory_space<hbm>>
    %dma_wait3A_51 = arith.constant 0 : i32
    %dma_wait3A_52 = arith.constant 0 : i32
    %dma_wait3A_53 = tpu.memref_slice %arg6[%dma_wait3A_51, %dma_wait3A_52] : memref<10240x128xf32, #tpu.memory_space<hbm>> -> memref<32x128xf32, #tpu.memory_space<hbm>>
    tpu.wait_dma2 semaphore(%arg20 : memref<!tpu.dma_semaphore, #tpu.memory_space<semaphore_mem>>) src(%dma_wait3A_53 : memref<32x128xf32, #tpu.memory_space<hbm>>) dst(%arg14 : memref<32x128xf32, #tpu.memory_space<vmem>>)
    "tpu.region"() ({
      %run_scoped3A = tpu.sem_alloc : memref<!tpu.dma_semaphore, #tpu.memory_space<semaphore_mem>>
      %dma_start3A_54 = arith.constant 0 : i32
      %dma_start3A_55 = tpu.memref_slice %arg7[%add3A, %dma_start3A_54] : memref<32x40960xf32, #tpu.memory_space<hbm>> -> memref<1x40960xf32, #tpu.memory_space<hbm>>
      %dma_start3A_56 = tpu.memref_squeeze %dma_start3A_55 : memref<1x40960xf32, #tpu.memory_space<hbm>> -> memref<40960xf32, #tpu.memory_space<hbm>>
      %dma_start3A_57 = arith.constant 0 : i32
      %dma_start3A_58 = tpu.memref_slice %arg7[%add3A, %dma_start3A_57] : memref<32x40960xf32, #tpu.memory_space<hbm>> -> memref<1x40960xf32, #tpu.memory_space<hbm>>
      %dma_start3A_59 = tpu.memref_squeeze %dma_start3A_58 : memref<1x40960xf32, #tpu.memory_space<hbm>> -> memref<40960xf32, #tpu.memory_space<hbm>>
      tpu.enqueue_dma source(%arg15 : memref<40960xf32, #tpu.memory_space<vmem>>) target(%dma_start3A_59 : memref<40960xf32, #tpu.memory_space<hbm>>) target_semaphore(%run_scoped3A : memref<!tpu.dma_semaphore, #tpu.memory_space<semaphore_mem>>)
      %dma_wait3A_60 = arith.constant 0 : i32
      %dma_wait3A_61 = tpu.memref_slice %arg7[%add3A, %dma_wait3A_60] : memref<32x40960xf32, #tpu.memory_space<hbm>> -> memref<1x40960xf32, #tpu.memory_space<hbm>>
      %dma_wait3A_62 = tpu.memref_squeeze %dma_wait3A_61 : memref<1x40960xf32, #tpu.memory_space<hbm>> -> memref<40960xf32, #tpu.memory_space<hbm>>
      %dma_wait3A_63 = arith.constant 0 : i32
      %dma_wait3A_64 = tpu.memref_slice %arg7[%add3A, %dma_wait3A_63] : memref<32x40960xf32, #tpu.memory_space<hbm>> -> memref<1x40960xf32, #tpu.memory_space<hbm>>
      %dma_wait3A_65 = tpu.memref_squeeze %dma_wait3A_64 : memref<1x40960xf32, #tpu.memory_space<hbm>> -> memref<40960xf32, #tpu.memory_space<hbm>>
      tpu.wait_dma2 semaphore(%run_scoped3A : memref<!tpu.dma_semaphore, #tpu.memory_space<semaphore_mem>>) src(%arg15 : memref<40960xf32, #tpu.memory_space<vmem>>) dst(%dma_wait3A_65 : memref<40960xf32, #tpu.memory_space<hbm>>)
      tpu.yield
    }) : () -> ()
    return
  }
}

#map = affine_map<(d0, d1) -> (0, 0)>
#map1 = affine_map<(d0, d1) -> (0)>
module attributes {stable_mosaic.version = 14 : i64} {
  func.func @_k6_body(%arg0: i32, %arg1: i32, %arg2: memref<10240x16xf32, #tpu.memory_space<hbm>>, %arg3: memref<10240x16xf32, #tpu.memory_space<hbm>>, %arg4: memref<320000xi32, #tpu.memory_space<hbm>>, %arg5: memref<320000xi32, #tpu.memory_space<hbm>>, %arg6: memref<40000x128xf32, #tpu.memory_space<hbm>>, %arg7: memref<80xi32, #tpu.memory_space<vmem>>, %arg8: memref<80xi32, #tpu.memory_space<vmem>>, %arg9: memref<80xi32, #tpu.memory_space<vmem>>, %arg10: memref<80xi32, #tpu.memory_space<vmem>>, %arg11: memref<80x16xf32, #tpu.memory_space<vmem>>, %arg12: memref<80x16xf32, #tpu.memory_space<vmem>>, %arg13: memref<80x16xf32, #tpu.memory_space<vmem>>, %arg14: memref<80x16xf32, #tpu.memory_space<vmem>>, %arg15: memref<10x128xf32, #tpu.memory_space<vmem>>, %arg16: memref<10x128xf32, #tpu.memory_space<vmem>>, %arg17: memref<!tpu.dma_semaphore, #tpu.memory_space<semaphore_mem>>, %arg18: memref<!tpu.dma_semaphore, #tpu.memory_space<semaphore_mem>>, %arg19: memref<!tpu.dma_semaphore, #tpu.memory_space<semaphore_mem>>, %arg20: memref<!tpu.dma_semaphore, #tpu.memory_space<semaphore_mem>>, %arg21: memref<!tpu.dma_semaphore, #tpu.memory_space<semaphore_mem>>, %arg22: memref<!tpu.dma_semaphore, #tpu.memory_space<semaphore_mem>>, %arg23: memref<!tpu.dma_semaphore, #tpu.memory_space<semaphore_mem>>, %arg24: memref<!tpu.dma_semaphore, #tpu.memory_space<semaphore_mem>>) attributes {dimension_semantics = [#tpu.dimension_semantics<core_parallel>, #tpu.dimension_semantics<subcore_parallel>], iteration_bounds = array<i64: 2, 16>, scalar_prefetch = 0 : i64, scratch_operands = 18 : i64, tpu.core_type = #tpu.core_type<sc_vector_subcore>, window_params = [{transform_indices = #map}, {transform_indices = #map}, {transform_indices = #map1}, {transform_indices = #map1}, {transform_indices = #map}]} {
    %mul3A = arith.constant 2 : i32
    %mul3A_0 = arith.muli %arg1, %mul3A : i32
    %add3A = arith.addi %mul3A_0, %arg0 : i32
    %mul3A_1 = arith.constant 10000 : i32
    %mul3A_2 = arith.muli %add3A, %mul3A_1 : i32
    %add3A_3 = arith.constant 0 : i32
    %add3A_4 = arith.addi %mul3A_2, %add3A_3 : i32
    %dma_start3A = tpu.memref_slice %arg4[%add3A_4] : memref<320000xi32, #tpu.memory_space<hbm>> -> memref<80xi32, #tpu.memory_space<hbm>>
    %dma_start3A_5 = tpu.memref_slice %arg4[%add3A_4] : memref<320000xi32, #tpu.memory_space<hbm>> -> memref<80xi32, #tpu.memory_space<hbm>>
    tpu.enqueue_dma source(%dma_start3A_5 : memref<80xi32, #tpu.memory_space<hbm>>) target(%arg7 : memref<80xi32, #tpu.memory_space<vmem>>) target_semaphore(%arg17 : memref<!tpu.dma_semaphore, #tpu.memory_space<semaphore_mem>>)
    %dma_start3A_6 = tpu.memref_slice %arg5[%add3A_4] : memref<320000xi32, #tpu.memory_space<hbm>> -> memref<80xi32, #tpu.memory_space<hbm>>
    %dma_start3A_7 = tpu.memref_slice %arg5[%add3A_4] : memref<320000xi32, #tpu.memory_space<hbm>> -> memref<80xi32, #tpu.memory_space<hbm>>
    tpu.enqueue_dma source(%dma_start3A_7 : memref<80xi32, #tpu.memory_space<hbm>>) target(%arg9 : memref<80xi32, #tpu.memory_space<vmem>>) target_semaphore(%arg17 : memref<!tpu.dma_semaphore, #tpu.memory_space<semaphore_mem>>)
    %dma_wait3A = arith.constant 0 : i32
    %dma_wait3A_8 = tpu.memref_slice %arg4[%dma_wait3A] : memref<320000xi32, #tpu.memory_space<hbm>> -> memref<80xi32, #tpu.memory_space<hbm>>
    %dma_wait3A_9 = arith.constant 0 : i32
    %dma_wait3A_10 = tpu.memref_slice %arg4[%dma_wait3A_9] : memref<320000xi32, #tpu.memory_space<hbm>> -> memref<80xi32, #tpu.memory_space<hbm>>
    tpu.wait_dma2 semaphore(%arg17 : memref<!tpu.dma_semaphore, #tpu.memory_space<semaphore_mem>>) src(%dma_wait3A_10 : memref<80xi32, #tpu.memory_space<hbm>>) dst(%arg7 : memref<80xi32, #tpu.memory_space<vmem>>)
    %dma_wait3A_11 = arith.constant 0 : i32
    %dma_wait3A_12 = tpu.memref_slice %arg5[%dma_wait3A_11] : memref<320000xi32, #tpu.memory_space<hbm>> -> memref<80xi32, #tpu.memory_space<hbm>>
    %dma_wait3A_13 = arith.constant 0 : i32
    %dma_wait3A_14 = tpu.memref_slice %arg5[%dma_wait3A_13] : memref<320000xi32, #tpu.memory_space<hbm>> -> memref<80xi32, #tpu.memory_space<hbm>>
    tpu.wait_dma2 semaphore(%arg17 : memref<!tpu.dma_semaphore, #tpu.memory_space<semaphore_mem>>) src(%dma_wait3A_14 : memref<80xi32, #tpu.memory_space<hbm>>) dst(%arg9 : memref<80xi32, #tpu.memory_space<vmem>>)
    %dma_start3A_15 = arith.constant 0 : i32
    %dma_start3A_16 = arith.constant 0 : i32
    %dma_start3A_17 = tpu.memref_slice %arg2[%dma_start3A_15, %dma_start3A_16] : memref<10240x16xf32, #tpu.memory_space<hbm>> -> memref<10240x16xf32, #tpu.memory_space<hbm>>
    tpu.enqueue_indirect_dma source(%dma_start3A_17 : memref<10240x16xf32, #tpu.memory_space<hbm>>) target(%arg11 : memref<80x16xf32, #tpu.memory_space<vmem>>) offsets(%arg7 : memref<80xi32, #tpu.memory_space<vmem>>) semaphore(%arg19 : memref<!tpu.dma_semaphore, #tpu.memory_space<semaphore_mem>>)
    %dma_start3A_18 = arith.constant 0 : i32
    %dma_start3A_19 = arith.constant 0 : i32
    %dma_start3A_20 = tpu.memref_slice %arg3[%dma_start3A_18, %dma_start3A_19] : memref<10240x16xf32, #tpu.memory_space<hbm>> -> memref<10240x16xf32, #tpu.memory_space<hbm>>
    tpu.enqueue_indirect_dma source(%dma_start3A_20 : memref<10240x16xf32, #tpu.memory_space<hbm>>) target(%arg13 : memref<80x16xf32, #tpu.memory_space<vmem>>) offsets(%arg9 : memref<80xi32, #tpu.memory_space<vmem>>) semaphore(%arg21 : memref<!tpu.dma_semaphore, #tpu.memory_space<semaphore_mem>>)
    %add3A_21 = arith.constant 80 : i32
    %add3A_22 = arith.addi %mul3A_2, %add3A_21 : i32
    %dma_start3A_23 = tpu.memref_slice %arg4[%add3A_22] : memref<320000xi32, #tpu.memory_space<hbm>> -> memref<80xi32, #tpu.memory_space<hbm>>
    %dma_start3A_24 = tpu.memref_slice %arg4[%add3A_22] : memref<320000xi32, #tpu.memory_space<hbm>> -> memref<80xi32, #tpu.memory_space<hbm>>
    tpu.enqueue_dma source(%dma_start3A_24 : memref<80xi32, #tpu.memory_space<hbm>>) target(%arg8 : memref<80xi32, #tpu.memory_space<vmem>>) target_semaphore(%arg18 : memref<!tpu.dma_semaphore, #tpu.memory_space<semaphore_mem>>)
    %dma_start3A_25 = tpu.memref_slice %arg5[%add3A_22] : memref<320000xi32, #tpu.memory_space<hbm>> -> memref<80xi32, #tpu.memory_space<hbm>>
    %dma_start3A_26 = tpu.memref_slice %arg5[%add3A_22] : memref<320000xi32, #tpu.memory_space<hbm>> -> memref<80xi32, #tpu.memory_space<hbm>>
    tpu.enqueue_dma source(%dma_start3A_26 : memref<80xi32, #tpu.memory_space<hbm>>) target(%arg10 : memref<80xi32, #tpu.memory_space<vmem>>) target_semaphore(%arg18 : memref<!tpu.dma_semaphore, #tpu.memory_space<semaphore_mem>>)
    %scan3A = arith.constant 0 : i32
    %scan3A_27 = arith.constant 0 : i32
    %scan3A_28 = arith.constant 62 : i32
    %scan3A_29 = arith.addi %scan3A_27, %scan3A_28 : i32
    %scan3A_30 = arith.constant 1 : i32
    %scan3A_31 = scf.for %scan3A_92 = %scan3A_27 to %scan3A_29 step %scan3A_30 iter_args(%scan3A_93 = %scan3A) -> (i32)  : i32 {
      %mul3A_94 = arith.constant 2 : i32
      %mul3A_95 = arith.muli %mul3A_94, %scan3A_92 : i32
      %add3A_96 = arith.constant 1 : i32
      %add3A_97 = arith.addi %mul3A_95, %add3A_96 : i32
      %lt3A = arith.constant 125 : i32
      %lt3A_98 = arith.cmpi slt, %add3A_97, %lt3A : i32
      %convert_element_type3A = arith.extui %lt3A_98 : i1 to i32
      %cond3A = arith.constant 0 : i32
      %cond3A_99 = arith.cmpi ne, %convert_element_type3A, %cond3A : i32
      scf.if %cond3A_99 {
        %dma_wait3A_247 = arith.constant 0 : i32
        %dma_wait3A_248 = tpu.memref_slice %arg4[%dma_wait3A_247] : memref<320000xi32, #tpu.memory_space<hbm>> -> memref<80xi32, #tpu.memory_space<hbm>>
        %dma_wait3A_249 = arith.constant 0 : i32
        %dma_wait3A_250 = tpu.memref_slice %arg4[%dma_wait3A_249] : memref<320000xi32, #tpu.memory_space<hbm>> -> memref<80xi32, #tpu.memory_space<hbm>>
        tpu.wait_dma2 semaphore(%arg18 : memref<!tpu.dma_semaphore, #tpu.memory_space<semaphore_mem>>) src(%dma_wait3A_250 : memref<80xi32, #tpu.memory_space<hbm>>) dst(%arg8 : memref<80xi32, #tpu.memory_space<vmem>>)
        %dma_wait3A_251 = arith.constant 0 : i32
        %dma_wait3A_252 = tpu.memref_slice %arg5[%dma_wait3A_251] : memref<320000xi32, #tpu.memory_space<hbm>> -> memref<80xi32, #tpu.memory_space<hbm>>
        %dma_wait3A_253 = arith.constant 0 : i32
        %dma_wait3A_254 = tpu.memref_slice %arg5[%dma_wait3A_253] : memref<320000xi32, #tpu.memory_space<hbm>> -> memref<80xi32, #tpu.memory_space<hbm>>
        tpu.wait_dma2 semaphore(%arg18 : memref<!tpu.dma_semaphore, #tpu.memory_space<semaphore_mem>>) src(%dma_wait3A_254 : memref<80xi32, #tpu.memory_space<hbm>>) dst(%arg10 : memref<80xi32, #tpu.memory_space<vmem>>)
      } else {
      }
      %add3A_100 = arith.constant 1 : i32
      %add3A_101 = arith.addi %mul3A_95, %add3A_100 : i32
      %lt3A_102 = arith.constant 125 : i32
      %lt3A_103 = arith.cmpi slt, %add3A_101, %lt3A_102 : i32
      %convert_element_type3A_104 = arith.extui %lt3A_103 : i1 to i32
      %cond3A_105 = arith.constant 0 : i32
      %cond3A_106 = arith.cmpi ne, %convert_element_type3A_104, %cond3A_105 : i32
      scf.if %cond3A_106 {
        %dma_start3A_247 = arith.constant 0 : i32
        %dma_start3A_248 = arith.constant 0 : i32
        %dma_start3A_249 = tpu.memref_slice %arg2[%dma_start3A_247, %dma_start3A_248] : memref<10240x16xf32, #tpu.memory_space<hbm>> -> memref<10240x16xf32, #tpu.memory_space<hbm>>
        tpu.enqueue_indirect_dma source(%dma_start3A_249 : memref<10240x16xf32, #tpu.memory_space<hbm>>) target(%arg12 : memref<80x16xf32, #tpu.memory_space<vmem>>) offsets(%arg8 : memref<80xi32, #tpu.memory_space<vmem>>) semaphore(%arg20 : memref<!tpu.dma_semaphore, #tpu.memory_space<semaphore_mem>>)
        %dma_start3A_250 = arith.constant 0 : i32
        %dma_start3A_251 = arith.constant 0 : i32
        %dma_start3A_252 = tpu.memref_slice %arg3[%dma_start3A_250, %dma_start3A_251] : memref<10240x16xf32, #tpu.memory_space<hbm>> -> memref<10240x16xf32, #tpu.memory_space<hbm>>
        tpu.enqueue_indirect_dma source(%dma_start3A_252 : memref<10240x16xf32, #tpu.memory_space<hbm>>) target(%arg14 : memref<80x16xf32, #tpu.memory_space<vmem>>) offsets(%arg10 : memref<80xi32, #tpu.memory_space<vmem>>) semaphore(%arg22 : memref<!tpu.dma_semaphore, #tpu.memory_space<semaphore_mem>>)
      } else {
      }
      %dma_wait3A_107 = arith.constant 0 : i32
      %dma_wait3A_108 = arith.constant 0 : i32
      %dma_wait3A_109 = tpu.memref_slice %arg2[%dma_wait3A_107, %dma_wait3A_108] : memref<10240x16xf32, #tpu.memory_space<hbm>> -> memref<80x16xf32, #tpu.memory_space<hbm>>
      %dma_wait3A_110 = arith.constant 0 : i32
      %dma_wait3A_111 = arith.constant 0 : i32
      %dma_wait3A_112 = tpu.memref_slice %arg2[%dma_wait3A_110, %dma_wait3A_111] : memref<10240x16xf32, #tpu.memory_space<hbm>> -> memref<80x16xf32, #tpu.memory_space<hbm>>
      tpu.wait_dma2 semaphore(%arg19 : memref<!tpu.dma_semaphore, #tpu.memory_space<semaphore_mem>>) src(%dma_wait3A_112 : memref<80x16xf32, #tpu.memory_space<hbm>>) dst(%arg11 : memref<80x16xf32, #tpu.memory_space<vmem>>)
      %dma_wait3A_113 = arith.constant 0 : i32
      %dma_wait3A_114 = arith.constant 0 : i32
      %dma_wait3A_115 = tpu.memref_slice %arg3[%dma_wait3A_113, %dma_wait3A_114] : memref<10240x16xf32, #tpu.memory_space<hbm>> -> memref<80x16xf32, #tpu.memory_space<hbm>>
      %dma_wait3A_116 = arith.constant 0 : i32
      %dma_wait3A_117 = arith.constant 0 : i32
      %dma_wait3A_118 = tpu.memref_slice %arg3[%dma_wait3A_116, %dma_wait3A_117] : memref<10240x16xf32, #tpu.memory_space<hbm>> -> memref<80x16xf32, #tpu.memory_space<hbm>>
      tpu.wait_dma2 semaphore(%arg21 : memref<!tpu.dma_semaphore, #tpu.memory_space<semaphore_mem>>) src(%dma_wait3A_118 : memref<80x16xf32, #tpu.memory_space<hbm>>) dst(%arg13 : memref<80x16xf32, #tpu.memory_space<vmem>>)
      %ge3A = arith.constant 2 : i32
      %ge3A_119 = arith.cmpi sge, %mul3A_95, %ge3A : i32
      %convert_element_type3A_120 = arith.extui %ge3A_119 : i1 to i32
      %cond3A_121 = arith.constant 0 : i32
      %cond3A_122 = arith.cmpi ne, %convert_element_type3A_120, %cond3A_121 : i32
      scf.if %cond3A_122 {
        %dma_wait3A_247 = arith.constant 0 : i32
        %dma_wait3A_248 = arith.constant 0 : i32
        %dma_wait3A_249 = tpu.memref_slice %arg6[%dma_wait3A_247, %dma_wait3A_248] : memref<40000x128xf32, #tpu.memory_space<hbm>> -> memref<10x128xf32, #tpu.memory_space<hbm>>
        %dma_wait3A_250 = arith.constant 0 : i32
        %dma_wait3A_251 = arith.constant 0 : i32
        %dma_wait3A_252 = tpu.memref_slice %arg6[%dma_wait3A_250, %dma_wait3A_251] : memref<40000x128xf32, #tpu.memory_space<hbm>> -> memref<10x128xf32, #tpu.memory_space<hbm>>
        tpu.wait_dma2 semaphore(%arg23 : memref<!tpu.dma_semaphore, #tpu.memory_space<semaphore_mem>>) src(%dma_wait3A_252 : memref<10x128xf32, #tpu.memory_space<hbm>>) dst(%arg15 : memref<10x128xf32, #tpu.memory_space<vmem>>)
      } else {
      }
      %scan3A_123 = arith.constant 0 : i32
      %scan3A_124 = arith.constant 0 : i32
      %scan3A_125 = arith.constant 80 : i32
      %scan3A_126 = arith.addi %scan3A_124, %scan3A_125 : i32
      %scan3A_127 = arith.constant 1 : i32
      %scan3A_128 = scf.for %scan3A_247 = %scan3A_124 to %scan3A_126 step %scan3A_127 iter_args(%scan3A_248 = %scan3A_123) -> (i32)  : i32 {
        %get3A = arith.index_cast %scan3A_247 : i32 to index
        %get3A_249 = arith.constant 0 : index
        %get3A_250 = tpu.vector_load %arg11[%get3A, %get3A_249] {strides = array<i32>} : memref<80x16xf32, #tpu.memory_space<vmem>>, vector<1x16xf32>,
        %get3A_251 = vector.shape_cast %get3A_250 : vector<1x16xf32> to vector<16xf32>
        %get3A_252 = arith.index_cast %scan3A_247 : i32 to index
        %get3A_253 = arith.constant 0 : index
        %get3A_254 = tpu.vector_load %arg13[%get3A_252, %get3A_253] {strides = array<i32>} : memref<80x16xf32, #tpu.memory_space<vmem>>, vector<1x16xf32>,
        %get3A_255 = vector.shape_cast %get3A_254 : vector<1x16xf32> to vector<16xf32>
        %add3A_256 = arith.addf %get3A_251, %get3A_255 : vector<16xf32>
        %jit3A_257 = arith.constant 8 : i32
        %div3A_258 = arith.divsi %scan3A_247, %jit3A_257 : i32
        %sign3A_259 = arith.constant 0 : i32
        %sign3A_260 = arith.cmpi sgt, %scan3A_247, %sign3A_259 : i32
        %sign3A_261 = arith.extui %sign3A_260 : i1 to i32
        %sign3A_262 = arith.constant 0 : i32
        %sign3A_263 = arith.cmpi slt, %scan3A_247, %sign3A_262 : i32
        %sign3A_264 = arith.extui %sign3A_263 : i1 to i32
        %sign3A_265 = arith.subi %sign3A_261, %sign3A_264 : i32
        %sign3A_266 = arith.constant 0 : i32
        %sign3A_267 = arith.cmpi sgt, %jit3A_257, %sign3A_266 : i32
        %sign3A_268 = arith.extui %sign3A_267 : i1 to i32
        %sign3A_269 = arith.constant 0 : i32
        %sign3A_270 = arith.cmpi slt, %jit3A_257, %sign3A_269 : i32
        %sign3A_271 = arith.extui %sign3A_270 : i1 to i32
        %sign3A_272 = arith.subi %sign3A_268, %sign3A_271 : i32
        %ne3A_273 = arith.cmpi ne, %sign3A_265, %sign3A_272 : i32
        %rem3A_274 = arith.remsi %scan3A_247, %jit3A_257 : i32
        %ne3A_275 = arith.constant 0 : i32
        %ne3A_276 = arith.cmpi ne, %rem3A_274, %ne3A_275 : i32
        %and3A_277 = arith.andi %ne3A_273, %ne3A_276 : i1
        %sub3A_278 = arith.constant 1 : i32
        %sub3A_279 = arith.subi %div3A_258, %sub3A_278 : i32
        %select_n3A_280 = arith.select %and3A_277, %sub3A_279, %div3A_258 : i32
        %jit3A_281 = arith.constant 8 : i32
        %eq3A = arith.constant 0 : i32
        %eq3A_282 = arith.cmpi eq, %jit3A_281, %eq3A : i32
        %jit3A_283 = arith.constant 1 : i32
        %select_n3A_284 = arith.select %eq3A_282, %jit3A_283, %jit3A_281 : i32
        %rem3A_285 = arith.remsi %scan3A_247, %select_n3A_284 : i32
        %ne3A_286 = arith.constant 0 : i32
        %ne3A_287 = arith.cmpi ne, %rem3A_285, %ne3A_286 : i32
        %lt3A_288 = arith.constant 0 : i32
        %lt3A_289 = arith.cmpi slt, %rem3A_285, %lt3A_288 : i32
        %lt3A_290 = arith.constant 0 : i32
        %lt3A_291 = arith.cmpi slt, %select_n3A_284, %lt3A_290 : i32
        %ne3A_292 = arith.xori %lt3A_289, %lt3A_291 : i1
        %and3A_293 = arith.andi %ne3A_292, %ne3A_287 : i1
        %add3A_294 = arith.addi %rem3A_285, %select_n3A_284 : i32
        %select_n3A_295 = arith.select %and3A_293, %add3A_294, %rem3A_285 : i32
        %mul3A_296 = arith.constant 16 : i32
        %mul3A_297 = arith.muli %select_n3A_295, %mul3A_296 : i32
        %swap3A = arith.index_cast %select_n3A_280 : i32 to index
        %swap3A_298 = arith.index_cast %mul3A_297 : i32 to index
        %swap3A_299 = tpu.vector_load %arg15[%swap3A, %swap3A_298] {strides = array<i32>} : memref<10x128xf32, #tpu.memory_space<vmem>>, vector<1x16xf32>,
        %swap3A_300 = vector.shape_cast %swap3A_299 : vector<1x16xf32> to vector<16xf32>
        %swap3A_301 = vector.shape_cast %add3A_256 : vector<16xf32> to vector<1x16xf32>
        tpu.vector_store %arg15[%swap3A, %swap3A_298], %swap3A_301 {strides = array<i32>} : memref<10x128xf32, #tpu.memory_space<vmem>>, vector<1x16xf32>,
        %scan3A_302 = arith.constant 0 : i32
        scf.yield %scan3A_302 : i32
      }
      %scan3A_129 = arith.constant 80 : i32
      %add3A_130 = arith.constant 2 : i32
      %add3A_131 = arith.addi %mul3A_95, %add3A_130 : i32
      %lt3A_132 = arith.constant 125 : i32
      %lt3A_133 = arith.cmpi slt, %add3A_131, %lt3A_132 : i32
      %convert_element_type3A_134 = arith.extui %lt3A_133 : i1 to i32
      %cond3A_135 = arith.constant 0 : i32
      %cond3A_136 = arith.cmpi ne, %convert_element_type3A_134, %cond3A_135 : i32
      scf.if %cond3A_136 {
        %mul3A_247 = arith.constant 80 : i32
        %mul3A_248 = arith.muli %add3A_131, %mul3A_247 : i32
        %add3A_249 = arith.addi %mul3A_2, %mul3A_248 : i32
        %dma_start3A_250 = tpu.memref_slice %arg4[%add3A_249] : memref<320000xi32, #tpu.memory_space<hbm>> -> memref<80xi32, #tpu.memory_space<hbm>>
        %dma_start3A_251 = tpu.memref_slice %arg4[%add3A_249] : memref<320000xi32, #tpu.memory_space<hbm>> -> memref<80xi32, #tpu.memory_space<hbm>>
        tpu.enqueue_dma source(%dma_start3A_251 : memref<80xi32, #tpu.memory_space<hbm>>) target(%arg7 : memref<80xi32, #tpu.memory_space<vmem>>) target_semaphore(%arg17 : memref<!tpu.dma_semaphore, #tpu.memory_space<semaphore_mem>>)
        %dma_start3A_252 = tpu.memref_slice %arg5[%add3A_249] : memref<320000xi32, #tpu.memory_space<hbm>> -> memref<80xi32, #tpu.memory_space<hbm>>
        %dma_start3A_253 = tpu.memref_slice %arg5[%add3A_249] : memref<320000xi32, #tpu.memory_space<hbm>> -> memref<80xi32, #tpu.memory_space<hbm>>
        tpu.enqueue_dma source(%dma_start3A_253 : memref<80xi32, #tpu.memory_space<hbm>>) target(%arg9 : memref<80xi32, #tpu.memory_space<vmem>>) target_semaphore(%arg17 : memref<!tpu.dma_semaphore, #tpu.memory_space<semaphore_mem>>)
      } else {
      }
      %mul3A_137 = arith.constant 80 : i32
      %mul3A_138 = arith.muli %mul3A_95, %mul3A_137 : i32
      %add3A_139 = arith.addi %mul3A_2, %mul3A_138 : i32
      %jit3A_140 = arith.constant 8 : i32
      %div3A_141 = arith.divsi %add3A_139, %jit3A_140 : i32
      %sign3A_142 = arith.constant 0 : i32
      %sign3A_143 = arith.cmpi sgt, %add3A_139, %sign3A_142 : i32
      %sign3A_144 = arith.extui %sign3A_143 : i1 to i32
      %sign3A_145 = arith.constant 0 : i32
      %sign3A_146 = arith.cmpi slt, %add3A_139, %sign3A_145 : i32
      %sign3A_147 = arith.extui %sign3A_146 : i1 to i32
      %sign3A_148 = arith.subi %sign3A_144, %sign3A_147 : i32
      %sign3A_149 = arith.constant 0 : i32
      %sign3A_150 = arith.cmpi sgt, %jit3A_140, %sign3A_149 : i32
      %sign3A_151 = arith.extui %sign3A_150 : i1 to i32
      %sign3A_152 = arith.constant 0 : i32
      %sign3A_153 = arith.cmpi slt, %jit3A_140, %sign3A_152 : i32
      %sign3A_154 = arith.extui %sign3A_153 : i1 to i32
      %sign3A_155 = arith.subi %sign3A_151, %sign3A_154 : i32
      %ne3A_156 = arith.cmpi ne, %sign3A_148, %sign3A_155 : i32
      %rem3A_157 = arith.remsi %add3A_139, %jit3A_140 : i32
      %ne3A_158 = arith.constant 0 : i32
      %ne3A_159 = arith.cmpi ne, %rem3A_157, %ne3A_158 : i32
      %and3A_160 = arith.andi %ne3A_156, %ne3A_159 : i1
      %sub3A_161 = arith.constant 1 : i32
      %sub3A_162 = arith.subi %div3A_141, %sub3A_161 : i32
      %select_n3A_163 = arith.select %and3A_160, %sub3A_162, %div3A_141 : i32
      %dma_start3A_164 = arith.constant 0 : i32
      %dma_start3A_165 = tpu.memref_slice %arg6[%select_n3A_163, %dma_start3A_164] : memref<40000x128xf32, #tpu.memory_space<hbm>> -> memref<10x128xf32, #tpu.memory_space<hbm>>
      %dma_start3A_166 = arith.constant 0 : i32
      %dma_start3A_167 = tpu.memref_slice %arg6[%select_n3A_163, %dma_start3A_166] : memref<40000x128xf32, #tpu.memory_space<hbm>> -> memref<10x128xf32, #tpu.memory_space<hbm>>
      tpu.enqueue_dma source(%arg15 : memref<10x128xf32, #tpu.memory_space<vmem>>) target(%dma_start3A_167 : memref<10x128xf32, #tpu.memory_space<hbm>>) target_semaphore(%arg23 : memref<!tpu.dma_semaphore, #tpu.memory_space<semaphore_mem>>)
      %add3A_168 = arith.constant 1 : i32
      %add3A_169 = arith.addi %mul3A_95, %add3A_168 : i32
      %add3A_170 = arith.constant 1 : i32
      %add3A_171 = arith.addi %add3A_169, %add3A_170 : i32
      %lt3A_172 = arith.constant 125 : i32
      %lt3A_173 = arith.cmpi slt, %add3A_171, %lt3A_172 : i32
      %convert_element_type3A_174 = arith.extui %lt3A_173 : i1 to i32
      %cond3A_175 = arith.constant 0 : i32
      %cond3A_176 = arith.cmpi ne, %convert_element_type3A_174, %cond3A_175 : i32
      scf.if %cond3A_176 {
        %dma_wait3A_247 = arith.constant 0 : i32
        %dma_wait3A_248 = tpu.memref_slice %arg4[%dma_wait3A_247] : memref<320000xi32, #tpu.memory_space<hbm>> -> memref<80xi32, #tpu.memory_space<hbm>>
        %dma_wait3A_249 = arith.constant 0 : i32
        %dma_wait3A_250 = tpu.memref_slice %arg4[%dma_wait3A_249] : memref<320000xi32, #tpu.memory_space<hbm>> -> memref<80xi32, #tpu.memory_space<hbm>>
        tpu.wait_dma2 semaphore(%arg17 : memref<!tpu.dma_semaphore, #tpu.memory_space<semaphore_mem>>) src(%dma_wait3A_250 : memref<80xi32, #tpu.memory_space<hbm>>) dst(%arg7 : memref<80xi32, #tpu.memory_space<vmem>>)
        %dma_wait3A_251 = arith.constant 0 : i32
        %dma_wait3A_252 = tpu.memref_slice %arg5[%dma_wait3A_251] : memref<320000xi32, #tpu.memory_space<hbm>> -> memref<80xi32, #tpu.memory_space<hbm>>
        %dma_wait3A_253 = arith.constant 0 : i32
        %dma_wait3A_254 = tpu.memref_slice %arg5[%dma_wait3A_253] : memref<320000xi32, #tpu.memory_space<hbm>> -> memref<80xi32, #tpu.memory_space<hbm>>
        tpu.wait_dma2 semaphore(%arg17 : memref<!tpu.dma_semaphore, #tpu.memory_space<semaphore_mem>>) src(%dma_wait3A_254 : memref<80xi32, #tpu.memory_space<hbm>>) dst(%arg9 : memref<80xi32, #tpu.memory_space<vmem>>)
      } else {
      }
      %add3A_177 = arith.constant 1 : i32
      %add3A_178 = arith.addi %add3A_169, %add3A_177 : i32
      %lt3A_179 = arith.constant 125 : i32
      %lt3A_180 = arith.cmpi slt, %add3A_178, %lt3A_179 : i32
      %convert_element_type3A_181 = arith.extui %lt3A_180 : i1 to i32
      %cond3A_182 = arith.constant 0 : i32
      %cond3A_183 = arith.cmpi ne, %convert_element_type3A_181, %cond3A_182 : i32
      scf.if %cond3A_183 {
        %dma_start3A_247 = arith.constant 0 : i32
        %dma_start3A_248 = arith.constant 0 : i32
        %dma_start3A_249 = tpu.memref_slice %arg2[%dma_start3A_247, %dma_start3A_248] : memref<10240x16xf32, #tpu.memory_space<hbm>> -> memref<10240x16xf32, #tpu.memory_space<hbm>>
        tpu.enqueue_indirect_dma source(%dma_start3A_249 : memref<10240x16xf32, #tpu.memory_space<hbm>>) target(%arg11 : memref<80x16xf32, #tpu.memory_space<vmem>>) offsets(%arg7 : memref<80xi32, #tpu.memory_space<vmem>>) semaphore(%arg19 : memref<!tpu.dma_semaphore, #tpu.memory_space<semaphore_mem>>)
        %dma_start3A_250 = arith.constant 0 : i32
        %dma_start3A_251 = arith.constant 0 : i32
        %dma_start3A_252 = tpu.memref_slice %arg3[%dma_start3A_250, %dma_start3A_251] : memref<10240x16xf32, #tpu.memory_space<hbm>> -> memref<10240x16xf32, #tpu.memory_space<hbm>>
        tpu.enqueue_indirect_dma source(%dma_start3A_252 : memref<10240x16xf32, #tpu.memory_space<hbm>>) target(%arg13 : memref<80x16xf32, #tpu.memory_space<vmem>>) offsets(%arg9 : memref<80xi32, #tpu.memory_space<vmem>>) semaphore(%arg21 : memref<!tpu.dma_semaphore, #tpu.memory_space<semaphore_mem>>)
      } else {
      }
      %dma_wait3A_184 = arith.constant 0 : i32
      %dma_wait3A_185 = arith.constant 0 : i32
      %dma_wait3A_186 = tpu.memref_slice %arg2[%dma_wait3A_184, %dma_wait3A_185] : memref<10240x16xf32, #tpu.memory_space<hbm>> -> memref<80x16xf32, #tpu.memory_space<hbm>>
      %dma_wait3A_187 = arith.constant 0 : i32
      %dma_wait3A_188 = arith.constant 0 : i32
      %dma_wait3A_189 = tpu.memref_slice %arg2[%dma_wait3A_187, %dma_wait3A_188] : memref<10240x16xf32, #tpu.memory_space<hbm>> -> memref<80x16xf32, #tpu.memory_space<hbm>>
      tpu.wait_dma2 semaphore(%arg20 : memref<!tpu.dma_semaphore, #tpu.memory_space<semaphore_mem>>) src(%dma_wait3A_189 : memref<80x16xf32, #tpu.memory_space<hbm>>) dst(%arg12 : memref<80x16xf32, #tpu.memory_space<vmem>>)
      %dma_wait3A_190 = arith.constant 0 : i32
      %dma_wait3A_191 = arith.constant 0 : i32
      %dma_wait3A_192 = tpu.memref_slice %arg3[%dma_wait3A_190, %dma_wait3A_191] : memref<10240x16xf32, #tpu.memory_space<hbm>> -> memref<80x16xf32, #tpu.memory_space<hbm>>
      %dma_wait3A_193 = arith.constant 0 : i32
      %dma_wait3A_194 = arith.constant 0 : i32
      %dma_wait3A_195 = tpu.memref_slice %arg3[%dma_wait3A_193, %dma_wait3A_194] : memref<10240x16xf32, #tpu.memory_space<hbm>> -> memref<80x16xf32, #tpu.memory_space<hbm>>
      tpu.wait_dma2 semaphore(%arg22 : memref<!tpu.dma_semaphore, #tpu.memory_space<semaphore_mem>>) src(%dma_wait3A_195 : memref<80x16xf32, #tpu.memory_space<hbm>>) dst(%arg14 : memref<80x16xf32, #tpu.memory_space<vmem>>)
      %ge3A_196 = arith.constant 2 : i32
      %ge3A_197 = arith.cmpi sge, %add3A_169, %ge3A_196 : i32
      %convert_element_type3A_198 = arith.extui %ge3A_197 : i1 to i32
      %cond3A_199 = arith.constant 0 : i32
      %cond3A_200 = arith.cmpi ne, %convert_element_type3A_198, %cond3A_199 : i32
      scf.if %cond3A_200 {
        %dma_wait3A_247 = arith.constant 0 : i32
        %dma_wait3A_248 = arith.constant 0 : i32
        %dma_wait3A_249 = tpu.memref_slice %arg6[%dma_wait3A_247, %dma_wait3A_248] : memref<40000x128xf32, #tpu.memory_space<hbm>> -> memref<10x128xf32, #tpu.memory_space<hbm>>
        %dma_wait3A_250 = arith.constant 0 : i32
        %dma_wait3A_251 = arith.constant 0 : i32
        %dma_wait3A_252 = tpu.memref_slice %arg6[%dma_wait3A_250, %dma_wait3A_251] : memref<40000x128xf32, #tpu.memory_space<hbm>> -> memref<10x128xf32, #tpu.memory_space<hbm>>
        tpu.wait_dma2 semaphore(%arg24 : memref<!tpu.dma_semaphore, #tpu.memory_space<semaphore_mem>>) src(%dma_wait3A_252 : memref<10x128xf32, #tpu.memory_space<hbm>>) dst(%arg16 : memref<10x128xf32, #tpu.memory_space<vmem>>)
      } else {
      }
      %scan3A_201 = arith.constant 0 : i32
      %scan3A_202 = arith.constant 0 : i32
      %scan3A_203 = arith.constant 80 : i32
      %scan3A_204 = arith.addi %scan3A_202, %scan3A_203 : i32
      %scan3A_205 = arith.constant 1 : i32
      %scan3A_206 = scf.for %scan3A_247 = %scan3A_202 to %scan3A_204 step %scan3A_205 iter_args(%scan3A_248 = %scan3A_201) -> (i32)  : i32 {
        %get3A = arith.index_cast %scan3A_247 : i32 to index
        %get3A_249 = arith.constant 0 : index
        %get3A_250 = tpu.vector_load %arg12[%get3A, %get3A_249] {strides = array<i32>} : memref<80x16xf32, #tpu.memory_space<vmem>>, vector<1x16xf32>,
        %get3A_251 = vector.shape_cast %get3A_250 : vector<1x16xf32> to vector<16xf32>
        %get3A_252 = arith.index_cast %scan3A_247 : i32 to index
        %get3A_253 = arith.constant 0 : index
        %get3A_254 = tpu.vector_load %arg14[%get3A_252, %get3A_253] {strides = array<i32>} : memref<80x16xf32, #tpu.memory_space<vmem>>, vector<1x16xf32>,
        %get3A_255 = vector.shape_cast %get3A_254 : vector<1x16xf32> to vector<16xf32>
        %add3A_256 = arith.addf %get3A_251, %get3A_255 : vector<16xf32>
        %jit3A_257 = arith.constant 8 : i32
        %div3A_258 = arith.divsi %scan3A_247, %jit3A_257 : i32
        %sign3A_259 = arith.constant 0 : i32
        %sign3A_260 = arith.cmpi sgt, %scan3A_247, %sign3A_259 : i32
        %sign3A_261 = arith.extui %sign3A_260 : i1 to i32
        %sign3A_262 = arith.constant 0 : i32
        %sign3A_263 = arith.cmpi slt, %scan3A_247, %sign3A_262 : i32
        %sign3A_264 = arith.extui %sign3A_263 : i1 to i32
        %sign3A_265 = arith.subi %sign3A_261, %sign3A_264 : i32
        %sign3A_266 = arith.constant 0 : i32
        %sign3A_267 = arith.cmpi sgt, %jit3A_257, %sign3A_266 : i32
        %sign3A_268 = arith.extui %sign3A_267 : i1 to i32
        %sign3A_269 = arith.constant 0 : i32
        %sign3A_270 = arith.cmpi slt, %jit3A_257, %sign3A_269 : i32
        %sign3A_271 = arith.extui %sign3A_270 : i1 to i32
        %sign3A_272 = arith.subi %sign3A_268, %sign3A_271 : i32
        %ne3A_273 = arith.cmpi ne, %sign3A_265, %sign3A_272 : i32
        %rem3A_274 = arith.remsi %scan3A_247, %jit3A_257 : i32
        %ne3A_275 = arith.constant 0 : i32
        %ne3A_276 = arith.cmpi ne, %rem3A_274, %ne3A_275 : i32
        %and3A_277 = arith.andi %ne3A_273, %ne3A_276 : i1
        %sub3A_278 = arith.constant 1 : i32
        %sub3A_279 = arith.subi %div3A_258, %sub3A_278 : i32
        %select_n3A_280 = arith.select %and3A_277, %sub3A_279, %div3A_258 : i32
        %jit3A_281 = arith.constant 8 : i32
        %eq3A = arith.constant 0 : i32
        %eq3A_282 = arith.cmpi eq, %jit3A_281, %eq3A : i32
        %jit3A_283 = arith.constant 1 : i32
        %select_n3A_284 = arith.select %eq3A_282, %jit3A_283, %jit3A_281 : i32
        %rem3A_285 = arith.remsi %scan3A_247, %select_n3A_284 : i32
        %ne3A_286 = arith.constant 0 : i32
        %ne3A_287 = arith.cmpi ne, %rem3A_285, %ne3A_286 : i32
        %lt3A_288 = arith.constant 0 : i32
        %lt3A_289 = arith.cmpi slt, %rem3A_285, %lt3A_288 : i32
        %lt3A_290 = arith.constant 0 : i32
        %lt3A_291 = arith.cmpi slt, %select_n3A_284, %lt3A_290 : i32
        %ne3A_292 = arith.xori %lt3A_289, %lt3A_291 : i1
        %and3A_293 = arith.andi %ne3A_292, %ne3A_287 : i1
        %add3A_294 = arith.addi %rem3A_285, %select_n3A_284 : i32
        %select_n3A_295 = arith.select %and3A_293, %add3A_294, %rem3A_285 : i32
        %mul3A_296 = arith.constant 16 : i32
        %mul3A_297 = arith.muli %select_n3A_295, %mul3A_296 : i32
        %swap3A = arith.index_cast %select_n3A_280 : i32 to index
        %swap3A_298 = arith.index_cast %mul3A_297 : i32 to index
        %swap3A_299 = tpu.vector_load %arg16[%swap3A, %swap3A_298] {strides = array<i32>} : memref<10x128xf32, #tpu.memory_space<vmem>>, vector<1x16xf32>,
        %swap3A_300 = vector.shape_cast %swap3A_299 : vector<1x16xf32> to vector<16xf32>
        %swap3A_301 = vector.shape_cast %add3A_256 : vector<16xf32> to vector<1x16xf32>
        tpu.vector_store %arg16[%swap3A, %swap3A_298], %swap3A_301 {strides = array<i32>} : memref<10x128xf32, #tpu.memory_space<vmem>>, vector<1x16xf32>,
        %scan3A_302 = arith.constant 0 : i32
        scf.yield %scan3A_302 : i32
      }
      %scan3A_207 = arith.constant 80 : i32
      %add3A_208 = arith.constant 2 : i32
      %add3A_209 = arith.addi %add3A_169, %add3A_208 : i32
      %lt3A_210 = arith.constant 125 : i32
      %lt3A_211 = arith.cmpi slt, %add3A_209, %lt3A_210 : i32
      %convert_element_type3A_212 = arith.extui %lt3A_211 : i1 to i32
      %cond3A_213 = arith.constant 0 : i32
      %cond3A_214 = arith.cmpi ne, %convert_element_type3A_212, %cond3A_213 : i32
      scf.if %cond3A_214 {
        %mul3A_247 = arith.constant 80 : i32
        %mul3A_248 = arith.muli %add3A_209, %mul3A_247 : i32
        %add3A_249 = arith.addi %mul3A_2, %mul3A_248 : i32
        %dma_start3A_250 = tpu.memref_slice %arg4[%add3A_249] : memref<320000xi32, #tpu.memory_space<hbm>> -> memref<80xi32, #tpu.memory_space<hbm>>
        %dma_start3A_251 = tpu.memref_slice %arg4[%add3A_249] : memref<320000xi32, #tpu.memory_space<hbm>> -> memref<80xi32, #tpu.memory_space<hbm>>
        tpu.enqueue_dma source(%dma_start3A_251 : memref<80xi32, #tpu.memory_space<hbm>>) target(%arg8 : memref<80xi32, #tpu.memory_space<vmem>>) target_semaphore(%arg18 : memref<!tpu.dma_semaphore, #tpu.memory_space<semaphore_mem>>)
        %dma_start3A_252 = tpu.memref_slice %arg5[%add3A_249] : memref<320000xi32, #tpu.memory_space<hbm>> -> memref<80xi32, #tpu.memory_space<hbm>>
        %dma_start3A_253 = tpu.memref_slice %arg5[%add3A_249] : memref<320000xi32, #tpu.memory_space<hbm>> -> memref<80xi32, #tpu.memory_space<hbm>>
        tpu.enqueue_dma source(%dma_start3A_253 : memref<80xi32, #tpu.memory_space<hbm>>) target(%arg10 : memref<80xi32, #tpu.memory_space<vmem>>) target_semaphore(%arg18 : memref<!tpu.dma_semaphore, #tpu.memory_space<semaphore_mem>>)
      } else {
      }
      %mul3A_215 = arith.constant 80 : i32
      %mul3A_216 = arith.muli %add3A_169, %mul3A_215 : i32
      %add3A_217 = arith.addi %mul3A_2, %mul3A_216 : i32
      %jit3A_218 = arith.constant 8 : i32
      %div3A_219 = arith.divsi %add3A_217, %jit3A_218 : i32
      %sign3A_220 = arith.constant 0 : i32
      %sign3A_221 = arith.cmpi sgt, %add3A_217, %sign3A_220 : i32
      %sign3A_222 = arith.extui %sign3A_221 : i1 to i32
      %sign3A_223 = arith.constant 0 : i32
      %sign3A_224 = arith.cmpi slt, %add3A_217, %sign3A_223 : i32
      %sign3A_225 = arith.extui %sign3A_224 : i1 to i32
      %sign3A_226 = arith.subi %sign3A_222, %sign3A_225 : i32
      %sign3A_227 = arith.constant 0 : i32
      %sign3A_228 = arith.cmpi sgt, %jit3A_218, %sign3A_227 : i32
      %sign3A_229 = arith.extui %sign3A_228 : i1 to i32
      %sign3A_230 = arith.constant 0 : i32
      %sign3A_231 = arith.cmpi slt, %jit3A_218, %sign3A_230 : i32
      %sign3A_232 = arith.extui %sign3A_231 : i1 to i32
      %sign3A_233 = arith.subi %sign3A_229, %sign3A_232 : i32
      %ne3A_234 = arith.cmpi ne, %sign3A_226, %sign3A_233 : i32
      %rem3A_235 = arith.remsi %add3A_217, %jit3A_218 : i32
      %ne3A_236 = arith.constant 0 : i32
      %ne3A_237 = arith.cmpi ne, %rem3A_235, %ne3A_236 : i32
      %and3A_238 = arith.andi %ne3A_234, %ne3A_237 : i1
      %sub3A_239 = arith.constant 1 : i32
      %sub3A_240 = arith.subi %div3A_219, %sub3A_239 : i32
      %select_n3A_241 = arith.select %and3A_238, %sub3A_240, %div3A_219 : i32
      %dma_start3A_242 = arith.constant 0 : i32
      %dma_start3A_243 = tpu.memref_slice %arg6[%select_n3A_241, %dma_start3A_242] : memref<40000x128xf32, #tpu.memory_space<hbm>> -> memref<10x128xf32, #tpu.memory_space<hbm>>
      %dma_start3A_244 = arith.constant 0 : i32
      %dma_start3A_245 = tpu.memref_slice %arg6[%select_n3A_241, %dma_start3A_244] : memref<40000x128xf32, #tpu.memory_space<hbm>> -> memref<10x128xf32, #tpu.memory_space<hbm>>
      tpu.enqueue_dma source(%arg16 : memref<10x128xf32, #tpu.memory_space<vmem>>) target(%dma_start3A_245 : memref<10x128xf32, #tpu.memory_space<hbm>>) target_semaphore(%arg24 : memref<!tpu.dma_semaphore, #tpu.memory_space<semaphore_mem>>)
      %scan3A_246 = arith.constant 0 : i32
      scf.yield %scan3A_246 : i32
    }
    %scan3A_32 = arith.constant 62 : i32
    %dma_wait3A_33 = arith.constant 0 : i32
    %dma_wait3A_34 = arith.constant 0 : i32
    %dma_wait3A_35 = tpu.memref_slice %arg2[%dma_wait3A_33, %dma_wait3A_34] : memref<10240x16xf32, #tpu.memory_space<hbm>> -> memref<80x16xf32, #tpu.memory_space<hbm>>
    %dma_wait3A_36 = arith.constant 0 : i32
    %dma_wait3A_37 = arith.constant 0 : i32
    %dma_wait3A_38 = tpu.memref_slice %arg2[%dma_wait3A_36, %dma_wait3A_37] : memref<10240x16xf32, #tpu.memory_space<hbm>> -> memref<80x16xf32, #tpu.memory_space<hbm>>
    tpu.wait_dma2 semaphore(%arg19 : memref<!tpu.dma_semaphore, #tpu.memory_space<semaphore_mem>>) src(%dma_wait3A_38 : memref<80x16xf32, #tpu.memory_space<hbm>>) dst(%arg11 : memref<80x16xf32, #tpu.memory_space<vmem>>)
    %dma_wait3A_39 = arith.constant 0 : i32
    %dma_wait3A_40 = arith.constant 0 : i32
    %dma_wait3A_41 = tpu.memref_slice %arg3[%dma_wait3A_39, %dma_wait3A_40] : memref<10240x16xf32, #tpu.memory_space<hbm>> -> memref<80x16xf32, #tpu.memory_space<hbm>>
    %dma_wait3A_42 = arith.constant 0 : i32
    %dma_wait3A_43 = arith.constant 0 : i32
    %dma_wait3A_44 = tpu.memref_slice %arg3[%dma_wait3A_42, %dma_wait3A_43] : memref<10240x16xf32, #tpu.memory_space<hbm>> -> memref<80x16xf32, #tpu.memory_space<hbm>>
    tpu.wait_dma2 semaphore(%arg21 : memref<!tpu.dma_semaphore, #tpu.memory_space<semaphore_mem>>) src(%dma_wait3A_44 : memref<80x16xf32, #tpu.memory_space<hbm>>) dst(%arg13 : memref<80x16xf32, #tpu.memory_space<vmem>>)
    %dma_wait3A_45 = arith.constant 0 : i32
    %dma_wait3A_46 = arith.constant 0 : i32
    %dma_wait3A_47 = tpu.memref_slice %arg6[%dma_wait3A_45, %dma_wait3A_46] : memref<40000x128xf32, #tpu.memory_space<hbm>> -> memref<10x128xf32, #tpu.memory_space<hbm>>
    %dma_wait3A_48 = arith.constant 0 : i32
    %dma_wait3A_49 = arith.constant 0 : i32
    %dma_wait3A_50 = tpu.memref_slice %arg6[%dma_wait3A_48, %dma_wait3A_49] : memref<40000x128xf32, #tpu.memory_space<hbm>> -> memref<10x128xf32, #tpu.memory_space<hbm>>
    tpu.wait_dma2 semaphore(%arg23 : memref<!tpu.dma_semaphore, #tpu.memory_space<semaphore_mem>>) src(%dma_wait3A_50 : memref<10x128xf32, #tpu.memory_space<hbm>>) dst(%arg15 : memref<10x128xf32, #tpu.memory_space<vmem>>)
    %scan3A_51 = arith.constant 0 : i32
    %scan3A_52 = arith.constant 0 : i32
    %scan3A_53 = arith.constant 80 : i32
    %scan3A_54 = arith.addi %scan3A_52, %scan3A_53 : i32
    %scan3A_55 = arith.constant 1 : i32
    %scan3A_56 = scf.for %scan3A_92 = %scan3A_52 to %scan3A_54 step %scan3A_55 iter_args(%scan3A_93 = %scan3A_51) -> (i32)  : i32 {
      %get3A = arith.index_cast %scan3A_92 : i32 to index
      %get3A_94 = arith.constant 0 : index
      %get3A_95 = tpu.vector_load %arg11[%get3A, %get3A_94] {strides = array<i32>} : memref<80x16xf32, #tpu.memory_space<vmem>>, vector<1x16xf32>,
      %get3A_96 = vector.shape_cast %get3A_95 : vector<1x16xf32> to vector<16xf32>
      %get3A_97 = arith.index_cast %scan3A_92 : i32 to index
      %get3A_98 = arith.constant 0 : index
      %get3A_99 = tpu.vector_load %arg13[%get3A_97, %get3A_98] {strides = array<i32>} : memref<80x16xf32, #tpu.memory_space<vmem>>, vector<1x16xf32>,
      %get3A_100 = vector.shape_cast %get3A_99 : vector<1x16xf32> to vector<16xf32>
      %add3A_101 = arith.addf %get3A_96, %get3A_100 : vector<16xf32>
      %jit3A_102 = arith.constant 8 : i32
      %div3A_103 = arith.divsi %scan3A_92, %jit3A_102 : i32
      %sign3A_104 = arith.constant 0 : i32
      %sign3A_105 = arith.cmpi sgt, %scan3A_92, %sign3A_104 : i32
      %sign3A_106 = arith.extui %sign3A_105 : i1 to i32
      %sign3A_107 = arith.constant 0 : i32
      %sign3A_108 = arith.cmpi slt, %scan3A_92, %sign3A_107 : i32
      %sign3A_109 = arith.extui %sign3A_108 : i1 to i32
      %sign3A_110 = arith.subi %sign3A_106, %sign3A_109 : i32
      %sign3A_111 = arith.constant 0 : i32
      %sign3A_112 = arith.cmpi sgt, %jit3A_102, %sign3A_111 : i32
      %sign3A_113 = arith.extui %sign3A_112 : i1 to i32
      %sign3A_114 = arith.constant 0 : i32
      %sign3A_115 = arith.cmpi slt, %jit3A_102, %sign3A_114 : i32
      %sign3A_116 = arith.extui %sign3A_115 : i1 to i32
      %sign3A_117 = arith.subi %sign3A_113, %sign3A_116 : i32
      %ne3A_118 = arith.cmpi ne, %sign3A_110, %sign3A_117 : i32
      %rem3A_119 = arith.remsi %scan3A_92, %jit3A_102 : i32
      %ne3A_120 = arith.constant 0 : i32
      %ne3A_121 = arith.cmpi ne, %rem3A_119, %ne3A_120 : i32
      %and3A_122 = arith.andi %ne3A_118, %ne3A_121 : i1
      %sub3A_123 = arith.constant 1 : i32
      %sub3A_124 = arith.subi %div3A_103, %sub3A_123 : i32
      %select_n3A_125 = arith.select %and3A_122, %sub3A_124, %div3A_103 : i32
      %jit3A_126 = arith.constant 8 : i32
      %eq3A = arith.constant 0 : i32
      %eq3A_127 = arith.cmpi eq, %jit3A_126, %eq3A : i32
      %jit3A_128 = arith.constant 1 : i32
      %select_n3A_129 = arith.select %eq3A_127, %jit3A_128, %jit3A_126 : i32
      %rem3A_130 = arith.remsi %scan3A_92, %select_n3A_129 : i32
      %ne3A_131 = arith.constant 0 : i32
      %ne3A_132 = arith.cmpi ne, %rem3A_130, %ne3A_131 : i32
      %lt3A = arith.constant 0 : i32
      %lt3A_133 = arith.cmpi slt, %rem3A_130, %lt3A : i32
      %lt3A_134 = arith.constant 0 : i32
      %lt3A_135 = arith.cmpi slt, %select_n3A_129, %lt3A_134 : i32
      %ne3A_136 = arith.xori %lt3A_133, %lt3A_135 : i1
      %and3A_137 = arith.andi %ne3A_136, %ne3A_132 : i1
      %add3A_138 = arith.addi %rem3A_130, %select_n3A_129 : i32
      %select_n3A_139 = arith.select %and3A_137, %add3A_138, %rem3A_130 : i32
      %mul3A_140 = arith.constant 16 : i32
      %mul3A_141 = arith.muli %select_n3A_139, %mul3A_140 : i32
      %swap3A = arith.index_cast %select_n3A_125 : i32 to index
      %swap3A_142 = arith.index_cast %mul3A_141 : i32 to index
      %swap3A_143 = tpu.vector_load %arg15[%swap3A, %swap3A_142] {strides = array<i32>} : memref<10x128xf32, #tpu.memory_space<vmem>>, vector<1x16xf32>,
      %swap3A_144 = vector.shape_cast %swap3A_143 : vector<1x16xf32> to vector<16xf32>
      %swap3A_145 = vector.shape_cast %add3A_101 : vector<16xf32> to vector<1x16xf32>
      tpu.vector_store %arg15[%swap3A, %swap3A_142], %swap3A_145 {strides = array<i32>} : memref<10x128xf32, #tpu.memory_space<vmem>>, vector<1x16xf32>,
      %scan3A_146 = arith.constant 0 : i32
      scf.yield %scan3A_146 : i32
    }
    %scan3A_57 = arith.constant 80 : i32
    %add3A_58 = arith.constant 9920 : i32
    %add3A_59 = arith.addi %mul3A_2, %add3A_58 : i32
    %jit3A = arith.constant 8 : i32
    %div3A = arith.divsi %add3A_59, %jit3A : i32
    %sign3A = arith.constant 0 : i32
    %sign3A_60 = arith.cmpi sgt, %add3A_59, %sign3A : i32
    %sign3A_61 = arith.extui %sign3A_60 : i1 to i32
    %sign3A_62 = arith.constant 0 : i32
    %sign3A_63 = arith.cmpi slt, %add3A_59, %sign3A_62 : i32
    %sign3A_64 = arith.extui %sign3A_63 : i1 to i32
    %sign3A_65 = arith.subi %sign3A_61, %sign3A_64 : i32
    %sign3A_66 = arith.constant 0 : i32
    %sign3A_67 = arith.cmpi sgt, %jit3A, %sign3A_66 : i32
    %sign3A_68 = arith.extui %sign3A_67 : i1 to i32
    %sign3A_69 = arith.constant 0 : i32
    %sign3A_70 = arith.cmpi slt, %jit3A, %sign3A_69 : i32
    %sign3A_71 = arith.extui %sign3A_70 : i1 to i32
    %sign3A_72 = arith.subi %sign3A_68, %sign3A_71 : i32
    %ne3A = arith.cmpi ne, %sign3A_65, %sign3A_72 : i32
    %rem3A = arith.remsi %add3A_59, %jit3A : i32
    %ne3A_73 = arith.constant 0 : i32
    %ne3A_74 = arith.cmpi ne, %rem3A, %ne3A_73 : i32
    %and3A = arith.andi %ne3A, %ne3A_74 : i1
    %sub3A = arith.constant 1 : i32
    %sub3A_75 = arith.subi %div3A, %sub3A : i32
    %select_n3A = arith.select %and3A, %sub3A_75, %div3A : i32
    %dma_start3A_76 = arith.constant 0 : i32
    %dma_start3A_77 = tpu.memref_slice %arg6[%select_n3A, %dma_start3A_76] : memref<40000x128xf32, #tpu.memory_space<hbm>> -> memref<10x128xf32, #tpu.memory_space<hbm>>
    %dma_start3A_78 = arith.constant 0 : i32
    %dma_start3A_79 = tpu.memref_slice %arg6[%select_n3A, %dma_start3A_78] : memref<40000x128xf32, #tpu.memory_space<hbm>> -> memref<10x128xf32, #tpu.memory_space<hbm>>
    tpu.enqueue_dma source(%arg15 : memref<10x128xf32, #tpu.memory_space<vmem>>) target(%dma_start3A_79 : memref<10x128xf32, #tpu.memory_space<hbm>>) target_semaphore(%arg23 : memref<!tpu.dma_semaphore, #tpu.memory_space<semaphore_mem>>)
    %dma_wait3A_80 = arith.constant 0 : i32
    %dma_wait3A_81 = arith.constant 0 : i32
    %dma_wait3A_82 = tpu.memref_slice %arg6[%dma_wait3A_80, %dma_wait3A_81] : memref<40000x128xf32, #tpu.memory_space<hbm>> -> memref<10x128xf32, #tpu.memory_space<hbm>>
    %dma_wait3A_83 = arith.constant 0 : i32
    %dma_wait3A_84 = arith.constant 0 : i32
    %dma_wait3A_85 = tpu.memref_slice %arg6[%dma_wait3A_83, %dma_wait3A_84] : memref<40000x128xf32, #tpu.memory_space<hbm>> -> memref<10x128xf32, #tpu.memory_space<hbm>>
    tpu.wait_dma2 semaphore(%arg24 : memref<!tpu.dma_semaphore, #tpu.memory_space<semaphore_mem>>) src(%dma_wait3A_85 : memref<10x128xf32, #tpu.memory_space<hbm>>) dst(%arg16 : memref<10x128xf32, #tpu.memory_space<vmem>>)
    %dma_wait3A_86 = arith.constant 0 : i32
    %dma_wait3A_87 = arith.constant 0 : i32
    %dma_wait3A_88 = tpu.memref_slice %arg6[%dma_wait3A_86, %dma_wait3A_87] : memref<40000x128xf32, #tpu.memory_space<hbm>> -> memref<10x128xf32, #tpu.memory_space<hbm>>
    %dma_wait3A_89 = arith.constant 0 : i32
    %dma_wait3A_90 = arith.constant 0 : i32
    %dma_wait3A_91 = tpu.memref_slice %arg6[%dma_wait3A_89, %dma_wait3A_90] : memref<40000x128xf32, #tpu.memory_space<hbm>> -> memref<10x128xf32, #tpu.memory_space<hbm>>
    tpu.wait_dma2 semaphore(%arg23 : memref<!tpu.dma_semaphore, #tpu.memory_space<semaphore_mem>>) src(%dma_wait3A_91 : memref<10x128xf32, #tpu.memory_space<hbm>>) dst(%arg15 : memref<10x128xf32, #tpu.memory_space<vmem>>)
    return
  }
}

#map = affine_map<(d0, d1) -> (0, 0)>
#map1 = affine_map<(d0, d1) -> (0)>
#map2 = affine_map<(d0, d1) -> (0, 0, 0)>
module attributes {stable_mosaic.version = 14 : i64} {
  func.func @_k3_body(%arg0: i32, %arg1: i32, %arg2: memref<10240x128xf32, #tpu.memory_space<hbm>>, %arg3: memref<320000xi32, #tpu.memory_space<hbm>>, %arg4: memref<320000xi32, #tpu.memory_space<hbm>>, %arg5: memref<2x10240x128xf32, #tpu.memory_space<hbm>>, %arg6: memref<10240x128xf32, #tpu.memory_space<vmem_shared>>, %arg7: memref<80xi32, #tpu.memory_space<vmem>>, %arg8: memref<80xi32, #tpu.memory_space<vmem>>, %arg9: memref<80xi32, #tpu.memory_space<vmem>>, %arg10: memref<80xi32, #tpu.memory_space<vmem>>, %arg11: memref<80x128xf32, #tpu.memory_space<vmem>>, %arg12: memref<80x128xf32, #tpu.memory_space<vmem>>, %arg13: memref<64x128xf32, #tpu.memory_space<vmem>>, %arg14: memref<!tpu.dma_semaphore, #tpu.memory_space<semaphore_mem>>, %arg15: memref<!tpu.dma_semaphore, #tpu.memory_space<semaphore_mem>>, %arg16: memref<!tpu.dma_semaphore, #tpu.memory_space<semaphore_mem>>, %arg17: memref<!tpu.dma_semaphore, #tpu.memory_space<semaphore_mem>>) attributes {dimension_semantics = [#tpu.dimension_semantics<core_parallel>, #tpu.dimension_semantics<subcore_parallel>], iteration_bounds = array<i64: 2, 16>, scalar_prefetch = 0 : i64, scratch_operands = 12 : i64, tpu.core_type = #tpu.core_type<sc_vector_subcore>, window_params = [{transform_indices = #map}, {transform_indices = #map1}, {transform_indices = #map1}, {transform_indices = #map2}]} {
    %mul3A = arith.constant 2 : i32
    %mul3A_0 = arith.muli %arg1, %mul3A : i32
    %add3A = arith.addi %mul3A_0, %arg0 : i32
    %mul3A_1 = arith.constant 10000 : i32
    %mul3A_2 = arith.muli %add3A, %mul3A_1 : i32
    %scan3A = arith.constant 0 : i32
    %scan3A_3 = arith.constant 0 : i32
    %scan3A_4 = arith.constant 64 : i32
    %scan3A_5 = arith.addi %scan3A_3, %scan3A_4 : i32
    %scan3A_6 = arith.constant 1 : i32
    %scan3A_7 = scf.for %scan3A_53 = %scan3A_3 to %scan3A_5 step %scan3A_6 iter_args(%scan3A_54 = %scan3A) -> (i32)  : i32 {
      %scan3A_55 = arith.constant 0 : i32
      %scan3A_56 = arith.constant 0 : i32
      %scan3A_57 = arith.constant 8 : i32
      %scan3A_58 = arith.addi %scan3A_56, %scan3A_57 : i32
      %scan3A_59 = arith.constant 1 : i32
      %scan3A_60 = scf.for %scan3A_63 = %scan3A_56 to %scan3A_58 step %scan3A_59 iter_args(%scan3A_64 = %scan3A_55) -> (i32)  : i32 {
        %broadcast_in_dim3A = arith.constant 0.000000e+00 : f32
        %broadcast_in_dim3A_65 = vector.broadcast %broadcast_in_dim3A : f32 to vector<16xf32>
        %mul3A_66 = arith.constant 16 : i32
        %mul3A_67 = arith.muli %scan3A_63, %mul3A_66 : i32
        %swap3A = arith.index_cast %scan3A_53 : i32 to index
        %swap3A_68 = arith.index_cast %mul3A_67 : i32 to index
        %swap3A_69 = tpu.vector_load %arg13[%swap3A, %swap3A_68] {strides = array<i32>} : memref<64x128xf32, #tpu.memory_space<vmem>>, vector<1x16xf32>,
        %swap3A_70 = vector.shape_cast %swap3A_69 : vector<1x16xf32> to vector<16xf32>
        %swap3A_71 = vector.shape_cast %broadcast_in_dim3A_65 : vector<16xf32> to vector<1x16xf32>
        tpu.vector_store %arg13[%swap3A, %swap3A_68], %swap3A_71 {strides = array<i32>} : memref<64x128xf32, #tpu.memory_space<vmem>>, vector<1x16xf32>,
        %scan3A_72 = arith.constant 0 : i32
        scf.yield %scan3A_72 : i32
      }
      %scan3A_61 = arith.constant 8 : i32
      %scan3A_62 = arith.constant 0 : i32
      scf.yield %scan3A_62 : i32
    }
    %scan3A_8 = arith.constant 64 : i32
    %mul3A_9 = arith.constant 640 : i32
    %mul3A_10 = arith.muli %arg1, %mul3A_9 : i32
    %scan3A_11 = arith.constant 0 : i32
    %scan3A_12 = arith.constant 0 : i32
    %scan3A_13 = arith.constant 10 : i32
    %scan3A_14 = arith.addi %scan3A_12, %scan3A_13 : i32
    %scan3A_15 = arith.constant 1 : i32
    %scan3A_16 = scf.for %scan3A_53 = %scan3A_12 to %scan3A_14 step %scan3A_15 iter_args(%scan3A_54 = %scan3A_11) -> (i32)  : i32 {
      %mul3A_55 = arith.constant 64 : i32
      %mul3A_56 = arith.muli %scan3A_53, %mul3A_55 : i32
      %add3A_57 = arith.addi %mul3A_10, %mul3A_56 : i32
      "tpu.region"() ({
        %run_scoped3A = tpu.sem_alloc : memref<!tpu.dma_semaphore, #tpu.memory_space<semaphore_mem>>
        %dma_start3A_59 = arith.constant 0 : i32
        %dma_start3A_60 = tpu.memref_slice %arg6[%add3A_57, %dma_start3A_59] : memref<10240x128xf32, #tpu.memory_space<vmem_shared>> -> memref<64x128xf32, #tpu.memory_space<vmem_shared>>
        %dma_start3A_61 = arith.constant 0 : i32
        %dma_start3A_62 = tpu.memref_slice %arg6[%add3A_57, %dma_start3A_61] : memref<10240x128xf32, #tpu.memory_space<vmem_shared>> -> memref<64x128xf32, #tpu.memory_space<vmem_shared>>
        tpu.enqueue_dma source(%arg13 : memref<64x128xf32, #tpu.memory_space<vmem>>) target(%dma_start3A_62 : memref<64x128xf32, #tpu.memory_space<vmem_shared>>) target_semaphore(%run_scoped3A : memref<!tpu.dma_semaphore, #tpu.memory_space<semaphore_mem>>)
        %dma_wait3A_63 = arith.constant 0 : i32
        %dma_wait3A_64 = tpu.memref_slice %arg6[%add3A_57, %dma_wait3A_63] : memref<10240x128xf32, #tpu.memory_space<vmem_shared>> -> memref<64x128xf32, #tpu.memory_space<vmem_shared>>
        %dma_wait3A_65 = arith.constant 0 : i32
        %dma_wait3A_66 = tpu.memref_slice %arg6[%add3A_57, %dma_wait3A_65] : memref<10240x128xf32, #tpu.memory_space<vmem_shared>> -> memref<64x128xf32, #tpu.memory_space<vmem_shared>>
        tpu.wait_dma2 semaphore(%run_scoped3A : memref<!tpu.dma_semaphore, #tpu.memory_space<semaphore_mem>>) src(%arg13 : memref<64x128xf32, #tpu.memory_space<vmem>>) dst(%dma_wait3A_66 : memref<64x128xf32, #tpu.memory_space<vmem_shared>>)
        tpu.yield
      }) : () -> ()
      %scan3A_58 = arith.constant 0 : i32
      scf.yield %scan3A_58 : i32
    }
    %scan3A_17 = arith.constant 10 : i32
    %barrier3A = arith.constant 0 : index
    tpu.barrier barrier_id(%barrier3A)
    %add3A_18 = arith.constant 0 : i32
    %add3A_19 = arith.addi %mul3A_2, %add3A_18 : i32
    %dma_start3A = tpu.memref_slice %arg3[%add3A_19] : memref<320000xi32, #tpu.memory_space<hbm>> -> memref<80xi32, #tpu.memory_space<hbm>>
    %dma_start3A_20 = tpu.memref_slice %arg3[%add3A_19] : memref<320000xi32, #tpu.memory_space<hbm>> -> memref<80xi32, #tpu.memory_space<hbm>>
    tpu.enqueue_dma source(%dma_start3A_20 : memref<80xi32, #tpu.memory_space<hbm>>) target(%arg7 : memref<80xi32, #tpu.memory_space<vmem>>) target_semaphore(%arg14 : memref<!tpu.dma_semaphore, #tpu.memory_space<semaphore_mem>>)
    %dma_start3A_21 = tpu.memref_slice %arg4[%add3A_19] : memref<320000xi32, #tpu.memory_space<hbm>> -> memref<80xi32, #tpu.memory_space<hbm>>
    %dma_start3A_22 = tpu.memref_slice %arg4[%add3A_19] : memref<320000xi32, #tpu.memory_space<hbm>> -> memref<80xi32, #tpu.memory_space<hbm>>
    tpu.enqueue_dma source(%dma_start3A_22 : memref<80xi32, #tpu.memory_space<hbm>>) target(%arg9 : memref<80xi32, #tpu.memory_space<vmem>>) target_semaphore(%arg14 : memref<!tpu.dma_semaphore, #tpu.memory_space<semaphore_mem>>)
    %dma_wait3A = arith.constant 0 : i32
    %dma_wait3A_23 = tpu.memref_slice %arg3[%dma_wait3A] : memref<320000xi32, #tpu.memory_space<hbm>> -> memref<80xi32, #tpu.memory_space<hbm>>
    %dma_wait3A_24 = arith.constant 0 : i32
    %dma_wait3A_25 = tpu.memref_slice %arg3[%dma_wait3A_24] : memref<320000xi32, #tpu.memory_space<hbm>> -> memref<80xi32, #tpu.memory_space<hbm>>
    tpu.wait_dma2 semaphore(%arg14 : memref<!tpu.dma_semaphore, #tpu.memory_space<semaphore_mem>>) src(%dma_wait3A_25 : memref<80xi32, #tpu.memory_space<hbm>>) dst(%arg7 : memref<80xi32, #tpu.memory_space<vmem>>)
    %dma_wait3A_26 = arith.constant 0 : i32
    %dma_wait3A_27 = tpu.memref_slice %arg4[%dma_wait3A_26] : memref<320000xi32, #tpu.memory_space<hbm>> -> memref<80xi32, #tpu.memory_space<hbm>>
    %dma_wait3A_28 = arith.constant 0 : i32
    %dma_wait3A_29 = tpu.memref_slice %arg4[%dma_wait3A_28] : memref<320000xi32, #tpu.memory_space<hbm>> -> memref<80xi32, #tpu.memory_space<hbm>>
    tpu.wait_dma2 semaphore(%arg14 : memref<!tpu.dma_semaphore, #tpu.memory_space<semaphore_mem>>) src(%dma_wait3A_29 : memref<80xi32, #tpu.memory_space<hbm>>) dst(%arg9 : memref<80xi32, #tpu.memory_space<vmem>>)
    %dma_start3A_30 = arith.constant 0 : i32
    %dma_start3A_31 = arith.constant 0 : i32
    %dma_start3A_32 = tpu.memref_slice %arg2[%dma_start3A_30, %dma_start3A_31] : memref<10240x128xf32, #tpu.memory_space<hbm>> -> memref<10240x128xf32, #tpu.memory_space<hbm>>
    tpu.enqueue_indirect_dma source(%dma_start3A_32 : memref<10240x128xf32, #tpu.memory_space<hbm>>) target(%arg11 : memref<80x128xf32, #tpu.memory_space<vmem>>) offsets(%arg7 : memref<80xi32, #tpu.memory_space<vmem>>) semaphore(%arg16 : memref<!tpu.dma_semaphore, #tpu.memory_space<semaphore_mem>>)
    %add3A_33 = arith.constant 80 : i32
    %add3A_34 = arith.addi %mul3A_2, %add3A_33 : i32
    %dma_start3A_35 = tpu.memref_slice %arg3[%add3A_34] : memref<320000xi32, #tpu.memory_space<hbm>> -> memref<80xi32, #tpu.memory_space<hbm>>
    %dma_start3A_36 = tpu.memref_slice %arg3[%add3A_34] : memref<320000xi32, #tpu.memory_space<hbm>> -> memref<80xi32, #tpu.memory_space<hbm>>
    tpu.enqueue_dma source(%dma_start3A_36 : memref<80xi32, #tpu.memory_space<hbm>>) target(%arg8 : memref<80xi32, #tpu.memory_space<vmem>>) target_semaphore(%arg15 : memref<!tpu.dma_semaphore, #tpu.memory_space<semaphore_mem>>)
    %dma_start3A_37 = tpu.memref_slice %arg4[%add3A_34] : memref<320000xi32, #tpu.memory_space<hbm>> -> memref<80xi32, #tpu.memory_space<hbm>>
    %dma_start3A_38 = tpu.memref_slice %arg4[%add3A_34] : memref<320000xi32, #tpu.memory_space<hbm>> -> memref<80xi32, #tpu.memory_space<hbm>>
    tpu.enqueue_dma source(%dma_start3A_38 : memref<80xi32, #tpu.memory_space<hbm>>) target(%arg10 : memref<80xi32, #tpu.memory_space<vmem>>) target_semaphore(%arg15 : memref<!tpu.dma_semaphore, #tpu.memory_space<semaphore_mem>>)
    %scan3A_39 = arith.constant 0 : i32
    %scan3A_40 = arith.constant 0 : i32
    %scan3A_41 = arith.constant 62 : i32
    %scan3A_42 = arith.addi %scan3A_40, %scan3A_41 : i32
    %scan3A_43 = arith.constant 1 : i32
    %scan3A_44 = scf.for %scan3A_53 = %scan3A_40 to %scan3A_42 step %scan3A_43 iter_args(%scan3A_54 = %scan3A_39) -> (i32)  : i32 {
      %mul3A_55 = arith.constant 2 : i32
      %mul3A_56 = arith.muli %mul3A_55, %scan3A_53 : i32
      %add3A_57 = arith.constant 1 : i32
      %add3A_58 = arith.addi %mul3A_56, %add3A_57 : i32
      %lt3A = arith.constant 125 : i32
      %lt3A_59 = arith.cmpi slt, %add3A_58, %lt3A : i32
      %convert_element_type3A = arith.extui %lt3A_59 : i1 to i32
      %cond3A = arith.constant 0 : i32
      %cond3A_60 = arith.cmpi ne, %convert_element_type3A, %cond3A : i32
      scf.if %cond3A_60 {
        %dma_wait3A_111 = arith.constant 0 : i32
        %dma_wait3A_112 = tpu.memref_slice %arg3[%dma_wait3A_111] : memref<320000xi32, #tpu.memory_space<hbm>> -> memref<80xi32, #tpu.memory_space<hbm>>
        %dma_wait3A_113 = arith.constant 0 : i32
        %dma_wait3A_114 = tpu.memref_slice %arg3[%dma_wait3A_113] : memref<320000xi32, #tpu.memory_space<hbm>> -> memref<80xi32, #tpu.memory_space<hbm>>
        tpu.wait_dma2 semaphore(%arg15 : memref<!tpu.dma_semaphore, #tpu.memory_space<semaphore_mem>>) src(%dma_wait3A_114 : memref<80xi32, #tpu.memory_space<hbm>>) dst(%arg8 : memref<80xi32, #tpu.memory_space<vmem>>)
        %dma_wait3A_115 = arith.constant 0 : i32
        %dma_wait3A_116 = tpu.memref_slice %arg4[%dma_wait3A_115] : memref<320000xi32, #tpu.memory_space<hbm>> -> memref<80xi32, #tpu.memory_space<hbm>>
        %dma_wait3A_117 = arith.constant 0 : i32
        %dma_wait3A_118 = tpu.memref_slice %arg4[%dma_wait3A_117] : memref<320000xi32, #tpu.memory_space<hbm>> -> memref<80xi32, #tpu.memory_space<hbm>>
        tpu.wait_dma2 semaphore(%arg15 : memref<!tpu.dma_semaphore, #tpu.memory_space<semaphore_mem>>) src(%dma_wait3A_118 : memref<80xi32, #tpu.memory_space<hbm>>) dst(%arg10 : memref<80xi32, #tpu.memory_space<vmem>>)
      } else {
      }
      %add3A_61 = arith.constant 1 : i32
      %add3A_62 = arith.addi %mul3A_56, %add3A_61 : i32
      %lt3A_63 = arith.constant 125 : i32
      %lt3A_64 = arith.cmpi slt, %add3A_62, %lt3A_63 : i32
      %convert_element_type3A_65 = arith.extui %lt3A_64 : i1 to i32
      %cond3A_66 = arith.constant 0 : i32
      %cond3A_67 = arith.cmpi ne, %convert_element_type3A_65, %cond3A_66 : i32
      scf.if %cond3A_67 {
        %dma_start3A_111 = arith.constant 0 : i32
        %dma_start3A_112 = arith.constant 0 : i32
        %dma_start3A_113 = tpu.memref_slice %arg2[%dma_start3A_111, %dma_start3A_112] : memref<10240x128xf32, #tpu.memory_space<hbm>> -> memref<10240x128xf32, #tpu.memory_space<hbm>>
        tpu.enqueue_indirect_dma source(%dma_start3A_113 : memref<10240x128xf32, #tpu.memory_space<hbm>>) target(%arg12 : memref<80x128xf32, #tpu.memory_space<vmem>>) offsets(%arg8 : memref<80xi32, #tpu.memory_space<vmem>>) semaphore(%arg17 : memref<!tpu.dma_semaphore, #tpu.memory_space<semaphore_mem>>)
      } else {
      }
      %dma_wait3A_68 = arith.constant 0 : i32
      %dma_wait3A_69 = arith.constant 0 : i32
      %dma_wait3A_70 = tpu.memref_slice %arg2[%dma_wait3A_68, %dma_wait3A_69] : memref<10240x128xf32, #tpu.memory_space<hbm>> -> memref<80x128xf32, #tpu.memory_space<hbm>>
      %dma_wait3A_71 = arith.constant 0 : i32
      %dma_wait3A_72 = arith.constant 0 : i32
      %dma_wait3A_73 = tpu.memref_slice %arg2[%dma_wait3A_71, %dma_wait3A_72] : memref<10240x128xf32, #tpu.memory_space<hbm>> -> memref<80x128xf32, #tpu.memory_space<hbm>>
      tpu.wait_dma2 semaphore(%arg16 : memref<!tpu.dma_semaphore, #tpu.memory_space<semaphore_mem>>) src(%dma_wait3A_73 : memref<80x128xf32, #tpu.memory_space<hbm>>) dst(%arg11 : memref<80x128xf32, #tpu.memory_space<vmem>>)
      "tpu.region"() ({
        %run_scoped3A = tpu.sem_alloc : memref<!tpu.dma_semaphore, #tpu.memory_space<semaphore_mem>>
        %dma_start3A_111 = arith.constant 0 : i32
        %dma_start3A_112 = arith.constant 0 : i32
        %dma_start3A_113 = tpu.memref_slice %arg6[%dma_start3A_111, %dma_start3A_112] : memref<10240x128xf32, #tpu.memory_space<vmem_shared>> -> memref<10240x128xf32, #tpu.memory_space<vmem_shared>>
        tpu.enqueue_indirect_dma source(%arg11 : memref<80x128xf32, #tpu.memory_space<vmem>>) target(%dma_start3A_113 : memref<10240x128xf32, #tpu.memory_space<vmem_shared>>) offsets(%arg9 : memref<80xi32, #tpu.memory_space<vmem>>) semaphore(%run_scoped3A : memref<!tpu.dma_semaphore, #tpu.memory_space<semaphore_mem>>) {add = true}
        %dma_wait3A_114 = arith.constant 0 : i32
        %dma_wait3A_115 = arith.constant 0 : i32
        %dma_wait3A_116 = tpu.memref_slice %arg6[%dma_wait3A_114, %dma_wait3A_115] : memref<10240x128xf32, #tpu.memory_space<vmem_shared>> -> memref<10240x128xf32, #tpu.memory_space<vmem_shared>>
        tpu.wait_indirect_dma semaphore(%run_scoped3A : memref<!tpu.dma_semaphore, #tpu.memory_space<semaphore_mem>>) src(%arg11 : memref<80x128xf32, #tpu.memory_space<vmem>>) dst(%dma_wait3A_116 : memref<10240x128xf32, #tpu.memory_space<vmem_shared>>)
        tpu.yield
      }) : () -> ()
      %add3A_74 = arith.constant 2 : i32
      %add3A_75 = arith.addi %mul3A_56, %add3A_74 : i32
      %lt3A_76 = arith.constant 125 : i32
      %lt3A_77 = arith.cmpi slt, %add3A_75, %lt3A_76 : i32
      %convert_element_type3A_78 = arith.extui %lt3A_77 : i1 to i32
      %cond3A_79 = arith.constant 0 : i32
      %cond3A_80 = arith.cmpi ne, %convert_element_type3A_78, %cond3A_79 : i32
      scf.if %cond3A_80 {
        %mul3A_111 = arith.constant 80 : i32
        %mul3A_112 = arith.muli %add3A_75, %mul3A_111 : i32
        %add3A_113 = arith.addi %mul3A_2, %mul3A_112 : i32
        %dma_start3A_114 = tpu.memref_slice %arg3[%add3A_113] : memref<320000xi32, #tpu.memory_space<hbm>> -> memref<80xi32, #tpu.memory_space<hbm>>
        %dma_start3A_115 = tpu.memref_slice %arg3[%add3A_113] : memref<320000xi32, #tpu.memory_space<hbm>> -> memref<80xi32, #tpu.memory_space<hbm>>
        tpu.enqueue_dma source(%dma_start3A_115 : memref<80xi32, #tpu.memory_space<hbm>>) target(%arg7 : memref<80xi32, #tpu.memory_space<vmem>>) target_semaphore(%arg14 : memref<!tpu.dma_semaphore, #tpu.memory_space<semaphore_mem>>)
        %dma_start3A_116 = tpu.memref_slice %arg4[%add3A_113] : memref<320000xi32, #tpu.memory_space<hbm>> -> memref<80xi32, #tpu.memory_space<hbm>>
        %dma_start3A_117 = tpu.memref_slice %arg4[%add3A_113] : memref<320000xi32, #tpu.memory_space<hbm>> -> memref<80xi32, #tpu.memory_space<hbm>>
        tpu.enqueue_dma source(%dma_start3A_117 : memref<80xi32, #tpu.memory_space<hbm>>) target(%arg9 : memref<80xi32, #tpu.memory_space<vmem>>) target_semaphore(%arg14 : memref<!tpu.dma_semaphore, #tpu.memory_space<semaphore_mem>>)
      } else {
      }
      %add3A_81 = arith.constant 1 : i32
      %add3A_82 = arith.addi %mul3A_56, %add3A_81 : i32
      %add3A_83 = arith.constant 1 : i32
      %add3A_84 = arith.addi %add3A_82, %add3A_83 : i32
      %lt3A_85 = arith.constant 125 : i32
      %lt3A_86 = arith.cmpi slt, %add3A_84, %lt3A_85 : i32
      %convert_element_type3A_87 = arith.extui %lt3A_86 : i1 to i32
      %cond3A_88 = arith.constant 0 : i32
      %cond3A_89 = arith.cmpi ne, %convert_element_type3A_87, %cond3A_88 : i32
      scf.if %cond3A_89 {
        %dma_wait3A_111 = arith.constant 0 : i32
        %dma_wait3A_112 = tpu.memref_slice %arg3[%dma_wait3A_111] : memref<320000xi32, #tpu.memory_space<hbm>> -> memref<80xi32, #tpu.memory_space<hbm>>
        %dma_wait3A_113 = arith.constant 0 : i32
        %dma_wait3A_114 = tpu.memref_slice %arg3[%dma_wait3A_113] : memref<320000xi32, #tpu.memory_space<hbm>> -> memref<80xi32, #tpu.memory_space<hbm>>
        tpu.wait_dma2 semaphore(%arg14 : memref<!tpu.dma_semaphore, #tpu.memory_space<semaphore_mem>>) src(%dma_wait3A_114 : memref<80xi32, #tpu.memory_space<hbm>>) dst(%arg7 : memref<80xi32, #tpu.memory_space<vmem>>)
        %dma_wait3A_115 = arith.constant 0 : i32
        %dma_wait3A_116 = tpu.memref_slice %arg4[%dma_wait3A_115] : memref<320000xi32, #tpu.memory_space<hbm>> -> memref<80xi32, #tpu.memory_space<hbm>>
        %dma_wait3A_117 = arith.constant 0 : i32
        %dma_wait3A_118 = tpu.memref_slice %arg4[%dma_wait3A_117] : memref<320000xi32, #tpu.memory_space<hbm>> -> memref<80xi32, #tpu.memory_space<hbm>>
        tpu.wait_dma2 semaphore(%arg14 : memref<!tpu.dma_semaphore, #tpu.memory_space<semaphore_mem>>) src(%dma_wait3A_118 : memref<80xi32, #tpu.memory_space<hbm>>) dst(%arg9 : memref<80xi32, #tpu.memory_space<vmem>>)
      } else {
      }
      %add3A_90 = arith.constant 1 : i32
      %add3A_91 = arith.addi %add3A_82, %add3A_90 : i32
      %lt3A_92 = arith.constant 125 : i32
      %lt3A_93 = arith.cmpi slt, %add3A_91, %lt3A_92 : i32
      %convert_element_type3A_94 = arith.extui %lt3A_93 : i1 to i32
      %cond3A_95 = arith.constant 0 : i32
      %cond3A_96 = arith.cmpi ne, %convert_element_type3A_94, %cond3A_95 : i32
      scf.if %cond3A_96 {
        %dma_start3A_111 = arith.constant 0 : i32
        %dma_start3A_112 = arith.constant 0 : i32
        %dma_start3A_113 = tpu.memref_slice %arg2[%dma_start3A_111, %dma_start3A_112] : memref<10240x128xf32, #tpu.memory_space<hbm>> -> memref<10240x128xf32, #tpu.memory_space<hbm>>
        tpu.enqueue_indirect_dma source(%dma_start3A_113 : memref<10240x128xf32, #tpu.memory_space<hbm>>) target(%arg11 : memref<80x128xf32, #tpu.memory_space<vmem>>) offsets(%arg7 : memref<80xi32, #tpu.memory_space<vmem>>) semaphore(%arg16 : memref<!tpu.dma_semaphore, #tpu.memory_space<semaphore_mem>>)
      } else {
      }
      %dma_wait3A_97 = arith.constant 0 : i32
      %dma_wait3A_98 = arith.constant 0 : i32
      %dma_wait3A_99 = tpu.memref_slice %arg2[%dma_wait3A_97, %dma_wait3A_98] : memref<10240x128xf32, #tpu.memory_space<hbm>> -> memref<80x128xf32, #tpu.memory_space<hbm>>
      %dma_wait3A_100 = arith.constant 0 : i32
      %dma_wait3A_101 = arith.constant 0 : i32
      %dma_wait3A_102 = tpu.memref_slice %arg2[%dma_wait3A_100, %dma_wait3A_101] : memref<10240x128xf32, #tpu.memory_space<hbm>> -> memref<80x128xf32, #tpu.memory_space<hbm>>
      tpu.wait_dma2 semaphore(%arg17 : memref<!tpu.dma_semaphore, #tpu.memory_space<semaphore_mem>>) src(%dma_wait3A_102 : memref<80x128xf32, #tpu.memory_space<hbm>>) dst(%arg12 : memref<80x128xf32, #tpu.memory_space<vmem>>)
      "tpu.region"() ({
        %run_scoped3A = tpu.sem_alloc : memref<!tpu.dma_semaphore, #tpu.memory_space<semaphore_mem>>
        %dma_start3A_111 = arith.constant 0 : i32
        %dma_start3A_112 = arith.constant 0 : i32
        %dma_start3A_113 = tpu.memref_slice %arg6[%dma_start3A_111, %dma_start3A_112] : memref<10240x128xf32, #tpu.memory_space<vmem_shared>> -> memref<10240x128xf32, #tpu.memory_space<vmem_shared>>
        tpu.enqueue_indirect_dma source(%arg12 : memref<80x128xf32, #tpu.memory_space<vmem>>) target(%dma_start3A_113 : memref<10240x128xf32, #tpu.memory_space<vmem_shared>>) offsets(%arg10 : memref<80xi32, #tpu.memory_space<vmem>>) semaphore(%run_scoped3A : memref<!tpu.dma_semaphore, #tpu.memory_space<semaphore_mem>>) {add = true}
        %dma_wait3A_114 = arith.constant 0 : i32
        %dma_wait3A_115 = arith.constant 0 : i32
        %dma_wait3A_116 = tpu.memref_slice %arg6[%dma_wait3A_114, %dma_wait3A_115] : memref<10240x128xf32, #tpu.memory_space<vmem_shared>> -> memref<10240x128xf32, #tpu.memory_space<vmem_shared>>
        tpu.wait_indirect_dma semaphore(%run_scoped3A : memref<!tpu.dma_semaphore, #tpu.memory_space<semaphore_mem>>) src(%arg12 : memref<80x128xf32, #tpu.memory_space<vmem>>) dst(%dma_wait3A_116 : memref<10240x128xf32, #tpu.memory_space<vmem_shared>>)
        tpu.yield
      }) : () -> ()
      %add3A_103 = arith.constant 2 : i32
      %add3A_104 = arith.addi %add3A_82, %add3A_103 : i32
      %lt3A_105 = arith.constant 125 : i32
      %lt3A_106 = arith.cmpi slt, %add3A_104, %lt3A_105 : i32
      %convert_element_type3A_107 = arith.extui %lt3A_106 : i1 to i32
      %cond3A_108 = arith.constant 0 : i32
      %cond3A_109 = arith.cmpi ne, %convert_element_type3A_107, %cond3A_108 : i32
      scf.if %cond3A_109 {
        %mul3A_111 = arith.constant 80 : i32
        %mul3A_112 = arith.muli %add3A_104, %mul3A_111 : i32
        %add3A_113 = arith.addi %mul3A_2, %mul3A_112 : i32
        %dma_start3A_114 = tpu.memref_slice %arg3[%add3A_113] : memref<320000xi32, #tpu.memory_space<hbm>> -> memref<80xi32, #tpu.memory_space<hbm>>
        %dma_start3A_115 = tpu.memref_slice %arg3[%add3A_113] : memref<320000xi32, #tpu.memory_space<hbm>> -> memref<80xi32, #tpu.memory_space<hbm>>
        tpu.enqueue_dma source(%dma_start3A_115 : memref<80xi32, #tpu.memory_space<hbm>>) target(%arg8 : memref<80xi32, #tpu.memory_space<vmem>>) target_semaphore(%arg15 : memref<!tpu.dma_semaphore, #tpu.memory_space<semaphore_mem>>)
        %dma_start3A_116 = tpu.memref_slice %arg4[%add3A_113] : memref<320000xi32, #tpu.memory_space<hbm>> -> memref<80xi32, #tpu.memory_space<hbm>>
        %dma_start3A_117 = tpu.memref_slice %arg4[%add3A_113] : memref<320000xi32, #tpu.memory_space<hbm>> -> memref<80xi32, #tpu.memory_space<hbm>>
        tpu.enqueue_dma source(%dma_start3A_117 : memref<80xi32, #tpu.memory_space<hbm>>) target(%arg10 : memref<80xi32, #tpu.memory_space<vmem>>) target_semaphore(%arg15 : memref<!tpu.dma_semaphore, #tpu.memory_space<semaphore_mem>>)
      } else {
      }
      %scan3A_110 = arith.constant 0 : i32
      scf.yield %scan3A_110 : i32
    }
    %scan3A_45 = arith.constant 62 : i32
    %dma_wait3A_46 = arith.constant 0 : i32
    %dma_wait3A_47 = arith.constant 0 : i32
    %dma_wait3A_48 = tpu.memref_slice %arg2[%dma_wait3A_46, %dma_wait3A_47] : memref<10240x128xf32, #tpu.memory_space<hbm>> -> memref<80x128xf32, #tpu.memory_space<hbm>>
    %dma_wait3A_49 = arith.constant 0 : i32
    %dma_wait3A_50 = arith.constant 0 : i32
    %dma_wait3A_51 = tpu.memref_slice %arg2[%dma_wait3A_49, %dma_wait3A_50] : memref<10240x128xf32, #tpu.memory_space<hbm>> -> memref<80x128xf32, #tpu.memory_space<hbm>>
    tpu.wait_dma2 semaphore(%arg16 : memref<!tpu.dma_semaphore, #tpu.memory_space<semaphore_mem>>) src(%dma_wait3A_51 : memref<80x128xf32, #tpu.memory_space<hbm>>) dst(%arg11 : memref<80x128xf32, #tpu.memory_space<vmem>>)
    "tpu.region"() ({
      %run_scoped3A = tpu.sem_alloc : memref<!tpu.dma_semaphore, #tpu.memory_space<semaphore_mem>>
      %dma_start3A_53 = arith.constant 0 : i32
      %dma_start3A_54 = arith.constant 0 : i32
      %dma_start3A_55 = tpu.memref_slice %arg6[%dma_start3A_53, %dma_start3A_54] : memref<10240x128xf32, #tpu.memory_space<vmem_shared>> -> memref<10240x128xf32, #tpu.memory_space<vmem_shared>>
      tpu.enqueue_indirect_dma source(%arg11 : memref<80x128xf32, #tpu.memory_space<vmem>>) target(%dma_start3A_55 : memref<10240x128xf32, #tpu.memory_space<vmem_shared>>) offsets(%arg9 : memref<80xi32, #tpu.memory_space<vmem>>) semaphore(%run_scoped3A : memref<!tpu.dma_semaphore, #tpu.memory_space<semaphore_mem>>) {add = true}
      %dma_wait3A_56 = arith.constant 0 : i32
      %dma_wait3A_57 = arith.constant 0 : i32
      %dma_wait3A_58 = tpu.memref_slice %arg6[%dma_wait3A_56, %dma_wait3A_57] : memref<10240x128xf32, #tpu.memory_space<vmem_shared>> -> memref<10240x128xf32, #tpu.memory_space<vmem_shared>>
      tpu.wait_indirect_dma semaphore(%run_scoped3A : memref<!tpu.dma_semaphore, #tpu.memory_space<semaphore_mem>>) src(%arg11 : memref<80x128xf32, #tpu.memory_space<vmem>>) dst(%dma_wait3A_58 : memref<10240x128xf32, #tpu.memory_space<vmem_shared>>)
      tpu.yield
    }) : () -> ()
    %barrier3A_52 = arith.constant 0 : index
    tpu.barrier barrier_id(%barrier3A_52)
    "tpu.region"() ({
      %run_scoped3A = tpu.sem_alloc : memref<!tpu.dma_semaphore, #tpu.memory_space<semaphore_mem>>
      %dma_start3A_53 = arith.constant 0 : i32
      %dma_start3A_54 = tpu.memref_slice %arg5[%arg0, %mul3A_10, %dma_start3A_53] : memref<2x10240x128xf32, #tpu.memory_space<hbm>> -> memref<1x640x128xf32, #tpu.memory_space<hbm>>
      %dma_start3A_55 = tpu.memref_squeeze %dma_start3A_54 : memref<1x640x128xf32, #tpu.memory_space<hbm>> -> memref<640x128xf32, #tpu.memory_space<hbm>>
      %dma_start3A_56 = arith.constant 0 : i32
      %dma_start3A_57 = tpu.memref_slice %arg6[%mul3A_10, %dma_start3A_56] : memref<10240x128xf32, #tpu.memory_space<vmem_shared>> -> memref<640x128xf32, #tpu.memory_space<vmem_shared>>
      tpu.enqueue_dma source(%dma_start3A_57 : memref<640x128xf32, #tpu.memory_space<vmem_shared>>) target(%dma_start3A_55 : memref<640x128xf32, #tpu.memory_space<hbm>>) target_semaphore(%run_scoped3A : memref<!tpu.dma_semaphore, #tpu.memory_space<semaphore_mem>>)
      %dma_wait3A_58 = arith.constant 0 : i32
      %dma_wait3A_59 = tpu.memref_slice %arg5[%arg0, %mul3A_10, %dma_wait3A_58] : memref<2x10240x128xf32, #tpu.memory_space<hbm>> -> memref<1x640x128xf32, #tpu.memory_space<hbm>>
      %dma_wait3A_60 = tpu.memref_squeeze %dma_wait3A_59 : memref<1x640x128xf32, #tpu.memory_space<hbm>> -> memref<640x128xf32, #tpu.memory_space<hbm>>
      %dma_wait3A_61 = arith.constant 0 : i32
      %dma_wait3A_62 = tpu.memref_slice %arg6[%mul3A_10, %dma_wait3A_61] : memref<10240x128xf32, #tpu.memory_space<vmem_shared>> -> memref<640x128xf32, #tpu.memory_space<vmem_shared>>
      tpu.wait_dma2 semaphore(%run_scoped3A : memref<!tpu.dma_semaphore, #tpu.memory_space<semaphore_mem>>) src(%dma_wait3A_62 : memref<640x128xf32, #tpu.memory_space<vmem_shared>>) dst(%dma_wait3A_60 : memref<640x128xf32, #tpu.memory_space<hbm>>)
      tpu.yield
    }) : () -> ()
    return
  }
}

#map = affine_map<(d0, d1) -> (0, 0)>
module attributes {stable_mosaic.version = 14 : i64} {
  func.func @_k8_body(%arg0: i32, %arg1: i32, %arg2: memref<40000x128xf32, #tpu.memory_space<hbm>>, %arg3: memref<9x320000xf32, #tpu.memory_space<hbm>>, %arg4: memref<10x128xf32, #tpu.memory_space<vmem>>, %arg5: memref<10x128xf32, #tpu.memory_space<vmem>>, %arg6: memref<9x10000xf32, #tpu.memory_space<vmem>>, %arg7: memref<!tpu.dma_semaphore, #tpu.memory_space<semaphore_mem>>, %arg8: memref<!tpu.dma_semaphore, #tpu.memory_space<semaphore_mem>>) attributes {dimension_semantics = [#tpu.dimension_semantics<core_parallel>, #tpu.dimension_semantics<subcore_parallel>], iteration_bounds = array<i64: 2, 16>, scalar_prefetch = 0 : i64, scratch_operands = 5 : i64, tpu.core_type = #tpu.core_type<sc_vector_subcore>, window_params = [{transform_indices = #map}, {transform_indices = #map}]} {
    %mul3A = arith.constant 2 : i32
    %mul3A_0 = arith.muli %arg1, %mul3A : i32
    %add3A = arith.addi %mul3A_0, %arg0 : i32
    %mul3A_1 = arith.constant 1250 : i32
    %mul3A_2 = arith.muli %add3A, %mul3A_1 : i32
    %add3A_3 = arith.constant 0 : i32
    %add3A_4 = arith.addi %mul3A_2, %add3A_3 : i32
    %dma_start3A = arith.constant 0 : i32
    %dma_start3A_5 = tpu.memref_slice %arg2[%add3A_4, %dma_start3A] : memref<40000x128xf32, #tpu.memory_space<hbm>> -> memref<10x128xf32, #tpu.memory_space<hbm>>
    %dma_start3A_6 = arith.constant 0 : i32
    %dma_start3A_7 = tpu.memref_slice %arg2[%add3A_4, %dma_start3A_6] : memref<40000x128xf32, #tpu.memory_space<hbm>> -> memref<10x128xf32, #tpu.memory_space<hbm>>
    tpu.enqueue_dma source(%dma_start3A_7 : memref<10x128xf32, #tpu.memory_space<hbm>>) target(%arg4 : memref<10x128xf32, #tpu.memory_space<vmem>>) target_semaphore(%arg7 : memref<!tpu.dma_semaphore, #tpu.memory_space<semaphore_mem>>)
    %iota3A = tpu.iota {dimensions = array<i32: 0>} : vector<16xi32>
    %jit3A = arith.constant 8 : i32
    %div3A = vector.broadcast %jit3A : i32 to vector<16xi32>
    %div3A_8 = arith.divsi %iota3A, %div3A : vector<16xi32>
    %sign3A = arith.constant 0 : i32
    %sign3A_9 = vector.broadcast %sign3A : i32 to vector<16xi32>
    %sign3A_10 = arith.cmpi sgt, %iota3A, %sign3A_9 : vector<16xi32>
    %sign3A_11 = arith.extui %sign3A_10 : vector<16xi1> to vector<16xi32>
    %sign3A_12 = arith.constant 0 : i32
    %sign3A_13 = vector.broadcast %sign3A_12 : i32 to vector<16xi32>
    %sign3A_14 = arith.cmpi slt, %iota3A, %sign3A_13 : vector<16xi32>
    %sign3A_15 = arith.extui %sign3A_14 : vector<16xi1> to vector<16xi32>
    %sign3A_16 = arith.subi %sign3A_11, %sign3A_15 : vector<16xi32>
    %sign3A_17 = arith.constant 0 : i32
    %sign3A_18 = arith.cmpi sgt, %jit3A, %sign3A_17 : i32
    %sign3A_19 = arith.extui %sign3A_18 : i1 to i32
    %sign3A_20 = arith.constant 0 : i32
    %sign3A_21 = arith.cmpi slt, %jit3A, %sign3A_20 : i32
    %sign3A_22 = arith.extui %sign3A_21 : i1 to i32
    %sign3A_23 = arith.subi %sign3A_19, %sign3A_22 : i32
    %ne3A = vector.broadcast %sign3A_23 : i32 to vector<16xi32>
    %ne3A_24 = arith.cmpi ne, %sign3A_16, %ne3A : vector<16xi32>
    %rem3A = vector.broadcast %jit3A : i32 to vector<16xi32>
    %rem3A_25 = arith.remsi %iota3A, %rem3A : vector<16xi32>
    %ne3A_26 = arith.constant 0 : i32
    %ne3A_27 = vector.broadcast %ne3A_26 : i32 to vector<16xi32>
    %ne3A_28 = arith.cmpi ne, %rem3A_25, %ne3A_27 : vector<16xi32>
    %and3A = arith.andi %ne3A_24, %ne3A_28 : vector<16xi1>
    %sub3A = arith.constant 1 : i32
    %sub3A_29 = vector.broadcast %sub3A : i32 to vector<16xi32>
    %sub3A_30 = arith.subi %div3A_8, %sub3A_29 : vector<16xi32>
    %select_n3A = arith.select %and3A, %sub3A_30, %div3A_8 : vector<16xi1>, vector<16xi32>
    %jit3A_31 = arith.constant 8 : i32
    %eq3A = arith.constant 0 : i32
    %eq3A_32 = arith.cmpi eq, %jit3A_31, %eq3A : i32
    %jit3A_33 = arith.constant 1 : i32
    %select_n3A_34 = arith.select %eq3A_32, %jit3A_33, %jit3A_31 : i32
    %rem3A_35 = vector.broadcast %select_n3A_34 : i32 to vector<16xi32>
    %rem3A_36 = arith.remsi %iota3A, %rem3A_35 : vector<16xi32>
    %ne3A_37 = arith.constant 0 : i32
    %ne3A_38 = vector.broadcast %ne3A_37 : i32 to vector<16xi32>
    %ne3A_39 = arith.cmpi ne, %rem3A_36, %ne3A_38 : vector<16xi32>
    %lt3A = arith.constant 0 : i32
    %lt3A_40 = vector.broadcast %lt3A : i32 to vector<16xi32>
    %lt3A_41 = arith.cmpi slt, %rem3A_36, %lt3A_40 : vector<16xi32>
    %lt3A_42 = arith.constant 0 : i32
    %lt3A_43 = arith.cmpi slt, %select_n3A_34, %lt3A_42 : i32
    %ne3A_44 = vector.broadcast %lt3A_43 : i1 to vector<16xi1>
    %ne3A_45 = vector.broadcast %ne3A_44 : vector<16xi1> to vector<16xi1>
    %ne3A_46 = arith.xori %lt3A_41, %ne3A_45 : vector<16xi1>
    %and3A_47 = arith.andi %ne3A_46, %ne3A_39 : vector<16xi1>
    %add3A_48 = vector.broadcast %select_n3A_34 : i32 to vector<16xi32>
    %add3A_49 = arith.addi %rem3A_36, %add3A_48 : vector<16xi32>
    %select_n3A_50 = arith.select %and3A_47, %add3A_49, %rem3A_36 : vector<16xi1>, vector<16xi32>
    %mul3A_51 = arith.constant 16 : i32
    %mul3A_52 = vector.broadcast %mul3A_51 : i32 to vector<16xi32>
    %mul3A_53 = arith.muli %select_n3A_50, %mul3A_52 : vector<16xi32>
    %scan3A = arith.constant 0 : i32
    %scan3A_54 = arith.constant 0 : i32
    %scan3A_55 = arith.constant 62 : i32
    %scan3A_56 = arith.addi %scan3A_54, %scan3A_55 : i32
    %scan3A_57 = arith.constant 1 : i32
    %scan3A_58 = scf.for %scan3A_473 = %scan3A_54 to %scan3A_56 step %scan3A_57 iter_args(%scan3A_474 = %scan3A) -> (i32)  : i32 {
      %mul3A_475 = arith.constant 2 : i32
      %mul3A_476 = arith.muli %mul3A_475, %scan3A_473 : i32
      %add3A_477 = arith.constant 1 : i32
      %add3A_478 = arith.addi %mul3A_476, %add3A_477 : i32
      %lt3A_479 = arith.constant 125 : i32
      %lt3A_480 = arith.cmpi slt, %add3A_478, %lt3A_479 : i32
      %convert_element_type3A = arith.extui %lt3A_480 : i1 to i32
      %cond3A = arith.constant 0 : i32
      %cond3A_481 = arith.cmpi ne, %convert_element_type3A, %cond3A : i32
      scf.if %cond3A_481 {
        %mul3A_1614 = arith.constant 10 : i32
        %mul3A_1615 = arith.muli %add3A_478, %mul3A_1614 : i32
        %add3A_1616 = arith.addi %mul3A_2, %mul3A_1615 : i32
        %dma_start3A_1617 = arith.constant 0 : i32
        %dma_start3A_1618 = tpu.memref_slice %arg2[%add3A_1616, %dma_start3A_1617] : memref<40000x128xf32, #tpu.memory_space<hbm>> -> memref<10x128xf32, #tpu.memory_space<hbm>>
        %dma_start3A_1619 = arith.constant 0 : i32
        %dma_start3A_1620 = tpu.memref_slice %arg2[%add3A_1616, %dma_start3A_1619] : memref<40000x128xf32, #tpu.memory_space<hbm>> -> memref<10x128xf32, #tpu.memory_space<hbm>>
        tpu.enqueue_dma source(%dma_start3A_1620 : memref<10x128xf32, #tpu.memory_space<hbm>>) target(%arg5 : memref<10x128xf32, #tpu.memory_space<vmem>>) target_semaphore(%arg8 : memref<!tpu.dma_semaphore, #tpu.memory_space<semaphore_mem>>)
      } else {
      }
      %dma_wait3A_482 = arith.constant 0 : i32
      %dma_wait3A_483 = arith.constant 0 : i32
      %dma_wait3A_484 = tpu.memref_slice %arg2[%dma_wait3A_482, %dma_wait3A_483] : memref<40000x128xf32, #tpu.memory_space<hbm>> -> memref<10x128xf32, #tpu.memory_space<hbm>>
      %dma_wait3A_485 = arith.constant 0 : i32
      %dma_wait3A_486 = arith.constant 0 : i32
      %dma_wait3A_487 = tpu.memref_slice %arg2[%dma_wait3A_485, %dma_wait3A_486] : memref<40000x128xf32, #tpu.memory_space<hbm>> -> memref<10x128xf32, #tpu.memory_space<hbm>>
      tpu.wait_dma2 semaphore(%arg7 : memref<!tpu.dma_semaphore, #tpu.memory_space<semaphore_mem>>) src(%dma_wait3A_487 : memref<10x128xf32, #tpu.memory_space<hbm>>) dst(%arg4 : memref<10x128xf32, #tpu.memory_space<vmem>>)
      %add3A_488 = arith.constant 0 : i32
      %add3A_489 = vector.broadcast %add3A_488 : i32 to vector<16xi32>
      %add3A_490 = arith.addi %select_n3A, %add3A_489 : vector<16xi32>
      %add3A_491 = arith.constant 0 : i32
      %add3A_492 = vector.broadcast %add3A_491 : i32 to vector<16xi32>
      %add3A_493 = arith.addi %mul3A_53, %add3A_492 : vector<16xi32>
      %gather3A_494 = tpu.vector_load_idx %arg4[%add3A_490, %add3A_493] : memref<10x128xf32, #tpu.memory_space<vmem>>[vector<16xi32>, vector<16xi32>], vector<16xf32>,
      %mul3A_495 = arith.constant 80 : i32
      %mul3A_496 = arith.muli %mul3A_476, %mul3A_495 : i32
      %add3A_497 = arith.constant 0 : i32
      %add3A_498 = arith.addi %mul3A_496, %add3A_497 : i32
      %swap3A_499 = arith.constant 0 : i32
      %swap3A_500 = arith.index_cast %swap3A_499 : i32 to index
      %swap3A_501 = arith.index_cast %add3A_498 : i32 to index
      %swap3A_502 = tpu.vector_load %arg6[%swap3A_500, %swap3A_501] {strides = array<i32>} : memref<9x10000xf32, #tpu.memory_space<vmem>>, vector<16xf32>,
      tpu.vector_store %arg6[%swap3A_500, %swap3A_501], %gather3A_494 {strides = array<i32>} : memref<9x10000xf32, #tpu.memory_space<vmem>>, vector<16xf32>,
      %add3A_503 = arith.constant 1 : i32
      %add3A_504 = vector.broadcast %add3A_503 : i32 to vector<16xi32>
      %add3A_505 = arith.addi %mul3A_53, %add3A_504 : vector<16xi32>
      %gather3A_506 = tpu.vector_load_idx %arg4[%add3A_490, %add3A_505] : memref<10x128xf32, #tpu.memory_space<vmem>>[vector<16xi32>, vector<16xi32>], vector<16xf32>,
      %mul3A_507 = arith.constant 80 : i32
      %mul3A_508 = arith.muli %mul3A_476, %mul3A_507 : i32
      %add3A_509 = arith.constant 0 : i32
      %add3A_510 = arith.addi %mul3A_508, %add3A_509 : i32
      %swap3A_511 = arith.constant 1 : i32
      %swap3A_512 = arith.index_cast %swap3A_511 : i32 to index
      %swap3A_513 = arith.index_cast %add3A_510 : i32 to index
      %swap3A_514 = tpu.vector_load %arg6[%swap3A_512, %swap3A_513] {strides = array<i32>} : memref<9x10000xf32, #tpu.memory_space<vmem>>, vector<16xf32>,
      tpu.vector_store %arg6[%swap3A_512, %swap3A_513], %gather3A_506 {strides = array<i32>} : memref<9x10000xf32, #tpu.memory_space<vmem>>, vector<16xf32>,
      %add3A_515 = arith.constant 2 : i32
      %add3A_516 = vector.broadcast %add3A_515 : i32 to vector<16xi32>
      %add3A_517 = arith.addi %mul3A_53, %add3A_516 : vector<16xi32>
      %gather3A_518 = tpu.vector_load_idx %arg4[%add3A_490, %add3A_517] : memref<10x128xf32, #tpu.memory_space<vmem>>[vector<16xi32>, vector<16xi32>], vector<16xf32>,
      %mul3A_519 = arith.constant 80 : i32
      %mul3A_520 = arith.muli %mul3A_476, %mul3A_519 : i32
      %add3A_521 = arith.constant 0 : i32
      %add3A_522 = arith.addi %mul3A_520, %add3A_521 : i32
      %swap3A_523 = arith.constant 2 : i32
      %swap3A_524 = arith.index_cast %swap3A_523 : i32 to index
      %swap3A_525 = arith.index_cast %add3A_522 : i32 to index
      %swap3A_526 = tpu.vector_load %arg6[%swap3A_524, %swap3A_525] {strides = array<i32>} : memref<9x10000xf32, #tpu.memory_space<vmem>>, vector<16xf32>,
      tpu.vector_store %arg6[%swap3A_524, %swap3A_525], %gather3A_518 {strides = array<i32>} : memref<9x10000xf32, #tpu.memory_space<vmem>>, vector<16xf32>,
      %add3A_527 = arith.constant 3 : i32
      %add3A_528 = vector.broadcast %add3A_527 : i32 to vector<16xi32>
      %add3A_529 = arith.addi %mul3A_53, %add3A_528 : vector<16xi32>
      %gather3A_530 = tpu.vector_load_idx %arg4[%add3A_490, %add3A_529] : memref<10x128xf32, #tpu.memory_space<vmem>>[vector<16xi32>, vector<16xi32>], vector<16xf32>,
      %mul3A_531 = arith.constant 80 : i32
      %mul3A_532 = arith.muli %mul3A_476, %mul3A_531 : i32
      %add3A_533 = arith.constant 0 : i32
      %add3A_534 = arith.addi %mul3A_532, %add3A_533 : i32
      %swap3A_535 = arith.constant 3 : i32
      %swap3A_536 = arith.index_cast %swap3A_535 : i32 to index
      %swap3A_537 = arith.index_cast %add3A_534 : i32 to index
      %swap3A_538 = tpu.vector_load %arg6[%swap3A_536, %swap3A_537] {strides = array<i32>} : memref<9x10000xf32, #tpu.memory_space<vmem>>, vector<16xf32>,
      tpu.vector_store %arg6[%swap3A_536, %swap3A_537], %gather3A_530 {strides = array<i32>} : memref<9x10000xf32, #tpu.memory_space<vmem>>, vector<16xf32>,
      %add3A_539 = arith.constant 4 : i32
      %add3A_540 = vector.broadcast %add3A_539 : i32 to vector<16xi32>
      %add3A_541 = arith.addi %mul3A_53, %add3A_540 : vector<16xi32>
      %gather3A_542 = tpu.vector_load_idx %arg4[%add3A_490, %add3A_541] : memref<10x128xf32, #tpu.memory_space<vmem>>[vector<16xi32>, vector<16xi32>], vector<16xf32>,
      %mul3A_543 = arith.constant 80 : i32
      %mul3A_544 = arith.muli %mul3A_476, %mul3A_543 : i32
      %add3A_545 = arith.constant 0 : i32
      %add3A_546 = arith.addi %mul3A_544, %add3A_545 : i32
      %swap3A_547 = arith.constant 4 : i32
      %swap3A_548 = arith.index_cast %swap3A_547 : i32 to index
      %swap3A_549 = arith.index_cast %add3A_546 : i32 to index
      %swap3A_550 = tpu.vector_load %arg6[%swap3A_548, %swap3A_549] {strides = array<i32>} : memref<9x10000xf32, #tpu.memory_space<vmem>>, vector<16xf32>,
      tpu.vector_store %arg6[%swap3A_548, %swap3A_549], %gather3A_542 {strides = array<i32>} : memref<9x10000xf32, #tpu.memory_space<vmem>>, vector<16xf32>,
      %add3A_551 = arith.constant 5 : i32
      %add3A_552 = vector.broadcast %add3A_551 : i32 to vector<16xi32>
      %add3A_553 = arith.addi %mul3A_53, %add3A_552 : vector<16xi32>
      %gather3A_554 = tpu.vector_load_idx %arg4[%add3A_490, %add3A_553] : memref<10x128xf32, #tpu.memory_space<vmem>>[vector<16xi32>, vector<16xi32>], vector<16xf32>,
      %mul3A_555 = arith.constant 80 : i32
      %mul3A_556 = arith.muli %mul3A_476, %mul3A_555 : i32
      %add3A_557 = arith.constant 0 : i32
      %add3A_558 = arith.addi %mul3A_556, %add3A_557 : i32
      %swap3A_559 = arith.constant 5 : i32
      %swap3A_560 = arith.index_cast %swap3A_559 : i32 to index
      %swap3A_561 = arith.index_cast %add3A_558 : i32 to index
      %swap3A_562 = tpu.vector_load %arg6[%swap3A_560, %swap3A_561] {strides = array<i32>} : memref<9x10000xf32, #tpu.memory_space<vmem>>, vector<16xf32>,
      tpu.vector_store %arg6[%swap3A_560, %swap3A_561], %gather3A_554 {strides = array<i32>} : memref<9x10000xf32, #tpu.memory_space<vmem>>, vector<16xf32>,
      %add3A_563 = arith.constant 6 : i32
      %add3A_564 = vector.broadcast %add3A_563 : i32 to vector<16xi32>
      %add3A_565 = arith.addi %mul3A_53, %add3A_564 : vector<16xi32>
      %gather3A_566 = tpu.vector_load_idx %arg4[%add3A_490, %add3A_565] : memref<10x128xf32, #tpu.memory_space<vmem>>[vector<16xi32>, vector<16xi32>], vector<16xf32>,
      %mul3A_567 = arith.constant 80 : i32
      %mul3A_568 = arith.muli %mul3A_476, %mul3A_567 : i32
      %add3A_569 = arith.constant 0 : i32
      %add3A_570 = arith.addi %mul3A_568, %add3A_569 : i32
      %swap3A_571 = arith.constant 6 : i32
      %swap3A_572 = arith.index_cast %swap3A_571 : i32 to index
      %swap3A_573 = arith.index_cast %add3A_570 : i32 to index
      %swap3A_574 = tpu.vector_load %arg6[%swap3A_572, %swap3A_573] {strides = array<i32>} : memref<9x10000xf32, #tpu.memory_space<vmem>>, vector<16xf32>,
      tpu.vector_store %arg6[%swap3A_572, %swap3A_573], %gather3A_566 {strides = array<i32>} : memref<9x10000xf32, #tpu.memory_space<vmem>>, vector<16xf32>,
      %add3A_575 = arith.constant 7 : i32
      %add3A_576 = vector.broadcast %add3A_575 : i32 to vector<16xi32>
      %add3A_577 = arith.addi %mul3A_53, %add3A_576 : vector<16xi32>
      %gather3A_578 = tpu.vector_load_idx %arg4[%add3A_490, %add3A_577] : memref<10x128xf32, #tpu.memory_space<vmem>>[vector<16xi32>, vector<16xi32>], vector<16xf32>,
      %mul3A_579 = arith.constant 80 : i32
      %mul3A_580 = arith.muli %mul3A_476, %mul3A_579 : i32
      %add3A_581 = arith.constant 0 : i32
      %add3A_582 = arith.addi %mul3A_580, %add3A_581 : i32
      %swap3A_583 = arith.constant 7 : i32
      %swap3A_584 = arith.index_cast %swap3A_583 : i32 to index
      %swap3A_585 = arith.index_cast %add3A_582 : i32 to index
      %swap3A_586 = tpu.vector_load %arg6[%swap3A_584, %swap3A_585] {strides = array<i32>} : memref<9x10000xf32, #tpu.memory_space<vmem>>, vector<16xf32>,
      tpu.vector_store %arg6[%swap3A_584, %swap3A_585], %gather3A_578 {strides = array<i32>} : memref<9x10000xf32, #tpu.memory_space<vmem>>, vector<16xf32>,
      %add3A_587 = arith.constant 8 : i32
      %add3A_588 = vector.broadcast %add3A_587 : i32 to vector<16xi32>
      %add3A_589 = arith.addi %mul3A_53, %add3A_588 : vector<16xi32>
      %gather3A_590 = tpu.vector_load_idx %arg4[%add3A_490, %add3A_589] : memref<10x128xf32, #tpu.memory_space<vmem>>[vector<16xi32>, vector<16xi32>], vector<16xf32>,
      %mul3A_591 = arith.constant 80 : i32
      %mul3A_592 = arith.muli %mul3A_476, %mul3A_591 : i32
      %add3A_593 = arith.constant 0 : i32
      %add3A_594 = arith.addi %mul3A_592, %add3A_593 : i32
      %swap3A_595 = arith.constant 8 : i32
      %swap3A_596 = arith.index_cast %swap3A_595 : i32 to index
      %swap3A_597 = arith.index_cast %add3A_594 : i32 to index
      %swap3A_598 = tpu.vector_load %arg6[%swap3A_596, %swap3A_597] {strides = array<i32>} : memref<9x10000xf32, #tpu.memory_space<vmem>>, vector<16xf32>,
      tpu.vector_store %arg6[%swap3A_596, %swap3A_597], %gather3A_590 {strides = array<i32>} : memref<9x10000xf32, #tpu.memory_space<vmem>>, vector<16xf32>,
      %add3A_599 = arith.constant 2 : i32
      %add3A_600 = vector.broadcast %add3A_599 : i32 to vector<16xi32>
      %add3A_601 = arith.addi %select_n3A, %add3A_600 : vector<16xi32>
      %add3A_602 = arith.constant 0 : i32
      %add3A_603 = vector.broadcast %add3A_602 : i32 to vector<16xi32>
      %add3A_604 = arith.addi %mul3A_53, %add3A_603 : vector<16xi32>
      %gather3A_605 = tpu.vector_load_idx %arg4[%add3A_601, %add3A_604] : memref<10x128xf32, #tpu.memory_space<vmem>>[vector<16xi32>, vector<16xi32>], vector<16xf32>,
      %mul3A_606 = arith.constant 80 : i32
      %mul3A_607 = arith.muli %mul3A_476, %mul3A_606 : i32
      %add3A_608 = arith.constant 16 : i32
      %add3A_609 = arith.addi %mul3A_607, %add3A_608 : i32
      %swap3A_610 = arith.constant 0 : i32
      %swap3A_611 = arith.index_cast %swap3A_610 : i32 to index
      %swap3A_612 = arith.index_cast %add3A_609 : i32 to index
      %swap3A_613 = tpu.vector_load %arg6[%swap3A_611, %swap3A_612] {strides = array<i32>} : memref<9x10000xf32, #tpu.memory_space<vmem>>, vector<16xf32>,
      tpu.vector_store %arg6[%swap3A_611, %swap3A_612], %gather3A_605 {strides = array<i32>} : memref<9x10000xf32, #tpu.memory_space<vmem>>, vector<16xf32>,
      %add3A_614 = arith.constant 1 : i32
      %add3A_615 = vector.broadcast %add3A_614 : i32 to vector<16xi32>
      %add3A_616 = arith.addi %mul3A_53, %add3A_615 : vector<16xi32>
      %gather3A_617 = tpu.vector_load_idx %arg4[%add3A_601, %add3A_616] : memref<10x128xf32, #tpu.memory_space<vmem>>[vector<16xi32>, vector<16xi32>], vector<16xf32>,
      %mul3A_618 = arith.constant 80 : i32
      %mul3A_619 = arith.muli %mul3A_476, %mul3A_618 : i32
      %add3A_620 = arith.constant 16 : i32
      %add3A_621 = arith.addi %mul3A_619, %add3A_620 : i32
      %swap3A_622 = arith.constant 1 : i32
      %swap3A_623 = arith.index_cast %swap3A_622 : i32 to index
      %swap3A_624 = arith.index_cast %add3A_621 : i32 to index
      %swap3A_625 = tpu.vector_load %arg6[%swap3A_623, %swap3A_624] {strides = array<i32>} : memref<9x10000xf32, #tpu.memory_space<vmem>>, vector<16xf32>,
      tpu.vector_store %arg6[%swap3A_623, %swap3A_624], %gather3A_617 {strides = array<i32>} : memref<9x10000xf32, #tpu.memory_space<vmem>>, vector<16xf32>,
      %add3A_626 = arith.constant 2 : i32
      %add3A_627 = vector.broadcast %add3A_626 : i32 to vector<16xi32>
      %add3A_628 = arith.addi %mul3A_53, %add3A_627 : vector<16xi32>
      %gather3A_629 = tpu.vector_load_idx %arg4[%add3A_601, %add3A_628] : memref<10x128xf32, #tpu.memory_space<vmem>>[vector<16xi32>, vector<16xi32>], vector<16xf32>,
      %mul3A_630 = arith.constant 80 : i32
      %mul3A_631 = arith.muli %mul3A_476, %mul3A_630 : i32
      %add3A_632 = arith.constant 16 : i32
      %add3A_633 = arith.addi %mul3A_631, %add3A_632 : i32
      %swap3A_634 = arith.constant 2 : i32
      %swap3A_635 = arith.index_cast %swap3A_634 : i32 to index
      %swap3A_636 = arith.index_cast %add3A_633 : i32 to index
      %swap3A_637 = tpu.vector_load %arg6[%swap3A_635, %swap3A_636] {strides = array<i32>} : memref<9x10000xf32, #tpu.memory_space<vmem>>, vector<16xf32>,
      tpu.vector_store %arg6[%swap3A_635, %swap3A_636], %gather3A_629 {strides = array<i32>} : memref<9x10000xf32, #tpu.memory_space<vmem>>, vector<16xf32>,
      %add3A_638 = arith.constant 3 : i32
      %add3A_639 = vector.broadcast %add3A_638 : i32 to vector<16xi32>
      %add3A_640 = arith.addi %mul3A_53, %add3A_639 : vector<16xi32>
      %gather3A_641 = tpu.vector_load_idx %arg4[%add3A_601, %add3A_640] : memref<10x128xf32, #tpu.memory_space<vmem>>[vector<16xi32>, vector<16xi32>], vector<16xf32>,
      %mul3A_642 = arith.constant 80 : i32
      %mul3A_643 = arith.muli %mul3A_476, %mul3A_642 : i32
      %add3A_644 = arith.constant 16 : i32
      %add3A_645 = arith.addi %mul3A_643, %add3A_644 : i32
      %swap3A_646 = arith.constant 3 : i32
      %swap3A_647 = arith.index_cast %swap3A_646 : i32 to index
      %swap3A_648 = arith.index_cast %add3A_645 : i32 to index
      %swap3A_649 = tpu.vector_load %arg6[%swap3A_647, %swap3A_648] {strides = array<i32>} : memref<9x10000xf32, #tpu.memory_space<vmem>>, vector<16xf32>,
      tpu.vector_store %arg6[%swap3A_647, %swap3A_648], %gather3A_641 {strides = array<i32>} : memref<9x10000xf32, #tpu.memory_space<vmem>>, vector<16xf32>,
      %add3A_650 = arith.constant 4 : i32
      %add3A_651 = vector.broadcast %add3A_650 : i32 to vector<16xi32>
      %add3A_652 = arith.addi %mul3A_53, %add3A_651 : vector<16xi32>
      %gather3A_653 = tpu.vector_load_idx %arg4[%add3A_601, %add3A_652] : memref<10x128xf32, #tpu.memory_space<vmem>>[vector<16xi32>, vector<16xi32>], vector<16xf32>,
      %mul3A_654 = arith.constant 80 : i32
      %mul3A_655 = arith.muli %mul3A_476, %mul3A_654 : i32
      %add3A_656 = arith.constant 16 : i32
      %add3A_657 = arith.addi %mul3A_655, %add3A_656 : i32
      %swap3A_658 = arith.constant 4 : i32
      %swap3A_659 = arith.index_cast %swap3A_658 : i32 to index
      %swap3A_660 = arith.index_cast %add3A_657 : i32 to index
      %swap3A_661 = tpu.vector_load %arg6[%swap3A_659, %swap3A_660] {strides = array<i32>} : memref<9x10000xf32, #tpu.memory_space<vmem>>, vector<16xf32>,
      tpu.vector_store %arg6[%swap3A_659, %swap3A_660], %gather3A_653 {strides = array<i32>} : memref<9x10000xf32, #tpu.memory_space<vmem>>, vector<16xf32>,
      %add3A_662 = arith.constant 5 : i32
      %add3A_663 = vector.broadcast %add3A_662 : i32 to vector<16xi32>
      %add3A_664 = arith.addi %mul3A_53, %add3A_663 : vector<16xi32>
      %gather3A_665 = tpu.vector_load_idx %arg4[%add3A_601, %add3A_664] : memref<10x128xf32, #tpu.memory_space<vmem>>[vector<16xi32>, vector<16xi32>], vector<16xf32>,
      %mul3A_666 = arith.constant 80 : i32
      %mul3A_667 = arith.muli %mul3A_476, %mul3A_666 : i32
      %add3A_668 = arith.constant 16 : i32
      %add3A_669 = arith.addi %mul3A_667, %add3A_668 : i32
      %swap3A_670 = arith.constant 5 : i32
      %swap3A_671 = arith.index_cast %swap3A_670 : i32 to index
      %swap3A_672 = arith.index_cast %add3A_669 : i32 to index
      %swap3A_673 = tpu.vector_load %arg6[%swap3A_671, %swap3A_672] {strides = array<i32>} : memref<9x10000xf32, #tpu.memory_space<vmem>>, vector<16xf32>,
      tpu.vector_store %arg6[%swap3A_671, %swap3A_672], %gather3A_665 {strides = array<i32>} : memref<9x10000xf32, #tpu.memory_space<vmem>>, vector<16xf32>,
      %add3A_674 = arith.constant 6 : i32
      %add3A_675 = vector.broadcast %add3A_674 : i32 to vector<16xi32>
      %add3A_676 = arith.addi %mul3A_53, %add3A_675 : vector<16xi32>
      %gather3A_677 = tpu.vector_load_idx %arg4[%add3A_601, %add3A_676] : memref<10x128xf32, #tpu.memory_space<vmem>>[vector<16xi32>, vector<16xi32>], vector<16xf32>,
      %mul3A_678 = arith.constant 80 : i32
      %mul3A_679 = arith.muli %mul3A_476, %mul3A_678 : i32
      %add3A_680 = arith.constant 16 : i32
      %add3A_681 = arith.addi %mul3A_679, %add3A_680 : i32
      %swap3A_682 = arith.constant 6 : i32
      %swap3A_683 = arith.index_cast %swap3A_682 : i32 to index
      %swap3A_684 = arith.index_cast %add3A_681 : i32 to index
      %swap3A_685 = tpu.vector_load %arg6[%swap3A_683, %swap3A_684] {strides = array<i32>} : memref<9x10000xf32, #tpu.memory_space<vmem>>, vector<16xf32>,
      tpu.vector_store %arg6[%swap3A_683, %swap3A_684], %gather3A_677 {strides = array<i32>} : memref<9x10000xf32, #tpu.memory_space<vmem>>, vector<16xf32>,
      %add3A_686 = arith.constant 7 : i32
      %add3A_687 = vector.broadcast %add3A_686 : i32 to vector<16xi32>
      %add3A_688 = arith.addi %mul3A_53, %add3A_687 : vector<16xi32>
      %gather3A_689 = tpu.vector_load_idx %arg4[%add3A_601, %add3A_688] : memref<10x128xf32, #tpu.memory_space<vmem>>[vector<16xi32>, vector<16xi32>], vector<16xf32>,
      %mul3A_690 = arith.constant 80 : i32
      %mul3A_691 = arith.muli %mul3A_476, %mul3A_690 : i32
      %add3A_692 = arith.constant 16 : i32
      %add3A_693 = arith.addi %mul3A_691, %add3A_692 : i32
      %swap3A_694 = arith.constant 7 : i32
      %swap3A_695 = arith.index_cast %swap3A_694 : i32 to index
      %swap3A_696 = arith.index_cast %add3A_693 : i32 to index
      %swap3A_697 = tpu.vector_load %arg6[%swap3A_695, %swap3A_696] {strides = array<i32>} : memref<9x10000xf32, #tpu.memory_space<vmem>>, vector<16xf32>,
      tpu.vector_store %arg6[%swap3A_695, %swap3A_696], %gather3A_689 {strides = array<i32>} : memref<9x10000xf32, #tpu.memory_space<vmem>>, vector<16xf32>,
      %add3A_698 = arith.constant 8 : i32
      %add3A_699 = vector.broadcast %add3A_698 : i32 to vector<16xi32>
      %add3A_700 = arith.addi %mul3A_53, %add3A_699 : vector<16xi32>
      %gather3A_701 = tpu.vector_load_idx %arg4[%add3A_601, %add3A_700] : memref<10x128xf32, #tpu.memory_space<vmem>>[vector<16xi32>, vector<16xi32>], vector<16xf32>,
      %mul3A_702 = arith.constant 80 : i32
      %mul3A_703 = arith.muli %mul3A_476, %mul3A_702 : i32
      %add3A_704 = arith.constant 16 : i32
      %add3A_705 = arith.addi %mul3A_703, %add3A_704 : i32
      %swap3A_706 = arith.constant 8 : i32
      %swap3A_707 = arith.index_cast %swap3A_706 : i32 to index
      %swap3A_708 = arith.index_cast %add3A_705 : i32 to index
      %swap3A_709 = tpu.vector_load %arg6[%swap3A_707, %swap3A_708] {strides = array<i32>} : memref<9x10000xf32, #tpu.memory_space<vmem>>, vector<16xf32>,
      tpu.vector_store %arg6[%swap3A_707, %swap3A_708], %gather3A_701 {strides = array<i32>} : memref<9x10000xf32, #tpu.memory_space<vmem>>, vector<16xf32>,
      %add3A_710 = arith.constant 4 : i32
      %add3A_711 = vector.broadcast %add3A_710 : i32 to vector<16xi32>
      %add3A_712 = arith.addi %select_n3A, %add3A_711 : vector<16xi32>
      %add3A_713 = arith.constant 0 : i32
      %add3A_714 = vector.broadcast %add3A_713 : i32 to vector<16xi32>
      %add3A_715 = arith.addi %mul3A_53, %add3A_714 : vector<16xi32>
      %gather3A_716 = tpu.vector_load_idx %arg4[%add3A_712, %add3A_715] : memref<10x128xf32, #tpu.memory_space<vmem>>[vector<16xi32>, vector<16xi32>], vector<16xf32>,
      %mul3A_717 = arith.constant 80 : i32
      %mul3A_718 = arith.muli %mul3A_476, %mul3A_717 : i32
      %add3A_719 = arith.constant 32 : i32
      %add3A_720 = arith.addi %mul3A_718, %add3A_719 : i32
      %swap3A_721 = arith.constant 0 : i32
      %swap3A_722 = arith.index_cast %swap3A_721 : i32 to index
      %swap3A_723 = arith.index_cast %add3A_720 : i32 to index
      %swap3A_724 = tpu.vector_load %arg6[%swap3A_722, %swap3A_723] {strides = array<i32>} : memref<9x10000xf32, #tpu.memory_space<vmem>>, vector<16xf32>,
      tpu.vector_store %arg6[%swap3A_722, %swap3A_723], %gather3A_716 {strides = array<i32>} : memref<9x10000xf32, #tpu.memory_space<vmem>>, vector<16xf32>,
      %add3A_725 = arith.constant 1 : i32
      %add3A_726 = vector.broadcast %add3A_725 : i32 to vector<16xi32>
      %add3A_727 = arith.addi %mul3A_53, %add3A_726 : vector<16xi32>
      %gather3A_728 = tpu.vector_load_idx %arg4[%add3A_712, %add3A_727] : memref<10x128xf32, #tpu.memory_space<vmem>>[vector<16xi32>, vector<16xi32>], vector<16xf32>,
      %mul3A_729 = arith.constant 80 : i32
      %mul3A_730 = arith.muli %mul3A_476, %mul3A_729 : i32
      %add3A_731 = arith.constant 32 : i32
      %add3A_732 = arith.addi %mul3A_730, %add3A_731 : i32
      %swap3A_733 = arith.constant 1 : i32
      %swap3A_734 = arith.index_cast %swap3A_733 : i32 to index
      %swap3A_735 = arith.index_cast %add3A_732 : i32 to index
      %swap3A_736 = tpu.vector_load %arg6[%swap3A_734, %swap3A_735] {strides = array<i32>} : memref<9x10000xf32, #tpu.memory_space<vmem>>, vector<16xf32>,
      tpu.vector_store %arg6[%swap3A_734, %swap3A_735], %gather3A_728 {strides = array<i32>} : memref<9x10000xf32, #tpu.memory_space<vmem>>, vector<16xf32>,
      %add3A_737 = arith.constant 2 : i32
      %add3A_738 = vector.broadcast %add3A_737 : i32 to vector<16xi32>
      %add3A_739 = arith.addi %mul3A_53, %add3A_738 : vector<16xi32>
      %gather3A_740 = tpu.vector_load_idx %arg4[%add3A_712, %add3A_739] : memref<10x128xf32, #tpu.memory_space<vmem>>[vector<16xi32>, vector<16xi32>], vector<16xf32>,
      %mul3A_741 = arith.constant 80 : i32
      %mul3A_742 = arith.muli %mul3A_476, %mul3A_741 : i32
      %add3A_743 = arith.constant 32 : i32
      %add3A_744 = arith.addi %mul3A_742, %add3A_743 : i32
      %swap3A_745 = arith.constant 2 : i32
      %swap3A_746 = arith.index_cast %swap3A_745 : i32 to index
      %swap3A_747 = arith.index_cast %add3A_744 : i32 to index
      %swap3A_748 = tpu.vector_load %arg6[%swap3A_746, %swap3A_747] {strides = array<i32>} : memref<9x10000xf32, #tpu.memory_space<vmem>>, vector<16xf32>,
      tpu.vector_store %arg6[%swap3A_746, %swap3A_747], %gather3A_740 {strides = array<i32>} : memref<9x10000xf32, #tpu.memory_space<vmem>>, vector<16xf32>,
      %add3A_749 = arith.constant 3 : i32
      %add3A_750 = vector.broadcast %add3A_749 : i32 to vector<16xi32>
      %add3A_751 = arith.addi %mul3A_53, %add3A_750 : vector<16xi32>
      %gather3A_752 = tpu.vector_load_idx %arg4[%add3A_712, %add3A_751] : memref<10x128xf32, #tpu.memory_space<vmem>>[vector<16xi32>, vector<16xi32>], vector<16xf32>,
      %mul3A_753 = arith.constant 80 : i32
      %mul3A_754 = arith.muli %mul3A_476, %mul3A_753 : i32
      %add3A_755 = arith.constant 32 : i32
      %add3A_756 = arith.addi %mul3A_754, %add3A_755 : i32
      %swap3A_757 = arith.constant 3 : i32
      %swap3A_758 = arith.index_cast %swap3A_757 : i32 to index
      %swap3A_759 = arith.index_cast %add3A_756 : i32 to index
      %swap3A_760 = tpu.vector_load %arg6[%swap3A_758, %swap3A_759] {strides = array<i32>} : memref<9x10000xf32, #tpu.memory_space<vmem>>, vector<16xf32>,
      tpu.vector_store %arg6[%swap3A_758, %swap3A_759], %gather3A_752 {strides = array<i32>} : memref<9x10000xf32, #tpu.memory_space<vmem>>, vector<16xf32>,
      %add3A_761 = arith.constant 4 : i32
      %add3A_762 = vector.broadcast %add3A_761 : i32 to vector<16xi32>
      %add3A_763 = arith.addi %mul3A_53, %add3A_762 : vector<16xi32>
      %gather3A_764 = tpu.vector_load_idx %arg4[%add3A_712, %add3A_763] : memref<10x128xf32, #tpu.memory_space<vmem>>[vector<16xi32>, vector<16xi32>], vector<16xf32>,
      %mul3A_765 = arith.constant 80 : i32
      %mul3A_766 = arith.muli %mul3A_476, %mul3A_765 : i32
      %add3A_767 = arith.constant 32 : i32
      %add3A_768 = arith.addi %mul3A_766, %add3A_767 : i32
      %swap3A_769 = arith.constant 4 : i32
      %swap3A_770 = arith.index_cast %swap3A_769 : i32 to index
      %swap3A_771 = arith.index_cast %add3A_768 : i32 to index
      %swap3A_772 = tpu.vector_load %arg6[%swap3A_770, %swap3A_771] {strides = array<i32>} : memref<9x10000xf32, #tpu.memory_space<vmem>>, vector<16xf32>,
      tpu.vector_store %arg6[%swap3A_770, %swap3A_771], %gather3A_764 {strides = array<i32>} : memref<9x10000xf32, #tpu.memory_space<vmem>>, vector<16xf32>,
      %add3A_773 = arith.constant 5 : i32
      %add3A_774 = vector.broadcast %add3A_773 : i32 to vector<16xi32>
      %add3A_775 = arith.addi %mul3A_53, %add3A_774 : vector<16xi32>
      %gather3A_776 = tpu.vector_load_idx %arg4[%add3A_712, %add3A_775] : memref<10x128xf32, #tpu.memory_space<vmem>>[vector<16xi32>, vector<16xi32>], vector<16xf32>,
      %mul3A_777 = arith.constant 80 : i32
      %mul3A_778 = arith.muli %mul3A_476, %mul3A_777 : i32
      %add3A_779 = arith.constant 32 : i32
      %add3A_780 = arith.addi %mul3A_778, %add3A_779 : i32
      %swap3A_781 = arith.constant 5 : i32
      %swap3A_782 = arith.index_cast %swap3A_781 : i32 to index
      %swap3A_783 = arith.index_cast %add3A_780 : i32 to index
      %swap3A_784 = tpu.vector_load %arg6[%swap3A_782, %swap3A_783] {strides = array<i32>} : memref<9x10000xf32, #tpu.memory_space<vmem>>, vector<16xf32>,
      tpu.vector_store %arg6[%swap3A_782, %swap3A_783], %gather3A_776 {strides = array<i32>} : memref<9x10000xf32, #tpu.memory_space<vmem>>, vector<16xf32>,
      %add3A_785 = arith.constant 6 : i32
      %add3A_786 = vector.broadcast %add3A_785 : i32 to vector<16xi32>
      %add3A_787 = arith.addi %mul3A_53, %add3A_786 : vector<16xi32>
      %gather3A_788 = tpu.vector_load_idx %arg4[%add3A_712, %add3A_787] : memref<10x128xf32, #tpu.memory_space<vmem>>[vector<16xi32>, vector<16xi32>], vector<16xf32>,
      %mul3A_789 = arith.constant 80 : i32
      %mul3A_790 = arith.muli %mul3A_476, %mul3A_789 : i32
      %add3A_791 = arith.constant 32 : i32
      %add3A_792 = arith.addi %mul3A_790, %add3A_791 : i32
      %swap3A_793 = arith.constant 6 : i32
      %swap3A_794 = arith.index_cast %swap3A_793 : i32 to index
      %swap3A_795 = arith.index_cast %add3A_792 : i32 to index
      %swap3A_796 = tpu.vector_load %arg6[%swap3A_794, %swap3A_795] {strides = array<i32>} : memref<9x10000xf32, #tpu.memory_space<vmem>>, vector<16xf32>,
      tpu.vector_store %arg6[%swap3A_794, %swap3A_795], %gather3A_788 {strides = array<i32>} : memref<9x10000xf32, #tpu.memory_space<vmem>>, vector<16xf32>,
      %add3A_797 = arith.constant 7 : i32
      %add3A_798 = vector.broadcast %add3A_797 : i32 to vector<16xi32>
      %add3A_799 = arith.addi %mul3A_53, %add3A_798 : vector<16xi32>
      %gather3A_800 = tpu.vector_load_idx %arg4[%add3A_712, %add3A_799] : memref<10x128xf32, #tpu.memory_space<vmem>>[vector<16xi32>, vector<16xi32>], vector<16xf32>,
      %mul3A_801 = arith.constant 80 : i32
      %mul3A_802 = arith.muli %mul3A_476, %mul3A_801 : i32
      %add3A_803 = arith.constant 32 : i32
      %add3A_804 = arith.addi %mul3A_802, %add3A_803 : i32
      %swap3A_805 = arith.constant 7 : i32
      %swap3A_806 = arith.index_cast %swap3A_805 : i32 to index
      %swap3A_807 = arith.index_cast %add3A_804 : i32 to index
      %swap3A_808 = tpu.vector_load %arg6[%swap3A_806, %swap3A_807] {strides = array<i32>} : memref<9x10000xf32, #tpu.memory_space<vmem>>, vector<16xf32>,
      tpu.vector_store %arg6[%swap3A_806, %swap3A_807], %gather3A_800 {strides = array<i32>} : memref<9x10000xf32, #tpu.memory_space<vmem>>, vector<16xf32>,
      %add3A_809 = arith.constant 8 : i32
      %add3A_810 = vector.broadcast %add3A_809 : i32 to vector<16xi32>
      %add3A_811 = arith.addi %mul3A_53, %add3A_810 : vector<16xi32>
      %gather3A_812 = tpu.vector_load_idx %arg4[%add3A_712, %add3A_811] : memref<10x128xf32, #tpu.memory_space<vmem>>[vector<16xi32>, vector<16xi32>], vector<16xf32>,
      %mul3A_813 = arith.constant 80 : i32
      %mul3A_814 = arith.muli %mul3A_476, %mul3A_813 : i32
      %add3A_815 = arith.constant 32 : i32
      %add3A_816 = arith.addi %mul3A_814, %add3A_815 : i32
      %swap3A_817 = arith.constant 8 : i32
      %swap3A_818 = arith.index_cast %swap3A_817 : i32 to index
      %swap3A_819 = arith.index_cast %add3A_816 : i32 to index
      %swap3A_820 = tpu.vector_load %arg6[%swap3A_818, %swap3A_819] {strides = array<i32>} : memref<9x10000xf32, #tpu.memory_space<vmem>>, vector<16xf32>,
      tpu.vector_store %arg6[%swap3A_818, %swap3A_819], %gather3A_812 {strides = array<i32>} : memref<9x10000xf32, #tpu.memory_space<vmem>>, vector<16xf32>,
      %add3A_821 = arith.constant 6 : i32
      %add3A_822 = vector.broadcast %add3A_821 : i32 to vector<16xi32>
      %add3A_823 = arith.addi %select_n3A, %add3A_822 : vector<16xi32>
      %add3A_824 = arith.constant 0 : i32
      %add3A_825 = vector.broadcast %add3A_824 : i32 to vector<16xi32>
      %add3A_826 = arith.addi %mul3A_53, %add3A_825 : vector<16xi32>
      %gather3A_827 = tpu.vector_load_idx %arg4[%add3A_823, %add3A_826] : memref<10x128xf32, #tpu.memory_space<vmem>>[vector<16xi32>, vector<16xi32>], vector<16xf32>,
      %mul3A_828 = arith.constant 80 : i32
      %mul3A_829 = arith.muli %mul3A_476, %mul3A_828 : i32
      %add3A_830 = arith.constant 48 : i32
      %add3A_831 = arith.addi %mul3A_829, %add3A_830 : i32
      %swap3A_832 = arith.constant 0 : i32
      %swap3A_833 = arith.index_cast %swap3A_832 : i32 to index
      %swap3A_834 = arith.index_cast %add3A_831 : i32 to index
      %swap3A_835 = tpu.vector_load %arg6[%swap3A_833, %swap3A_834] {strides = array<i32>} : memref<9x10000xf32, #tpu.memory_space<vmem>>, vector<16xf32>,
      tpu.vector_store %arg6[%swap3A_833, %swap3A_834], %gather3A_827 {strides = array<i32>} : memref<9x10000xf32, #tpu.memory_space<vmem>>, vector<16xf32>,
      %add3A_836 = arith.constant 1 : i32
      %add3A_837 = vector.broadcast %add3A_836 : i32 to vector<16xi32>
      %add3A_838 = arith.addi %mul3A_53, %add3A_837 : vector<16xi32>
      %gather3A_839 = tpu.vector_load_idx %arg4[%add3A_823, %add3A_838] : memref<10x128xf32, #tpu.memory_space<vmem>>[vector<16xi32>, vector<16xi32>], vector<16xf32>,
      %mul3A_840 = arith.constant 80 : i32
      %mul3A_841 = arith.muli %mul3A_476, %mul3A_840 : i32
      %add3A_842 = arith.constant 48 : i32
      %add3A_843 = arith.addi %mul3A_841, %add3A_842 : i32
      %swap3A_844 = arith.constant 1 : i32
      %swap3A_845 = arith.index_cast %swap3A_844 : i32 to index
      %swap3A_846 = arith.index_cast %add3A_843 : i32 to index
      %swap3A_847 = tpu.vector_load %arg6[%swap3A_845, %swap3A_846] {strides = array<i32>} : memref<9x10000xf32, #tpu.memory_space<vmem>>, vector<16xf32>,
      tpu.vector_store %arg6[%swap3A_845, %swap3A_846], %gather3A_839 {strides = array<i32>} : memref<9x10000xf32, #tpu.memory_space<vmem>>, vector<16xf32>,
      %add3A_848 = arith.constant 2 : i32
      %add3A_849 = vector.broadcast %add3A_848 : i32 to vector<16xi32>
      %add3A_850 = arith.addi %mul3A_53, %add3A_849 : vector<16xi32>
      %gather3A_851 = tpu.vector_load_idx %arg4[%add3A_823, %add3A_850] : memref<10x128xf32, #tpu.memory_space<vmem>>[vector<16xi32>, vector<16xi32>], vector<16xf32>,
      %mul3A_852 = arith.constant 80 : i32
      %mul3A_853 = arith.muli %mul3A_476, %mul3A_852 : i32
      %add3A_854 = arith.constant 48 : i32
      %add3A_855 = arith.addi %mul3A_853, %add3A_854 : i32
      %swap3A_856 = arith.constant 2 : i32
      %swap3A_857 = arith.index_cast %swap3A_856 : i32 to index
      %swap3A_858 = arith.index_cast %add3A_855 : i32 to index
      %swap3A_859 = tpu.vector_load %arg6[%swap3A_857, %swap3A_858] {strides = array<i32>} : memref<9x10000xf32, #tpu.memory_space<vmem>>, vector<16xf32>,
      tpu.vector_store %arg6[%swap3A_857, %swap3A_858], %gather3A_851 {strides = array<i32>} : memref<9x10000xf32, #tpu.memory_space<vmem>>, vector<16xf32>,
      %add3A_860 = arith.constant 3 : i32
      %add3A_861 = vector.broadcast %add3A_860 : i32 to vector<16xi32>
      %add3A_862 = arith.addi %mul3A_53, %add3A_861 : vector<16xi32>
      %gather3A_863 = tpu.vector_load_idx %arg4[%add3A_823, %add3A_862] : memref<10x128xf32, #tpu.memory_space<vmem>>[vector<16xi32>, vector<16xi32>], vector<16xf32>,
      %mul3A_864 = arith.constant 80 : i32
      %mul3A_865 = arith.muli %mul3A_476, %mul3A_864 : i32
      %add3A_866 = arith.constant 48 : i32
      %add3A_867 = arith.addi %mul3A_865, %add3A_866 : i32
      %swap3A_868 = arith.constant 3 : i32
      %swap3A_869 = arith.index_cast %swap3A_868 : i32 to index
      %swap3A_870 = arith.index_cast %add3A_867 : i32 to index
      %swap3A_871 = tpu.vector_load %arg6[%swap3A_869, %swap3A_870] {strides = array<i32>} : memref<9x10000xf32, #tpu.memory_space<vmem>>, vector<16xf32>,
      tpu.vector_store %arg6[%swap3A_869, %swap3A_870], %gather3A_863 {strides = array<i32>} : memref<9x10000xf32, #tpu.memory_space<vmem>>, vector<16xf32>,
      %add3A_872 = arith.constant 4 : i32
      %add3A_873 = vector.broadcast %add3A_872 : i32 to vector<16xi32>
      %add3A_874 = arith.addi %mul3A_53, %add3A_873 : vector<16xi32>
      %gather3A_875 = tpu.vector_load_idx %arg4[%add3A_823, %add3A_874] : memref<10x128xf32, #tpu.memory_space<vmem>>[vector<16xi32>, vector<16xi32>], vector<16xf32>,
      %mul3A_876 = arith.constant 80 : i32
      %mul3A_877 = arith.muli %mul3A_476, %mul3A_876 : i32
      %add3A_878 = arith.constant 48 : i32
      %add3A_879 = arith.addi %mul3A_877, %add3A_878 : i32
      %swap3A_880 = arith.constant 4 : i32
      %swap3A_881 = arith.index_cast %swap3A_880 : i32 to index
      %swap3A_882 = arith.index_cast %add3A_879 : i32 to index
      %swap3A_883 = tpu.vector_load %arg6[%swap3A_881, %swap3A_882] {strides = array<i32>} : memref<9x10000xf32, #tpu.memory_space<vmem>>, vector<16xf32>,
      tpu.vector_store %arg6[%swap3A_881, %swap3A_882], %gather3A_875 {strides = array<i32>} : memref<9x10000xf32, #tpu.memory_space<vmem>>, vector<16xf32>,
      %add3A_884 = arith.constant 5 : i32
      %add3A_885 = vector.broadcast %add3A_884 : i32 to vector<16xi32>
      %add3A_886 = arith.addi %mul3A_53, %add3A_885 : vector<16xi32>
      %gather3A_887 = tpu.vector_load_idx %arg4[%add3A_823, %add3A_886] : memref<10x128xf32, #tpu.memory_space<vmem>>[vector<16xi32>, vector<16xi32>], vector<16xf32>,
      %mul3A_888 = arith.constant 80 : i32
      %mul3A_889 = arith.muli %mul3A_476, %mul3A_888 : i32
      %add3A_890 = arith.constant 48 : i32
      %add3A_891 = arith.addi %mul3A_889, %add3A_890 : i32
      %swap3A_892 = arith.constant 5 : i32
      %swap3A_893 = arith.index_cast %swap3A_892 : i32 to index
      %swap3A_894 = arith.index_cast %add3A_891 : i32 to index
      %swap3A_895 = tpu.vector_load %arg6[%swap3A_893, %swap3A_894] {strides = array<i32>} : memref<9x10000xf32, #tpu.memory_space<vmem>>, vector<16xf32>,
      tpu.vector_store %arg6[%swap3A_893, %swap3A_894], %gather3A_887 {strides = array<i32>} : memref<9x10000xf32, #tpu.memory_space<vmem>>, vector<16xf32>,
      %add3A_896 = arith.constant 6 : i32
      %add3A_897 = vector.broadcast %add3A_896 : i32 to vector<16xi32>
      %add3A_898 = arith.addi %mul3A_53, %add3A_897 : vector<16xi32>
      %gather3A_899 = tpu.vector_load_idx %arg4[%add3A_823, %add3A_898] : memref<10x128xf32, #tpu.memory_space<vmem>>[vector<16xi32>, vector<16xi32>], vector<16xf32>,
      %mul3A_900 = arith.constant 80 : i32
      %mul3A_901 = arith.muli %mul3A_476, %mul3A_900 : i32
      %add3A_902 = arith.constant 48 : i32
      %add3A_903 = arith.addi %mul3A_901, %add3A_902 : i32
      %swap3A_904 = arith.constant 6 : i32
      %swap3A_905 = arith.index_cast %swap3A_904 : i32 to index
      %swap3A_906 = arith.index_cast %add3A_903 : i32 to index
      %swap3A_907 = tpu.vector_load %arg6[%swap3A_905, %swap3A_906] {strides = array<i32>} : memref<9x10000xf32, #tpu.memory_space<vmem>>, vector<16xf32>,
      tpu.vector_store %arg6[%swap3A_905, %swap3A_906], %gather3A_899 {strides = array<i32>} : memref<9x10000xf32, #tpu.memory_space<vmem>>, vector<16xf32>,
      %add3A_908 = arith.constant 7 : i32
      %add3A_909 = vector.broadcast %add3A_908 : i32 to vector<16xi32>
      %add3A_910 = arith.addi %mul3A_53, %add3A_909 : vector<16xi32>
      %gather3A_911 = tpu.vector_load_idx %arg4[%add3A_823, %add3A_910] : memref<10x128xf32, #tpu.memory_space<vmem>>[vector<16xi32>, vector<16xi32>], vector<16xf32>,
      %mul3A_912 = arith.constant 80 : i32
      %mul3A_913 = arith.muli %mul3A_476, %mul3A_912 : i32
      %add3A_914 = arith.constant 48 : i32
      %add3A_915 = arith.addi %mul3A_913, %add3A_914 : i32
      %swap3A_916 = arith.constant 7 : i32
      %swap3A_917 = arith.index_cast %swap3A_916 : i32 to index
      %swap3A_918 = arith.index_cast %add3A_915 : i32 to index
      %swap3A_919 = tpu.vector_load %arg6[%swap3A_917, %swap3A_918] {strides = array<i32>} : memref<9x10000xf32, #tpu.memory_space<vmem>>, vector<16xf32>,
      tpu.vector_store %arg6[%swap3A_917, %swap3A_918], %gather3A_911 {strides = array<i32>} : memref<9x10000xf32, #tpu.memory_space<vmem>>, vector<16xf32>,
      %add3A_920 = arith.constant 8 : i32
      %add3A_921 = vector.broadcast %add3A_920 : i32 to vector<16xi32>
      %add3A_922 = arith.addi %mul3A_53, %add3A_921 : vector<16xi32>
      %gather3A_923 = tpu.vector_load_idx %arg4[%add3A_823, %add3A_922] : memref<10x128xf32, #tpu.memory_space<vmem>>[vector<16xi32>, vector<16xi32>], vector<16xf32>,
      %mul3A_924 = arith.constant 80 : i32
      %mul3A_925 = arith.muli %mul3A_476, %mul3A_924 : i32
      %add3A_926 = arith.constant 48 : i32
      %add3A_927 = arith.addi %mul3A_925, %add3A_926 : i32
      %swap3A_928 = arith.constant 8 : i32
      %swap3A_929 = arith.index_cast %swap3A_928 : i32 to index
      %swap3A_930 = arith.index_cast %add3A_927 : i32 to index
      %swap3A_931 = tpu.vector_load %arg6[%swap3A_929, %swap3A_930] {strides = array<i32>} : memref<9x10000xf32, #tpu.memory_space<vmem>>, vector<16xf32>,
      tpu.vector_store %arg6[%swap3A_929, %swap3A_930], %gather3A_923 {strides = array<i32>} : memref<9x10000xf32, #tpu.memory_space<vmem>>, vector<16xf32>,
      %add3A_932 = arith.constant 8 : i32
      %add3A_933 = vector.broadcast %add3A_932 : i32 to vector<16xi32>
      %add3A_934 = arith.addi %select_n3A, %add3A_933 : vector<16xi32>
      %add3A_935 = arith.constant 0 : i32
      %add3A_936 = vector.broadcast %add3A_935 : i32 to vector<16xi32>
      %add3A_937 = arith.addi %mul3A_53, %add3A_936 : vector<16xi32>
      %gather3A_938 = tpu.vector_load_idx %arg4[%add3A_934, %add3A_937] : memref<10x128xf32, #tpu.memory_space<vmem>>[vector<16xi32>, vector<16xi32>], vector<16xf32>,
      %mul3A_939 = arith.constant 80 : i32
      %mul3A_940 = arith.muli %mul3A_476, %mul3A_939 : i32
      %add3A_941 = arith.constant 64 : i32
      %add3A_942 = arith.addi %mul3A_940, %add3A_941 : i32
      %swap3A_943 = arith.constant 0 : i32
      %swap3A_944 = arith.index_cast %swap3A_943 : i32 to index
      %swap3A_945 = arith.index_cast %add3A_942 : i32 to index
      %swap3A_946 = tpu.vector_load %arg6[%swap3A_944, %swap3A_945] {strides = array<i32>} : memref<9x10000xf32, #tpu.memory_space<vmem>>, vector<16xf32>,
      tpu.vector_store %arg6[%swap3A_944, %swap3A_945], %gather3A_938 {strides = array<i32>} : memref<9x10000xf32, #tpu.memory_space<vmem>>, vector<16xf32>,
      %add3A_947 = arith.constant 1 : i32
      %add3A_948 = vector.broadcast %add3A_947 : i32 to vector<16xi32>
      %add3A_949 = arith.addi %mul3A_53, %add3A_948 : vector<16xi32>
      %gather3A_950 = tpu.vector_load_idx %arg4[%add3A_934, %add3A_949] : memref<10x128xf32, #tpu.memory_space<vmem>>[vector<16xi32>, vector<16xi32>], vector<16xf32>,
      %mul3A_951 = arith.constant 80 : i32
      %mul3A_952 = arith.muli %mul3A_476, %mul3A_951 : i32
      %add3A_953 = arith.constant 64 : i32
      %add3A_954 = arith.addi %mul3A_952, %add3A_953 : i32
      %swap3A_955 = arith.constant 1 : i32
      %swap3A_956 = arith.index_cast %swap3A_955 : i32 to index
      %swap3A_957 = arith.index_cast %add3A_954 : i32 to index
      %swap3A_958 = tpu.vector_load %arg6[%swap3A_956, %swap3A_957] {strides = array<i32>} : memref<9x10000xf32, #tpu.memory_space<vmem>>, vector<16xf32>,
      tpu.vector_store %arg6[%swap3A_956, %swap3A_957], %gather3A_950 {strides = array<i32>} : memref<9x10000xf32, #tpu.memory_space<vmem>>, vector<16xf32>,
      %add3A_959 = arith.constant 2 : i32
      %add3A_960 = vector.broadcast %add3A_959 : i32 to vector<16xi32>
      %add3A_961 = arith.addi %mul3A_53, %add3A_960 : vector<16xi32>
      %gather3A_962 = tpu.vector_load_idx %arg4[%add3A_934, %add3A_961] : memref<10x128xf32, #tpu.memory_space<vmem>>[vector<16xi32>, vector<16xi32>], vector<16xf32>,
      %mul3A_963 = arith.constant 80 : i32
      %mul3A_964 = arith.muli %mul3A_476, %mul3A_963 : i32
      %add3A_965 = arith.constant 64 : i32
      %add3A_966 = arith.addi %mul3A_964, %add3A_965 : i32
      %swap3A_967 = arith.constant 2 : i32
      %swap3A_968 = arith.index_cast %swap3A_967 : i32 to index
      %swap3A_969 = arith.index_cast %add3A_966 : i32 to index
      %swap3A_970 = tpu.vector_load %arg6[%swap3A_968, %swap3A_969] {strides = array<i32>} : memref<9x10000xf32, #tpu.memory_space<vmem>>, vector<16xf32>,
      tpu.vector_store %arg6[%swap3A_968, %swap3A_969], %gather3A_962 {strides = array<i32>} : memref<9x10000xf32, #tpu.memory_space<vmem>>, vector<16xf32>,
      %add3A_971 = arith.constant 3 : i32
      %add3A_972 = vector.broadcast %add3A_971 : i32 to vector<16xi32>
      %add3A_973 = arith.addi %mul3A_53, %add3A_972 : vector<16xi32>
      %gather3A_974 = tpu.vector_load_idx %arg4[%add3A_934, %add3A_973] : memref<10x128xf32, #tpu.memory_space<vmem>>[vector<16xi32>, vector<16xi32>], vector<16xf32>,
      %mul3A_975 = arith.constant 80 : i32
      %mul3A_976 = arith.muli %mul3A_476, %mul3A_975 : i32
      %add3A_977 = arith.constant 64 : i32
      %add3A_978 = arith.addi %mul3A_976, %add3A_977 : i32
      %swap3A_979 = arith.constant 3 : i32
      %swap3A_980 = arith.index_cast %swap3A_979 : i32 to index
      %swap3A_981 = arith.index_cast %add3A_978 : i32 to index
      %swap3A_982 = tpu.vector_load %arg6[%swap3A_980, %swap3A_981] {strides = array<i32>} : memref<9x10000xf32, #tpu.memory_space<vmem>>, vector<16xf32>,
      tpu.vector_store %arg6[%swap3A_980, %swap3A_981], %gather3A_974 {strides = array<i32>} : memref<9x10000xf32, #tpu.memory_space<vmem>>, vector<16xf32>,
      %add3A_983 = arith.constant 4 : i32
      %add3A_984 = vector.broadcast %add3A_983 : i32 to vector<16xi32>
      %add3A_985 = arith.addi %mul3A_53, %add3A_984 : vector<16xi32>
      %gather3A_986 = tpu.vector_load_idx %arg4[%add3A_934, %add3A_985] : memref<10x128xf32, #tpu.memory_space<vmem>>[vector<16xi32>, vector<16xi32>], vector<16xf32>,
      %mul3A_987 = arith.constant 80 : i32
      %mul3A_988 = arith.muli %mul3A_476, %mul3A_987 : i32
      %add3A_989 = arith.constant 64 : i32
      %add3A_990 = arith.addi %mul3A_988, %add3A_989 : i32
      %swap3A_991 = arith.constant 4 : i32
      %swap3A_992 = arith.index_cast %swap3A_991 : i32 to index
      %swap3A_993 = arith.index_cast %add3A_990 : i32 to index
      %swap3A_994 = tpu.vector_load %arg6[%swap3A_992, %swap3A_993] {strides = array<i32>} : memref<9x10000xf32, #tpu.memory_space<vmem>>, vector<16xf32>,
      tpu.vector_store %arg6[%swap3A_992, %swap3A_993], %gather3A_986 {strides = array<i32>} : memref<9x10000xf32, #tpu.memory_space<vmem>>, vector<16xf32>,
      %add3A_995 = arith.constant 5 : i32
      %add3A_996 = vector.broadcast %add3A_995 : i32 to vector<16xi32>
      %add3A_997 = arith.addi %mul3A_53, %add3A_996 : vector<16xi32>
      %gather3A_998 = tpu.vector_load_idx %arg4[%add3A_934, %add3A_997] : memref<10x128xf32, #tpu.memory_space<vmem>>[vector<16xi32>, vector<16xi32>], vector<16xf32>,
      %mul3A_999 = arith.constant 80 : i32
      %mul3A_1000 = arith.muli %mul3A_476, %mul3A_999 : i32
      %add3A_1001 = arith.constant 64 : i32
      %add3A_1002 = arith.addi %mul3A_1000, %add3A_1001 : i32
      %swap3A_1003 = arith.constant 5 : i32
      %swap3A_1004 = arith.index_cast %swap3A_1003 : i32 to index
      %swap3A_1005 = arith.index_cast %add3A_1002 : i32 to index
      %swap3A_1006 = tpu.vector_load %arg6[%swap3A_1004, %swap3A_1005] {strides = array<i32>} : memref<9x10000xf32, #tpu.memory_space<vmem>>, vector<16xf32>,
      tpu.vector_store %arg6[%swap3A_1004, %swap3A_1005], %gather3A_998 {strides = array<i32>} : memref<9x10000xf32, #tpu.memory_space<vmem>>, vector<16xf32>,
      %add3A_1007 = arith.constant 6 : i32
      %add3A_1008 = vector.broadcast %add3A_1007 : i32 to vector<16xi32>
      %add3A_1009 = arith.addi %mul3A_53, %add3A_1008 : vector<16xi32>
      %gather3A_1010 = tpu.vector_load_idx %arg4[%add3A_934, %add3A_1009] : memref<10x128xf32, #tpu.memory_space<vmem>>[vector<16xi32>, vector<16xi32>], vector<16xf32>,
      %mul3A_1011 = arith.constant 80 : i32
      %mul3A_1012 = arith.muli %mul3A_476, %mul3A_1011 : i32
      %add3A_1013 = arith.constant 64 : i32
      %add3A_1014 = arith.addi %mul3A_1012, %add3A_1013 : i32
      %swap3A_1015 = arith.constant 6 : i32
      %swap3A_1016 = arith.index_cast %swap3A_1015 : i32 to index
      %swap3A_1017 = arith.index_cast %add3A_1014 : i32 to index
      %swap3A_1018 = tpu.vector_load %arg6[%swap3A_1016, %swap3A_1017] {strides = array<i32>} : memref<9x10000xf32, #tpu.memory_space<vmem>>, vector<16xf32>,
      tpu.vector_store %arg6[%swap3A_1016, %swap3A_1017], %gather3A_1010 {strides = array<i32>} : memref<9x10000xf32, #tpu.memory_space<vmem>>, vector<16xf32>,
      %add3A_1019 = arith.constant 7 : i32
      %add3A_1020 = vector.broadcast %add3A_1019 : i32 to vector<16xi32>
      %add3A_1021 = arith.addi %mul3A_53, %add3A_1020 : vector<16xi32>
      %gather3A_1022 = tpu.vector_load_idx %arg4[%add3A_934, %add3A_1021] : memref<10x128xf32, #tpu.memory_space<vmem>>[vector<16xi32>, vector<16xi32>], vector<16xf32>,
      %mul3A_1023 = arith.constant 80 : i32
      %mul3A_1024 = arith.muli %mul3A_476, %mul3A_1023 : i32
      %add3A_1025 = arith.constant 64 : i32
      %add3A_1026 = arith.addi %mul3A_1024, %add3A_1025 : i32
      %swap3A_1027 = arith.constant 7 : i32
      %swap3A_1028 = arith.index_cast %swap3A_1027 : i32 to index
      %swap3A_1029 = arith.index_cast %add3A_1026 : i32 to index
      %swap3A_1030 = tpu.vector_load %arg6[%swap3A_1028, %swap3A_1029] {strides = array<i32>} : memref<9x10000xf32, #tpu.memory_space<vmem>>, vector<16xf32>,
      tpu.vector_store %arg6[%swap3A_1028, %swap3A_1029], %gather3A_1022 {strides = array<i32>} : memref<9x10000xf32, #tpu.memory_space<vmem>>, vector<16xf32>,
      %add3A_1031 = arith.constant 8 : i32
      %add3A_1032 = vector.broadcast %add3A_1031 : i32 to vector<16xi32>
      %add3A_1033 = arith.addi %mul3A_53, %add3A_1032 : vector<16xi32>
      %gather3A_1034 = tpu.vector_load_idx %arg4[%add3A_934, %add3A_1033] : memref<10x128xf32, #tpu.memory_space<vmem>>[vector<16xi32>, vector<16xi32>], vector<16xf32>,
      %mul3A_1035 = arith.constant 80 : i32
      %mul3A_1036 = arith.muli %mul3A_476, %mul3A_1035 : i32
      %add3A_1037 = arith.constant 64 : i32
      %add3A_1038 = arith.addi %mul3A_1036, %add3A_1037 : i32
      %swap3A_1039 = arith.constant 8 : i32
      %swap3A_1040 = arith.index_cast %swap3A_1039 : i32 to index
      %swap3A_1041 = arith.index_cast %add3A_1038 : i32 to index
      %swap3A_1042 = tpu.vector_load %arg6[%swap3A_1040, %swap3A_1041] {strides = array<i32>} : memref<9x10000xf32, #tpu.memory_space<vmem>>, vector<16xf32>,
      tpu.vector_store %arg6[%swap3A_1040, %swap3A_1041], %gather3A_1034 {strides = array<i32>} : memref<9x10000xf32, #tpu.memory_space<vmem>>, vector<16xf32>,
      %add3A_1043 = arith.constant 1 : i32
      %add3A_1044 = arith.addi %mul3A_476, %add3A_1043 : i32
      %add3A_1045 = arith.constant 1 : i32
      %add3A_1046 = arith.addi %add3A_1044, %add3A_1045 : i32
      %lt3A_1047 = arith.constant 125 : i32
      %lt3A_1048 = arith.cmpi slt, %add3A_1046, %lt3A_1047 : i32
      %convert_element_type3A_1049 = arith.extui %lt3A_1048 : i1 to i32
      %cond3A_1050 = arith.constant 0 : i32
      %cond3A_1051 = arith.cmpi ne, %convert_element_type3A_1049, %cond3A_1050 : i32
      scf.if %cond3A_1051 {
        %mul3A_1614 = arith.constant 10 : i32
        %mul3A_1615 = arith.muli %add3A_1046, %mul3A_1614 : i32
        %add3A_1616 = arith.addi %mul3A_2, %mul3A_1615 : i32
        %dma_start3A_1617 = arith.constant 0 : i32
        %dma_start3A_1618 = tpu.memref_slice %arg2[%add3A_1616, %dma_start3A_1617] : memref<40000x128xf32, #tpu.memory_space<hbm>> -> memref<10x128xf32, #tpu.memory_space<hbm>>
        %dma_start3A_1619 = arith.constant 0 : i32
        %dma_start3A_1620 = tpu.memref_slice %arg2[%add3A_1616, %dma_start3A_1619] : memref<40000x128xf32, #tpu.memory_space<hbm>> -> memref<10x128xf32, #tpu.memory_space<hbm>>
        tpu.enqueue_dma source(%dma_start3A_1620 : memref<10x128xf32, #tpu.memory_space<hbm>>) target(%arg4 : memref<10x128xf32, #tpu.memory_space<vmem>>) target_semaphore(%arg7 : memref<!tpu.dma_semaphore, #tpu.memory_space<semaphore_mem>>)
      } else {
      }
      %dma_wait3A_1052 = arith.constant 0 : i32
      %dma_wait3A_1053 = arith.constant 0 : i32
      %dma_wait3A_1054 = tpu.memref_slice %arg2[%dma_wait3A_1052, %dma_wait3A_1053] : memref<40000x128xf32, #tpu.memory_space<hbm>> -> memref<10x128xf32, #tpu.memory_space<hbm>>
      %dma_wait3A_1055 = arith.constant 0 : i32
      %dma_wait3A_1056 = arith.constant 0 : i32
      %dma_wait3A_1057 = tpu.memref_slice %arg2[%dma_wait3A_1055, %dma_wait3A_1056] : memref<40000x128xf32, #tpu.memory_space<hbm>> -> memref<10x128xf32, #tpu.memory_space<hbm>>
      tpu.wait_dma2 semaphore(%arg8 : memref<!tpu.dma_semaphore, #tpu.memory_space<semaphore_mem>>) src(%dma_wait3A_1057 : memref<10x128xf32, #tpu.memory_space<hbm>>) dst(%arg5 : memref<10x128xf32, #tpu.memory_space<vmem>>)
      %add3A_1058 = arith.constant 0 : i32
      %add3A_1059 = vector.broadcast %add3A_1058 : i32 to vector<16xi32>
      %add3A_1060 = arith.addi %select_n3A, %add3A_1059 : vector<16xi32>
      %add3A_1061 = arith.constant 0 : i32
      %add3A_1062 = vector.broadcast %add3A_1061 : i32 to vector<16xi32>
      %add3A_1063 = arith.addi %mul3A_53, %add3A_1062 : vector<16xi32>
      %gather3A_1064 = tpu.vector_load_idx %arg5[%add3A_1060, %add3A_1063] : memref<10x128xf32, #tpu.memory_space<vmem>>[vector<16xi32>, vector<16xi32>], vector<16xf32>,
      %mul3A_1065 = arith.constant 80 : i32
      %mul3A_1066 = arith.muli %add3A_1044, %mul3A_1065 : i32
      %add3A_1067 = arith.constant 0 : i32
      %add3A_1068 = arith.addi %mul3A_1066, %add3A_1067 : i32
      %swap3A_1069 = arith.constant 0 : i32
      %swap3A_1070 = arith.index_cast %swap3A_1069 : i32 to index
      %swap3A_1071 = arith.index_cast %add3A_1068 : i32 to index
      %swap3A_1072 = tpu.vector_load %arg6[%swap3A_1070, %swap3A_1071] {strides = array<i32>} : memref<9x10000xf32, #tpu.memory_space<vmem>>, vector<16xf32>,
      tpu.vector_store %arg6[%swap3A_1070, %swap3A_1071], %gather3A_1064 {strides = array<i32>} : memref<9x10000xf32, #tpu.memory_space<vmem>>, vector<16xf32>,
      %add3A_1073 = arith.constant 1 : i32
      %add3A_1074 = vector.broadcast %add3A_1073 : i32 to vector<16xi32>
      %add3A_1075 = arith.addi %mul3A_53, %add3A_1074 : vector<16xi32>
      %gather3A_1076 = tpu.vector_load_idx %arg5[%add3A_1060, %add3A_1075] : memref<10x128xf32, #tpu.memory_space<vmem>>[vector<16xi32>, vector<16xi32>], vector<16xf32>,
      %mul3A_1077 = arith.constant 80 : i32
      %mul3A_1078 = arith.muli %add3A_1044, %mul3A_1077 : i32
      %add3A_1079 = arith.constant 0 : i32
      %add3A_1080 = arith.addi %mul3A_1078, %add3A_1079 : i32
      %swap3A_1081 = arith.constant 1 : i32
      %swap3A_1082 = arith.index_cast %swap3A_1081 : i32 to index
      %swap3A_1083 = arith.index_cast %add3A_1080 : i32 to index
      %swap3A_1084 = tpu.vector_load %arg6[%swap3A_1082, %swap3A_1083] {strides = array<i32>} : memref<9x10000xf32, #tpu.memory_space<vmem>>, vector<16xf32>,
      tpu.vector_store %arg6[%swap3A_1082, %swap3A_1083], %gather3A_1076 {strides = array<i32>} : memref<9x10000xf32, #tpu.memory_space<vmem>>, vector<16xf32>,
      %add3A_1085 = arith.constant 2 : i32
      %add3A_1086 = vector.broadcast %add3A_1085 : i32 to vector<16xi32>
      %add3A_1087 = arith.addi %mul3A_53, %add3A_1086 : vector<16xi32>
      %gather3A_1088 = tpu.vector_load_idx %arg5[%add3A_1060, %add3A_1087] : memref<10x128xf32, #tpu.memory_space<vmem>>[vector<16xi32>, vector<16xi32>], vector<16xf32>,
      %mul3A_1089 = arith.constant 80 : i32
      %mul3A_1090 = arith.muli %add3A_1044, %mul3A_1089 : i32
      %add3A_1091 = arith.constant 0 : i32
      %add3A_1092 = arith.addi %mul3A_1090, %add3A_1091 : i32
      %swap3A_1093 = arith.constant 2 : i32
      %swap3A_1094 = arith.index_cast %swap3A_1093 : i32 to index
      %swap3A_1095 = arith.index_cast %add3A_1092 : i32 to index
      %swap3A_1096 = tpu.vector_load %arg6[%swap3A_1094, %swap3A_1095] {strides = array<i32>} : memref<9x10000xf32, #tpu.memory_space<vmem>>, vector<16xf32>,
      tpu.vector_store %arg6[%swap3A_1094, %swap3A_1095], %gather3A_1088 {strides = array<i32>} : memref<9x10000xf32, #tpu.memory_space<vmem>>, vector<16xf32>,
      %add3A_1097 = arith.constant 3 : i32
      %add3A_1098 = vector.broadcast %add3A_1097 : i32 to vector<16xi32>
      %add3A_1099 = arith.addi %mul3A_53, %add3A_1098 : vector<16xi32>
      %gather3A_1100 = tpu.vector_load_idx %arg5[%add3A_1060, %add3A_1099] : memref<10x128xf32, #tpu.memory_space<vmem>>[vector<16xi32>, vector<16xi32>], vector<16xf32>,
      %mul3A_1101 = arith.constant 80 : i32
      %mul3A_1102 = arith.muli %add3A_1044, %mul3A_1101 : i32
      %add3A_1103 = arith.constant 0 : i32
      %add3A_1104 = arith.addi %mul3A_1102, %add3A_1103 : i32
      %swap3A_1105 = arith.constant 3 : i32
      %swap3A_1106 = arith.index_cast %swap3A_1105 : i32 to index
      %swap3A_1107 = arith.index_cast %add3A_1104 : i32 to index
      %swap3A_1108 = tpu.vector_load %arg6[%swap3A_1106, %swap3A_1107] {strides = array<i32>} : memref<9x10000xf32, #tpu.memory_space<vmem>>, vector<16xf32>,
      tpu.vector_store %arg6[%swap3A_1106, %swap3A_1107], %gather3A_1100 {strides = array<i32>} : memref<9x10000xf32, #tpu.memory_space<vmem>>, vector<16xf32>,
      %add3A_1109 = arith.constant 4 : i32
      %add3A_1110 = vector.broadcast %add3A_1109 : i32 to vector<16xi32>
      %add3A_1111 = arith.addi %mul3A_53, %add3A_1110 : vector<16xi32>
      %gather3A_1112 = tpu.vector_load_idx %arg5[%add3A_1060, %add3A_1111] : memref<10x128xf32, #tpu.memory_space<vmem>>[vector<16xi32>, vector<16xi32>], vector<16xf32>,
      %mul3A_1113 = arith.constant 80 : i32
      %mul3A_1114 = arith.muli %add3A_1044, %mul3A_1113 : i32
      %add3A_1115 = arith.constant 0 : i32
      %add3A_1116 = arith.addi %mul3A_1114, %add3A_1115 : i32
      %swap3A_1117 = arith.constant 4 : i32
      %swap3A_1118 = arith.index_cast %swap3A_1117 : i32 to index
      %swap3A_1119 = arith.index_cast %add3A_1116 : i32 to index
      %swap3A_1120 = tpu.vector_load %arg6[%swap3A_1118, %swap3A_1119] {strides = array<i32>} : memref<9x10000xf32, #tpu.memory_space<vmem>>, vector<16xf32>,
      tpu.vector_store %arg6[%swap3A_1118, %swap3A_1119], %gather3A_1112 {strides = array<i32>} : memref<9x10000xf32, #tpu.memory_space<vmem>>, vector<16xf32>,
      %add3A_1121 = arith.constant 5 : i32
      %add3A_1122 = vector.broadcast %add3A_1121 : i32 to vector<16xi32>
      %add3A_1123 = arith.addi %mul3A_53, %add3A_1122 : vector<16xi32>
      %gather3A_1124 = tpu.vector_load_idx %arg5[%add3A_1060, %add3A_1123] : memref<10x128xf32, #tpu.memory_space<vmem>>[vector<16xi32>, vector<16xi32>], vector<16xf32>,
      %mul3A_1125 = arith.constant 80 : i32
      %mul3A_1126 = arith.muli %add3A_1044, %mul3A_1125 : i32
      %add3A_1127 = arith.constant 0 : i32
      %add3A_1128 = arith.addi %mul3A_1126, %add3A_1127 : i32
      %swap3A_1129 = arith.constant 5 : i32
      %swap3A_1130 = arith.index_cast %swap3A_1129 : i32 to index
      %swap3A_1131 = arith.index_cast %add3A_1128 : i32 to index
      %swap3A_1132 = tpu.vector_load %arg6[%swap3A_1130, %swap3A_1131] {strides = array<i32>} : memref<9x10000xf32, #tpu.memory_space<vmem>>, vector<16xf32>,
      tpu.vector_store %arg6[%swap3A_1130, %swap3A_1131], %gather3A_1124 {strides = array<i32>} : memref<9x10000xf32, #tpu.memory_space<vmem>>, vector<16xf32>,
      %add3A_1133 = arith.constant 6 : i32
      %add3A_1134 = vector.broadcast %add3A_1133 : i32 to vector<16xi32>
      %add3A_1135 = arith.addi %mul3A_53, %add3A_1134 : vector<16xi32>
      %gather3A_1136 = tpu.vector_load_idx %arg5[%add3A_1060, %add3A_1135] : memref<10x128xf32, #tpu.memory_space<vmem>>[vector<16xi32>, vector<16xi32>], vector<16xf32>,
      %mul3A_1137 = arith.constant 80 : i32
      %mul3A_1138 = arith.muli %add3A_1044, %mul3A_1137 : i32
      %add3A_1139 = arith.constant 0 : i32
      %add3A_1140 = arith.addi %mul3A_1138, %add3A_1139 : i32
      %swap3A_1141 = arith.constant 6 : i32
      %swap3A_1142 = arith.index_cast %swap3A_1141 : i32 to index
      %swap3A_1143 = arith.index_cast %add3A_1140 : i32 to index
      %swap3A_1144 = tpu.vector_load %arg6[%swap3A_1142, %swap3A_1143] {strides = array<i32>} : memref<9x10000xf32, #tpu.memory_space<vmem>>, vector<16xf32>,
      tpu.vector_store %arg6[%swap3A_1142, %swap3A_1143], %gather3A_1136 {strides = array<i32>} : memref<9x10000xf32, #tpu.memory_space<vmem>>, vector<16xf32>,
      %add3A_1145 = arith.constant 7 : i32
      %add3A_1146 = vector.broadcast %add3A_1145 : i32 to vector<16xi32>
      %add3A_1147 = arith.addi %mul3A_53, %add3A_1146 : vector<16xi32>
      %gather3A_1148 = tpu.vector_load_idx %arg5[%add3A_1060, %add3A_1147] : memref<10x128xf32, #tpu.memory_space<vmem>>[vector<16xi32>, vector<16xi32>], vector<16xf32>,
      %mul3A_1149 = arith.constant 80 : i32
      %mul3A_1150 = arith.muli %add3A_1044, %mul3A_1149 : i32
      %add3A_1151 = arith.constant 0 : i32
      %add3A_1152 = arith.addi %mul3A_1150, %add3A_1151 : i32
      %swap3A_1153 = arith.constant 7 : i32
      %swap3A_1154 = arith.index_cast %swap3A_1153 : i32 to index
      %swap3A_1155 = arith.index_cast %add3A_1152 : i32 to index
      %swap3A_1156 = tpu.vector_load %arg6[%swap3A_1154, %swap3A_1155] {strides = array<i32>} : memref<9x10000xf32, #tpu.memory_space<vmem>>, vector<16xf32>,
      tpu.vector_store %arg6[%swap3A_1154, %swap3A_1155], %gather3A_1148 {strides = array<i32>} : memref<9x10000xf32, #tpu.memory_space<vmem>>, vector<16xf32>,
      %add3A_1157 = arith.constant 8 : i32
      %add3A_1158 = vector.broadcast %add3A_1157 : i32 to vector<16xi32>
      %add3A_1159 = arith.addi %mul3A_53, %add3A_1158 : vector<16xi32>
      %gather3A_1160 = tpu.vector_load_idx %arg5[%add3A_1060, %add3A_1159] : memref<10x128xf32, #tpu.memory_space<vmem>>[vector<16xi32>, vector<16xi32>], vector<16xf32>,
      %mul3A_1161 = arith.constant 80 : i32
      %mul3A_1162 = arith.muli %add3A_1044, %mul3A_1161 : i32
      %add3A_1163 = arith.constant 0 : i32
      %add3A_1164 = arith.addi %mul3A_1162, %add3A_1163 : i32
      %swap3A_1165 = arith.constant 8 : i32
      %swap3A_1166 = arith.index_cast %swap3A_1165 : i32 to index
      %swap3A_1167 = arith.index_cast %add3A_1164 : i32 to index
      %swap3A_1168 = tpu.vector_load %arg6[%swap3A_1166, %swap3A_1167] {strides = array<i32>} : memref<9x10000xf32, #tpu.memory_space<vmem>>, vector<16xf32>,
      tpu.vector_store %arg6[%swap3A_1166, %swap3A_1167], %gather3A_1160 {strides = array<i32>} : memref<9x10000xf32, #tpu.memory_space<vmem>>, vector<16xf32>,
      %add3A_1169 = arith.constant 2 : i32
      %add3A_1170 = vector.broadcast %add3A_1169 : i32 to vector<16xi32>
      %add3A_1171 = arith.addi %select_n3A, %add3A_1170 : vector<16xi32>
      %add3A_1172 = arith.constant 0 : i32
      %add3A_1173 = vector.broadcast %add3A_1172 : i32 to vector<16xi32>
      %add3A_1174 = arith.addi %mul3A_53, %add3A_1173 : vector<16xi32>
      %gather3A_1175 = tpu.vector_load_idx %arg5[%add3A_1171, %add3A_1174] : memref<10x128xf32, #tpu.memory_space<vmem>>[vector<16xi32>, vector<16xi32>], vector<16xf32>,
      %mul3A_1176 = arith.constant 80 : i32
      %mul3A_1177 = arith.muli %add3A_1044, %mul3A_1176 : i32
      %add3A_1178 = arith.constant 16 : i32
      %add3A_1179 = arith.addi %mul3A_1177, %add3A_1178 : i32
      %swap3A_1180 = arith.constant 0 : i32
      %swap3A_1181 = arith.index_cast %swap3A_1180 : i32 to index
      %swap3A_1182 = arith.index_cast %add3A_1179 : i32 to index
      %swap3A_1183 = tpu.vector_load %arg6[%swap3A_1181, %swap3A_1182] {strides = array<i32>} : memref<9x10000xf32, #tpu.memory_space<vmem>>, vector<16xf32>,
      tpu.vector_store %arg6[%swap3A_1181, %swap3A_1182], %gather3A_1175 {strides = array<i32>} : memref<9x10000xf32, #tpu.memory_space<vmem>>, vector<16xf32>,
      %add3A_1184 = arith.constant 1 : i32
      %add3A_1185 = vector.broadcast %add3A_1184 : i32 to vector<16xi32>
      %add3A_1186 = arith.addi %mul3A_53, %add3A_1185 : vector<16xi32>
      %gather3A_1187 = tpu.vector_load_idx %arg5[%add3A_1171, %add3A_1186] : memref<10x128xf32, #tpu.memory_space<vmem>>[vector<16xi32>, vector<16xi32>], vector<16xf32>,
      %mul3A_1188 = arith.constant 80 : i32
      %mul3A_1189 = arith.muli %add3A_1044, %mul3A_1188 : i32
      %add3A_1190 = arith.constant 16 : i32
      %add3A_1191 = arith.addi %mul3A_1189, %add3A_1190 : i32
      %swap3A_1192 = arith.constant 1 : i32
      %swap3A_1193 = arith.index_cast %swap3A_1192 : i32 to index
      %swap3A_1194 = arith.index_cast %add3A_1191 : i32 to index
      %swap3A_1195 = tpu.vector_load %arg6[%swap3A_1193, %swap3A_1194] {strides = array<i32>} : memref<9x10000xf32, #tpu.memory_space<vmem>>, vector<16xf32>,
      tpu.vector_store %arg6[%swap3A_1193, %swap3A_1194], %gather3A_1187 {strides = array<i32>} : memref<9x10000xf32, #tpu.memory_space<vmem>>, vector<16xf32>,
      %add3A_1196 = arith.constant 2 : i32
      %add3A_1197 = vector.broadcast %add3A_1196 : i32 to vector<16xi32>
      %add3A_1198 = arith.addi %mul3A_53, %add3A_1197 : vector<16xi32>
      %gather3A_1199 = tpu.vector_load_idx %arg5[%add3A_1171, %add3A_1198] : memref<10x128xf32, #tpu.memory_space<vmem>>[vector<16xi32>, vector<16xi32>], vector<16xf32>,
      %mul3A_1200 = arith.constant 80 : i32
      %mul3A_1201 = arith.muli %add3A_1044, %mul3A_1200 : i32
      %add3A_1202 = arith.constant 16 : i32
      %add3A_1203 = arith.addi %mul3A_1201, %add3A_1202 : i32
      %swap3A_1204 = arith.constant 2 : i32
      %swap3A_1205 = arith.index_cast %swap3A_1204 : i32 to index
      %swap3A_1206 = arith.index_cast %add3A_1203 : i32 to index
      %swap3A_1207 = tpu.vector_load %arg6[%swap3A_1205, %swap3A_1206] {strides = array<i32>} : memref<9x10000xf32, #tpu.memory_space<vmem>>, vector<16xf32>,
      tpu.vector_store %arg6[%swap3A_1205, %swap3A_1206], %gather3A_1199 {strides = array<i32>} : memref<9x10000xf32, #tpu.memory_space<vmem>>, vector<16xf32>,
      %add3A_1208 = arith.constant 3 : i32
      %add3A_1209 = vector.broadcast %add3A_1208 : i32 to vector<16xi32>
      %add3A_1210 = arith.addi %mul3A_53, %add3A_1209 : vector<16xi32>
      %gather3A_1211 = tpu.vector_load_idx %arg5[%add3A_1171, %add3A_1210] : memref<10x128xf32, #tpu.memory_space<vmem>>[vector<16xi32>, vector<16xi32>], vector<16xf32>,
      %mul3A_1212 = arith.constant 80 : i32
      %mul3A_1213 = arith.muli %add3A_1044, %mul3A_1212 : i32
      %add3A_1214 = arith.constant 16 : i32
      %add3A_1215 = arith.addi %mul3A_1213, %add3A_1214 : i32
      %swap3A_1216 = arith.constant 3 : i32
      %swap3A_1217 = arith.index_cast %swap3A_1216 : i32 to index
      %swap3A_1218 = arith.index_cast %add3A_1215 : i32 to index
      %swap3A_1219 = tpu.vector_load %arg6[%swap3A_1217, %swap3A_1218] {strides = array<i32>} : memref<9x10000xf32, #tpu.memory_space<vmem>>, vector<16xf32>,
      tpu.vector_store %arg6[%swap3A_1217, %swap3A_1218], %gather3A_1211 {strides = array<i32>} : memref<9x10000xf32, #tpu.memory_space<vmem>>, vector<16xf32>,
      %add3A_1220 = arith.constant 4 : i32
      %add3A_1221 = vector.broadcast %add3A_1220 : i32 to vector<16xi32>
      %add3A_1222 = arith.addi %mul3A_53, %add3A_1221 : vector<16xi32>
      %gather3A_1223 = tpu.vector_load_idx %arg5[%add3A_1171, %add3A_1222] : memref<10x128xf32, #tpu.memory_space<vmem>>[vector<16xi32>, vector<16xi32>], vector<16xf32>,
      %mul3A_1224 = arith.constant 80 : i32
      %mul3A_1225 = arith.muli %add3A_1044, %mul3A_1224 : i32
      %add3A_1226 = arith.constant 16 : i32
      %add3A_1227 = arith.addi %mul3A_1225, %add3A_1226 : i32
      %swap3A_1228 = arith.constant 4 : i32
      %swap3A_1229 = arith.index_cast %swap3A_1228 : i32 to index
      %swap3A_1230 = arith.index_cast %add3A_1227 : i32 to index
      %swap3A_1231 = tpu.vector_load %arg6[%swap3A_1229, %swap3A_1230] {strides = array<i32>} : memref<9x10000xf32, #tpu.memory_space<vmem>>, vector<16xf32>,
      tpu.vector_store %arg6[%swap3A_1229, %swap3A_1230], %gather3A_1223 {strides = array<i32>} : memref<9x10000xf32, #tpu.memory_space<vmem>>, vector<16xf32>,
      %add3A_1232 = arith.constant 5 : i32
      %add3A_1233 = vector.broadcast %add3A_1232 : i32 to vector<16xi32>
      %add3A_1234 = arith.addi %mul3A_53, %add3A_1233 : vector<16xi32>
      %gather3A_1235 = tpu.vector_load_idx %arg5[%add3A_1171, %add3A_1234] : memref<10x128xf32, #tpu.memory_space<vmem>>[vector<16xi32>, vector<16xi32>], vector<16xf32>,
      %mul3A_1236 = arith.constant 80 : i32
      %mul3A_1237 = arith.muli %add3A_1044, %mul3A_1236 : i32
      %add3A_1238 = arith.constant 16 : i32
      %add3A_1239 = arith.addi %mul3A_1237, %add3A_1238 : i32
      %swap3A_1240 = arith.constant 5 : i32
      %swap3A_1241 = arith.index_cast %swap3A_1240 : i32 to index
      %swap3A_1242 = arith.index_cast %add3A_1239 : i32 to index
      %swap3A_1243 = tpu.vector_load %arg6[%swap3A_1241, %swap3A_1242] {strides = array<i32>} : memref<9x10000xf32, #tpu.memory_space<vmem>>, vector<16xf32>,
      tpu.vector_store %arg6[%swap3A_1241, %swap3A_1242], %gather3A_1235 {strides = array<i32>} : memref<9x10000xf32, #tpu.memory_space<vmem>>, vector<16xf32>,
      %add3A_1244 = arith.constant 6 : i32
      %add3A_1245 = vector.broadcast %add3A_1244 : i32 to vector<16xi32>
      %add3A_1246 = arith.addi %mul3A_53, %add3A_1245 : vector<16xi32>
      %gather3A_1247 = tpu.vector_load_idx %arg5[%add3A_1171, %add3A_1246] : memref<10x128xf32, #tpu.memory_space<vmem>>[vector<16xi32>, vector<16xi32>], vector<16xf32>,
      %mul3A_1248 = arith.constant 80 : i32
      %mul3A_1249 = arith.muli %add3A_1044, %mul3A_1248 : i32
      %add3A_1250 = arith.constant 16 : i32
      %add3A_1251 = arith.addi %mul3A_1249, %add3A_1250 : i32
      %swap3A_1252 = arith.constant 6 : i32
      %swap3A_1253 = arith.index_cast %swap3A_1252 : i32 to index
      %swap3A_1254 = arith.index_cast %add3A_1251 : i32 to index
      %swap3A_1255 = tpu.vector_load %arg6[%swap3A_1253, %swap3A_1254] {strides = array<i32>} : memref<9x10000xf32, #tpu.memory_space<vmem>>, vector<16xf32>,
      tpu.vector_store %arg6[%swap3A_1253, %swap3A_1254], %gather3A_1247 {strides = array<i32>} : memref<9x10000xf32, #tpu.memory_space<vmem>>, vector<16xf32>,
      %add3A_1256 = arith.constant 7 : i32
      %add3A_1257 = vector.broadcast %add3A_1256 : i32 to vector<16xi32>
      %add3A_1258 = arith.addi %mul3A_53, %add3A_1257 : vector<16xi32>
      %gather3A_1259 = tpu.vector_load_idx %arg5[%add3A_1171, %add3A_1258] : memref<10x128xf32, #tpu.memory_space<vmem>>[vector<16xi32>, vector<16xi32>], vector<16xf32>,
      %mul3A_1260 = arith.constant 80 : i32
      %mul3A_1261 = arith.muli %add3A_1044, %mul3A_1260 : i32
      %add3A_1262 = arith.constant 16 : i32
      %add3A_1263 = arith.addi %mul3A_1261, %add3A_1262 : i32
      %swap3A_1264 = arith.constant 7 : i32
      %swap3A_1265 = arith.index_cast %swap3A_1264 : i32 to index
      %swap3A_1266 = arith.index_cast %add3A_1263 : i32 to index
      %swap3A_1267 = tpu.vector_load %arg6[%swap3A_1265, %swap3A_1266] {strides = array<i32>} : memref<9x10000xf32, #tpu.memory_space<vmem>>, vector<16xf32>,
      tpu.vector_store %arg6[%swap3A_1265, %swap3A_1266], %gather3A_1259 {strides = array<i32>} : memref<9x10000xf32, #tpu.memory_space<vmem>>, vector<16xf32>,
      %add3A_1268 = arith.constant 8 : i32
      %add3A_1269 = vector.broadcast %add3A_1268 : i32 to vector<16xi32>
      %add3A_1270 = arith.addi %mul3A_53, %add3A_1269 : vector<16xi32>
      %gather3A_1271 = tpu.vector_load_idx %arg5[%add3A_1171, %add3A_1270] : memref<10x128xf32, #tpu.memory_space<vmem>>[vector<16xi32>, vector<16xi32>], vector<16xf32>,
      %mul3A_1272 = arith.constant 80 : i32
      %mul3A_1273 = arith.muli %add3A_1044, %mul3A_1272 : i32
      %add3A_1274 = arith.constant 16 : i32
      %add3A_1275 = arith.addi %mul3A_1273, %add3A_1274 : i32
      %swap3A_1276 = arith.constant 8 : i32
      %swap3A_1277 = arith.index_cast %swap3A_1276 : i32 to index
      %swap3A_1278 = arith.index_cast %add3A_1275 : i32 to index
      %swap3A_1279 = tpu.vector_load %arg6[%swap3A_1277, %swap3A_1278] {strides = array<i32>} : memref<9x10000xf32, #tpu.memory_space<vmem>>, vector<16xf32>,
      tpu.vector_store %arg6[%swap3A_1277, %swap3A_1278], %gather3A_1271 {strides = array<i32>} : memref<9x10000xf32, #tpu.memory_space<vmem>>, vector<16xf32>,
      %add3A_1280 = arith.constant 4 : i32
      %add3A_1281 = vector.broadcast %add3A_1280 : i32 to vector<16xi32>
      %add3A_1282 = arith.addi %select_n3A, %add3A_1281 : vector<16xi32>
      %add3A_1283 = arith.constant 0 : i32
      %add3A_1284 = vector.broadcast %add3A_1283 : i32 to vector<16xi32>
      %add3A_1285 = arith.addi %mul3A_53, %add3A_1284 : vector<16xi32>
      %gather3A_1286 = tpu.vector_load_idx %arg5[%add3A_1282, %add3A_1285] : memref<10x128xf32, #tpu.memory_space<vmem>>[vector<16xi32>, vector<16xi32>], vector<16xf32>,
      %mul3A_1287 = arith.constant 80 : i32
      %mul3A_1288 = arith.muli %add3A_1044, %mul3A_1287 : i32
      %add3A_1289 = arith.constant 32 : i32
      %add3A_1290 = arith.addi %mul3A_1288, %add3A_1289 : i32
      %swap3A_1291 = arith.constant 0 : i32
      %swap3A_1292 = arith.index_cast %swap3A_1291 : i32 to index
      %swap3A_1293 = arith.index_cast %add3A_1290 : i32 to index
      %swap3A_1294 = tpu.vector_load %arg6[%swap3A_1292, %swap3A_1293] {strides = array<i32>} : memref<9x10000xf32, #tpu.memory_space<vmem>>, vector<16xf32>,
      tpu.vector_store %arg6[%swap3A_1292, %swap3A_1293], %gather3A_1286 {strides = array<i32>} : memref<9x10000xf32, #tpu.memory_space<vmem>>, vector<16xf32>,
      %add3A_1295 = arith.constant 1 : i32
      %add3A_1296 = vector.broadcast %add3A_1295 : i32 to vector<16xi32>
      %add3A_1297 = arith.addi %mul3A_53, %add3A_1296 : vector<16xi32>
      %gather3A_1298 = tpu.vector_load_idx %arg5[%add3A_1282, %add3A_1297] : memref<10x128xf32, #tpu.memory_space<vmem>>[vector<16xi32>, vector<16xi32>], vector<16xf32>,
      %mul3A_1299 = arith.constant 80 : i32
      %mul3A_1300 = arith.muli %add3A_1044, %mul3A_1299 : i32
      %add3A_1301 = arith.constant 32 : i32
      %add3A_1302 = arith.addi %mul3A_1300, %add3A_1301 : i32
      %swap3A_1303 = arith.constant 1 : i32
      %swap3A_1304 = arith.index_cast %swap3A_1303 : i32 to index
      %swap3A_1305 = arith.index_cast %add3A_1302 : i32 to index
      %swap3A_1306 = tpu.vector_load %arg6[%swap3A_1304, %swap3A_1305] {strides = array<i32>} : memref<9x10000xf32, #tpu.memory_space<vmem>>, vector<16xf32>,
      tpu.vector_store %arg6[%swap3A_1304, %swap3A_1305], %gather3A_1298 {strides = array<i32>} : memref<9x10000xf32, #tpu.memory_space<vmem>>, vector<16xf32>,
      %add3A_1307 = arith.constant 2 : i32
      %add3A_1308 = vector.broadcast %add3A_1307 : i32 to vector<16xi32>
      %add3A_1309 = arith.addi %mul3A_53, %add3A_1308 : vector<16xi32>
      %gather3A_1310 = tpu.vector_load_idx %arg5[%add3A_1282, %add3A_1309] : memref<10x128xf32, #tpu.memory_space<vmem>>[vector<16xi32>, vector<16xi32>], vector<16xf32>,
      %mul3A_1311 = arith.constant 80 : i32
      %mul3A_1312 = arith.muli %add3A_1044, %mul3A_1311 : i32
      %add3A_1313 = arith.constant 32 : i32
      %add3A_1314 = arith.addi %mul3A_1312, %add3A_1313 : i32
      %swap3A_1315 = arith.constant 2 : i32
      %swap3A_1316 = arith.index_cast %swap3A_1315 : i32 to index
      %swap3A_1317 = arith.index_cast %add3A_1314 : i32 to index
      %swap3A_1318 = tpu.vector_load %arg6[%swap3A_1316, %swap3A_1317] {strides = array<i32>} : memref<9x10000xf32, #tpu.memory_space<vmem>>, vector<16xf32>,
      tpu.vector_store %arg6[%swap3A_1316, %swap3A_1317], %gather3A_1310 {strides = array<i32>} : memref<9x10000xf32, #tpu.memory_space<vmem>>, vector<16xf32>,
      %add3A_1319 = arith.constant 3 : i32
      %add3A_1320 = vector.broadcast %add3A_1319 : i32 to vector<16xi32>
      %add3A_1321 = arith.addi %mul3A_53, %add3A_1320 : vector<16xi32>
      %gather3A_1322 = tpu.vector_load_idx %arg5[%add3A_1282, %add3A_1321] : memref<10x128xf32, #tpu.memory_space<vmem>>[vector<16xi32>, vector<16xi32>], vector<16xf32>,
      %mul3A_1323 = arith.constant 80 : i32
      %mul3A_1324 = arith.muli %add3A_1044, %mul3A_1323 : i32
      %add3A_1325 = arith.constant 32 : i32
      %add3A_1326 = arith.addi %mul3A_1324, %add3A_1325 : i32
      %swap3A_1327 = arith.constant 3 : i32
      %swap3A_1328 = arith.index_cast %swap3A_1327 : i32 to index
      %swap3A_1329 = arith.index_cast %add3A_1326 : i32 to index
      %swap3A_1330 = tpu.vector_load %arg6[%swap3A_1328, %swap3A_1329] {strides = array<i32>} : memref<9x10000xf32, #tpu.memory_space<vmem>>, vector<16xf32>,
      tpu.vector_store %arg6[%swap3A_1328, %swap3A_1329], %gather3A_1322 {strides = array<i32>} : memref<9x10000xf32, #tpu.memory_space<vmem>>, vector<16xf32>,
      %add3A_1331 = arith.constant 4 : i32
      %add3A_1332 = vector.broadcast %add3A_1331 : i32 to vector<16xi32>
      %add3A_1333 = arith.addi %mul3A_53, %add3A_1332 : vector<16xi32>
      %gather3A_1334 = tpu.vector_load_idx %arg5[%add3A_1282, %add3A_1333] : memref<10x128xf32, #tpu.memory_space<vmem>>[vector<16xi32>, vector<16xi32>], vector<16xf32>,
      %mul3A_1335 = arith.constant 80 : i32
      %mul3A_1336 = arith.muli %add3A_1044, %mul3A_1335 : i32
      %add3A_1337 = arith.constant 32 : i32
      %add3A_1338 = arith.addi %mul3A_1336, %add3A_1337 : i32
      %swap3A_1339 = arith.constant 4 : i32
      %swap3A_1340 = arith.index_cast %swap3A_1339 : i32 to index
      %swap3A_1341 = arith.index_cast %add3A_1338 : i32 to index
      %swap3A_1342 = tpu.vector_load %arg6[%swap3A_1340, %swap3A_1341] {strides = array<i32>} : memref<9x10000xf32, #tpu.memory_space<vmem>>, vector<16xf32>,
      tpu.vector_store %arg6[%swap3A_1340, %swap3A_1341], %gather3A_1334 {strides = array<i32>} : memref<9x10000xf32, #tpu.memory_space<vmem>>, vector<16xf32>,
      %add3A_1343 = arith.constant 5 : i32
      %add3A_1344 = vector.broadcast %add3A_1343 : i32 to vector<16xi32>
      %add3A_1345 = arith.addi %mul3A_53, %add3A_1344 : vector<16xi32>
      %gather3A_1346 = tpu.vector_load_idx %arg5[%add3A_1282, %add3A_1345] : memref<10x128xf32, #tpu.memory_space<vmem>>[vector<16xi32>, vector<16xi32>], vector<16xf32>,
      %mul3A_1347 = arith.constant 80 : i32
      %mul3A_1348 = arith.muli %add3A_1044, %mul3A_1347 : i32
      %add3A_1349 = arith.constant 32 : i32
      %add3A_1350 = arith.addi %mul3A_1348, %add3A_1349 : i32
      %swap3A_1351 = arith.constant 5 : i32
      %swap3A_1352 = arith.index_cast %swap3A_1351 : i32 to index
      %swap3A_1353 = arith.index_cast %add3A_1350 : i32 to index
      %swap3A_1354 = tpu.vector_load %arg6[%swap3A_1352, %swap3A_1353] {strides = array<i32>} : memref<9x10000xf32, #tpu.memory_space<vmem>>, vector<16xf32>,
      tpu.vector_store %arg6[%swap3A_1352, %swap3A_1353], %gather3A_1346 {strides = array<i32>} : memref<9x10000xf32, #tpu.memory_space<vmem>>, vector<16xf32>,
      %add3A_1355 = arith.constant 6 : i32
      %add3A_1356 = vector.broadcast %add3A_1355 : i32 to vector<16xi32>
      %add3A_1357 = arith.addi %mul3A_53, %add3A_1356 : vector<16xi32>
      %gather3A_1358 = tpu.vector_load_idx %arg5[%add3A_1282, %add3A_1357] : memref<10x128xf32, #tpu.memory_space<vmem>>[vector<16xi32>, vector<16xi32>], vector<16xf32>,
      %mul3A_1359 = arith.constant 80 : i32
      %mul3A_1360 = arith.muli %add3A_1044, %mul3A_1359 : i32
      %add3A_1361 = arith.constant 32 : i32
      %add3A_1362 = arith.addi %mul3A_1360, %add3A_1361 : i32
      %swap3A_1363 = arith.constant 6 : i32
      %swap3A_1364 = arith.index_cast %swap3A_1363 : i32 to index
      %swap3A_1365 = arith.index_cast %add3A_1362 : i32 to index
      %swap3A_1366 = tpu.vector_load %arg6[%swap3A_1364, %swap3A_1365] {strides = array<i32>} : memref<9x10000xf32, #tpu.memory_space<vmem>>, vector<16xf32>,
      tpu.vector_store %arg6[%swap3A_1364, %swap3A_1365], %gather3A_1358 {strides = array<i32>} : memref<9x10000xf32, #tpu.memory_space<vmem>>, vector<16xf32>,
      %add3A_1367 = arith.constant 7 : i32
      %add3A_1368 = vector.broadcast %add3A_1367 : i32 to vector<16xi32>
      %add3A_1369 = arith.addi %mul3A_53, %add3A_1368 : vector<16xi32>
      %gather3A_1370 = tpu.vector_load_idx %arg5[%add3A_1282, %add3A_1369] : memref<10x128xf32, #tpu.memory_space<vmem>>[vector<16xi32>, vector<16xi32>], vector<16xf32>,
      %mul3A_1371 = arith.constant 80 : i32
      %mul3A_1372 = arith.muli %add3A_1044, %mul3A_1371 : i32
      %add3A_1373 = arith.constant 32 : i32
      %add3A_1374 = arith.addi %mul3A_1372, %add3A_1373 : i32
      %swap3A_1375 = arith.constant 7 : i32
      %swap3A_1376 = arith.index_cast %swap3A_1375 : i32 to index
      %swap3A_1377 = arith.index_cast %add3A_1374 : i32 to index
      %swap3A_1378 = tpu.vector_load %arg6[%swap3A_1376, %swap3A_1377] {strides = array<i32>} : memref<9x10000xf32, #tpu.memory_space<vmem>>, vector<16xf32>,
      tpu.vector_store %arg6[%swap3A_1376, %swap3A_1377], %gather3A_1370 {strides = array<i32>} : memref<9x10000xf32, #tpu.memory_space<vmem>>, vector<16xf32>,
      %add3A_1379 = arith.constant 8 : i32
      %add3A_1380 = vector.broadcast %add3A_1379 : i32 to vector<16xi32>
      %add3A_1381 = arith.addi %mul3A_53, %add3A_1380 : vector<16xi32>
      %gather3A_1382 = tpu.vector_load_idx %arg5[%add3A_1282, %add3A_1381] : memref<10x128xf32, #tpu.memory_space<vmem>>[vector<16xi32>, vector<16xi32>], vector<16xf32>,
      %mul3A_1383 = arith.constant 80 : i32
      %mul3A_1384 = arith.muli %add3A_1044, %mul3A_1383 : i32
      %add3A_1385 = arith.constant 32 : i32
      %add3A_1386 = arith.addi %mul3A_1384, %add3A_1385 : i32
      %swap3A_1387 = arith.constant 8 : i32
      %swap3A_1388 = arith.index_cast %swap3A_1387 : i32 to index
      %swap3A_1389 = arith.index_cast %add3A_1386 : i32 to index
      %swap3A_1390 = tpu.vector_load %arg6[%swap3A_1388, %swap3A_1389] {strides = array<i32>} : memref<9x10000xf32, #tpu.memory_space<vmem>>, vector<16xf32>,
      tpu.vector_store %arg6[%swap3A_1388, %swap3A_1389], %gather3A_1382 {strides = array<i32>} : memref<9x10000xf32, #tpu.memory_space<vmem>>, vector<16xf32>,
      %add3A_1391 = arith.constant 6 : i32
      %add3A_1392 = vector.broadcast %add3A_1391 : i32 to vector<16xi32>
      %add3A_1393 = arith.addi %select_n3A, %add3A_1392 : vector<16xi32>
      %add3A_1394 = arith.constant 0 : i32
      %add3A_1395 = vector.broadcast %add3A_1394 : i32 to vector<16xi32>
      %add3A_1396 = arith.addi %mul3A_53, %add3A_1395 : vector<16xi32>
      %gather3A_1397 = tpu.vector_load_idx %arg5[%add3A_1393, %add3A_1396] : memref<10x128xf32, #tpu.memory_space<vmem>>[vector<16xi32>, vector<16xi32>], vector<16xf32>,
      %mul3A_1398 = arith.constant 80 : i32
      %mul3A_1399 = arith.muli %add3A_1044, %mul3A_1398 : i32
      %add3A_1400 = arith.constant 48 : i32
      %add3A_1401 = arith.addi %mul3A_1399, %add3A_1400 : i32
      %swap3A_1402 = arith.constant 0 : i32
      %swap3A_1403 = arith.index_cast %swap3A_1402 : i32 to index
      %swap3A_1404 = arith.index_cast %add3A_1401 : i32 to index
      %swap3A_1405 = tpu.vector_load %arg6[%swap3A_1403, %swap3A_1404] {strides = array<i32>} : memref<9x10000xf32, #tpu.memory_space<vmem>>, vector<16xf32>,
      tpu.vector_store %arg6[%swap3A_1403, %swap3A_1404], %gather3A_1397 {strides = array<i32>} : memref<9x10000xf32, #tpu.memory_space<vmem>>, vector<16xf32>,
      %add3A_1406 = arith.constant 1 : i32
      %add3A_1407 = vector.broadcast %add3A_1406 : i32 to vector<16xi32>
      %add3A_1408 = arith.addi %mul3A_53, %add3A_1407 : vector<16xi32>
      %gather3A_1409 = tpu.vector_load_idx %arg5[%add3A_1393, %add3A_1408] : memref<10x128xf32, #tpu.memory_space<vmem>>[vector<16xi32>, vector<16xi32>], vector<16xf32>,
      %mul3A_1410 = arith.constant 80 : i32
      %mul3A_1411 = arith.muli %add3A_1044, %mul3A_1410 : i32
      %add3A_1412 = arith.constant 48 : i32
      %add3A_1413 = arith.addi %mul3A_1411, %add3A_1412 : i32
      %swap3A_1414 = arith.constant 1 : i32
      %swap3A_1415 = arith.index_cast %swap3A_1414 : i32 to index
      %swap3A_1416 = arith.index_cast %add3A_1413 : i32 to index
      %swap3A_1417 = tpu.vector_load %arg6[%swap3A_1415, %swap3A_1416] {strides = array<i32>} : memref<9x10000xf32, #tpu.memory_space<vmem>>, vector<16xf32>,
      tpu.vector_store %arg6[%swap3A_1415, %swap3A_1416], %gather3A_1409 {strides = array<i32>} : memref<9x10000xf32, #tpu.memory_space<vmem>>, vector<16xf32>,
      %add3A_1418 = arith.constant 2 : i32
      %add3A_1419 = vector.broadcast %add3A_1418 : i32 to vector<16xi32>
      %add3A_1420 = arith.addi %mul3A_53, %add3A_1419 : vector<16xi32>
      %gather3A_1421 = tpu.vector_load_idx %arg5[%add3A_1393, %add3A_1420] : memref<10x128xf32, #tpu.memory_space<vmem>>[vector<16xi32>, vector<16xi32>], vector<16xf32>,
      %mul3A_1422 = arith.constant 80 : i32
      %mul3A_1423 = arith.muli %add3A_1044, %mul3A_1422 : i32
      %add3A_1424 = arith.constant 48 : i32
      %add3A_1425 = arith.addi %mul3A_1423, %add3A_1424 : i32
      %swap3A_1426 = arith.constant 2 : i32
      %swap3A_1427 = arith.index_cast %swap3A_1426 : i32 to index
      %swap3A_1428 = arith.index_cast %add3A_1425 : i32 to index
      %swap3A_1429 = tpu.vector_load %arg6[%swap3A_1427, %swap3A_1428] {strides = array<i32>} : memref<9x10000xf32, #tpu.memory_space<vmem>>, vector<16xf32>,
      tpu.vector_store %arg6[%swap3A_1427, %swap3A_1428], %gather3A_1421 {strides = array<i32>} : memref<9x10000xf32, #tpu.memory_space<vmem>>, vector<16xf32>,
      %add3A_1430 = arith.constant 3 : i32
      %add3A_1431 = vector.broadcast %add3A_1430 : i32 to vector<16xi32>
      %add3A_1432 = arith.addi %mul3A_53, %add3A_1431 : vector<16xi32>
      %gather3A_1433 = tpu.vector_load_idx %arg5[%add3A_1393, %add3A_1432] : memref<10x128xf32, #tpu.memory_space<vmem>>[vector<16xi32>, vector<16xi32>], vector<16xf32>,
      %mul3A_1434 = arith.constant 80 : i32
      %mul3A_1435 = arith.muli %add3A_1044, %mul3A_1434 : i32
      %add3A_1436 = arith.constant 48 : i32
      %add3A_1437 = arith.addi %mul3A_1435, %add3A_1436 : i32
      %swap3A_1438 = arith.constant 3 : i32
      %swap3A_1439 = arith.index_cast %swap3A_1438 : i32 to index
      %swap3A_1440 = arith.index_cast %add3A_1437 : i32 to index
      %swap3A_1441 = tpu.vector_load %arg6[%swap3A_1439, %swap3A_1440] {strides = array<i32>} : memref<9x10000xf32, #tpu.memory_space<vmem>>, vector<16xf32>,
      tpu.vector_store %arg6[%swap3A_1439, %swap3A_1440], %gather3A_1433 {strides = array<i32>} : memref<9x10000xf32, #tpu.memory_space<vmem>>, vector<16xf32>,
      %add3A_1442 = arith.constant 4 : i32
      %add3A_1443 = vector.broadcast %add3A_1442 : i32 to vector<16xi32>
      %add3A_1444 = arith.addi %mul3A_53, %add3A_1443 : vector<16xi32>
      %gather3A_1445 = tpu.vector_load_idx %arg5[%add3A_1393, %add3A_1444] : memref<10x128xf32, #tpu.memory_space<vmem>>[vector<16xi32>, vector<16xi32>], vector<16xf32>,
      %mul3A_1446 = arith.constant 80 : i32
      %mul3A_1447 = arith.muli %add3A_1044, %mul3A_1446 : i32
      %add3A_1448 = arith.constant 48 : i32
      %add3A_1449 = arith.addi %mul3A_1447, %add3A_1448 : i32
      %swap3A_1450 = arith.constant 4 : i32
      %swap3A_1451 = arith.index_cast %swap3A_1450 : i32 to index
      %swap3A_1452 = arith.index_cast %add3A_1449 : i32 to index
      %swap3A_1453 = tpu.vector_load %arg6[%swap3A_1451, %swap3A_1452] {strides = array<i32>} : memref<9x10000xf32, #tpu.memory_space<vmem>>, vector<16xf32>,
      tpu.vector_store %arg6[%swap3A_1451, %swap3A_1452], %gather3A_1445 {strides = array<i32>} : memref<9x10000xf32, #tpu.memory_space<vmem>>, vector<16xf32>,
      %add3A_1454 = arith.constant 5 : i32
      %add3A_1455 = vector.broadcast %add3A_1454 : i32 to vector<16xi32>
      %add3A_1456 = arith.addi %mul3A_53, %add3A_1455 : vector<16xi32>
      %gather3A_1457 = tpu.vector_load_idx %arg5[%add3A_1393, %add3A_1456] : memref<10x128xf32, #tpu.memory_space<vmem>>[vector<16xi32>, vector<16xi32>], vector<16xf32>,
      %mul3A_1458 = arith.constant 80 : i32
      %mul3A_1459 = arith.muli %add3A_1044, %mul3A_1458 : i32
      %add3A_1460 = arith.constant 48 : i32
      %add3A_1461 = arith.addi %mul3A_1459, %add3A_1460 : i32
      %swap3A_1462 = arith.constant 5 : i32
      %swap3A_1463 = arith.index_cast %swap3A_1462 : i32 to index
      %swap3A_1464 = arith.index_cast %add3A_1461 : i32 to index
      %swap3A_1465 = tpu.vector_load %arg6[%swap3A_1463, %swap3A_1464] {strides = array<i32>} : memref<9x10000xf32, #tpu.memory_space<vmem>>, vector<16xf32>,
      tpu.vector_store %arg6[%swap3A_1463, %swap3A_1464], %gather3A_1457 {strides = array<i32>} : memref<9x10000xf32, #tpu.memory_space<vmem>>, vector<16xf32>,
      %add3A_1466 = arith.constant 6 : i32
      %add3A_1467 = vector.broadcast %add3A_1466 : i32 to vector<16xi32>
      %add3A_1468 = arith.addi %mul3A_53, %add3A_1467 : vector<16xi32>
      %gather3A_1469 = tpu.vector_load_idx %arg5[%add3A_1393, %add3A_1468] : memref<10x128xf32, #tpu.memory_space<vmem>>[vector<16xi32>, vector<16xi32>], vector<16xf32>,
      %mul3A_1470 = arith.constant 80 : i32
      %mul3A_1471 = arith.muli %add3A_1044, %mul3A_1470 : i32
      %add3A_1472 = arith.constant 48 : i32
      %add3A_1473 = arith.addi %mul3A_1471, %add3A_1472 : i32
      %swap3A_1474 = arith.constant 6 : i32
      %swap3A_1475 = arith.index_cast %swap3A_1474 : i32 to index
      %swap3A_1476 = arith.index_cast %add3A_1473 : i32 to index
      %swap3A_1477 = tpu.vector_load %arg6[%swap3A_1475, %swap3A_1476] {strides = array<i32>} : memref<9x10000xf32, #tpu.memory_space<vmem>>, vector<16xf32>,
      tpu.vector_store %arg6[%swap3A_1475, %swap3A_1476], %gather3A_1469 {strides = array<i32>} : memref<9x10000xf32, #tpu.memory_space<vmem>>, vector<16xf32>,
      %add3A_1478 = arith.constant 7 : i32
      %add3A_1479 = vector.broadcast %add3A_1478 : i32 to vector<16xi32>
      %add3A_1480 = arith.addi %mul3A_53, %add3A_1479 : vector<16xi32>
      %gather3A_1481 = tpu.vector_load_idx %arg5[%add3A_1393, %add3A_1480] : memref<10x128xf32, #tpu.memory_space<vmem>>[vector<16xi32>, vector<16xi32>], vector<16xf32>,
      %mul3A_1482 = arith.constant 80 : i32
      %mul3A_1483 = arith.muli %add3A_1044, %mul3A_1482 : i32
      %add3A_1484 = arith.constant 48 : i32
      %add3A_1485 = arith.addi %mul3A_1483, %add3A_1484 : i32
      %swap3A_1486 = arith.constant 7 : i32
      %swap3A_1487 = arith.index_cast %swap3A_1486 : i32 to index
      %swap3A_1488 = arith.index_cast %add3A_1485 : i32 to index
      %swap3A_1489 = tpu.vector_load %arg6[%swap3A_1487, %swap3A_1488] {strides = array<i32>} : memref<9x10000xf32, #tpu.memory_space<vmem>>, vector<16xf32>,
      tpu.vector_store %arg6[%swap3A_1487, %swap3A_1488], %gather3A_1481 {strides = array<i32>} : memref<9x10000xf32, #tpu.memory_space<vmem>>, vector<16xf32>,
      %add3A_1490 = arith.constant 8 : i32
      %add3A_1491 = vector.broadcast %add3A_1490 : i32 to vector<16xi32>
      %add3A_1492 = arith.addi %mul3A_53, %add3A_1491 : vector<16xi32>
      %gather3A_1493 = tpu.vector_load_idx %arg5[%add3A_1393, %add3A_1492] : memref<10x128xf32, #tpu.memory_space<vmem>>[vector<16xi32>, vector<16xi32>], vector<16xf32>,
      %mul3A_1494 = arith.constant 80 : i32
      %mul3A_1495 = arith.muli %add3A_1044, %mul3A_1494 : i32
      %add3A_1496 = arith.constant 48 : i32
      %add3A_1497 = arith.addi %mul3A_1495, %add3A_1496 : i32
      %swap3A_1498 = arith.constant 8 : i32
      %swap3A_1499 = arith.index_cast %swap3A_1498 : i32 to index
      %swap3A_1500 = arith.index_cast %add3A_1497 : i32 to index
      %swap3A_1501 = tpu.vector_load %arg6[%swap3A_1499, %swap3A_1500] {strides = array<i32>} : memref<9x10000xf32, #tpu.memory_space<vmem>>, vector<16xf32>,
      tpu.vector_store %arg6[%swap3A_1499, %swap3A_1500], %gather3A_1493 {strides = array<i32>} : memref<9x10000xf32, #tpu.memory_space<vmem>>, vector<16xf32>,
      %add3A_1502 = arith.constant 8 : i32
      %add3A_1503 = vector.broadcast %add3A_1502 : i32 to vector<16xi32>
      %add3A_1504 = arith.addi %select_n3A, %add3A_1503 : vector<16xi32>
      %add3A_1505 = arith.constant 0 : i32
      %add3A_1506 = vector.broadcast %add3A_1505 : i32 to vector<16xi32>
      %add3A_1507 = arith.addi %mul3A_53, %add3A_1506 : vector<16xi32>
      %gather3A_1508 = tpu.vector_load_idx %arg5[%add3A_1504, %add3A_1507] : memref<10x128xf32, #tpu.memory_space<vmem>>[vector<16xi32>, vector<16xi32>], vector<16xf32>,
      %mul3A_1509 = arith.constant 80 : i32
      %mul3A_1510 = arith.muli %add3A_1044, %mul3A_1509 : i32
      %add3A_1511 = arith.constant 64 : i32
      %add3A_1512 = arith.addi %mul3A_1510, %add3A_1511 : i32
      %swap3A_1513 = arith.constant 0 : i32
      %swap3A_1514 = arith.index_cast %swap3A_1513 : i32 to index
      %swap3A_1515 = arith.index_cast %add3A_1512 : i32 to index
      %swap3A_1516 = tpu.vector_load %arg6[%swap3A_1514, %swap3A_1515] {strides = array<i32>} : memref<9x10000xf32, #tpu.memory_space<vmem>>, vector<16xf32>,
      tpu.vector_store %arg6[%swap3A_1514, %swap3A_1515], %gather3A_1508 {strides = array<i32>} : memref<9x10000xf32, #tpu.memory_space<vmem>>, vector<16xf32>,
      %add3A_1517 = arith.constant 1 : i32
      %add3A_1518 = vector.broadcast %add3A_1517 : i32 to vector<16xi32>
      %add3A_1519 = arith.addi %mul3A_53, %add3A_1518 : vector<16xi32>
      %gather3A_1520 = tpu.vector_load_idx %arg5[%add3A_1504, %add3A_1519] : memref<10x128xf32, #tpu.memory_space<vmem>>[vector<16xi32>, vector<16xi32>], vector<16xf32>,
      %mul3A_1521 = arith.constant 80 : i32
      %mul3A_1522 = arith.muli %add3A_1044, %mul3A_1521 : i32
      %add3A_1523 = arith.constant 64 : i32
      %add3A_1524 = arith.addi %mul3A_1522, %add3A_1523 : i32
      %swap3A_1525 = arith.constant 1 : i32
      %swap3A_1526 = arith.index_cast %swap3A_1525 : i32 to index
      %swap3A_1527 = arith.index_cast %add3A_1524 : i32 to index
      %swap3A_1528 = tpu.vector_load %arg6[%swap3A_1526, %swap3A_1527] {strides = array<i32>} : memref<9x10000xf32, #tpu.memory_space<vmem>>, vector<16xf32>,
      tpu.vector_store %arg6[%swap3A_1526, %swap3A_1527], %gather3A_1520 {strides = array<i32>} : memref<9x10000xf32, #tpu.memory_space<vmem>>, vector<16xf32>,
      %add3A_1529 = arith.constant 2 : i32
      %add3A_1530 = vector.broadcast %add3A_1529 : i32 to vector<16xi32>
      %add3A_1531 = arith.addi %mul3A_53, %add3A_1530 : vector<16xi32>
      %gather3A_1532 = tpu.vector_load_idx %arg5[%add3A_1504, %add3A_1531] : memref<10x128xf32, #tpu.memory_space<vmem>>[vector<16xi32>, vector<16xi32>], vector<16xf32>,
      %mul3A_1533 = arith.constant 80 : i32
      %mul3A_1534 = arith.muli %add3A_1044, %mul3A_1533 : i32
      %add3A_1535 = arith.constant 64 : i32
      %add3A_1536 = arith.addi %mul3A_1534, %add3A_1535 : i32
      %swap3A_1537 = arith.constant 2 : i32
      %swap3A_1538 = arith.index_cast %swap3A_1537 : i32 to index
      %swap3A_1539 = arith.index_cast %add3A_1536 : i32 to index
      %swap3A_1540 = tpu.vector_load %arg6[%swap3A_1538, %swap3A_1539] {strides = array<i32>} : memref<9x10000xf32, #tpu.memory_space<vmem>>, vector<16xf32>,
      tpu.vector_store %arg6[%swap3A_1538, %swap3A_1539], %gather3A_1532 {strides = array<i32>} : memref<9x10000xf32, #tpu.memory_space<vmem>>, vector<16xf32>,
      %add3A_1541 = arith.constant 3 : i32
      %add3A_1542 = vector.broadcast %add3A_1541 : i32 to vector<16xi32>
      %add3A_1543 = arith.addi %mul3A_53, %add3A_1542 : vector<16xi32>
      %gather3A_1544 = tpu.vector_load_idx %arg5[%add3A_1504, %add3A_1543] : memref<10x128xf32, #tpu.memory_space<vmem>>[vector<16xi32>, vector<16xi32>], vector<16xf32>,
      %mul3A_1545 = arith.constant 80 : i32
      %mul3A_1546 = arith.muli %add3A_1044, %mul3A_1545 : i32
      %add3A_1547 = arith.constant 64 : i32
      %add3A_1548 = arith.addi %mul3A_1546, %add3A_1547 : i32
      %swap3A_1549 = arith.constant 3 : i32
      %swap3A_1550 = arith.index_cast %swap3A_1549 : i32 to index
      %swap3A_1551 = arith.index_cast %add3A_1548 : i32 to index
      %swap3A_1552 = tpu.vector_load %arg6[%swap3A_1550, %swap3A_1551] {strides = array<i32>} : memref<9x10000xf32, #tpu.memory_space<vmem>>, vector<16xf32>,
      tpu.vector_store %arg6[%swap3A_1550, %swap3A_1551], %gather3A_1544 {strides = array<i32>} : memref<9x10000xf32, #tpu.memory_space<vmem>>, vector<16xf32>,
      %add3A_1553 = arith.constant 4 : i32
      %add3A_1554 = vector.broadcast %add3A_1553 : i32 to vector<16xi32>
      %add3A_1555 = arith.addi %mul3A_53, %add3A_1554 : vector<16xi32>
      %gather3A_1556 = tpu.vector_load_idx %arg5[%add3A_1504, %add3A_1555] : memref<10x128xf32, #tpu.memory_space<vmem>>[vector<16xi32>, vector<16xi32>], vector<16xf32>,
      %mul3A_1557 = arith.constant 80 : i32
      %mul3A_1558 = arith.muli %add3A_1044, %mul3A_1557 : i32
      %add3A_1559 = arith.constant 64 : i32
      %add3A_1560 = arith.addi %mul3A_1558, %add3A_1559 : i32
      %swap3A_1561 = arith.constant 4 : i32
      %swap3A_1562 = arith.index_cast %swap3A_1561 : i32 to index
      %swap3A_1563 = arith.index_cast %add3A_1560 : i32 to index
      %swap3A_1564 = tpu.vector_load %arg6[%swap3A_1562, %swap3A_1563] {strides = array<i32>} : memref<9x10000xf32, #tpu.memory_space<vmem>>, vector<16xf32>,
      tpu.vector_store %arg6[%swap3A_1562, %swap3A_1563], %gather3A_1556 {strides = array<i32>} : memref<9x10000xf32, #tpu.memory_space<vmem>>, vector<16xf32>,
      %add3A_1565 = arith.constant 5 : i32
      %add3A_1566 = vector.broadcast %add3A_1565 : i32 to vector<16xi32>
      %add3A_1567 = arith.addi %mul3A_53, %add3A_1566 : vector<16xi32>
      %gather3A_1568 = tpu.vector_load_idx %arg5[%add3A_1504, %add3A_1567] : memref<10x128xf32, #tpu.memory_space<vmem>>[vector<16xi32>, vector<16xi32>], vector<16xf32>,
      %mul3A_1569 = arith.constant 80 : i32
      %mul3A_1570 = arith.muli %add3A_1044, %mul3A_1569 : i32
      %add3A_1571 = arith.constant 64 : i32
      %add3A_1572 = arith.addi %mul3A_1570, %add3A_1571 : i32
      %swap3A_1573 = arith.constant 5 : i32
      %swap3A_1574 = arith.index_cast %swap3A_1573 : i32 to index
      %swap3A_1575 = arith.index_cast %add3A_1572 : i32 to index
      %swap3A_1576 = tpu.vector_load %arg6[%swap3A_1574, %swap3A_1575] {strides = array<i32>} : memref<9x10000xf32, #tpu.memory_space<vmem>>, vector<16xf32>,
      tpu.vector_store %arg6[%swap3A_1574, %swap3A_1575], %gather3A_1568 {strides = array<i32>} : memref<9x10000xf32, #tpu.memory_space<vmem>>, vector<16xf32>,
      %add3A_1577 = arith.constant 6 : i32
      %add3A_1578 = vector.broadcast %add3A_1577 : i32 to vector<16xi32>
      %add3A_1579 = arith.addi %mul3A_53, %add3A_1578 : vector<16xi32>
      %gather3A_1580 = tpu.vector_load_idx %arg5[%add3A_1504, %add3A_1579] : memref<10x128xf32, #tpu.memory_space<vmem>>[vector<16xi32>, vector<16xi32>], vector<16xf32>,
      %mul3A_1581 = arith.constant 80 : i32
      %mul3A_1582 = arith.muli %add3A_1044, %mul3A_1581 : i32
      %add3A_1583 = arith.constant 64 : i32
      %add3A_1584 = arith.addi %mul3A_1582, %add3A_1583 : i32
      %swap3A_1585 = arith.constant 6 : i32
      %swap3A_1586 = arith.index_cast %swap3A_1585 : i32 to index
      %swap3A_1587 = arith.index_cast %add3A_1584 : i32 to index
      %swap3A_1588 = tpu.vector_load %arg6[%swap3A_1586, %swap3A_1587] {strides = array<i32>} : memref<9x10000xf32, #tpu.memory_space<vmem>>, vector<16xf32>,
      tpu.vector_store %arg6[%swap3A_1586, %swap3A_1587], %gather3A_1580 {strides = array<i32>} : memref<9x10000xf32, #tpu.memory_space<vmem>>, vector<16xf32>,
      %add3A_1589 = arith.constant 7 : i32
      %add3A_1590 = vector.broadcast %add3A_1589 : i32 to vector<16xi32>
      %add3A_1591 = arith.addi %mul3A_53, %add3A_1590 : vector<16xi32>
      %gather3A_1592 = tpu.vector_load_idx %arg5[%add3A_1504, %add3A_1591] : memref<10x128xf32, #tpu.memory_space<vmem>>[vector<16xi32>, vector<16xi32>], vector<16xf32>,
      %mul3A_1593 = arith.constant 80 : i32
      %mul3A_1594 = arith.muli %add3A_1044, %mul3A_1593 : i32
      %add3A_1595 = arith.constant 64 : i32
      %add3A_1596 = arith.addi %mul3A_1594, %add3A_1595 : i32
      %swap3A_1597 = arith.constant 7 : i32
      %swap3A_1598 = arith.index_cast %swap3A_1597 : i32 to index
      %swap3A_1599 = arith.index_cast %add3A_1596 : i32 to index
      %swap3A_1600 = tpu.vector_load %arg6[%swap3A_1598, %swap3A_1599] {strides = array<i32>} : memref<9x10000xf32, #tpu.memory_space<vmem>>, vector<16xf32>,
      tpu.vector_store %arg6[%swap3A_1598, %swap3A_1599], %gather3A_1592 {strides = array<i32>} : memref<9x10000xf32, #tpu.memory_space<vmem>>, vector<16xf32>,
      %add3A_1601 = arith.constant 8 : i32
      %add3A_1602 = vector.broadcast %add3A_1601 : i32 to vector<16xi32>
      %add3A_1603 = arith.addi %mul3A_53, %add3A_1602 : vector<16xi32>
      %gather3A_1604 = tpu.vector_load_idx %arg5[%add3A_1504, %add3A_1603] : memref<10x128xf32, #tpu.memory_space<vmem>>[vector<16xi32>, vector<16xi32>], vector<16xf32>,
      %mul3A_1605 = arith.constant 80 : i32
      %mul3A_1606 = arith.muli %add3A_1044, %mul3A_1605 : i32
      %add3A_1607 = arith.constant 64 : i32
      %add3A_1608 = arith.addi %mul3A_1606, %add3A_1607 : i32
      %swap3A_1609 = arith.constant 8 : i32
      %swap3A_1610 = arith.index_cast %swap3A_1609 : i32 to index
      %swap3A_1611 = arith.index_cast %add3A_1608 : i32 to index
      %swap3A_1612 = tpu.vector_load %arg6[%swap3A_1610, %swap3A_1611] {strides = array<i32>} : memref<9x10000xf32, #tpu.memory_space<vmem>>, vector<16xf32>,
      tpu.vector_store %arg6[%swap3A_1610, %swap3A_1611], %gather3A_1604 {strides = array<i32>} : memref<9x10000xf32, #tpu.memory_space<vmem>>, vector<16xf32>,
      %scan3A_1613 = arith.constant 0 : i32
      scf.yield %scan3A_1613 : i32
    }
    %scan3A_59 = arith.constant 62 : i32
    %dma_wait3A = arith.constant 0 : i32
    %dma_wait3A_60 = arith.constant 0 : i32
    %dma_wait3A_61 = tpu.memref_slice %arg2[%dma_wait3A, %dma_wait3A_60] : memref<40000x128xf32, #tpu.memory_space<hbm>> -> memref<10x128xf32, #tpu.memory_space<hbm>>
    %dma_wait3A_62 = arith.constant 0 : i32
    %dma_wait3A_63 = arith.constant 0 : i32
    %dma_wait3A_64 = tpu.memref_slice %arg2[%dma_wait3A_62, %dma_wait3A_63] : memref<40000x128xf32, #tpu.memory_space<hbm>> -> memref<10x128xf32, #tpu.memory_space<hbm>>
    tpu.wait_dma2 semaphore(%arg7 : memref<!tpu.dma_semaphore, #tpu.memory_space<semaphore_mem>>) src(%dma_wait3A_64 : memref<10x128xf32, #tpu.memory_space<hbm>>) dst(%arg4 : memref<10x128xf32, #tpu.memory_space<vmem>>)
    %add3A_65 = arith.constant 0 : i32
    %add3A_66 = vector.broadcast %add3A_65 : i32 to vector<16xi32>
    %add3A_67 = arith.addi %select_n3A, %add3A_66 : vector<16xi32>
    %add3A_68 = arith.constant 0 : i32
    %add3A_69 = vector.broadcast %add3A_68 : i32 to vector<16xi32>
    %add3A_70 = arith.addi %mul3A_53, %add3A_69 : vector<16xi32>
    %gather3A = tpu.vector_load_idx %arg4[%add3A_67, %add3A_70] : memref<10x128xf32, #tpu.memory_space<vmem>>[vector<16xi32>, vector<16xi32>], vector<16xf32>,
    %swap3A = arith.constant 0 : i32
    %swap3A_71 = arith.index_cast %swap3A : i32 to index
    %swap3A_72 = arith.constant 9920 : index
    %swap3A_73 = tpu.vector_load %arg6[%swap3A_71, %swap3A_72] {strides = array<i32>} : memref<9x10000xf32, #tpu.memory_space<vmem>>, vector<16xf32>,
    tpu.vector_store %arg6[%swap3A_71, %swap3A_72], %gather3A {strides = array<i32>} : memref<9x10000xf32, #tpu.memory_space<vmem>>, vector<16xf32>,
    %add3A_74 = arith.constant 1 : i32
    %add3A_75 = vector.broadcast %add3A_74 : i32 to vector<16xi32>
    %add3A_76 = arith.addi %mul3A_53, %add3A_75 : vector<16xi32>
    %gather3A_77 = tpu.vector_load_idx %arg4[%add3A_67, %add3A_76] : memref<10x128xf32, #tpu.memory_space<vmem>>[vector<16xi32>, vector<16xi32>], vector<16xf32>,
    %swap3A_78 = arith.constant 1 : i32
    %swap3A_79 = arith.index_cast %swap3A_78 : i32 to index
    %swap3A_80 = arith.constant 9920 : index
    %swap3A_81 = tpu.vector_load %arg6[%swap3A_79, %swap3A_80] {strides = array<i32>} : memref<9x10000xf32, #tpu.memory_space<vmem>>, vector<16xf32>,
    tpu.vector_store %arg6[%swap3A_79, %swap3A_80], %gather3A_77 {strides = array<i32>} : memref<9x10000xf32, #tpu.memory_space<vmem>>, vector<16xf32>,
    %add3A_82 = arith.constant 2 : i32
    %add3A_83 = vector.broadcast %add3A_82 : i32 to vector<16xi32>
    %add3A_84 = arith.addi %mul3A_53, %add3A_83 : vector<16xi32>
    %gather3A_85 = tpu.vector_load_idx %arg4[%add3A_67, %add3A_84] : memref<10x128xf32, #tpu.memory_space<vmem>>[vector<16xi32>, vector<16xi32>], vector<16xf32>,
    %swap3A_86 = arith.constant 2 : i32
    %swap3A_87 = arith.index_cast %swap3A_86 : i32 to index
    %swap3A_88 = arith.constant 9920 : index
    %swap3A_89 = tpu.vector_load %arg6[%swap3A_87, %swap3A_88] {strides = array<i32>} : memref<9x10000xf32, #tpu.memory_space<vmem>>, vector<16xf32>,
    tpu.vector_store %arg6[%swap3A_87, %swap3A_88], %gather3A_85 {strides = array<i32>} : memref<9x10000xf32, #tpu.memory_space<vmem>>, vector<16xf32>,
    %add3A_90 = arith.constant 3 : i32
    %add3A_91 = vector.broadcast %add3A_90 : i32 to vector<16xi32>
    %add3A_92 = arith.addi %mul3A_53, %add3A_91 : vector<16xi32>
    %gather3A_93 = tpu.vector_load_idx %arg4[%add3A_67, %add3A_92] : memref<10x128xf32, #tpu.memory_space<vmem>>[vector<16xi32>, vector<16xi32>], vector<16xf32>,
    %swap3A_94 = arith.constant 3 : i32
    %swap3A_95 = arith.index_cast %swap3A_94 : i32 to index
    %swap3A_96 = arith.constant 9920 : index
    %swap3A_97 = tpu.vector_load %arg6[%swap3A_95, %swap3A_96] {strides = array<i32>} : memref<9x10000xf32, #tpu.memory_space<vmem>>, vector<16xf32>,
    tpu.vector_store %arg6[%swap3A_95, %swap3A_96], %gather3A_93 {strides = array<i32>} : memref<9x10000xf32, #tpu.memory_space<vmem>>, vector<16xf32>,
    %add3A_98 = arith.constant 4 : i32
    %add3A_99 = vector.broadcast %add3A_98 : i32 to vector<16xi32>
    %add3A_100 = arith.addi %mul3A_53, %add3A_99 : vector<16xi32>
    %gather3A_101 = tpu.vector_load_idx %arg4[%add3A_67, %add3A_100] : memref<10x128xf32, #tpu.memory_space<vmem>>[vector<16xi32>, vector<16xi32>], vector<16xf32>,
    %swap3A_102 = arith.constant 4 : i32
    %swap3A_103 = arith.index_cast %swap3A_102 : i32 to index
    %swap3A_104 = arith.constant 9920 : index
    %swap3A_105 = tpu.vector_load %arg6[%swap3A_103, %swap3A_104] {strides = array<i32>} : memref<9x10000xf32, #tpu.memory_space<vmem>>, vector<16xf32>,
    tpu.vector_store %arg6[%swap3A_103, %swap3A_104], %gather3A_101 {strides = array<i32>} : memref<9x10000xf32, #tpu.memory_space<vmem>>, vector<16xf32>,
    %add3A_106 = arith.constant 5 : i32
    %add3A_107 = vector.broadcast %add3A_106 : i32 to vector<16xi32>
    %add3A_108 = arith.addi %mul3A_53, %add3A_107 : vector<16xi32>
    %gather3A_109 = tpu.vector_load_idx %arg4[%add3A_67, %add3A_108] : memref<10x128xf32, #tpu.memory_space<vmem>>[vector<16xi32>, vector<16xi32>], vector<16xf32>,
    %swap3A_110 = arith.constant 5 : i32
    %swap3A_111 = arith.index_cast %swap3A_110 : i32 to index
    %swap3A_112 = arith.constant 9920 : index
    %swap3A_113 = tpu.vector_load %arg6[%swap3A_111, %swap3A_112] {strides = array<i32>} : memref<9x10000xf32, #tpu.memory_space<vmem>>, vector<16xf32>,
    tpu.vector_store %arg6[%swap3A_111, %swap3A_112], %gather3A_109 {strides = array<i32>} : memref<9x10000xf32, #tpu.memory_space<vmem>>, vector<16xf32>,
    %add3A_114 = arith.constant 6 : i32
    %add3A_115 = vector.broadcast %add3A_114 : i32 to vector<16xi32>
    %add3A_116 = arith.addi %mul3A_53, %add3A_115 : vector<16xi32>
    %gather3A_117 = tpu.vector_load_idx %arg4[%add3A_67, %add3A_116] : memref<10x128xf32, #tpu.memory_space<vmem>>[vector<16xi32>, vector<16xi32>], vector<16xf32>,
    %swap3A_118 = arith.constant 6 : i32
    %swap3A_119 = arith.index_cast %swap3A_118 : i32 to index
    %swap3A_120 = arith.constant 9920 : index
    %swap3A_121 = tpu.vector_load %arg6[%swap3A_119, %swap3A_120] {strides = array<i32>} : memref<9x10000xf32, #tpu.memory_space<vmem>>, vector<16xf32>,
    tpu.vector_store %arg6[%swap3A_119, %swap3A_120], %gather3A_117 {strides = array<i32>} : memref<9x10000xf32, #tpu.memory_space<vmem>>, vector<16xf32>,
    %add3A_122 = arith.constant 7 : i32
    %add3A_123 = vector.broadcast %add3A_122 : i32 to vector<16xi32>
    %add3A_124 = arith.addi %mul3A_53, %add3A_123 : vector<16xi32>
    %gather3A_125 = tpu.vector_load_idx %arg4[%add3A_67, %add3A_124] : memref<10x128xf32, #tpu.memory_space<vmem>>[vector<16xi32>, vector<16xi32>], vector<16xf32>,
    %swap3A_126 = arith.constant 7 : i32
    %swap3A_127 = arith.index_cast %swap3A_126 : i32 to index
    %swap3A_128 = arith.constant 9920 : index
    %swap3A_129 = tpu.vector_load %arg6[%swap3A_127, %swap3A_128] {strides = array<i32>} : memref<9x10000xf32, #tpu.memory_space<vmem>>, vector<16xf32>,
    tpu.vector_store %arg6[%swap3A_127, %swap3A_128], %gather3A_125 {strides = array<i32>} : memref<9x10000xf32, #tpu.memory_space<vmem>>, vector<16xf32>,
    %add3A_130 = arith.constant 8 : i32
    %add3A_131 = vector.broadcast %add3A_130 : i32 to vector<16xi32>
    %add3A_132 = arith.addi %mul3A_53, %add3A_131 : vector<16xi32>
    %gather3A_133 = tpu.vector_load_idx %arg4[%add3A_67, %add3A_132] : memref<10x128xf32, #tpu.memory_space<vmem>>[vector<16xi32>, vector<16xi32>], vector<16xf32>,
    %swap3A_134 = arith.constant 8 : i32
    %swap3A_135 = arith.index_cast %swap3A_134 : i32 to index
    %swap3A_136 = arith.constant 9920 : index
    %swap3A_137 = tpu.vector_load %arg6[%swap3A_135, %swap3A_136] {strides = array<i32>} : memref<9x10000xf32, #tpu.memory_space<vmem>>, vector<16xf32>,
    tpu.vector_store %arg6[%swap3A_135, %swap3A_136], %gather3A_133 {strides = array<i32>} : memref<9x10000xf32, #tpu.memory_space<vmem>>, vector<16xf32>,
    %add3A_138 = arith.constant 2 : i32
    %add3A_139 = vector.broadcast %add3A_138 : i32 to vector<16xi32>
    %add3A_140 = arith.addi %select_n3A, %add3A_139 : vector<16xi32>
    %add3A_141 = arith.constant 0 : i32
    %add3A_142 = vector.broadcast %add3A_141 : i32 to vector<16xi32>
    %add3A_143 = arith.addi %mul3A_53, %add3A_142 : vector<16xi32>
    %gather3A_144 = tpu.vector_load_idx %arg4[%add3A_140, %add3A_143] : memref<10x128xf32, #tpu.memory_space<vmem>>[vector<16xi32>, vector<16xi32>], vector<16xf32>,
    %swap3A_145 = arith.constant 0 : i32
    %swap3A_146 = arith.index_cast %swap3A_145 : i32 to index
    %swap3A_147 = arith.constant 9936 : index
    %swap3A_148 = tpu.vector_load %arg6[%swap3A_146, %swap3A_147] {strides = array<i32>} : memref<9x10000xf32, #tpu.memory_space<vmem>>, vector<16xf32>,
    tpu.vector_store %arg6[%swap3A_146, %swap3A_147], %gather3A_144 {strides = array<i32>} : memref<9x10000xf32, #tpu.memory_space<vmem>>, vector<16xf32>,
    %add3A_149 = arith.constant 1 : i32
    %add3A_150 = vector.broadcast %add3A_149 : i32 to vector<16xi32>
    %add3A_151 = arith.addi %mul3A_53, %add3A_150 : vector<16xi32>
    %gather3A_152 = tpu.vector_load_idx %arg4[%add3A_140, %add3A_151] : memref<10x128xf32, #tpu.memory_space<vmem>>[vector<16xi32>, vector<16xi32>], vector<16xf32>,
    %swap3A_153 = arith.constant 1 : i32
    %swap3A_154 = arith.index_cast %swap3A_153 : i32 to index
    %swap3A_155 = arith.constant 9936 : index
    %swap3A_156 = tpu.vector_load %arg6[%swap3A_154, %swap3A_155] {strides = array<i32>} : memref<9x10000xf32, #tpu.memory_space<vmem>>, vector<16xf32>,
    tpu.vector_store %arg6[%swap3A_154, %swap3A_155], %gather3A_152 {strides = array<i32>} : memref<9x10000xf32, #tpu.memory_space<vmem>>, vector<16xf32>,
    %add3A_157 = arith.constant 2 : i32
    %add3A_158 = vector.broadcast %add3A_157 : i32 to vector<16xi32>
    %add3A_159 = arith.addi %mul3A_53, %add3A_158 : vector<16xi32>
    %gather3A_160 = tpu.vector_load_idx %arg4[%add3A_140, %add3A_159] : memref<10x128xf32, #tpu.memory_space<vmem>>[vector<16xi32>, vector<16xi32>], vector<16xf32>,
    %swap3A_161 = arith.constant 2 : i32
    %swap3A_162 = arith.index_cast %swap3A_161 : i32 to index
    %swap3A_163 = arith.constant 9936 : index
    %swap3A_164 = tpu.vector_load %arg6[%swap3A_162, %swap3A_163] {strides = array<i32>} : memref<9x10000xf32, #tpu.memory_space<vmem>>, vector<16xf32>,
    tpu.vector_store %arg6[%swap3A_162, %swap3A_163], %gather3A_160 {strides = array<i32>} : memref<9x10000xf32, #tpu.memory_space<vmem>>, vector<16xf32>,
    %add3A_165 = arith.constant 3 : i32
    %add3A_166 = vector.broadcast %add3A_165 : i32 to vector<16xi32>
    %add3A_167 = arith.addi %mul3A_53, %add3A_166 : vector<16xi32>
    %gather3A_168 = tpu.vector_load_idx %arg4[%add3A_140, %add3A_167] : memref<10x128xf32, #tpu.memory_space<vmem>>[vector<16xi32>, vector<16xi32>], vector<16xf32>,
    %swap3A_169 = arith.constant 3 : i32
    %swap3A_170 = arith.index_cast %swap3A_169 : i32 to index
    %swap3A_171 = arith.constant 9936 : index
    %swap3A_172 = tpu.vector_load %arg6[%swap3A_170, %swap3A_171] {strides = array<i32>} : memref<9x10000xf32, #tpu.memory_space<vmem>>, vector<16xf32>,
    tpu.vector_store %arg6[%swap3A_170, %swap3A_171], %gather3A_168 {strides = array<i32>} : memref<9x10000xf32, #tpu.memory_space<vmem>>, vector<16xf32>,
    %add3A_173 = arith.constant 4 : i32
    %add3A_174 = vector.broadcast %add3A_173 : i32 to vector<16xi32>
    %add3A_175 = arith.addi %mul3A_53, %add3A_174 : vector<16xi32>
    %gather3A_176 = tpu.vector_load_idx %arg4[%add3A_140, %add3A_175] : memref<10x128xf32, #tpu.memory_space<vmem>>[vector<16xi32>, vector<16xi32>], vector<16xf32>,
    %swap3A_177 = arith.constant 4 : i32
    %swap3A_178 = arith.index_cast %swap3A_177 : i32 to index
    %swap3A_179 = arith.constant 9936 : index
    %swap3A_180 = tpu.vector_load %arg6[%swap3A_178, %swap3A_179] {strides = array<i32>} : memref<9x10000xf32, #tpu.memory_space<vmem>>, vector<16xf32>,
    tpu.vector_store %arg6[%swap3A_178, %swap3A_179], %gather3A_176 {strides = array<i32>} : memref<9x10000xf32, #tpu.memory_space<vmem>>, vector<16xf32>,
    %add3A_181 = arith.constant 5 : i32
    %add3A_182 = vector.broadcast %add3A_181 : i32 to vector<16xi32>
    %add3A_183 = arith.addi %mul3A_53, %add3A_182 : vector<16xi32>
    %gather3A_184 = tpu.vector_load_idx %arg4[%add3A_140, %add3A_183] : memref<10x128xf32, #tpu.memory_space<vmem>>[vector<16xi32>, vector<16xi32>], vector<16xf32>,
    %swap3A_185 = arith.constant 5 : i32
    %swap3A_186 = arith.index_cast %swap3A_185 : i32 to index
    %swap3A_187 = arith.constant 9936 : index
    %swap3A_188 = tpu.vector_load %arg6[%swap3A_186, %swap3A_187] {strides = array<i32>} : memref<9x10000xf32, #tpu.memory_space<vmem>>, vector<16xf32>,
    tpu.vector_store %arg6[%swap3A_186, %swap3A_187], %gather3A_184 {strides = array<i32>} : memref<9x10000xf32, #tpu.memory_space<vmem>>, vector<16xf32>,
    %add3A_189 = arith.constant 6 : i32
    %add3A_190 = vector.broadcast %add3A_189 : i32 to vector<16xi32>
    %add3A_191 = arith.addi %mul3A_53, %add3A_190 : vector<16xi32>
    %gather3A_192 = tpu.vector_load_idx %arg4[%add3A_140, %add3A_191] : memref<10x128xf32, #tpu.memory_space<vmem>>[vector<16xi32>, vector<16xi32>], vector<16xf32>,
    %swap3A_193 = arith.constant 6 : i32
    %swap3A_194 = arith.index_cast %swap3A_193 : i32 to index
    %swap3A_195 = arith.constant 9936 : index
    %swap3A_196 = tpu.vector_load %arg6[%swap3A_194, %swap3A_195] {strides = array<i32>} : memref<9x10000xf32, #tpu.memory_space<vmem>>, vector<16xf32>,
    tpu.vector_store %arg6[%swap3A_194, %swap3A_195], %gather3A_192 {strides = array<i32>} : memref<9x10000xf32, #tpu.memory_space<vmem>>, vector<16xf32>,
    %add3A_197 = arith.constant 7 : i32
    %add3A_198 = vector.broadcast %add3A_197 : i32 to vector<16xi32>
    %add3A_199 = arith.addi %mul3A_53, %add3A_198 : vector<16xi32>
    %gather3A_200 = tpu.vector_load_idx %arg4[%add3A_140, %add3A_199] : memref<10x128xf32, #tpu.memory_space<vmem>>[vector<16xi32>, vector<16xi32>], vector<16xf32>,
    %swap3A_201 = arith.constant 7 : i32
    %swap3A_202 = arith.index_cast %swap3A_201 : i32 to index
    %swap3A_203 = arith.constant 9936 : index
    %swap3A_204 = tpu.vector_load %arg6[%swap3A_202, %swap3A_203] {strides = array<i32>} : memref<9x10000xf32, #tpu.memory_space<vmem>>, vector<16xf32>,
    tpu.vector_store %arg6[%swap3A_202, %swap3A_203], %gather3A_200 {strides = array<i32>} : memref<9x10000xf32, #tpu.memory_space<vmem>>, vector<16xf32>,
    %add3A_205 = arith.constant 8 : i32
    %add3A_206 = vector.broadcast %add3A_205 : i32 to vector<16xi32>
    %add3A_207 = arith.addi %mul3A_53, %add3A_206 : vector<16xi32>
    %gather3A_208 = tpu.vector_load_idx %arg4[%add3A_140, %add3A_207] : memref<10x128xf32, #tpu.memory_space<vmem>>[vector<16xi32>, vector<16xi32>], vector<16xf32>,
    %swap3A_209 = arith.constant 8 : i32
    %swap3A_210 = arith.index_cast %swap3A_209 : i32 to index
    %swap3A_211 = arith.constant 9936 : index
    %swap3A_212 = tpu.vector_load %arg6[%swap3A_210, %swap3A_211] {strides = array<i32>} : memref<9x10000xf32, #tpu.memory_space<vmem>>, vector<16xf32>,
    tpu.vector_store %arg6[%swap3A_210, %swap3A_211], %gather3A_208 {strides = array<i32>} : memref<9x10000xf32, #tpu.memory_space<vmem>>, vector<16xf32>,
    %add3A_213 = arith.constant 4 : i32
    %add3A_214 = vector.broadcast %add3A_213 : i32 to vector<16xi32>
    %add3A_215 = arith.addi %select_n3A, %add3A_214 : vector<16xi32>
    %add3A_216 = arith.constant 0 : i32
    %add3A_217 = vector.broadcast %add3A_216 : i32 to vector<16xi32>
    %add3A_218 = arith.addi %mul3A_53, %add3A_217 : vector<16xi32>
    %gather3A_219 = tpu.vector_load_idx %arg4[%add3A_215, %add3A_218] : memref<10x128xf32, #tpu.memory_space<vmem>>[vector<16xi32>, vector<16xi32>], vector<16xf32>,
    %swap3A_220 = arith.constant 0 : i32
    %swap3A_221 = arith.index_cast %swap3A_220 : i32 to index
    %swap3A_222 = arith.constant 9952 : index
    %swap3A_223 = tpu.vector_load %arg6[%swap3A_221, %swap3A_222] {strides = array<i32>} : memref<9x10000xf32, #tpu.memory_space<vmem>>, vector<16xf32>,
    tpu.vector_store %arg6[%swap3A_221, %swap3A_222], %gather3A_219 {strides = array<i32>} : memref<9x10000xf32, #tpu.memory_space<vmem>>, vector<16xf32>,
    %add3A_224 = arith.constant 1 : i32
    %add3A_225 = vector.broadcast %add3A_224 : i32 to vector<16xi32>
    %add3A_226 = arith.addi %mul3A_53, %add3A_225 : vector<16xi32>
    %gather3A_227 = tpu.vector_load_idx %arg4[%add3A_215, %add3A_226] : memref<10x128xf32, #tpu.memory_space<vmem>>[vector<16xi32>, vector<16xi32>], vector<16xf32>,
    %swap3A_228 = arith.constant 1 : i32
    %swap3A_229 = arith.index_cast %swap3A_228 : i32 to index
    %swap3A_230 = arith.constant 9952 : index
    %swap3A_231 = tpu.vector_load %arg6[%swap3A_229, %swap3A_230] {strides = array<i32>} : memref<9x10000xf32, #tpu.memory_space<vmem>>, vector<16xf32>,
    tpu.vector_store %arg6[%swap3A_229, %swap3A_230], %gather3A_227 {strides = array<i32>} : memref<9x10000xf32, #tpu.memory_space<vmem>>, vector<16xf32>,
    %add3A_232 = arith.constant 2 : i32
    %add3A_233 = vector.broadcast %add3A_232 : i32 to vector<16xi32>
    %add3A_234 = arith.addi %mul3A_53, %add3A_233 : vector<16xi32>
    %gather3A_235 = tpu.vector_load_idx %arg4[%add3A_215, %add3A_234] : memref<10x128xf32, #tpu.memory_space<vmem>>[vector<16xi32>, vector<16xi32>], vector<16xf32>,
    %swap3A_236 = arith.constant 2 : i32
    %swap3A_237 = arith.index_cast %swap3A_236 : i32 to index
    %swap3A_238 = arith.constant 9952 : index
    %swap3A_239 = tpu.vector_load %arg6[%swap3A_237, %swap3A_238] {strides = array<i32>} : memref<9x10000xf32, #tpu.memory_space<vmem>>, vector<16xf32>,
    tpu.vector_store %arg6[%swap3A_237, %swap3A_238], %gather3A_235 {strides = array<i32>} : memref<9x10000xf32, #tpu.memory_space<vmem>>, vector<16xf32>,
    %add3A_240 = arith.constant 3 : i32
    %add3A_241 = vector.broadcast %add3A_240 : i32 to vector<16xi32>
    %add3A_242 = arith.addi %mul3A_53, %add3A_241 : vector<16xi32>
    %gather3A_243 = tpu.vector_load_idx %arg4[%add3A_215, %add3A_242] : memref<10x128xf32, #tpu.memory_space<vmem>>[vector<16xi32>, vector<16xi32>], vector<16xf32>,
    %swap3A_244 = arith.constant 3 : i32
    %swap3A_245 = arith.index_cast %swap3A_244 : i32 to index
    %swap3A_246 = arith.constant 9952 : index
    %swap3A_247 = tpu.vector_load %arg6[%swap3A_245, %swap3A_246] {strides = array<i32>} : memref<9x10000xf32, #tpu.memory_space<vmem>>, vector<16xf32>,
    tpu.vector_store %arg6[%swap3A_245, %swap3A_246], %gather3A_243 {strides = array<i32>} : memref<9x10000xf32, #tpu.memory_space<vmem>>, vector<16xf32>,
    %add3A_248 = arith.constant 4 : i32
    %add3A_249 = vector.broadcast %add3A_248 : i32 to vector<16xi32>
    %add3A_250 = arith.addi %mul3A_53, %add3A_249 : vector<16xi32>
    %gather3A_251 = tpu.vector_load_idx %arg4[%add3A_215, %add3A_250] : memref<10x128xf32, #tpu.memory_space<vmem>>[vector<16xi32>, vector<16xi32>], vector<16xf32>,
    %swap3A_252 = arith.constant 4 : i32
    %swap3A_253 = arith.index_cast %swap3A_252 : i32 to index
    %swap3A_254 = arith.constant 9952 : index
    %swap3A_255 = tpu.vector_load %arg6[%swap3A_253, %swap3A_254] {strides = array<i32>} : memref<9x10000xf32, #tpu.memory_space<vmem>>, vector<16xf32>,
    tpu.vector_store %arg6[%swap3A_253, %swap3A_254], %gather3A_251 {strides = array<i32>} : memref<9x10000xf32, #tpu.memory_space<vmem>>, vector<16xf32>,
    %add3A_256 = arith.constant 5 : i32
    %add3A_257 = vector.broadcast %add3A_256 : i32 to vector<16xi32>
    %add3A_258 = arith.addi %mul3A_53, %add3A_257 : vector<16xi32>
    %gather3A_259 = tpu.vector_load_idx %arg4[%add3A_215, %add3A_258] : memref<10x128xf32, #tpu.memory_space<vmem>>[vector<16xi32>, vector<16xi32>], vector<16xf32>,
    %swap3A_260 = arith.constant 5 : i32
    %swap3A_261 = arith.index_cast %swap3A_260 : i32 to index
    %swap3A_262 = arith.constant 9952 : index
    %swap3A_263 = tpu.vector_load %arg6[%swap3A_261, %swap3A_262] {strides = array<i32>} : memref<9x10000xf32, #tpu.memory_space<vmem>>, vector<16xf32>,
    tpu.vector_store %arg6[%swap3A_261, %swap3A_262], %gather3A_259 {strides = array<i32>} : memref<9x10000xf32, #tpu.memory_space<vmem>>, vector<16xf32>,
    %add3A_264 = arith.constant 6 : i32
    %add3A_265 = vector.broadcast %add3A_264 : i32 to vector<16xi32>
    %add3A_266 = arith.addi %mul3A_53, %add3A_265 : vector<16xi32>
    %gather3A_267 = tpu.vector_load_idx %arg4[%add3A_215, %add3A_266] : memref<10x128xf32, #tpu.memory_space<vmem>>[vector<16xi32>, vector<16xi32>], vector<16xf32>,
    %swap3A_268 = arith.constant 6 : i32
    %swap3A_269 = arith.index_cast %swap3A_268 : i32 to index
    %swap3A_270 = arith.constant 9952 : index
    %swap3A_271 = tpu.vector_load %arg6[%swap3A_269, %swap3A_270] {strides = array<i32>} : memref<9x10000xf32, #tpu.memory_space<vmem>>, vector<16xf32>,
    tpu.vector_store %arg6[%swap3A_269, %swap3A_270], %gather3A_267 {strides = array<i32>} : memref<9x10000xf32, #tpu.memory_space<vmem>>, vector<16xf32>,
    %add3A_272 = arith.constant 7 : i32
    %add3A_273 = vector.broadcast %add3A_272 : i32 to vector<16xi32>
    %add3A_274 = arith.addi %mul3A_53, %add3A_273 : vector<16xi32>
    %gather3A_275 = tpu.vector_load_idx %arg4[%add3A_215, %add3A_274] : memref<10x128xf32, #tpu.memory_space<vmem>>[vector<16xi32>, vector<16xi32>], vector<16xf32>,
    %swap3A_276 = arith.constant 7 : i32
    %swap3A_277 = arith.index_cast %swap3A_276 : i32 to index
    %swap3A_278 = arith.constant 9952 : index
    %swap3A_279 = tpu.vector_load %arg6[%swap3A_277, %swap3A_278] {strides = array<i32>} : memref<9x10000xf32, #tpu.memory_space<vmem>>, vector<16xf32>,
    tpu.vector_store %arg6[%swap3A_277, %swap3A_278], %gather3A_275 {strides = array<i32>} : memref<9x10000xf32, #tpu.memory_space<vmem>>, vector<16xf32>,
    %add3A_280 = arith.constant 8 : i32
    %add3A_281 = vector.broadcast %add3A_280 : i32 to vector<16xi32>
    %add3A_282 = arith.addi %mul3A_53, %add3A_281 : vector<16xi32>
    %gather3A_283 = tpu.vector_load_idx %arg4[%add3A_215, %add3A_282] : memref<10x128xf32, #tpu.memory_space<vmem>>[vector<16xi32>, vector<16xi32>], vector<16xf32>,
    %swap3A_284 = arith.constant 8 : i32
    %swap3A_285 = arith.index_cast %swap3A_284 : i32 to index
    %swap3A_286 = arith.constant 9952 : index
    %swap3A_287 = tpu.vector_load %arg6[%swap3A_285, %swap3A_286] {strides = array<i32>} : memref<9x10000xf32, #tpu.memory_space<vmem>>, vector<16xf32>,
    tpu.vector_store %arg6[%swap3A_285, %swap3A_286], %gather3A_283 {strides = array<i32>} : memref<9x10000xf32, #tpu.memory_space<vmem>>, vector<16xf32>,
    %add3A_288 = arith.constant 6 : i32
    %add3A_289 = vector.broadcast %add3A_288 : i32 to vector<16xi32>
    %add3A_290 = arith.addi %select_n3A, %add3A_289 : vector<16xi32>
    %add3A_291 = arith.constant 0 : i32
    %add3A_292 = vector.broadcast %add3A_291 : i32 to vector<16xi32>
    %add3A_293 = arith.addi %mul3A_53, %add3A_292 : vector<16xi32>
    %gather3A_294 = tpu.vector_load_idx %arg4[%add3A_290, %add3A_293] : memref<10x128xf32, #tpu.memory_space<vmem>>[vector<16xi32>, vector<16xi32>], vector<16xf32>,
    %swap3A_295 = arith.constant 0 : i32
    %swap3A_296 = arith.index_cast %swap3A_295 : i32 to index
    %swap3A_297 = arith.constant 9968 : index
    %swap3A_298 = tpu.vector_load %arg6[%swap3A_296, %swap3A_297] {strides = array<i32>} : memref<9x10000xf32, #tpu.memory_space<vmem>>, vector<16xf32>,
    tpu.vector_store %arg6[%swap3A_296, %swap3A_297], %gather3A_294 {strides = array<i32>} : memref<9x10000xf32, #tpu.memory_space<vmem>>, vector<16xf32>,
    %add3A_299 = arith.constant 1 : i32
    %add3A_300 = vector.broadcast %add3A_299 : i32 to vector<16xi32>
    %add3A_301 = arith.addi %mul3A_53, %add3A_300 : vector<16xi32>
    %gather3A_302 = tpu.vector_load_idx %arg4[%add3A_290, %add3A_301] : memref<10x128xf32, #tpu.memory_space<vmem>>[vector<16xi32>, vector<16xi32>], vector<16xf32>,
    %swap3A_303 = arith.constant 1 : i32
    %swap3A_304 = arith.index_cast %swap3A_303 : i32 to index
    %swap3A_305 = arith.constant 9968 : index
    %swap3A_306 = tpu.vector_load %arg6[%swap3A_304, %swap3A_305] {strides = array<i32>} : memref<9x10000xf32, #tpu.memory_space<vmem>>, vector<16xf32>,
    tpu.vector_store %arg6[%swap3A_304, %swap3A_305], %gather3A_302 {strides = array<i32>} : memref<9x10000xf32, #tpu.memory_space<vmem>>, vector<16xf32>,
    %add3A_307 = arith.constant 2 : i32
    %add3A_308 = vector.broadcast %add3A_307 : i32 to vector<16xi32>
    %add3A_309 = arith.addi %mul3A_53, %add3A_308 : vector<16xi32>
    %gather3A_310 = tpu.vector_load_idx %arg4[%add3A_290, %add3A_309] : memref<10x128xf32, #tpu.memory_space<vmem>>[vector<16xi32>, vector<16xi32>], vector<16xf32>,
    %swap3A_311 = arith.constant 2 : i32
    %swap3A_312 = arith.index_cast %swap3A_311 : i32 to index
    %swap3A_313 = arith.constant 9968 : index
    %swap3A_314 = tpu.vector_load %arg6[%swap3A_312, %swap3A_313] {strides = array<i32>} : memref<9x10000xf32, #tpu.memory_space<vmem>>, vector<16xf32>,
    tpu.vector_store %arg6[%swap3A_312, %swap3A_313], %gather3A_310 {strides = array<i32>} : memref<9x10000xf32, #tpu.memory_space<vmem>>, vector<16xf32>,
    %add3A_315 = arith.constant 3 : i32
    %add3A_316 = vector.broadcast %add3A_315 : i32 to vector<16xi32>
    %add3A_317 = arith.addi %mul3A_53, %add3A_316 : vector<16xi32>
    %gather3A_318 = tpu.vector_load_idx %arg4[%add3A_290, %add3A_317] : memref<10x128xf32, #tpu.memory_space<vmem>>[vector<16xi32>, vector<16xi32>], vector<16xf32>,
    %swap3A_319 = arith.constant 3 : i32
    %swap3A_320 = arith.index_cast %swap3A_319 : i32 to index
    %swap3A_321 = arith.constant 9968 : index
    %swap3A_322 = tpu.vector_load %arg6[%swap3A_320, %swap3A_321] {strides = array<i32>} : memref<9x10000xf32, #tpu.memory_space<vmem>>, vector<16xf32>,
    tpu.vector_store %arg6[%swap3A_320, %swap3A_321], %gather3A_318 {strides = array<i32>} : memref<9x10000xf32, #tpu.memory_space<vmem>>, vector<16xf32>,
    %add3A_323 = arith.constant 4 : i32
    %add3A_324 = vector.broadcast %add3A_323 : i32 to vector<16xi32>
    %add3A_325 = arith.addi %mul3A_53, %add3A_324 : vector<16xi32>
    %gather3A_326 = tpu.vector_load_idx %arg4[%add3A_290, %add3A_325] : memref<10x128xf32, #tpu.memory_space<vmem>>[vector<16xi32>, vector<16xi32>], vector<16xf32>,
    %swap3A_327 = arith.constant 4 : i32
    %swap3A_328 = arith.index_cast %swap3A_327 : i32 to index
    %swap3A_329 = arith.constant 9968 : index
    %swap3A_330 = tpu.vector_load %arg6[%swap3A_328, %swap3A_329] {strides = array<i32>} : memref<9x10000xf32, #tpu.memory_space<vmem>>, vector<16xf32>,
    tpu.vector_store %arg6[%swap3A_328, %swap3A_329], %gather3A_326 {strides = array<i32>} : memref<9x10000xf32, #tpu.memory_space<vmem>>, vector<16xf32>,
    %add3A_331 = arith.constant 5 : i32
    %add3A_332 = vector.broadcast %add3A_331 : i32 to vector<16xi32>
    %add3A_333 = arith.addi %mul3A_53, %add3A_332 : vector<16xi32>
    %gather3A_334 = tpu.vector_load_idx %arg4[%add3A_290, %add3A_333] : memref<10x128xf32, #tpu.memory_space<vmem>>[vector<16xi32>, vector<16xi32>], vector<16xf32>,
    %swap3A_335 = arith.constant 5 : i32
    %swap3A_336 = arith.index_cast %swap3A_335 : i32 to index
    %swap3A_337 = arith.constant 9968 : index
    %swap3A_338 = tpu.vector_load %arg6[%swap3A_336, %swap3A_337] {strides = array<i32>} : memref<9x10000xf32, #tpu.memory_space<vmem>>, vector<16xf32>,
    tpu.vector_store %arg6[%swap3A_336, %swap3A_337], %gather3A_334 {strides = array<i32>} : memref<9x10000xf32, #tpu.memory_space<vmem>>, vector<16xf32>,
    %add3A_339 = arith.constant 6 : i32
    %add3A_340 = vector.broadcast %add3A_339 : i32 to vector<16xi32>
    %add3A_341 = arith.addi %mul3A_53, %add3A_340 : vector<16xi32>
    %gather3A_342 = tpu.vector_load_idx %arg4[%add3A_290, %add3A_341] : memref<10x128xf32, #tpu.memory_space<vmem>>[vector<16xi32>, vector<16xi32>], vector<16xf32>,
    %swap3A_343 = arith.constant 6 : i32
    %swap3A_344 = arith.index_cast %swap3A_343 : i32 to index
    %swap3A_345 = arith.constant 9968 : index
    %swap3A_346 = tpu.vector_load %arg6[%swap3A_344, %swap3A_345] {strides = array<i32>} : memref<9x10000xf32, #tpu.memory_space<vmem>>, vector<16xf32>,
    tpu.vector_store %arg6[%swap3A_344, %swap3A_345], %gather3A_342 {strides = array<i32>} : memref<9x10000xf32, #tpu.memory_space<vmem>>, vector<16xf32>,
    %add3A_347 = arith.constant 7 : i32
    %add3A_348 = vector.broadcast %add3A_347 : i32 to vector<16xi32>
    %add3A_349 = arith.addi %mul3A_53, %add3A_348 : vector<16xi32>
    %gather3A_350 = tpu.vector_load_idx %arg4[%add3A_290, %add3A_349] : memref<10x128xf32, #tpu.memory_space<vmem>>[vector<16xi32>, vector<16xi32>], vector<16xf32>,
    %swap3A_351 = arith.constant 7 : i32
    %swap3A_352 = arith.index_cast %swap3A_351 : i32 to index
    %swap3A_353 = arith.constant 9968 : index
    %swap3A_354 = tpu.vector_load %arg6[%swap3A_352, %swap3A_353] {strides = array<i32>} : memref<9x10000xf32, #tpu.memory_space<vmem>>, vector<16xf32>,
    tpu.vector_store %arg6[%swap3A_352, %swap3A_353], %gather3A_350 {strides = array<i32>} : memref<9x10000xf32, #tpu.memory_space<vmem>>, vector<16xf32>,
    %add3A_355 = arith.constant 8 : i32
    %add3A_356 = vector.broadcast %add3A_355 : i32 to vector<16xi32>
    %add3A_357 = arith.addi %mul3A_53, %add3A_356 : vector<16xi32>
    %gather3A_358 = tpu.vector_load_idx %arg4[%add3A_290, %add3A_357] : memref<10x128xf32, #tpu.memory_space<vmem>>[vector<16xi32>, vector<16xi32>], vector<16xf32>,
    %swap3A_359 = arith.constant 8 : i32
    %swap3A_360 = arith.index_cast %swap3A_359 : i32 to index
    %swap3A_361 = arith.constant 9968 : index
    %swap3A_362 = tpu.vector_load %arg6[%swap3A_360, %swap3A_361] {strides = array<i32>} : memref<9x10000xf32, #tpu.memory_space<vmem>>, vector<16xf32>,
    tpu.vector_store %arg6[%swap3A_360, %swap3A_361], %gather3A_358 {strides = array<i32>} : memref<9x10000xf32, #tpu.memory_space<vmem>>, vector<16xf32>,
    %add3A_363 = arith.constant 8 : i32
    %add3A_364 = vector.broadcast %add3A_363 : i32 to vector<16xi32>
    %add3A_365 = arith.addi %select_n3A, %add3A_364 : vector<16xi32>
    %add3A_366 = arith.constant 0 : i32
    %add3A_367 = vector.broadcast %add3A_366 : i32 to vector<16xi32>
    %add3A_368 = arith.addi %mul3A_53, %add3A_367 : vector<16xi32>
    %gather3A_369 = tpu.vector_load_idx %arg4[%add3A_365, %add3A_368] : memref<10x128xf32, #tpu.memory_space<vmem>>[vector<16xi32>, vector<16xi32>], vector<16xf32>,
    %swap3A_370 = arith.constant 0 : i32
    %swap3A_371 = arith.index_cast %swap3A_370 : i32 to index
    %swap3A_372 = arith.constant 9984 : index
    %swap3A_373 = tpu.vector_load %arg6[%swap3A_371, %swap3A_372] {strides = array<i32>} : memref<9x10000xf32, #tpu.memory_space<vmem>>, vector<16xf32>,
    tpu.vector_store %arg6[%swap3A_371, %swap3A_372], %gather3A_369 {strides = array<i32>} : memref<9x10000xf32, #tpu.memory_space<vmem>>, vector<16xf32>,
    %add3A_374 = arith.constant 1 : i32
    %add3A_375 = vector.broadcast %add3A_374 : i32 to vector<16xi32>
    %add3A_376 = arith.addi %mul3A_53, %add3A_375 : vector<16xi32>
    %gather3A_377 = tpu.vector_load_idx %arg4[%add3A_365, %add3A_376] : memref<10x128xf32, #tpu.memory_space<vmem>>[vector<16xi32>, vector<16xi32>], vector<16xf32>,
    %swap3A_378 = arith.constant 1 : i32
    %swap3A_379 = arith.index_cast %swap3A_378 : i32 to index
    %swap3A_380 = arith.constant 9984 : index
    %swap3A_381 = tpu.vector_load %arg6[%swap3A_379, %swap3A_380] {strides = array<i32>} : memref<9x10000xf32, #tpu.memory_space<vmem>>, vector<16xf32>,
    tpu.vector_store %arg6[%swap3A_379, %swap3A_380], %gather3A_377 {strides = array<i32>} : memref<9x10000xf32, #tpu.memory_space<vmem>>, vector<16xf32>,
    %add3A_382 = arith.constant 2 : i32
    %add3A_383 = vector.broadcast %add3A_382 : i32 to vector<16xi32>
    %add3A_384 = arith.addi %mul3A_53, %add3A_383 : vector<16xi32>
    %gather3A_385 = tpu.vector_load_idx %arg4[%add3A_365, %add3A_384] : memref<10x128xf32, #tpu.memory_space<vmem>>[vector<16xi32>, vector<16xi32>], vector<16xf32>,
    %swap3A_386 = arith.constant 2 : i32
    %swap3A_387 = arith.index_cast %swap3A_386 : i32 to index
    %swap3A_388 = arith.constant 9984 : index
    %swap3A_389 = tpu.vector_load %arg6[%swap3A_387, %swap3A_388] {strides = array<i32>} : memref<9x10000xf32, #tpu.memory_space<vmem>>, vector<16xf32>,
    tpu.vector_store %arg6[%swap3A_387, %swap3A_388], %gather3A_385 {strides = array<i32>} : memref<9x10000xf32, #tpu.memory_space<vmem>>, vector<16xf32>,
    %add3A_390 = arith.constant 3 : i32
    %add3A_391 = vector.broadcast %add3A_390 : i32 to vector<16xi32>
    %add3A_392 = arith.addi %mul3A_53, %add3A_391 : vector<16xi32>
    %gather3A_393 = tpu.vector_load_idx %arg4[%add3A_365, %add3A_392] : memref<10x128xf32, #tpu.memory_space<vmem>>[vector<16xi32>, vector<16xi32>], vector<16xf32>,
    %swap3A_394 = arith.constant 3 : i32
    %swap3A_395 = arith.index_cast %swap3A_394 : i32 to index
    %swap3A_396 = arith.constant 9984 : index
    %swap3A_397 = tpu.vector_load %arg6[%swap3A_395, %swap3A_396] {strides = array<i32>} : memref<9x10000xf32, #tpu.memory_space<vmem>>, vector<16xf32>,
    tpu.vector_store %arg6[%swap3A_395, %swap3A_396], %gather3A_393 {strides = array<i32>} : memref<9x10000xf32, #tpu.memory_space<vmem>>, vector<16xf32>,
    %add3A_398 = arith.constant 4 : i32
    %add3A_399 = vector.broadcast %add3A_398 : i32 to vector<16xi32>
    %add3A_400 = arith.addi %mul3A_53, %add3A_399 : vector<16xi32>
    %gather3A_401 = tpu.vector_load_idx %arg4[%add3A_365, %add3A_400] : memref<10x128xf32, #tpu.memory_space<vmem>>[vector<16xi32>, vector<16xi32>], vector<16xf32>,
    %swap3A_402 = arith.constant 4 : i32
    %swap3A_403 = arith.index_cast %swap3A_402 : i32 to index
    %swap3A_404 = arith.constant 9984 : index
    %swap3A_405 = tpu.vector_load %arg6[%swap3A_403, %swap3A_404] {strides = array<i32>} : memref<9x10000xf32, #tpu.memory_space<vmem>>, vector<16xf32>,
    tpu.vector_store %arg6[%swap3A_403, %swap3A_404], %gather3A_401 {strides = array<i32>} : memref<9x10000xf32, #tpu.memory_space<vmem>>, vector<16xf32>,
    %add3A_406 = arith.constant 5 : i32
    %add3A_407 = vector.broadcast %add3A_406 : i32 to vector<16xi32>
    %add3A_408 = arith.addi %mul3A_53, %add3A_407 : vector<16xi32>
    %gather3A_409 = tpu.vector_load_idx %arg4[%add3A_365, %add3A_408] : memref<10x128xf32, #tpu.memory_space<vmem>>[vector<16xi32>, vector<16xi32>], vector<16xf32>,
    %swap3A_410 = arith.constant 5 : i32
    %swap3A_411 = arith.index_cast %swap3A_410 : i32 to index
    %swap3A_412 = arith.constant 9984 : index
    %swap3A_413 = tpu.vector_load %arg6[%swap3A_411, %swap3A_412] {strides = array<i32>} : memref<9x10000xf32, #tpu.memory_space<vmem>>, vector<16xf32>,
    tpu.vector_store %arg6[%swap3A_411, %swap3A_412], %gather3A_409 {strides = array<i32>} : memref<9x10000xf32, #tpu.memory_space<vmem>>, vector<16xf32>,
    %add3A_414 = arith.constant 6 : i32
    %add3A_415 = vector.broadcast %add3A_414 : i32 to vector<16xi32>
    %add3A_416 = arith.addi %mul3A_53, %add3A_415 : vector<16xi32>
    %gather3A_417 = tpu.vector_load_idx %arg4[%add3A_365, %add3A_416] : memref<10x128xf32, #tpu.memory_space<vmem>>[vector<16xi32>, vector<16xi32>], vector<16xf32>,
    %swap3A_418 = arith.constant 6 : i32
    %swap3A_419 = arith.index_cast %swap3A_418 : i32 to index
    %swap3A_420 = arith.constant 9984 : index
    %swap3A_421 = tpu.vector_load %arg6[%swap3A_419, %swap3A_420] {strides = array<i32>} : memref<9x10000xf32, #tpu.memory_space<vmem>>, vector<16xf32>,
    tpu.vector_store %arg6[%swap3A_419, %swap3A_420], %gather3A_417 {strides = array<i32>} : memref<9x10000xf32, #tpu.memory_space<vmem>>, vector<16xf32>,
    %add3A_422 = arith.constant 7 : i32
    %add3A_423 = vector.broadcast %add3A_422 : i32 to vector<16xi32>
    %add3A_424 = arith.addi %mul3A_53, %add3A_423 : vector<16xi32>
    %gather3A_425 = tpu.vector_load_idx %arg4[%add3A_365, %add3A_424] : memref<10x128xf32, #tpu.memory_space<vmem>>[vector<16xi32>, vector<16xi32>], vector<16xf32>,
    %swap3A_426 = arith.constant 7 : i32
    %swap3A_427 = arith.index_cast %swap3A_426 : i32 to index
    %swap3A_428 = arith.constant 9984 : index
    %swap3A_429 = tpu.vector_load %arg6[%swap3A_427, %swap3A_428] {strides = array<i32>} : memref<9x10000xf32, #tpu.memory_space<vmem>>, vector<16xf32>,
    tpu.vector_store %arg6[%swap3A_427, %swap3A_428], %gather3A_425 {strides = array<i32>} : memref<9x10000xf32, #tpu.memory_space<vmem>>, vector<16xf32>,
    %add3A_430 = arith.constant 8 : i32
    %add3A_431 = vector.broadcast %add3A_430 : i32 to vector<16xi32>
    %add3A_432 = arith.addi %mul3A_53, %add3A_431 : vector<16xi32>
    %gather3A_433 = tpu.vector_load_idx %arg4[%add3A_365, %add3A_432] : memref<10x128xf32, #tpu.memory_space<vmem>>[vector<16xi32>, vector<16xi32>], vector<16xf32>,
    %swap3A_434 = arith.constant 8 : i32
    %swap3A_435 = arith.index_cast %swap3A_434 : i32 to index
    %swap3A_436 = arith.constant 9984 : index
    %swap3A_437 = tpu.vector_load %arg6[%swap3A_435, %swap3A_436] {strides = array<i32>} : memref<9x10000xf32, #tpu.memory_space<vmem>>, vector<16xf32>,
    tpu.vector_store %arg6[%swap3A_435, %swap3A_436], %gather3A_433 {strides = array<i32>} : memref<9x10000xf32, #tpu.memory_space<vmem>>, vector<16xf32>,
    %mul3A_438 = arith.constant 10000 : i32
    %mul3A_439 = arith.muli %add3A, %mul3A_438 : i32
    %run_scoped3A = arith.constant 0 : i32
    %run_scoped3A_440 = arith.constant 0 : i32
    "tpu.region"() ({
      %run_scoped3A_473 = tpu.sem_alloc : memref<!tpu.dma_semaphore, #tpu.memory_space<semaphore_mem>>
      %dma_start3A_474 = arith.constant 0 : i32
      %dma_start3A_475 = tpu.memref_slice %arg6[%run_scoped3A, %dma_start3A_474] : memref<9x10000xf32, #tpu.memory_space<vmem>> -> memref<1x10000xf32, #tpu.memory_space<vmem>>
      %dma_start3A_476 = tpu.memref_squeeze %dma_start3A_475 : memref<1x10000xf32, #tpu.memory_space<vmem>> -> memref<10000xf32, #tpu.memory_space<vmem>>
      %dma_start3A_477 = tpu.memref_slice %arg3[%run_scoped3A_440, %mul3A_439] : memref<9x320000xf32, #tpu.memory_space<hbm>> -> memref<1x10000xf32, #tpu.memory_space<hbm>>
      %dma_start3A_478 = tpu.memref_squeeze %dma_start3A_477 : memref<1x10000xf32, #tpu.memory_space<hbm>> -> memref<10000xf32, #tpu.memory_space<hbm>>
      %dma_start3A_479 = tpu.memref_slice %arg3[%run_scoped3A_440, %mul3A_439] : memref<9x320000xf32, #tpu.memory_space<hbm>> -> memref<1x10000xf32, #tpu.memory_space<hbm>>
      %dma_start3A_480 = tpu.memref_squeeze %dma_start3A_479 : memref<1x10000xf32, #tpu.memory_space<hbm>> -> memref<10000xf32, #tpu.memory_space<hbm>>
      %dma_start3A_481 = arith.constant 0 : i32
      %dma_start3A_482 = tpu.memref_slice %arg6[%run_scoped3A, %dma_start3A_481] : memref<9x10000xf32, #tpu.memory_space<vmem>> -> memref<1x10000xf32, #tpu.memory_space<vmem>>
      %dma_start3A_483 = tpu.memref_squeeze %dma_start3A_482 : memref<1x10000xf32, #tpu.memory_space<vmem>> -> memref<10000xf32, #tpu.memory_space<vmem>>
      tpu.enqueue_dma source(%dma_start3A_483 : memref<10000xf32, #tpu.memory_space<vmem>>) target(%dma_start3A_480 : memref<10000xf32, #tpu.memory_space<hbm>>) target_semaphore(%run_scoped3A_473 : memref<!tpu.dma_semaphore, #tpu.memory_space<semaphore_mem>>)
      %dma_wait3A_484 = arith.constant 0 : i32
      %dma_wait3A_485 = tpu.memref_slice %arg6[%run_scoped3A, %dma_wait3A_484] : memref<9x10000xf32, #tpu.memory_space<vmem>> -> memref<1x10000xf32, #tpu.memory_space<vmem>>
      %dma_wait3A_486 = tpu.memref_squeeze %dma_wait3A_485 : memref<1x10000xf32, #tpu.memory_space<vmem>> -> memref<10000xf32, #tpu.memory_space<vmem>>
      %dma_wait3A_487 = tpu.memref_slice %arg3[%run_scoped3A_440, %mul3A_439] : memref<9x320000xf32, #tpu.memory_space<hbm>> -> memref<1x10000xf32, #tpu.memory_space<hbm>>
      %dma_wait3A_488 = tpu.memref_squeeze %dma_wait3A_487 : memref<1x10000xf32, #tpu.memory_space<hbm>> -> memref<10000xf32, #tpu.memory_space<hbm>>
      %dma_wait3A_489 = tpu.memref_slice %arg3[%run_scoped3A_440, %mul3A_439] : memref<9x320000xf32, #tpu.memory_space<hbm>> -> memref<1x10000xf32, #tpu.memory_space<hbm>>
      %dma_wait3A_490 = tpu.memref_squeeze %dma_wait3A_489 : memref<1x10000xf32, #tpu.memory_space<hbm>> -> memref<10000xf32, #tpu.memory_space<hbm>>
      %dma_wait3A_491 = arith.constant 0 : i32
      %dma_wait3A_492 = tpu.memref_slice %arg6[%run_scoped3A, %dma_wait3A_491] : memref<9x10000xf32, #tpu.memory_space<vmem>> -> memref<1x10000xf32, #tpu.memory_space<vmem>>
      %dma_wait3A_493 = tpu.memref_squeeze %dma_wait3A_492 : memref<1x10000xf32, #tpu.memory_space<vmem>> -> memref<10000xf32, #tpu.memory_space<vmem>>
      tpu.wait_dma2 semaphore(%run_scoped3A_473 : memref<!tpu.dma_semaphore, #tpu.memory_space<semaphore_mem>>) src(%dma_wait3A_493 : memref<10000xf32, #tpu.memory_space<vmem>>) dst(%dma_wait3A_490 : memref<10000xf32, #tpu.memory_space<hbm>>)
      tpu.yield
    }) : () -> ()
    %mul3A_441 = arith.constant 10000 : i32
    %mul3A_442 = arith.muli %add3A, %mul3A_441 : i32
    %run_scoped3A_443 = arith.constant 1 : i32
    %run_scoped3A_444 = arith.constant 1 : i32
    "tpu.region"() ({
      %run_scoped3A_473 = tpu.sem_alloc : memref<!tpu.dma_semaphore, #tpu.memory_space<semaphore_mem>>
      %dma_start3A_474 = arith.constant 0 : i32
      %dma_start3A_475 = tpu.memref_slice %arg6[%run_scoped3A_443, %dma_start3A_474] : memref<9x10000xf32, #tpu.memory_space<vmem>> -> memref<1x10000xf32, #tpu.memory_space<vmem>>
      %dma_start3A_476 = tpu.memref_squeeze %dma_start3A_475 : memref<1x10000xf32, #tpu.memory_space<vmem>> -> memref<10000xf32, #tpu.memory_space<vmem>>
      %dma_start3A_477 = tpu.memref_slice %arg3[%run_scoped3A_444, %mul3A_442] : memref<9x320000xf32, #tpu.memory_space<hbm>> -> memref<1x10000xf32, #tpu.memory_space<hbm>>
      %dma_start3A_478 = tpu.memref_squeeze %dma_start3A_477 : memref<1x10000xf32, #tpu.memory_space<hbm>> -> memref<10000xf32, #tpu.memory_space<hbm>>
      %dma_start3A_479 = tpu.memref_slice %arg3[%run_scoped3A_444, %mul3A_442] : memref<9x320000xf32, #tpu.memory_space<hbm>> -> memref<1x10000xf32, #tpu.memory_space<hbm>>
      %dma_start3A_480 = tpu.memref_squeeze %dma_start3A_479 : memref<1x10000xf32, #tpu.memory_space<hbm>> -> memref<10000xf32, #tpu.memory_space<hbm>>
      %dma_start3A_481 = arith.constant 0 : i32
      %dma_start3A_482 = tpu.memref_slice %arg6[%run_scoped3A_443, %dma_start3A_481] : memref<9x10000xf32, #tpu.memory_space<vmem>> -> memref<1x10000xf32, #tpu.memory_space<vmem>>
      %dma_start3A_483 = tpu.memref_squeeze %dma_start3A_482 : memref<1x10000xf32, #tpu.memory_space<vmem>> -> memref<10000xf32, #tpu.memory_space<vmem>>
      tpu.enqueue_dma source(%dma_start3A_483 : memref<10000xf32, #tpu.memory_space<vmem>>) target(%dma_start3A_480 : memref<10000xf32, #tpu.memory_space<hbm>>) target_semaphore(%run_scoped3A_473 : memref<!tpu.dma_semaphore, #tpu.memory_space<semaphore_mem>>)
      %dma_wait3A_484 = arith.constant 0 : i32
      %dma_wait3A_485 = tpu.memref_slice %arg6[%run_scoped3A_443, %dma_wait3A_484] : memref<9x10000xf32, #tpu.memory_space<vmem>> -> memref<1x10000xf32, #tpu.memory_space<vmem>>
      %dma_wait3A_486 = tpu.memref_squeeze %dma_wait3A_485 : memref<1x10000xf32, #tpu.memory_space<vmem>> -> memref<10000xf32, #tpu.memory_space<vmem>>
      %dma_wait3A_487 = tpu.memref_slice %arg3[%run_scoped3A_444, %mul3A_442] : memref<9x320000xf32, #tpu.memory_space<hbm>> -> memref<1x10000xf32, #tpu.memory_space<hbm>>
      %dma_wait3A_488 = tpu.memref_squeeze %dma_wait3A_487 : memref<1x10000xf32, #tpu.memory_space<hbm>> -> memref<10000xf32, #tpu.memory_space<hbm>>
      %dma_wait3A_489 = tpu.memref_slice %arg3[%run_scoped3A_444, %mul3A_442] : memref<9x320000xf32, #tpu.memory_space<hbm>> -> memref<1x10000xf32, #tpu.memory_space<hbm>>
      %dma_wait3A_490 = tpu.memref_squeeze %dma_wait3A_489 : memref<1x10000xf32, #tpu.memory_space<hbm>> -> memref<10000xf32, #tpu.memory_space<hbm>>
      %dma_wait3A_491 = arith.constant 0 : i32
      %dma_wait3A_492 = tpu.memref_slice %arg6[%run_scoped3A_443, %dma_wait3A_491] : memref<9x10000xf32, #tpu.memory_space<vmem>> -> memref<1x10000xf32, #tpu.memory_space<vmem>>
      %dma_wait3A_493 = tpu.memref_squeeze %dma_wait3A_492 : memref<1x10000xf32, #tpu.memory_space<vmem>> -> memref<10000xf32, #tpu.memory_space<vmem>>
      tpu.wait_dma2 semaphore(%run_scoped3A_473 : memref<!tpu.dma_semaphore, #tpu.memory_space<semaphore_mem>>) src(%dma_wait3A_493 : memref<10000xf32, #tpu.memory_space<vmem>>) dst(%dma_wait3A_490 : memref<10000xf32, #tpu.memory_space<hbm>>)
      tpu.yield
    }) : () -> ()
    %mul3A_445 = arith.constant 10000 : i32
    %mul3A_446 = arith.muli %add3A, %mul3A_445 : i32
    %run_scoped3A_447 = arith.constant 2 : i32
    %run_scoped3A_448 = arith.constant 2 : i32
    "tpu.region"() ({
      %run_scoped3A_473 = tpu.sem_alloc : memref<!tpu.dma_semaphore, #tpu.memory_space<semaphore_mem>>
      %dma_start3A_474 = arith.constant 0 : i32
      %dma_start3A_475 = tpu.memref_slice %arg6[%run_scoped3A_447, %dma_start3A_474] : memref<9x10000xf32, #tpu.memory_space<vmem>> -> memref<1x10000xf32, #tpu.memory_space<vmem>>
      %dma_start3A_476 = tpu.memref_squeeze %dma_start3A_475 : memref<1x10000xf32, #tpu.memory_space<vmem>> -> memref<10000xf32, #tpu.memory_space<vmem>>
      %dma_start3A_477 = tpu.memref_slice %arg3[%run_scoped3A_448, %mul3A_446] : memref<9x320000xf32, #tpu.memory_space<hbm>> -> memref<1x10000xf32, #tpu.memory_space<hbm>>
      %dma_start3A_478 = tpu.memref_squeeze %dma_start3A_477 : memref<1x10000xf32, #tpu.memory_space<hbm>> -> memref<10000xf32, #tpu.memory_space<hbm>>
      %dma_start3A_479 = tpu.memref_slice %arg3[%run_scoped3A_448, %mul3A_446] : memref<9x320000xf32, #tpu.memory_space<hbm>> -> memref<1x10000xf32, #tpu.memory_space<hbm>>
      %dma_start3A_480 = tpu.memref_squeeze %dma_start3A_479 : memref<1x10000xf32, #tpu.memory_space<hbm>> -> memref<10000xf32, #tpu.memory_space<hbm>>
      %dma_start3A_481 = arith.constant 0 : i32
      %dma_start3A_482 = tpu.memref_slice %arg6[%run_scoped3A_447, %dma_start3A_481] : memref<9x10000xf32, #tpu.memory_space<vmem>> -> memref<1x10000xf32, #tpu.memory_space<vmem>>
      %dma_start3A_483 = tpu.memref_squeeze %dma_start3A_482 : memref<1x10000xf32, #tpu.memory_space<vmem>> -> memref<10000xf32, #tpu.memory_space<vmem>>
      tpu.enqueue_dma source(%dma_start3A_483 : memref<10000xf32, #tpu.memory_space<vmem>>) target(%dma_start3A_480 : memref<10000xf32, #tpu.memory_space<hbm>>) target_semaphore(%run_scoped3A_473 : memref<!tpu.dma_semaphore, #tpu.memory_space<semaphore_mem>>)
      %dma_wait3A_484 = arith.constant 0 : i32
      %dma_wait3A_485 = tpu.memref_slice %arg6[%run_scoped3A_447, %dma_wait3A_484] : memref<9x10000xf32, #tpu.memory_space<vmem>> -> memref<1x10000xf32, #tpu.memory_space<vmem>>
      %dma_wait3A_486 = tpu.memref_squeeze %dma_wait3A_485 : memref<1x10000xf32, #tpu.memory_space<vmem>> -> memref<10000xf32, #tpu.memory_space<vmem>>
      %dma_wait3A_487 = tpu.memref_slice %arg3[%run_scoped3A_448, %mul3A_446] : memref<9x320000xf32, #tpu.memory_space<hbm>> -> memref<1x10000xf32, #tpu.memory_space<hbm>>
      %dma_wait3A_488 = tpu.memref_squeeze %dma_wait3A_487 : memref<1x10000xf32, #tpu.memory_space<hbm>> -> memref<10000xf32, #tpu.memory_space<hbm>>
      %dma_wait3A_489 = tpu.memref_slice %arg3[%run_scoped3A_448, %mul3A_446] : memref<9x320000xf32, #tpu.memory_space<hbm>> -> memref<1x10000xf32, #tpu.memory_space<hbm>>
      %dma_wait3A_490 = tpu.memref_squeeze %dma_wait3A_489 : memref<1x10000xf32, #tpu.memory_space<hbm>> -> memref<10000xf32, #tpu.memory_space<hbm>>
      %dma_wait3A_491 = arith.constant 0 : i32
      %dma_wait3A_492 = tpu.memref_slice %arg6[%run_scoped3A_447, %dma_wait3A_491] : memref<9x10000xf32, #tpu.memory_space<vmem>> -> memref<1x10000xf32, #tpu.memory_space<vmem>>
      %dma_wait3A_493 = tpu.memref_squeeze %dma_wait3A_492 : memref<1x10000xf32, #tpu.memory_space<vmem>> -> memref<10000xf32, #tpu.memory_space<vmem>>
      tpu.wait_dma2 semaphore(%run_scoped3A_473 : memref<!tpu.dma_semaphore, #tpu.memory_space<semaphore_mem>>) src(%dma_wait3A_493 : memref<10000xf32, #tpu.memory_space<vmem>>) dst(%dma_wait3A_490 : memref<10000xf32, #tpu.memory_space<hbm>>)
      tpu.yield
    }) : () -> ()
    %mul3A_449 = arith.constant 10000 : i32
    %mul3A_450 = arith.muli %add3A, %mul3A_449 : i32
    %run_scoped3A_451 = arith.constant 3 : i32
    %run_scoped3A_452 = arith.constant 3 : i32
    "tpu.region"() ({
      %run_scoped3A_473 = tpu.sem_alloc : memref<!tpu.dma_semaphore, #tpu.memory_space<semaphore_mem>>
      %dma_start3A_474 = arith.constant 0 : i32
      %dma_start3A_475 = tpu.memref_slice %arg6[%run_scoped3A_451, %dma_start3A_474] : memref<9x10000xf32, #tpu.memory_space<vmem>> -> memref<1x10000xf32, #tpu.memory_space<vmem>>
      %dma_start3A_476 = tpu.memref_squeeze %dma_start3A_475 : memref<1x10000xf32, #tpu.memory_space<vmem>> -> memref<10000xf32, #tpu.memory_space<vmem>>
      %dma_start3A_477 = tpu.memref_slice %arg3[%run_scoped3A_452, %mul3A_450] : memref<9x320000xf32, #tpu.memory_space<hbm>> -> memref<1x10000xf32, #tpu.memory_space<hbm>>
      %dma_start3A_478 = tpu.memref_squeeze %dma_start3A_477 : memref<1x10000xf32, #tpu.memory_space<hbm>> -> memref<10000xf32, #tpu.memory_space<hbm>>
      %dma_start3A_479 = tpu.memref_slice %arg3[%run_scoped3A_452, %mul3A_450] : memref<9x320000xf32, #tpu.memory_space<hbm>> -> memref<1x10000xf32, #tpu.memory_space<hbm>>
      %dma_start3A_480 = tpu.memref_squeeze %dma_start3A_479 : memref<1x10000xf32, #tpu.memory_space<hbm>> -> memref<10000xf32, #tpu.memory_space<hbm>>
      %dma_start3A_481 = arith.constant 0 : i32
      %dma_start3A_482 = tpu.memref_slice %arg6[%run_scoped3A_451, %dma_start3A_481] : memref<9x10000xf32, #tpu.memory_space<vmem>> -> memref<1x10000xf32, #tpu.memory_space<vmem>>
      %dma_start3A_483 = tpu.memref_squeeze %dma_start3A_482 : memref<1x10000xf32, #tpu.memory_space<vmem>> -> memref<10000xf32, #tpu.memory_space<vmem>>
      tpu.enqueue_dma source(%dma_start3A_483 : memref<10000xf32, #tpu.memory_space<vmem>>) target(%dma_start3A_480 : memref<10000xf32, #tpu.memory_space<hbm>>) target_semaphore(%run_scoped3A_473 : memref<!tpu.dma_semaphore, #tpu.memory_space<semaphore_mem>>)
      %dma_wait3A_484 = arith.constant 0 : i32
      %dma_wait3A_485 = tpu.memref_slice %arg6[%run_scoped3A_451, %dma_wait3A_484] : memref<9x10000xf32, #tpu.memory_space<vmem>> -> memref<1x10000xf32, #tpu.memory_space<vmem>>
      %dma_wait3A_486 = tpu.memref_squeeze %dma_wait3A_485 : memref<1x10000xf32, #tpu.memory_space<vmem>> -> memref<10000xf32, #tpu.memory_space<vmem>>
      %dma_wait3A_487 = tpu.memref_slice %arg3[%run_scoped3A_452, %mul3A_450] : memref<9x320000xf32, #tpu.memory_space<hbm>> -> memref<1x10000xf32, #tpu.memory_space<hbm>>
      %dma_wait3A_488 = tpu.memref_squeeze %dma_wait3A_487 : memref<1x10000xf32, #tpu.memory_space<hbm>> -> memref<10000xf32, #tpu.memory_space<hbm>>
      %dma_wait3A_489 = tpu.memref_slice %arg3[%run_scoped3A_452, %mul3A_450] : memref<9x320000xf32, #tpu.memory_space<hbm>> -> memref<1x10000xf32, #tpu.memory_space<hbm>>
      %dma_wait3A_490 = tpu.memref_squeeze %dma_wait3A_489 : memref<1x10000xf32, #tpu.memory_space<hbm>> -> memref<10000xf32, #tpu.memory_space<hbm>>
      %dma_wait3A_491 = arith.constant 0 : i32
      %dma_wait3A_492 = tpu.memref_slice %arg6[%run_scoped3A_451, %dma_wait3A_491] : memref<9x10000xf32, #tpu.memory_space<vmem>> -> memref<1x10000xf32, #tpu.memory_space<vmem>>
      %dma_wait3A_493 = tpu.memref_squeeze %dma_wait3A_492 : memref<1x10000xf32, #tpu.memory_space<vmem>> -> memref<10000xf32, #tpu.memory_space<vmem>>
      tpu.wait_dma2 semaphore(%run_scoped3A_473 : memref<!tpu.dma_semaphore, #tpu.memory_space<semaphore_mem>>) src(%dma_wait3A_493 : memref<10000xf32, #tpu.memory_space<vmem>>) dst(%dma_wait3A_490 : memref<10000xf32, #tpu.memory_space<hbm>>)
      tpu.yield
    }) : () -> ()
    %mul3A_453 = arith.constant 10000 : i32
    %mul3A_454 = arith.muli %add3A, %mul3A_453 : i32
    %run_scoped3A_455 = arith.constant 4 : i32
    %run_scoped3A_456 = arith.constant 4 : i32
    "tpu.region"() ({
      %run_scoped3A_473 = tpu.sem_alloc : memref<!tpu.dma_semaphore, #tpu.memory_space<semaphore_mem>>
      %dma_start3A_474 = arith.constant 0 : i32
      %dma_start3A_475 = tpu.memref_slice %arg6[%run_scoped3A_455, %dma_start3A_474] : memref<9x10000xf32, #tpu.memory_space<vmem>> -> memref<1x10000xf32, #tpu.memory_space<vmem>>
      %dma_start3A_476 = tpu.memref_squeeze %dma_start3A_475 : memref<1x10000xf32, #tpu.memory_space<vmem>> -> memref<10000xf32, #tpu.memory_space<vmem>>
      %dma_start3A_477 = tpu.memref_slice %arg3[%run_scoped3A_456, %mul3A_454] : memref<9x320000xf32, #tpu.memory_space<hbm>> -> memref<1x10000xf32, #tpu.memory_space<hbm>>
      %dma_start3A_478 = tpu.memref_squeeze %dma_start3A_477 : memref<1x10000xf32, #tpu.memory_space<hbm>> -> memref<10000xf32, #tpu.memory_space<hbm>>
      %dma_start3A_479 = tpu.memref_slice %arg3[%run_scoped3A_456, %mul3A_454] : memref<9x320000xf32, #tpu.memory_space<hbm>> -> memref<1x10000xf32, #tpu.memory_space<hbm>>
      %dma_start3A_480 = tpu.memref_squeeze %dma_start3A_479 : memref<1x10000xf32, #tpu.memory_space<hbm>> -> memref<10000xf32, #tpu.memory_space<hbm>>
      %dma_start3A_481 = arith.constant 0 : i32
      %dma_start3A_482 = tpu.memref_slice %arg6[%run_scoped3A_455, %dma_start3A_481] : memref<9x10000xf32, #tpu.memory_space<vmem>> -> memref<1x10000xf32, #tpu.memory_space<vmem>>
      %dma_start3A_483 = tpu.memref_squeeze %dma_start3A_482 : memref<1x10000xf32, #tpu.memory_space<vmem>> -> memref<10000xf32, #tpu.memory_space<vmem>>
      tpu.enqueue_dma source(%dma_start3A_483 : memref<10000xf32, #tpu.memory_space<vmem>>) target(%dma_start3A_480 : memref<10000xf32, #tpu.memory_space<hbm>>) target_semaphore(%run_scoped3A_473 : memref<!tpu.dma_semaphore, #tpu.memory_space<semaphore_mem>>)
      %dma_wait3A_484 = arith.constant 0 : i32
      %dma_wait3A_485 = tpu.memref_slice %arg6[%run_scoped3A_455, %dma_wait3A_484] : memref<9x10000xf32, #tpu.memory_space<vmem>> -> memref<1x10000xf32, #tpu.memory_space<vmem>>
      %dma_wait3A_486 = tpu.memref_squeeze %dma_wait3A_485 : memref<1x10000xf32, #tpu.memory_space<vmem>> -> memref<10000xf32, #tpu.memory_space<vmem>>
      %dma_wait3A_487 = tpu.memref_slice %arg3[%run_scoped3A_456, %mul3A_454] : memref<9x320000xf32, #tpu.memory_space<hbm>> -> memref<1x10000xf32, #tpu.memory_space<hbm>>
      %dma_wait3A_488 = tpu.memref_squeeze %dma_wait3A_487 : memref<1x10000xf32, #tpu.memory_space<hbm>> -> memref<10000xf32, #tpu.memory_space<hbm>>
      %dma_wait3A_489 = tpu.memref_slice %arg3[%run_scoped3A_456, %mul3A_454] : memref<9x320000xf32, #tpu.memory_space<hbm>> -> memref<1x10000xf32, #tpu.memory_space<hbm>>
      %dma_wait3A_490 = tpu.memref_squeeze %dma_wait3A_489 : memref<1x10000xf32, #tpu.memory_space<hbm>> -> memref<10000xf32, #tpu.memory_space<hbm>>
      %dma_wait3A_491 = arith.constant 0 : i32
      %dma_wait3A_492 = tpu.memref_slice %arg6[%run_scoped3A_455, %dma_wait3A_491] : memref<9x10000xf32, #tpu.memory_space<vmem>> -> memref<1x10000xf32, #tpu.memory_space<vmem>>
      %dma_wait3A_493 = tpu.memref_squeeze %dma_wait3A_492 : memref<1x10000xf32, #tpu.memory_space<vmem>> -> memref<10000xf32, #tpu.memory_space<vmem>>
      tpu.wait_dma2 semaphore(%run_scoped3A_473 : memref<!tpu.dma_semaphore, #tpu.memory_space<semaphore_mem>>) src(%dma_wait3A_493 : memref<10000xf32, #tpu.memory_space<vmem>>) dst(%dma_wait3A_490 : memref<10000xf32, #tpu.memory_space<hbm>>)
      tpu.yield
    }) : () -> ()
    %mul3A_457 = arith.constant 10000 : i32
    %mul3A_458 = arith.muli %add3A, %mul3A_457 : i32
    %run_scoped3A_459 = arith.constant 5 : i32
    %run_scoped3A_460 = arith.constant 5 : i32
    "tpu.region"() ({
      %run_scoped3A_473 = tpu.sem_alloc : memref<!tpu.dma_semaphore, #tpu.memory_space<semaphore_mem>>
      %dma_start3A_474 = arith.constant 0 : i32
      %dma_start3A_475 = tpu.memref_slice %arg6[%run_scoped3A_459, %dma_start3A_474] : memref<9x10000xf32, #tpu.memory_space<vmem>> -> memref<1x10000xf32, #tpu.memory_space<vmem>>
      %dma_start3A_476 = tpu.memref_squeeze %dma_start3A_475 : memref<1x10000xf32, #tpu.memory_space<vmem>> -> memref<10000xf32, #tpu.memory_space<vmem>>
      %dma_start3A_477 = tpu.memref_slice %arg3[%run_scoped3A_460, %mul3A_458] : memref<9x320000xf32, #tpu.memory_space<hbm>> -> memref<1x10000xf32, #tpu.memory_space<hbm>>
      %dma_start3A_478 = tpu.memref_squeeze %dma_start3A_477 : memref<1x10000xf32, #tpu.memory_space<hbm>> -> memref<10000xf32, #tpu.memory_space<hbm>>
      %dma_start3A_479 = tpu.memref_slice %arg3[%run_scoped3A_460, %mul3A_458] : memref<9x320000xf32, #tpu.memory_space<hbm>> -> memref<1x10000xf32, #tpu.memory_space<hbm>>
      %dma_start3A_480 = tpu.memref_squeeze %dma_start3A_479 : memref<1x10000xf32, #tpu.memory_space<hbm>> -> memref<10000xf32, #tpu.memory_space<hbm>>
      %dma_start3A_481 = arith.constant 0 : i32
      %dma_start3A_482 = tpu.memref_slice %arg6[%run_scoped3A_459, %dma_start3A_481] : memref<9x10000xf32, #tpu.memory_space<vmem>> -> memref<1x10000xf32, #tpu.memory_space<vmem>>
      %dma_start3A_483 = tpu.memref_squeeze %dma_start3A_482 : memref<1x10000xf32, #tpu.memory_space<vmem>> -> memref<10000xf32, #tpu.memory_space<vmem>>
      tpu.enqueue_dma source(%dma_start3A_483 : memref<10000xf32, #tpu.memory_space<vmem>>) target(%dma_start3A_480 : memref<10000xf32, #tpu.memory_space<hbm>>) target_semaphore(%run_scoped3A_473 : memref<!tpu.dma_semaphore, #tpu.memory_space<semaphore_mem>>)
      %dma_wait3A_484 = arith.constant 0 : i32
      %dma_wait3A_485 = tpu.memref_slice %arg6[%run_scoped3A_459, %dma_wait3A_484] : memref<9x10000xf32, #tpu.memory_space<vmem>> -> memref<1x10000xf32, #tpu.memory_space<vmem>>
      %dma_wait3A_486 = tpu.memref_squeeze %dma_wait3A_485 : memref<1x10000xf32, #tpu.memory_space<vmem>> -> memref<10000xf32, #tpu.memory_space<vmem>>
      %dma_wait3A_487 = tpu.memref_slice %arg3[%run_scoped3A_460, %mul3A_458] : memref<9x320000xf32, #tpu.memory_space<hbm>> -> memref<1x10000xf32, #tpu.memory_space<hbm>>
      %dma_wait3A_488 = tpu.memref_squeeze %dma_wait3A_487 : memref<1x10000xf32, #tpu.memory_space<hbm>> -> memref<10000xf32, #tpu.memory_space<hbm>>
      %dma_wait3A_489 = tpu.memref_slice %arg3[%run_scoped3A_460, %mul3A_458] : memref<9x320000xf32, #tpu.memory_space<hbm>> -> memref<1x10000xf32, #tpu.memory_space<hbm>>
      %dma_wait3A_490 = tpu.memref_squeeze %dma_wait3A_489 : memref<1x10000xf32, #tpu.memory_space<hbm>> -> memref<10000xf32, #tpu.memory_space<hbm>>
      %dma_wait3A_491 = arith.constant 0 : i32
      %dma_wait3A_492 = tpu.memref_slice %arg6[%run_scoped3A_459, %dma_wait3A_491] : memref<9x10000xf32, #tpu.memory_space<vmem>> -> memref<1x10000xf32, #tpu.memory_space<vmem>>
      %dma_wait3A_493 = tpu.memref_squeeze %dma_wait3A_492 : memref<1x10000xf32, #tpu.memory_space<vmem>> -> memref<10000xf32, #tpu.memory_space<vmem>>
      tpu.wait_dma2 semaphore(%run_scoped3A_473 : memref<!tpu.dma_semaphore, #tpu.memory_space<semaphore_mem>>) src(%dma_wait3A_493 : memref<10000xf32, #tpu.memory_space<vmem>>) dst(%dma_wait3A_490 : memref<10000xf32, #tpu.memory_space<hbm>>)
      tpu.yield
    }) : () -> ()
    %mul3A_461 = arith.constant 10000 : i32
    %mul3A_462 = arith.muli %add3A, %mul3A_461 : i32
    %run_scoped3A_463 = arith.constant 6 : i32
    %run_scoped3A_464 = arith.constant 6 : i32
    "tpu.region"() ({
      %run_scoped3A_473 = tpu.sem_alloc : memref<!tpu.dma_semaphore, #tpu.memory_space<semaphore_mem>>
      %dma_start3A_474 = arith.constant 0 : i32
      %dma_start3A_475 = tpu.memref_slice %arg6[%run_scoped3A_463, %dma_start3A_474] : memref<9x10000xf32, #tpu.memory_space<vmem>> -> memref<1x10000xf32, #tpu.memory_space<vmem>>
      %dma_start3A_476 = tpu.memref_squeeze %dma_start3A_475 : memref<1x10000xf32, #tpu.memory_space<vmem>> -> memref<10000xf32, #tpu.memory_space<vmem>>
      %dma_start3A_477 = tpu.memref_slice %arg3[%run_scoped3A_464, %mul3A_462] : memref<9x320000xf32, #tpu.memory_space<hbm>> -> memref<1x10000xf32, #tpu.memory_space<hbm>>
      %dma_start3A_478 = tpu.memref_squeeze %dma_start3A_477 : memref<1x10000xf32, #tpu.memory_space<hbm>> -> memref<10000xf32, #tpu.memory_space<hbm>>
      %dma_start3A_479 = tpu.memref_slice %arg3[%run_scoped3A_464, %mul3A_462] : memref<9x320000xf32, #tpu.memory_space<hbm>> -> memref<1x10000xf32, #tpu.memory_space<hbm>>
      %dma_start3A_480 = tpu.memref_squeeze %dma_start3A_479 : memref<1x10000xf32, #tpu.memory_space<hbm>> -> memref<10000xf32, #tpu.memory_space<hbm>>
      %dma_start3A_481 = arith.constant 0 : i32
      %dma_start3A_482 = tpu.memref_slice %arg6[%run_scoped3A_463, %dma_start3A_481] : memref<9x10000xf32, #tpu.memory_space<vmem>> -> memref<1x10000xf32, #tpu.memory_space<vmem>>
      %dma_start3A_483 = tpu.memref_squeeze %dma_start3A_482 : memref<1x10000xf32, #tpu.memory_space<vmem>> -> memref<10000xf32, #tpu.memory_space<vmem>>
      tpu.enqueue_dma source(%dma_start3A_483 : memref<10000xf32, #tpu.memory_space<vmem>>) target(%dma_start3A_480 : memref<10000xf32, #tpu.memory_space<hbm>>) target_semaphore(%run_scoped3A_473 : memref<!tpu.dma_semaphore, #tpu.memory_space<semaphore_mem>>)
      %dma_wait3A_484 = arith.constant 0 : i32
      %dma_wait3A_485 = tpu.memref_slice %arg6[%run_scoped3A_463, %dma_wait3A_484] : memref<9x10000xf32, #tpu.memory_space<vmem>> -> memref<1x10000xf32, #tpu.memory_space<vmem>>
      %dma_wait3A_486 = tpu.memref_squeeze %dma_wait3A_485 : memref<1x10000xf32, #tpu.memory_space<vmem>> -> memref<10000xf32, #tpu.memory_space<vmem>>
      %dma_wait3A_487 = tpu.memref_slice %arg3[%run_scoped3A_464, %mul3A_462] : memref<9x320000xf32, #tpu.memory_space<hbm>> -> memref<1x10000xf32, #tpu.memory_space<hbm>>
      %dma_wait3A_488 = tpu.memref_squeeze %dma_wait3A_487 : memref<1x10000xf32, #tpu.memory_space<hbm>> -> memref<10000xf32, #tpu.memory_space<hbm>>
      %dma_wait3A_489 = tpu.memref_slice %arg3[%run_scoped3A_464, %mul3A_462] : memref<9x320000xf32, #tpu.memory_space<hbm>> -> memref<1x10000xf32, #tpu.memory_space<hbm>>
      %dma_wait3A_490 = tpu.memref_squeeze %dma_wait3A_489 : memref<1x10000xf32, #tpu.memory_space<hbm>> -> memref<10000xf32, #tpu.memory_space<hbm>>
      %dma_wait3A_491 = arith.constant 0 : i32
      %dma_wait3A_492 = tpu.memref_slice %arg6[%run_scoped3A_463, %dma_wait3A_491] : memref<9x10000xf32, #tpu.memory_space<vmem>> -> memref<1x10000xf32, #tpu.memory_space<vmem>>
      %dma_wait3A_493 = tpu.memref_squeeze %dma_wait3A_492 : memref<1x10000xf32, #tpu.memory_space<vmem>> -> memref<10000xf32, #tpu.memory_space<vmem>>
      tpu.wait_dma2 semaphore(%run_scoped3A_473 : memref<!tpu.dma_semaphore, #tpu.memory_space<semaphore_mem>>) src(%dma_wait3A_493 : memref<10000xf32, #tpu.memory_space<vmem>>) dst(%dma_wait3A_490 : memref<10000xf32, #tpu.memory_space<hbm>>)
      tpu.yield
    }) : () -> ()
    %mul3A_465 = arith.constant 10000 : i32
    %mul3A_466 = arith.muli %add3A, %mul3A_465 : i32
    %run_scoped3A_467 = arith.constant 7 : i32
    %run_scoped3A_468 = arith.constant 7 : i32
    "tpu.region"() ({
      %run_scoped3A_473 = tpu.sem_alloc : memref<!tpu.dma_semaphore, #tpu.memory_space<semaphore_mem>>
      %dma_start3A_474 = arith.constant 0 : i32
      %dma_start3A_475 = tpu.memref_slice %arg6[%run_scoped3A_467, %dma_start3A_474] : memref<9x10000xf32, #tpu.memory_space<vmem>> -> memref<1x10000xf32, #tpu.memory_space<vmem>>
      %dma_start3A_476 = tpu.memref_squeeze %dma_start3A_475 : memref<1x10000xf32, #tpu.memory_space<vmem>> -> memref<10000xf32, #tpu.memory_space<vmem>>
      %dma_start3A_477 = tpu.memref_slice %arg3[%run_scoped3A_468, %mul3A_466] : memref<9x320000xf32, #tpu.memory_space<hbm>> -> memref<1x10000xf32, #tpu.memory_space<hbm>>
      %dma_start3A_478 = tpu.memref_squeeze %dma_start3A_477 : memref<1x10000xf32, #tpu.memory_space<hbm>> -> memref<10000xf32, #tpu.memory_space<hbm>>
      %dma_start3A_479 = tpu.memref_slice %arg3[%run_scoped3A_468, %mul3A_466] : memref<9x320000xf32, #tpu.memory_space<hbm>> -> memref<1x10000xf32, #tpu.memory_space<hbm>>
      %dma_start3A_480 = tpu.memref_squeeze %dma_start3A_479 : memref<1x10000xf32, #tpu.memory_space<hbm>> -> memref<10000xf32, #tpu.memory_space<hbm>>
      %dma_start3A_481 = arith.constant 0 : i32
      %dma_start3A_482 = tpu.memref_slice %arg6[%run_scoped3A_467, %dma_start3A_481] : memref<9x10000xf32, #tpu.memory_space<vmem>> -> memref<1x10000xf32, #tpu.memory_space<vmem>>
      %dma_start3A_483 = tpu.memref_squeeze %dma_start3A_482 : memref<1x10000xf32, #tpu.memory_space<vmem>> -> memref<10000xf32, #tpu.memory_space<vmem>>
      tpu.enqueue_dma source(%dma_start3A_483 : memref<10000xf32, #tpu.memory_space<vmem>>) target(%dma_start3A_480 : memref<10000xf32, #tpu.memory_space<hbm>>) target_semaphore(%run_scoped3A_473 : memref<!tpu.dma_semaphore, #tpu.memory_space<semaphore_mem>>)
      %dma_wait3A_484 = arith.constant 0 : i32
      %dma_wait3A_485 = tpu.memref_slice %arg6[%run_scoped3A_467, %dma_wait3A_484] : memref<9x10000xf32, #tpu.memory_space<vmem>> -> memref<1x10000xf32, #tpu.memory_space<vmem>>
      %dma_wait3A_486 = tpu.memref_squeeze %dma_wait3A_485 : memref<1x10000xf32, #tpu.memory_space<vmem>> -> memref<10000xf32, #tpu.memory_space<vmem>>
      %dma_wait3A_487 = tpu.memref_slice %arg3[%run_scoped3A_468, %mul3A_466] : memref<9x320000xf32, #tpu.memory_space<hbm>> -> memref<1x10000xf32, #tpu.memory_space<hbm>>
      %dma_wait3A_488 = tpu.memref_squeeze %dma_wait3A_487 : memref<1x10000xf32, #tpu.memory_space<hbm>> -> memref<10000xf32, #tpu.memory_space<hbm>>
      %dma_wait3A_489 = tpu.memref_slice %arg3[%run_scoped3A_468, %mul3A_466] : memref<9x320000xf32, #tpu.memory_space<hbm>> -> memref<1x10000xf32, #tpu.memory_space<hbm>>
      %dma_wait3A_490 = tpu.memref_squeeze %dma_wait3A_489 : memref<1x10000xf32, #tpu.memory_space<hbm>> -> memref<10000xf32, #tpu.memory_space<hbm>>
      %dma_wait3A_491 = arith.constant 0 : i32
      %dma_wait3A_492 = tpu.memref_slice %arg6[%run_scoped3A_467, %dma_wait3A_491] : memref<9x10000xf32, #tpu.memory_space<vmem>> -> memref<1x10000xf32, #tpu.memory_space<vmem>>
      %dma_wait3A_493 = tpu.memref_squeeze %dma_wait3A_492 : memref<1x10000xf32, #tpu.memory_space<vmem>> -> memref<10000xf32, #tpu.memory_space<vmem>>
      tpu.wait_dma2 semaphore(%run_scoped3A_473 : memref<!tpu.dma_semaphore, #tpu.memory_space<semaphore_mem>>) src(%dma_wait3A_493 : memref<10000xf32, #tpu.memory_space<vmem>>) dst(%dma_wait3A_490 : memref<10000xf32, #tpu.memory_space<hbm>>)
      tpu.yield
    }) : () -> ()
    %mul3A_469 = arith.constant 10000 : i32
    %mul3A_470 = arith.muli %add3A, %mul3A_469 : i32
    %run_scoped3A_471 = arith.constant 8 : i32
    %run_scoped3A_472 = arith.constant 8 : i32
    "tpu.region"() ({
      %run_scoped3A_473 = tpu.sem_alloc : memref<!tpu.dma_semaphore, #tpu.memory_space<semaphore_mem>>
      %dma_start3A_474 = arith.constant 0 : i32
      %dma_start3A_475 = tpu.memref_slice %arg6[%run_scoped3A_471, %dma_start3A_474] : memref<9x10000xf32, #tpu.memory_space<vmem>> -> memref<1x10000xf32, #tpu.memory_space<vmem>>
      %dma_start3A_476 = tpu.memref_squeeze %dma_start3A_475 : memref<1x10000xf32, #tpu.memory_space<vmem>> -> memref<10000xf32, #tpu.memory_space<vmem>>
      %dma_start3A_477 = tpu.memref_slice %arg3[%run_scoped3A_472, %mul3A_470] : memref<9x320000xf32, #tpu.memory_space<hbm>> -> memref<1x10000xf32, #tpu.memory_space<hbm>>
      %dma_start3A_478 = tpu.memref_squeeze %dma_start3A_477 : memref<1x10000xf32, #tpu.memory_space<hbm>> -> memref<10000xf32, #tpu.memory_space<hbm>>
      %dma_start3A_479 = tpu.memref_slice %arg3[%run_scoped3A_472, %mul3A_470] : memref<9x320000xf32, #tpu.memory_space<hbm>> -> memref<1x10000xf32, #tpu.memory_space<hbm>>
      %dma_start3A_480 = tpu.memref_squeeze %dma_start3A_479 : memref<1x10000xf32, #tpu.memory_space<hbm>> -> memref<10000xf32, #tpu.memory_space<hbm>>
      %dma_start3A_481 = arith.constant 0 : i32
      %dma_start3A_482 = tpu.memref_slice %arg6[%run_scoped3A_471, %dma_start3A_481] : memref<9x10000xf32, #tpu.memory_space<vmem>> -> memref<1x10000xf32, #tpu.memory_space<vmem>>
      %dma_start3A_483 = tpu.memref_squeeze %dma_start3A_482 : memref<1x10000xf32, #tpu.memory_space<vmem>> -> memref<10000xf32, #tpu.memory_space<vmem>>
      tpu.enqueue_dma source(%dma_start3A_483 : memref<10000xf32, #tpu.memory_space<vmem>>) target(%dma_start3A_480 : memref<10000xf32, #tpu.memory_space<hbm>>) target_semaphore(%run_scoped3A_473 : memref<!tpu.dma_semaphore, #tpu.memory_space<semaphore_mem>>)
      %dma_wait3A_484 = arith.constant 0 : i32
      %dma_wait3A_485 = tpu.memref_slice %arg6[%run_scoped3A_471, %dma_wait3A_484] : memref<9x10000xf32, #tpu.memory_space<vmem>> -> memref<1x10000xf32, #tpu.memory_space<vmem>>
      %dma_wait3A_486 = tpu.memref_squeeze %dma_wait3A_485 : memref<1x10000xf32, #tpu.memory_space<vmem>> -> memref<10000xf32, #tpu.memory_space<vmem>>
      %dma_wait3A_487 = tpu.memref_slice %arg3[%run_scoped3A_472, %mul3A_470] : memref<9x320000xf32, #tpu.memory_space<hbm>> -> memref<1x10000xf32, #tpu.memory_space<hbm>>
      %dma_wait3A_488 = tpu.memref_squeeze %dma_wait3A_487 : memref<1x10000xf32, #tpu.memory_space<hbm>> -> memref<10000xf32, #tpu.memory_space<hbm>>
      %dma_wait3A_489 = tpu.memref_slice %arg3[%run_scoped3A_472, %mul3A_470] : memref<9x320000xf32, #tpu.memory_space<hbm>> -> memref<1x10000xf32, #tpu.memory_space<hbm>>
      %dma_wait3A_490 = tpu.memref_squeeze %dma_wait3A_489 : memref<1x10000xf32, #tpu.memory_space<hbm>> -> memref<10000xf32, #tpu.memory_space<hbm>>
      %dma_wait3A_491 = arith.constant 0 : i32
      %dma_wait3A_492 = tpu.memref_slice %arg6[%run_scoped3A_471, %dma_wait3A_491] : memref<9x10000xf32, #tpu.memory_space<vmem>> -> memref<1x10000xf32, #tpu.memory_space<vmem>>
      %dma_wait3A_493 = tpu.memref_squeeze %dma_wait3A_492 : memref<1x10000xf32, #tpu.memory_space<vmem>> -> memref<10000xf32, #tpu.memory_space<vmem>>
      tpu.wait_dma2 semaphore(%run_scoped3A_473 : memref<!tpu.dma_semaphore, #tpu.memory_space<semaphore_mem>>) src(%dma_wait3A_493 : memref<10000xf32, #tpu.memory_space<vmem>>) dst(%dma_wait3A_490 : memref<10000xf32, #tpu.memory_space<hbm>>)
      tpu.yield
    }) : () -> ()
    return
  }
}

module attributes {stable_mosaic.version = 14 : i64} {
  func.func @_k2b_body(%arg0: memref<10000x128xf32, #tpu.memory_space<vmem>>, %arg1: memref<32x4x10240xf32, #tpu.memory_space<vmem>>, %arg2: memref<4x128xf32, #tpu.memory_space<vmem>>, %arg3: memref<4x128xf32, #tpu.memory_space<vmem>>, %arg4: memref<128x128xf32, #tpu.memory_space<vmem>>, %arg5: memref<128x128xf32, #tpu.memory_space<vmem>>, %arg6: memref<128xf32, #tpu.memory_space<vmem>>, %arg7: memref<128xf32, #tpu.memory_space<vmem>>, %arg8: memref<4x1xf32, #tpu.memory_space<vmem>>, %arg9: memref<10240x128xf32, #tpu.memory_space<vmem>>, %arg10: memref<10240x128xf32, #tpu.memory_space<vmem>>, %arg11: memref<10240x1xf32, #tpu.memory_space<vmem>>) attributes {dimension_semantics = [], scalar_prefetch = 0 : i64, scratch_operands = 0 : i64, tpu.core_type = #tpu.core_type<tc>} {
    %get3A = arith.constant 0 : index
    %get3A_0 = arith.constant 0 : index
    %get3A_1 = arith.constant 0 : index
    %get3A_2 = vector.load %arg1[%get3A, %get3A_0, %get3A_1] : memref<32x4x10240xf32, #tpu.memory_space<vmem>>, vector<32x4x10240xf32>
    %reduce_sum3A = arith.constant dense<0.000000e+00> : vector<4x10240xf32>
    %reduce_sum3A_3 = vector.multi_reduction <add>, %get3A_2, %reduce_sum3A [0] : vector<32x4x10240xf32> to vector<4x10240xf32>
    %get3A_4 = arith.constant 0 : index
    %get3A_5 = arith.constant 0 : index
    %get3A_6 = vector.load %arg8[%get3A_4, %get3A_5] : memref<4x1xf32, #tpu.memory_space<vmem>>, vector<4x1xf32>
    %dot_general3A = arith.constant dense<0.000000e+00> : vector<10240x1xf32>
    %dot_general3A_7 = tpu.matmul %reduce_sum3A_3, %get3A_6, %dot_general3A {dimension_numbers = #tpu.dot_dimension_numbers<[0], [0], [1], [1], [0, 1, 1, 1], [], []>, transpose_lhs_hint = false} : vector<4x10240xf32>, vector<4x1xf32>, vector<10240x1xf32> -> vector<10240x1xf32>
    %max3A = arith.constant 1.000000e+00 : f32
    %max3A_8 = vector.broadcast %max3A : f32 to vector<10240x1xf32>
    %max3A_9 = arith.maximumf %dot_general3A_7, %max3A_8 : vector<10240x1xf32>
    %div3A = arith.constant 1.000000e+00 : f32
    %div3A_10 = vector.broadcast %div3A : f32 to vector<10240x1xf32>
    %div3A_11 = arith.divf %div3A_10, %max3A_9 : vector<10240x1xf32>
    %get3A_12 = arith.constant 0 : index
    %get3A_13 = arith.constant 0 : index
    %get3A_14 = vector.load %arg0[%get3A_12, %get3A_13] : memref<10000x128xf32, #tpu.memory_space<vmem>>, vector<10000x128xf32>
    %reduce_sum3A_15 = arith.constant dense<0.000000e+00> : vector<128xf32>
    %reduce_sum3A_16 = vector.multi_reduction <add>, %get3A_14, %reduce_sum3A_15 [0] : vector<10000x128xf32> to vector<128xf32>
    %broadcast_in_dim3A = vector.shape_cast %reduce_sum3A_16 : vector<128xf32> to vector<1x128xf32>
    %div3A_17 = arith.constant 1.000000e+04 : f32
    %div3A_18 = vector.broadcast %div3A_17 : f32 to vector<1x128xf32>
    %div3A_19 = arith.divf %broadcast_in_dim3A, %div3A_18 : vector<1x128xf32>
    %get3A_20 = arith.constant 0 : index
    %get3A_21 = arith.constant 0 : index
    %get3A_22 = vector.load %arg4[%get3A_20, %get3A_21] : memref<128x128xf32, #tpu.memory_space<vmem>>, vector<128x128xf32>
    %dot_general3A_23 = arith.constant dense<0.000000e+00> : vector<1x128xf32>
    %dot_general3A_24 = tpu.matmul %div3A_19, %get3A_22, %dot_general3A_23 {dimension_numbers = #tpu.dot_dimension_numbers<[1], [0], [0], [1], [0, 0, 1, 1], [], []>, transpose_lhs_hint = false} : vector<1x128xf32>, vector<128x128xf32>, vector<1x128xf32> -> vector<1x128xf32>
    %get3A_25 = arith.constant 0 : index
    %get3A_26 = arith.constant 0 : index
    %get3A_27 = vector.load %arg5[%get3A_25, %get3A_26] : memref<128x128xf32, #tpu.memory_space<vmem>>, vector<128x128xf32>
    %dot_general3A_28 = arith.constant dense<0.000000e+00> : vector<1x128xf32>
    %dot_general3A_29 = tpu.matmul %div3A_19, %get3A_27, %dot_general3A_28 {dimension_numbers = #tpu.dot_dimension_numbers<[1], [0], [0], [1], [0, 0, 1, 1], [], []>, transpose_lhs_hint = false} : vector<1x128xf32>, vector<128x128xf32>, vector<1x128xf32> -> vector<1x128xf32>
    %get3A_30 = arith.constant 0 : index
    %get3A_31 = arith.constant 0 : index
    %get3A_32 = vector.load %arg2[%get3A_30, %get3A_31] : memref<4x128xf32, #tpu.memory_space<vmem>>, vector<4x128xf32>
    %dot_general3A_33 = arith.constant dense<0.000000e+00> : vector<10240x128xf32>
    %dot_general3A_34 = tpu.matmul %reduce_sum3A_3, %get3A_32, %dot_general3A_33 {dimension_numbers = #tpu.dot_dimension_numbers<[0], [0], [1], [1], [0, 1, 1, 1], [], []>, transpose_lhs_hint = false} : vector<4x10240xf32>, vector<4x128xf32>, vector<10240x128xf32> -> vector<10240x128xf32>
    %get3A_35 = arith.constant 0 : index
    %get3A_36 = arith.constant 0 : index
    %get3A_37 = vector.load %arg3[%get3A_35, %get3A_36] : memref<4x128xf32, #tpu.memory_space<vmem>>, vector<4x128xf32>
    %dot_general3A_38 = arith.constant dense<0.000000e+00> : vector<10240x128xf32>
    %dot_general3A_39 = tpu.matmul %reduce_sum3A_3, %get3A_37, %dot_general3A_38 {dimension_numbers = #tpu.dot_dimension_numbers<[0], [0], [1], [1], [0, 1, 1, 1], [], []>, transpose_lhs_hint = false} : vector<4x10240xf32>, vector<4x128xf32>, vector<10240x128xf32> -> vector<10240x128xf32>
    %mul3A = vector.broadcast %div3A_11 : vector<10240x1xf32> to vector<10240x128xf32>
    %mul3A_40 = arith.mulf %dot_general3A_34, %mul3A : vector<10240x128xf32>
    %add3A = vector.broadcast %dot_general3A_24 : vector<1x128xf32> to vector<10240x128xf32>
    %add3A_41 = arith.addf %mul3A_40, %add3A : vector<10240x128xf32>
    %get3A_42 = arith.constant 0 : index
    %get3A_43 = vector.load %arg6[%get3A_42] : memref<128xf32, #tpu.memory_space<vmem>>, vector<128xf32>
    %broadcast_in_dim3A_44 = vector.shape_cast %get3A_43 : vector<128xf32> to vector<1x128xf32>
    %add3A_45 = vector.broadcast %broadcast_in_dim3A_44 : vector<1x128xf32> to vector<10240x128xf32>
    %add3A_46 = arith.addf %add3A_41, %add3A_45 : vector<10240x128xf32>
    %swap3A = arith.constant 0 : index
    %swap3A_47 = arith.constant 0 : index
    %swap3A_48 = vector.load %arg9[%swap3A, %swap3A_47] : memref<10240x128xf32, #tpu.memory_space<vmem>>, vector<10240x128xf32>
    tpu.vector_store %arg9[%swap3A, %swap3A_47], %add3A_46 {strides = array<i32>} : memref<10240x128xf32, #tpu.memory_space<vmem>>, vector<10240x128xf32>,
    %mul3A_49 = vector.broadcast %div3A_11 : vector<10240x1xf32> to vector<10240x128xf32>
    %mul3A_50 = arith.mulf %dot_general3A_39, %mul3A_49 : vector<10240x128xf32>
    %add3A_51 = vector.broadcast %dot_general3A_29 : vector<1x128xf32> to vector<10240x128xf32>
    %add3A_52 = arith.addf %mul3A_50, %add3A_51 : vector<10240x128xf32>
    %get3A_53 = arith.constant 0 : index
    %get3A_54 = vector.load %arg7[%get3A_53] : memref<128xf32, #tpu.memory_space<vmem>>, vector<128xf32>
    %broadcast_in_dim3A_55 = vector.shape_cast %get3A_54 : vector<128xf32> to vector<1x128xf32>
    %add3A_56 = vector.broadcast %broadcast_in_dim3A_55 : vector<1x128xf32> to vector<10240x128xf32>
    %add3A_57 = arith.addf %add3A_52, %add3A_56 : vector<10240x128xf32>
    %swap3A_58 = arith.constant 0 : index
    %swap3A_59 = arith.constant 0 : index
    %swap3A_60 = vector.load %arg10[%swap3A_58, %swap3A_59] : memref<10240x128xf32, #tpu.memory_space<vmem>>, vector<10240x128xf32>
    tpu.vector_store %arg10[%swap3A_58, %swap3A_59], %add3A_57 {strides = array<i32>} : memref<10240x128xf32, #tpu.memory_space<vmem>>, vector<10240x128xf32>,
    %swap3A_61 = arith.constant 0 : index
    %swap3A_62 = arith.constant 0 : index
    %swap3A_63 = vector.load %arg11[%swap3A_61, %swap3A_62] : memref<10240x1xf32, #tpu.memory_space<vmem>>, vector<10240x1xf32>
    tpu.vector_store %arg11[%swap3A_61, %swap3A_62], %div3A_11 {strides = array<i32>} : memref<10240x1xf32, #tpu.memory_space<vmem>>, vector<10240x1xf32>,
    return
  }
}

module attributes {stable_mosaic.version = 14 : i64} {
  func.func @_k4_body(%arg0: i32, %arg1: memref<256x128xf32, #tpu.memory_space<vmem>>, %arg2: memref<2x256x128xf32, #tpu.memory_space<vmem>>, %arg3: memref<256x1xf32, #tpu.memory_space<vmem>>, %arg4: memref<256x128xf32, #tpu.memory_space<vmem>>, %arg5: memref<128x128xf32, #tpu.memory_space<vmem>>, %arg6: memref<128x128xf32, #tpu.memory_space<vmem>>, %arg7: memref<256x128xf32, #tpu.memory_space<vmem>>) attributes {dimension_semantics = [#tpu.dimension_semantics<arbitrary>], iteration_bounds = array<i64: 40>, scalar_prefetch = 0 : i64, scratch_operands = 0 : i64, tpu.core_type = #tpu.core_type<tc>, window_params = [{transform_indices = @transform_0, window_bounds = array<i64: 256, 128>}, {transform_indices = @transform_1, window_bounds = array<i64: 2, 256, 128>}, {transform_indices = @transform_2, window_bounds = array<i64: 256, 1>}, {transform_indices = @transform_3, window_bounds = array<i64: 256, 128>}, {pipeline_mode = #tpu.pipeline_mode<synchronous>, transform_indices = @transform_4, window_bounds = array<i64: 128, 128>}, {pipeline_mode = #tpu.pipeline_mode<synchronous>, transform_indices = @transform_5, window_bounds = array<i64: 128, 128>}, {transform_indices = @transform_6, window_bounds = array<i64: 256, 128>}]} {
    %get3A = arith.constant 0 : index
    %get3A_0 = arith.constant 0 : index
    %get3A_1 = arith.constant 0 : index
    %get3A_2 = vector.load %arg2[%get3A, %get3A_0, %get3A_1] : memref<2x256x128xf32, #tpu.memory_space<vmem>>, vector<1x256x128xf32>
    %get3A_3 = vector.shape_cast %get3A_2 : vector<1x256x128xf32> to vector<256x128xf32>
    %get3A_4 = arith.constant 1 : index
    %get3A_5 = arith.constant 0 : index
    %get3A_6 = arith.constant 0 : index
    %get3A_7 = vector.load %arg2[%get3A_4, %get3A_5, %get3A_6] : memref<2x256x128xf32, #tpu.memory_space<vmem>>, vector<1x256x128xf32>
    %get3A_8 = vector.shape_cast %get3A_7 : vector<1x256x128xf32> to vector<256x128xf32>
    %add3A = arith.addf %get3A_3, %get3A_8 : vector<256x128xf32>
    %get3A_9 = arith.constant 0 : index
    %get3A_10 = arith.constant 0 : index
    %get3A_11 = vector.load %arg1[%get3A_9, %get3A_10] : memref<256x128xf32, #tpu.memory_space<vmem>>, vector<256x128xf32>
    %get3A_12 = arith.constant 0 : index
    %get3A_13 = arith.constant 0 : index
    %get3A_14 = vector.load %arg5[%get3A_12, %get3A_13] : memref<128x128xf32, #tpu.memory_space<vmem>>, vector<128x128xf32>
    %dot_general3A = arith.constant dense<0.000000e+00> : vector<256x128xf32>
    %dot_general3A_15 = tpu.matmul %get3A_11, %get3A_14, %dot_general3A {dimension_numbers = #tpu.dot_dimension_numbers<[1], [0], [0], [1], [0, 0, 1, 1], [], []>, transpose_lhs_hint = false} : vector<256x128xf32>, vector<128x128xf32>, vector<256x128xf32> -> vector<256x128xf32>
    %get3A_16 = arith.constant 0 : index
    %get3A_17 = arith.constant 0 : index
    %get3A_18 = vector.load %arg6[%get3A_16, %get3A_17] : memref<128x128xf32, #tpu.memory_space<vmem>>, vector<128x128xf32>
    %dot_general3A_19 = arith.constant dense<0.000000e+00> : vector<256x128xf32>
    %dot_general3A_20 = tpu.matmul %add3A, %get3A_18, %dot_general3A_19 {dimension_numbers = #tpu.dot_dimension_numbers<[1], [0], [0], [1], [0, 0, 1, 1], [], []>, transpose_lhs_hint = false} : vector<256x128xf32>, vector<128x128xf32>, vector<256x128xf32> -> vector<256x128xf32>
    %get3A_21 = arith.constant 0 : index
    %get3A_22 = arith.constant 0 : index
    %get3A_23 = vector.load %arg3[%get3A_21, %get3A_22] : memref<256x1xf32, #tpu.memory_space<vmem>>, vector<256x1xf32>
    %mul3A = vector.broadcast %get3A_23 : vector<256x1xf32> to vector<256x128xf32>
    %mul3A_24 = arith.mulf %dot_general3A_20, %mul3A : vector<256x128xf32>
    %add3A_25 = arith.addf %dot_general3A_15, %mul3A_24 : vector<256x128xf32>
    %get3A_26 = arith.constant 0 : index
    %get3A_27 = arith.constant 0 : index
    %get3A_28 = vector.load %arg4[%get3A_26, %get3A_27] : memref<256x128xf32, #tpu.memory_space<vmem>>, vector<256x128xf32>
    %add3A_29 = arith.addf %add3A_25, %get3A_28 : vector<256x128xf32>
    %max3A = arith.constant 0.000000e+00 : f32
    %max3A_30 = vector.broadcast %max3A : f32 to vector<256x128xf32>
    %max3A_31 = arith.maximumf %add3A_29, %max3A_30 : vector<256x128xf32>
    %swap3A = arith.constant 0 : index
    %swap3A_32 = arith.constant 0 : index
    %swap3A_33 = vector.load %arg7[%swap3A, %swap3A_32] : memref<256x128xf32, #tpu.memory_space<vmem>>, vector<256x128xf32>
    tpu.vector_store %arg7[%swap3A, %swap3A_32], %max3A_31 {strides = array<i32>} : memref<256x128xf32, #tpu.memory_space<vmem>>, vector<256x128xf32>,
    return
  }
  func.func @transform_0(%arg0: i32) -> (i32, i32) {
    %c0_i32 = arith.constant 0 : i32
    %c0_i32_0 = arith.constant 0 : i32
    return %arg0, %c0_i32 : i32, i32
  }
  func.func @transform_1(%arg0: i32) -> (i32, i32, i32) {
    %c0_i32 = arith.constant 0 : i32
    %c0_i32_0 = arith.constant 0 : i32
    %c0_i32_1 = arith.constant 0 : i32
    return %c0_i32, %arg0, %c0_i32_0 : i32, i32, i32
  }
  func.func @transform_2(%arg0: i32) -> (i32, i32) {
    %c0_i32 = arith.constant 0 : i32
    %c0_i32_0 = arith.constant 0 : i32
    return %arg0, %c0_i32 : i32, i32
  }
  func.func @transform_3(%arg0: i32) -> (i32, i32) {
    %c0_i32 = arith.constant 0 : i32
    %c0_i32_0 = arith.constant 0 : i32
    return %arg0, %c0_i32 : i32, i32
  }
  func.func @transform_4(%arg0: i32) -> (i32, i32) {
    %c0_i32 = arith.constant 0 : i32
    %c0_i32_0 = arith.constant 0 : i32
    %c0_i32_1 = arith.constant 0 : i32
    return %c0_i32, %c0_i32_0 : i32, i32
  }
  func.func @transform_5(%arg0: i32) -> (i32, i32) {
    %c0_i32 = arith.constant 0 : i32
    %c0_i32_0 = arith.constant 0 : i32
    %c0_i32_1 = arith.constant 0 : i32
    return %c0_i32, %c0_i32_0 : i32, i32
  }
  func.func @transform_6(%arg0: i32) -> (i32, i32) {
    %c0_i32 = arith.constant 0 : i32
    %c0_i32_0 = arith.constant 0 : i32
    return %arg0, %c0_i32 : i32, i32
  }
}

module attributes {stable_mosaic.version = 14 : i64} {
  func.func @_k4b_body(%arg0: i32, %arg1: memref<256x128xf32, #tpu.memory_space<vmem>>, %arg2: memref<2x256x128xf32, #tpu.memory_space<vmem>>, %arg3: memref<256x1xf32, #tpu.memory_space<vmem>>, %arg4: memref<256x128xf32, #tpu.memory_space<vmem>>, %arg5: memref<128x128xf32, #tpu.memory_space<vmem>>, %arg6: memref<128x128xf32, #tpu.memory_space<vmem>>, %arg7: memref<128x32xf32, #tpu.memory_space<vmem>>, %arg8: memref<32xf32, #tpu.memory_space<vmem>>, %arg9: memref<256x128xf32, #tpu.memory_space<vmem>>, %arg10: memref<256x32xf32, #tpu.memory_space<vmem>>) attributes {dimension_semantics = [#tpu.dimension_semantics<arbitrary>], iteration_bounds = array<i64: 40>, scalar_prefetch = 0 : i64, scratch_operands = 0 : i64, tpu.core_type = #tpu.core_type<tc>, window_params = [{transform_indices = @transform_0, window_bounds = array<i64: 256, 128>}, {transform_indices = @transform_1, window_bounds = array<i64: 2, 256, 128>}, {transform_indices = @transform_2, window_bounds = array<i64: 256, 1>}, {transform_indices = @transform_3, window_bounds = array<i64: 256, 128>}, {pipeline_mode = #tpu.pipeline_mode<synchronous>, transform_indices = @transform_4, window_bounds = array<i64: 128, 128>}, {pipeline_mode = #tpu.pipeline_mode<synchronous>, transform_indices = @transform_5, window_bounds = array<i64: 128, 128>}, {pipeline_mode = #tpu.pipeline_mode<synchronous>, transform_indices = @transform_6, window_bounds = array<i64: 128, 32>}, {pipeline_mode = #tpu.pipeline_mode<synchronous>, transform_indices = @transform_7, window_bounds = array<i64: 32>}, {transform_indices = @transform_8, window_bounds = array<i64: 256, 128>}, {transform_indices = @transform_9, window_bounds = array<i64: 256, 32>}]} {
    %get3A = arith.constant 0 : index
    %get3A_0 = arith.constant 0 : index
    %get3A_1 = arith.constant 0 : index
    %get3A_2 = vector.load %arg2[%get3A, %get3A_0, %get3A_1] : memref<2x256x128xf32, #tpu.memory_space<vmem>>, vector<1x256x128xf32>
    %get3A_3 = vector.shape_cast %get3A_2 : vector<1x256x128xf32> to vector<256x128xf32>
    %get3A_4 = arith.constant 1 : index
    %get3A_5 = arith.constant 0 : index
    %get3A_6 = arith.constant 0 : index
    %get3A_7 = vector.load %arg2[%get3A_4, %get3A_5, %get3A_6] : memref<2x256x128xf32, #tpu.memory_space<vmem>>, vector<1x256x128xf32>
    %get3A_8 = vector.shape_cast %get3A_7 : vector<1x256x128xf32> to vector<256x128xf32>
    %add3A = arith.addf %get3A_3, %get3A_8 : vector<256x128xf32>
    %get3A_9 = arith.constant 0 : index
    %get3A_10 = arith.constant 0 : index
    %get3A_11 = vector.load %arg1[%get3A_9, %get3A_10] : memref<256x128xf32, #tpu.memory_space<vmem>>, vector<256x128xf32>
    %get3A_12 = arith.constant 0 : index
    %get3A_13 = arith.constant 0 : index
    %get3A_14 = vector.load %arg5[%get3A_12, %get3A_13] : memref<128x128xf32, #tpu.memory_space<vmem>>, vector<128x128xf32>
    %dot_general3A = arith.constant dense<0.000000e+00> : vector<256x128xf32>
    %dot_general3A_15 = tpu.matmul %get3A_11, %get3A_14, %dot_general3A {dimension_numbers = #tpu.dot_dimension_numbers<[1], [0], [0], [1], [0, 0, 1, 1], [], []>, transpose_lhs_hint = false} : vector<256x128xf32>, vector<128x128xf32>, vector<256x128xf32> -> vector<256x128xf32>
    %get3A_16 = arith.constant 0 : index
    %get3A_17 = arith.constant 0 : index
    %get3A_18 = vector.load %arg6[%get3A_16, %get3A_17] : memref<128x128xf32, #tpu.memory_space<vmem>>, vector<128x128xf32>
    %dot_general3A_19 = arith.constant dense<0.000000e+00> : vector<256x128xf32>
    %dot_general3A_20 = tpu.matmul %add3A, %get3A_18, %dot_general3A_19 {dimension_numbers = #tpu.dot_dimension_numbers<[1], [0], [0], [1], [0, 0, 1, 1], [], []>, transpose_lhs_hint = false} : vector<256x128xf32>, vector<128x128xf32>, vector<256x128xf32> -> vector<256x128xf32>
    %get3A_21 = arith.constant 0 : index
    %get3A_22 = arith.constant 0 : index
    %get3A_23 = vector.load %arg3[%get3A_21, %get3A_22] : memref<256x1xf32, #tpu.memory_space<vmem>>, vector<256x1xf32>
    %mul3A = vector.broadcast %get3A_23 : vector<256x1xf32> to vector<256x128xf32>
    %mul3A_24 = arith.mulf %dot_general3A_20, %mul3A : vector<256x128xf32>
    %add3A_25 = arith.addf %dot_general3A_15, %mul3A_24 : vector<256x128xf32>
    %get3A_26 = arith.constant 0 : index
    %get3A_27 = arith.constant 0 : index
    %get3A_28 = vector.load %arg4[%get3A_26, %get3A_27] : memref<256x128xf32, #tpu.memory_space<vmem>>, vector<256x128xf32>
    %add3A_29 = arith.addf %add3A_25, %get3A_28 : vector<256x128xf32>
    %max3A = arith.constant 0.000000e+00 : f32
    %max3A_30 = vector.broadcast %max3A : f32 to vector<256x128xf32>
    %max3A_31 = arith.maximumf %add3A_29, %max3A_30 : vector<256x128xf32>
    %swap3A = arith.constant 0 : index
    %swap3A_32 = arith.constant 0 : index
    %swap3A_33 = vector.load %arg9[%swap3A, %swap3A_32] : memref<256x128xf32, #tpu.memory_space<vmem>>, vector<256x128xf32>
    tpu.vector_store %arg9[%swap3A, %swap3A_32], %max3A_31 {strides = array<i32>} : memref<256x128xf32, #tpu.memory_space<vmem>>, vector<256x128xf32>,
    %get3A_34 = arith.constant 0 : index
    %get3A_35 = arith.constant 0 : index
    %get3A_36 = vector.load %arg7[%get3A_34, %get3A_35] : memref<128x32xf32, #tpu.memory_space<vmem>>, vector<128x32xf32>
    %dot_general3A_37 = arith.constant dense<0.000000e+00> : vector<256x32xf32>
    %dot_general3A_38 = tpu.matmul %max3A_31, %get3A_36, %dot_general3A_37 {dimension_numbers = #tpu.dot_dimension_numbers<[1], [0], [0], [1], [0, 0, 1, 1], [], []>, transpose_lhs_hint = false} : vector<256x128xf32>, vector<128x32xf32>, vector<256x32xf32> -> vector<256x32xf32>
    %get3A_39 = arith.constant 0 : index
    %get3A_40 = vector.load %arg8[%get3A_39] : memref<32xf32, #tpu.memory_space<vmem>>, vector<32xf32>
    %broadcast_in_dim3A = vector.shape_cast %get3A_40 : vector<32xf32> to vector<1x32xf32>
    %add3A_41 = vector.broadcast %broadcast_in_dim3A : vector<1x32xf32> to vector<256x32xf32>
    %add3A_42 = arith.addf %dot_general3A_38, %add3A_41 : vector<256x32xf32>
    %swap3A_43 = arith.constant 0 : index
    %swap3A_44 = arith.constant 0 : index
    %swap3A_45 = vector.load %arg10[%swap3A_43, %swap3A_44] : memref<256x32xf32, #tpu.memory_space<vmem>>, vector<256x32xf32>
    tpu.vector_store %arg10[%swap3A_43, %swap3A_44], %add3A_42 {strides = array<i32>} : memref<256x32xf32, #tpu.memory_space<vmem>>, vector<256x32xf32>,
    return
  }
  func.func @transform_0(%arg0: i32) -> (i32, i32) {
    %c0_i32 = arith.constant 0 : i32
    %c0_i32_0 = arith.constant 0 : i32
    return %arg0, %c0_i32 : i32, i32
  }
  func.func @transform_1(%arg0: i32) -> (i32, i32, i32) {
    %c0_i32 = arith.constant 0 : i32
    %c0_i32_0 = arith.constant 0 : i32
    %c0_i32_1 = arith.constant 0 : i32
    return %c0_i32, %arg0, %c0_i32_0 : i32, i32, i32
  }
  func.func @transform_2(%arg0: i32) -> (i32, i32) {
    %c0_i32 = arith.constant 0 : i32
    %c0_i32_0 = arith.constant 0 : i32
    return %arg0, %c0_i32 : i32, i32
  }
  func.func @transform_3(%arg0: i32) -> (i32, i32) {
    %c0_i32 = arith.constant 0 : i32
    %c0_i32_0 = arith.constant 0 : i32
    return %arg0, %c0_i32 : i32, i32
  }
  func.func @transform_4(%arg0: i32) -> (i32, i32) {
    %c0_i32 = arith.constant 0 : i32
    %c0_i32_0 = arith.constant 0 : i32
    %c0_i32_1 = arith.constant 0 : i32
    return %c0_i32, %c0_i32_0 : i32, i32
  }
  func.func @transform_5(%arg0: i32) -> (i32, i32) {
    %c0_i32 = arith.constant 0 : i32
    %c0_i32_0 = arith.constant 0 : i32
    %c0_i32_1 = arith.constant 0 : i32
    return %c0_i32, %c0_i32_0 : i32, i32
  }
  func.func @transform_6(%arg0: i32) -> (i32, i32) {
    %c0_i32 = arith.constant 0 : i32
    %c0_i32_0 = arith.constant 0 : i32
    %c0_i32_1 = arith.constant 0 : i32
    return %c0_i32, %c0_i32_0 : i32, i32
  }
  func.func @transform_7(%arg0: i32) -> i32 {
    %c0_i32 = arith.constant 0 : i32
    %c0_i32_0 = arith.constant 0 : i32
    return %c0_i32 : i32
  }
  func.func @transform_8(%arg0: i32) -> (i32, i32) {
    %c0_i32 = arith.constant 0 : i32
    %c0_i32_0 = arith.constant 0 : i32
    return %arg0, %c0_i32 : i32, i32
  }
  func.func @transform_9(%arg0: i32) -> (i32, i32) {
    %c0_i32 = arith.constant 0 : i32
    %c0_i32_0 = arith.constant 0 : i32
    return %arg0, %c0_i32 : i32, i32
  }
}

module attributes {stable_mosaic.version = 14 : i64} {
  func.func @_k7_body(%arg0: i32, %arg1: memref<4000x128xf32, #tpu.memory_space<vmem>>, %arg2: memref<128x128xf32, #tpu.memory_space<vmem>>, %arg3: memref<128x128xf32, #tpu.memory_space<vmem>>, %arg4: memref<4000x128xf32, #tpu.memory_space<vmem>>) attributes {dimension_semantics = [#tpu.dimension_semantics<arbitrary>], iteration_bounds = array<i64: 10>, scalar_prefetch = 0 : i64, scratch_operands = 0 : i64, tpu.core_type = #tpu.core_type<tc>, window_params = [{transform_indices = @transform_0, window_bounds = array<i64: 4000, 128>}, {pipeline_mode = #tpu.pipeline_mode<synchronous>, transform_indices = @transform_1, window_bounds = array<i64: 128, 128>}, {pipeline_mode = #tpu.pipeline_mode<synchronous>, transform_indices = @transform_2, window_bounds = array<i64: 128, 128>}, {transform_indices = @transform_3, window_bounds = array<i64: 4000, 128>}]} {
    %get3A = arith.constant 0 : index
    %get3A_0 = arith.constant 0 : index
    %get3A_1 = vector.load %arg1[%get3A, %get3A_0] : memref<4000x128xf32, #tpu.memory_space<vmem>>, vector<4000x128xf32>
    %iota3A = tpu.iota {dimensions = array<i32: 1>} : vector<4000x128xi32>
    %jit3A = arith.constant 16 : i32
    %eq3A = arith.constant 0 : i32
    %eq3A_2 = arith.cmpi eq, %jit3A, %eq3A : i32
    %jit3A_3 = arith.constant 1 : i32
    %select_n3A = arith.select %eq3A_2, %jit3A_3, %jit3A : i32
    %rem3A = vector.broadcast %select_n3A : i32 to vector<4000x128xi32>
    %rem3A_4 = arith.remsi %iota3A, %rem3A : vector<4000x128xi32>
    %ne3A = arith.constant 0 : i32
    %ne3A_5 = vector.broadcast %ne3A : i32 to vector<4000x128xi32>
    %ne3A_6 = arith.cmpi ne, %rem3A_4, %ne3A_5 : vector<4000x128xi32>
    %lt3A = arith.constant 0 : i32
    %lt3A_7 = vector.broadcast %lt3A : i32 to vector<4000x128xi32>
    %lt3A_8 = arith.cmpi slt, %rem3A_4, %lt3A_7 : vector<4000x128xi32>
    %lt3A_9 = arith.constant 0 : i32
    %lt3A_10 = arith.cmpi slt, %select_n3A, %lt3A_9 : i32
    %ne3A_11 = vector.broadcast %lt3A_10 : i1 to vector<4000x128xi1>
    %ne3A_12 = vector.broadcast %ne3A_11 : vector<4000x128xi1> to vector<4000x128xi1>
    %ne3A_13 = arith.xori %lt3A_8, %ne3A_12 : vector<4000x128xi1>
    %and3A = arith.andi %ne3A_13, %ne3A_6 : vector<4000x128xi1>
    %add3A = vector.broadcast %select_n3A : i32 to vector<4000x128xi32>
    %add3A_14 = arith.addi %rem3A_4, %add3A : vector<4000x128xi32>
    %select_n3A_15 = arith.select %and3A, %add3A_14, %rem3A_4 : vector<4000x128xi1>, vector<4000x128xi32>
    %lt3A_16 = arith.constant 9 : i32
    %lt3A_17 = vector.broadcast %lt3A_16 : i32 to vector<4000x128xi32>
    %lt3A_18 = arith.cmpi slt, %select_n3A_15, %lt3A_17 : vector<4000x128xi32>
    %jit3A_19 = arith.constant 0.000000e+00 : f32
    %broadcast_in_dim3A = vector.broadcast %jit3A_19 : f32 to vector<4000x128xf32>
    %select_n3A_20 = arith.select %lt3A_18, %get3A_1, %broadcast_in_dim3A : vector<4000x128xi1>, vector<4000x128xf32>
    %get3A_21 = arith.constant 0 : index
    %get3A_22 = arith.constant 0 : index
    %get3A_23 = vector.load %arg2[%get3A_21, %get3A_22] : memref<128x128xf32, #tpu.memory_space<vmem>>, vector<128x128xf32>
    %dot_general3A = arith.constant dense<0.000000e+00> : vector<4000x128xf32>
    %dot_general3A_24 = tpu.matmul %select_n3A_20, %get3A_23, %dot_general3A {dimension_numbers = #tpu.dot_dimension_numbers<[1], [0], [0], [1], [0, 0, 1, 1], [], []>, transpose_lhs_hint = false} : vector<4000x128xf32>, vector<128x128xf32>, vector<4000x128xf32> -> vector<4000x128xf32>
    %sub3A = arith.subf %get3A_1, %dot_general3A_24 : vector<4000x128xf32>
    %exp3A = math.exp %sub3A : vector<4000x128xf32>
    %jit3A_25 = arith.constant 0.000000e+00 : f32
    %broadcast_in_dim3A_26 = vector.broadcast %jit3A_25 : f32 to vector<4000x128xf32>
    %select_n3A_27 = arith.select %lt3A_18, %exp3A, %broadcast_in_dim3A_26 : vector<4000x128xi1>, vector<4000x128xf32>
    %get3A_28 = arith.constant 0 : index
    %get3A_29 = arith.constant 0 : index
    %get3A_30 = vector.load %arg3[%get3A_28, %get3A_29] : memref<128x128xf32, #tpu.memory_space<vmem>>, vector<128x128xf32>
    %dot_general3A_31 = arith.constant dense<0.000000e+00> : vector<4000x128xf32>
    %dot_general3A_32 = tpu.matmul %select_n3A_27, %get3A_30, %dot_general3A_31 {dimension_numbers = #tpu.dot_dimension_numbers<[1], [0], [0], [1], [0, 0, 1, 1], [], []>, transpose_lhs_hint = false} : vector<4000x128xf32>, vector<128x128xf32>, vector<4000x128xf32> -> vector<4000x128xf32>
    %log3A = math.log %dot_general3A_32 : vector<4000x128xf32>
    %sub3A_33 = arith.subf %sub3A, %log3A : vector<4000x128xf32>
    %swap3A = arith.constant 0 : index
    %swap3A_34 = arith.constant 0 : index
    %swap3A_35 = vector.load %arg4[%swap3A, %swap3A_34] : memref<4000x128xf32, #tpu.memory_space<vmem>>, vector<4000x128xf32>
    tpu.vector_store %arg4[%swap3A, %swap3A_34], %sub3A_33 {strides = array<i32>} : memref<4000x128xf32, #tpu.memory_space<vmem>>, vector<4000x128xf32>,
    return
  }
  func.func @transform_0(%arg0: i32) -> (i32, i32) {
    %c0_i32 = arith.constant 0 : i32
    %c0_i32_0 = arith.constant 0 : i32
    return %arg0, %c0_i32 : i32, i32
  }
  func.func @transform_1(%arg0: i32) -> (i32, i32) {
    %c0_i32 = arith.constant 0 : i32
    %c0_i32_0 = arith.constant 0 : i32
    %c0_i32_1 = arith.constant 0 : i32
    return %c0_i32, %c0_i32_0 : i32, i32
  }
  func.func @transform_2(%arg0: i32) -> (i32, i32) {
    %c0_i32 = arith.constant 0 : i32
    %c0_i32_0 = arith.constant 0 : i32
    %c0_i32_1 = arith.constant 0 : i32
    return %c0_i32, %c0_i32_0 : i32, i32
  }
  func.func @transform_3(%arg0: i32) -> (i32, i32) {
    %c0_i32 = arith.constant 0 : i32
    %c0_i32_0 = arith.constant 0 : i32
    return %arg0, %c0_i32 : i32, i32
  }
}

module attributes {stable_mosaic.version = 14 : i64} {
  func.func @_k5_body(%arg0: i32, %arg1: memref<512x128xf32, #tpu.memory_space<vmem>>, %arg2: memref<128x1000xf32, #tpu.memory_space<vmem>>, %arg3: memref<1000x1xf32, #tpu.memory_space<vmem>>, %arg4: memref<1000x512xf32, #tpu.memory_space<vmem>>) attributes {dimension_semantics = [#tpu.dimension_semantics<arbitrary>], iteration_bounds = array<i64: 20>, scalar_prefetch = 0 : i64, scratch_operands = 0 : i64, tpu.core_type = #tpu.core_type<tc>, window_params = [{transform_indices = @transform_0, window_bounds = array<i64: 512, 128>}, {pipeline_mode = #tpu.pipeline_mode<synchronous>, transform_indices = @transform_1, window_bounds = array<i64: 128, 1000>}, {pipeline_mode = #tpu.pipeline_mode<synchronous>, transform_indices = @transform_2, window_bounds = array<i64: 1000, 1>}, {transform_indices = @transform_3, window_bounds = array<i64: 1000, 512>}]} {
    %get3A = arith.constant 0 : index
    %get3A_0 = arith.constant 0 : index
    %get3A_1 = vector.load %arg1[%get3A, %get3A_0] : memref<512x128xf32, #tpu.memory_space<vmem>>, vector<512x128xf32>
    %get3A_2 = arith.constant 0 : index
    %get3A_3 = arith.constant 0 : index
    %get3A_4 = vector.load %arg2[%get3A_2, %get3A_3] : memref<128x1000xf32, #tpu.memory_space<vmem>>, vector<128x1000xf32>
    %dot_general3A = arith.constant dense<0.000000e+00> : vector<1000x512xf32>
    %dot_general3A_5 = tpu.matmul %get3A_4, %get3A_1, %dot_general3A {dimension_numbers = #tpu.dot_dimension_numbers<[0], [1], [1], [0], [0, 1, 1, 0], [], []>, transpose_lhs_hint = false} : vector<128x1000xf32>, vector<512x128xf32>, vector<1000x512xf32> -> vector<1000x512xf32>
    %get3A_6 = arith.constant 0 : index
    %get3A_7 = arith.constant 0 : index
    %get3A_8 = vector.load %arg3[%get3A_6, %get3A_7] : memref<1000x1xf32, #tpu.memory_space<vmem>>, vector<1000x1xf32>
    %add3A = vector.broadcast %get3A_8 : vector<1000x1xf32> to vector<1000x512xf32>
    %add3A_9 = arith.addf %dot_general3A_5, %add3A : vector<1000x512xf32>
    %reduce_max3A = arith.constant dense<0xFF800000> : vector<512xf32>
    %reduce_max3A_10 = vector.multi_reduction <maximumf>, %add3A_9, %reduce_max3A [0] : vector<1000x512xf32> to vector<512xf32>
    %broadcast_in_dim3A = vector.shape_cast %reduce_max3A_10 : vector<512xf32> to vector<1x512xf32>
    %sub3A = vector.broadcast %broadcast_in_dim3A : vector<1x512xf32> to vector<1000x512xf32>
    %sub3A_11 = arith.subf %add3A_9, %sub3A : vector<1000x512xf32>
    %exp3A = math.exp %sub3A_11 : vector<1000x512xf32>
    %reduce_sum3A = arith.constant dense<0.000000e+00> : vector<512xf32>
    %reduce_sum3A_12 = vector.multi_reduction <add>, %exp3A, %reduce_sum3A [0] : vector<1000x512xf32> to vector<512xf32>
    %broadcast_in_dim3A_13 = vector.shape_cast %reduce_sum3A_12 : vector<512xf32> to vector<1x512xf32>
    %log3A = math.log %broadcast_in_dim3A_13 : vector<1x512xf32>
    %sub3A_14 = vector.broadcast %log3A : vector<1x512xf32> to vector<1000x512xf32>
    %sub3A_15 = arith.subf %sub3A_11, %sub3A_14 : vector<1000x512xf32>
    %swap3A = arith.constant 0 : index
    %swap3A_16 = arith.constant 0 : index
    %swap3A_17 = vector.load %arg4[%swap3A, %swap3A_16] : memref<1000x512xf32, #tpu.memory_space<vmem>>, vector<1000x512xf32>
    tpu.vector_store %arg4[%swap3A, %swap3A_16], %sub3A_15 {strides = array<i32>} : memref<1000x512xf32, #tpu.memory_space<vmem>>, vector<1000x512xf32>,
    return
  }
  func.func @transform_0(%arg0: i32) -> (i32, i32) {
    %c0_i32 = arith.constant 0 : i32
    %c0_i32_0 = arith.constant 0 : i32
    return %arg0, %c0_i32 : i32, i32
  }
  func.func @transform_1(%arg0: i32) -> (i32, i32) {
    %c0_i32 = arith.constant 0 : i32
    %c0_i32_0 = arith.constant 0 : i32
    %c0_i32_1 = arith.constant 0 : i32
    return %c0_i32, %c0_i32_0 : i32, i32
  }
  func.func @transform_2(%arg0: i32) -> (i32, i32) {
    %c0_i32 = arith.constant 0 : i32
    %c0_i32_0 = arith.constant 0 : i32
    %c0_i32_1 = arith.constant 0 : i32
    return %c0_i32, %c0_i32_0 : i32, i32
  }
  func.func @transform_3(%arg0: i32) -> (i32, i32) {
    %c0_i32 = arith.constant 0 : i32
    %c0_i32_0 = arith.constant 0 : i32
    return %c0_i32, %arg0 : i32, i32
  }
}

</mosaic_0001>

<sc_bundles>
// kernel: kernel.12.cloned.1.call-start
scs
__scs_entry_jumppad:
0x0: {  	(pc) =	sbr.rel $0x88, $3  }
0x1: {  	(tag) =	ssettag $0x0;
	lr =	simm.s32 $0x1  }
0x2: {  	[smem:$0x3F8E] =	sst lr;
	_ =	strace $0xD0000000  }
0x3: {  	_ = 	snop  }
0x4: {  	_ = 	snop  }
0x5: {  	_ = 	snop  }
0x6: {  	_ = 	snop  }
0x7: {  	_ = 	snop  }
__scs_overlays_trampoline_lowered:
0x8: {  	[smem:$0x3F9D] =	sst s0  }
0x9: {  	[smem:$0x3F9E] =	sst s1  }
0xa: {  	[smem:$0x3F9F] =	sst s2  }
0xb: {  	[smem:$0x3FA0] =	sst s3  }
0xc: {  	[smem:$0x3FA1] =	sst s4  }
0xd: {  	[smem:$0x3FA2] =	sst s5  }
0xe: {  	[smem:$0x3FA3] =	sst s6  }
0xf: {  	[smem:$0x3FA4] =	sst s7  }
0x10: {  	[smem:$0x3FA5] =	sst s8  }
0x11: {  	[smem:$0x3FA6] =	sst s9;
	s0 =	simm.s32 @!p0 $0x0  }
0x12: {  	s1 =	sld [smem:$0x3F8C];
	s0 =	simm.s32 @p0 $0x1  }
0x13: {  	[smem:$0x3FA7] =	sst s0;
	s0 =	simm.s32 @!p1 $0x0  }
0x14: {  	s2 =	sld [smem:$0x3F8B];
	s0 =	simm.s32 @p1 $0x1  }
0x15: {  	[smem:$0x3FA8] =	sst s0;
	s0 =	simm.s32 @!p2 $0x0  }
0x16: {  	s3 =	sld [smem:$0x3FDB];
	s0 =	simm.s32 @p2 $0x1  }
0x17: {  	s4 =	simm.s32 $0x1BF5;
	[smem:$0x3FAA] =	sst s0  }
0x18: {  	s0 =	sld [smem:$0x3F8D];
	_ =	swait.ge [sflag:s4], $0x0  }
0x19: {  	s7 =	sld [smem:$0x3F8E]  }
0x1a: {  	s8 =	sadd.s32 $0xFFFFE003, lr  }
0x1b: {  	s9 =	sadd.s32 $0xFFFFFEF7, lr;
	s5 =	simm.s32 $0xFFFFFFFF;
	p2 =	slt.u32 s8, $0xFFFFF086  }
0x1c: {  	p1 =	slt.u32 s9, $0xF7A;
	s5 =	simm.s32 @!p2 $0x0  }
0x1d: {  	s5 =	simm.s32 @p1 $0x1;
	p0 =	seq.s32 s7, s2  }
0x1e: {  	s7 =	smul.u32 @!p0 $0xF7A, s2;
	p2 =	seq.s32 @!p0 s5, $0x0  }
0x1f: {  	s9 =	smul.u32 $0xF7A, s1;
	s8 =	simm.s32 @!p0 $0x1BF5;
	p2 =	por !p2, p0  }
0x20: {  	[sflag:s8] =	ssyncset.s32 @!p0 $0xFFFFF086;
	s6 =	sadd.s32 @!p0 s3, s7;
	s7 =	simm.s32 @!p0 $0x108  }
0x21: {  	s3 =	sadd.s32 s3, s9;
	s6 =	sadd.s32 @!p0 $0x88, s6;
	s7 =	simm.s32 @p2 $0x1082  }
0x22: {  	[simem:s7], [sflag:s8] =	dma.local @!p0 [hbm:s6], $0xF7A  }
0x23: {  	s9 =	sor.u32 $0xD0000000, s2;
	s6 =	simm.s32 $0x108;
	_ =	swait.ge @!p0 [sflag:s8], $0x0  }
0x24: {  	s3 =	sadd.s32 $0x88, s3;
	s6 =	simm.s32 @!p1 $0x1082;
	[sflag:s4] =	ssyncset.s32 $0xFFFFF086  }
0x25: {  	[simem:s6], [sflag:s4] =	dma.local [hbm:s3], $0xF7A  }
0x26: {  	[smem:$0x3F8E] =	sst s1;
	(tag) =	ssettag s2;
	_ =	strace s9  }
0x27: {  	s1 =	sld [smem:$0x3F9E]  }
0x28: {  	s2 =	sld [smem:$0x3F9F]  }
0x29: {  	s4 =	sld [smem:$0x3FA1]  }
0x2a: {  	p0 =	seq.s32 s5, $0x0;
	s5 =	sld [smem:$0x3FA2]  }
0x2b: {  	s6 =	sld [smem:$0x3FA3]  }
0x2c: {  	s7 =	sld [smem:$0x3FA4]  }
0x2d: {  	s3 =	simm.s32 $0x108;
	s8 =	sld [smem:$0x3FA5]  }
0x2e: {  	s3 =	simm.s32 @!p0 $0x1082;
	s9 =	sld [smem:$0x3FA6]  }
0x2f: {  	lr =	sadd.s32 s0, s3;
	s0 =	sld [smem:$0x3F9D]  }
0x30: {  	s3 =	sld [smem:$0x3FA0]  }
0x31: {  	[smem:$0x3FA9] =	sst s10  }
0x32: {  	s10 =	sld [smem:$0x3FA7];
	_ =	sdelay $0x3  }
0x33: {  	p0 =	seq.s32 s10, $0x1;
	s10 =	sld [smem:$0x3FA9];
	_ =	sdelay $0x3  }
0x34: {  	[smem:$0x3FA9] =	sst s10  }
0x35: {  	s10 =	sld [smem:$0x3FA8];
	_ =	sdelay $0x3  }
0x36: {  	p1 =	seq.s32 s10, $0x1;
	s10 =	sld [smem:$0x3FA9];
	_ =	sdelay $0x3  }
0x37: {  	[smem:$0x3FA9] =	sst s10  }
0x38: {  	s10 =	sld [smem:$0x3FAA]  }
0x39: {  	_ = 	snop;
	(pc) =	sbr.ind lr, $3  }
0x3a: {  	_ = 	snop  }
0x3b: {  	_ = 	snop  }
0x3c: {  	p2 =	seq.s32 s10, $0x1;
	s10 =	sld [smem:$0x3FA9]  }
0x3d: {  	_ =	shalt  }
0x3e: {  	_ =	shalt  }
0x3f: {  	_ =	shalt  }
0x40: {  	_ =	shalt  }
0x41: {  	_ =	shalt  }
0x42: {  	_ =	shalt  }
0x43: {  	_ =	shalt  }
0x44: {  	_ =	shalt  }
0x45: {  	_ =	shalt  }
0x46: {  	_ =	shalt  }
0x47: {  	_ =	shalt  }
0x48: {  	_ =	shalt  }
0x49: {  	_ =	shalt  }
0x4a: {  	_ =	shalt  }
0x4b: {  	_ =	shalt  }
0x4c: {  	_ =	shalt  }
0x4d: {  	_ =	shalt  }
0x4e: {  	_ =	shalt  }
0x4f: {  	_ =	shalt  }
0x50: {  	_ =	shalt  }
0x51: {  	_ =	shalt  }
0x52: {  	_ =	shalt  }
0x53: {  	_ =	shalt  }
0x54: {  	_ =	shalt  }
0x55: {  	_ =	shalt  }
0x56: {  	_ =	shalt  }
0x57: {  	_ =	shalt  }
0x58: {  	_ =	shalt  }
0x59: {  	_ =	shalt  }
0x5a: {  	_ =	shalt  }
0x5b: {  	_ =	shalt  }
0x5c: {  	_ =	shalt  }
0x5d: {  	_ =	shalt  }
0x5e: {  	_ =	shalt  }
0x5f: {  	_ =	shalt  }
0x60: {  	_ =	shalt  }
0x61: {  	_ =	shalt  }
0x62: {  	_ =	shalt  }
0x63: {  	_ =	shalt  }
0x64: {  	_ =	shalt  }
0x65: {  	_ =	shalt  }
0x66: {  	_ =	shalt  }
0x67: {  	_ =	shalt  }
0x68: {  	_ =	shalt  }
0x69: {  	_ =	shalt  }
0x6a: {  	_ =	shalt  }
0x6b: {  	_ =	shalt  }
0x6c: {  	_ =	shalt  }
0x6d: {  	_ =	shalt  }
0x6e: {  	_ =	shalt  }
0x6f: {  	_ =	shalt  }
0x70: {  	_ =	shalt  }
0x71: {  	_ =	shalt  }
0x72: {  	_ =	shalt  }
0x73: {  	_ =	shalt  }
0x74: {  	_ =	shalt  }
0x75: {  	_ =	shalt  }
0x76: {  	_ =	shalt  }
0x77: {  	_ =	shalt  }
0x78: {  	_ =	shalt  }
0x79: {  	_ =	shalt  }
0x7a: {  	_ =	shalt  }
0x7b: {  	_ =	shalt  }
0x7c: {  	_ =	shalt  }
0x7d: {  	_ =	shalt  }
0x7e: {  	_ =	shalt  }
0x7f: {  	_ =	shalt  }
0x80: {  	_ =	shalt  }
0x81: {  	_ =	shalt  }
0x82: {  	_ =	shalt  }
0x83: {  	_ =	shalt  }
0x84: {  	_ =	shalt  }
0x85: {  	_ =	shalt  }
0x86: {  	_ =	shalt  }
0x87: {  	_ =	shalt  }
.Lfunc_end0:
.L_simem_size_0:
called_computation_lowered:
.L_overlay_start_0:
0x88: {  	s2 =	sld [smem:$0x3FD9]  }
0x89: {  	s3 =	sld [smem:$0x3FFE];
	_ =	sdelay $0x1  }
0x8a: {  	s1 =	srdreg.scid  }
0x8b: {  	s0 =	sand.u32 $0x1, s1  }
0x8c: {  	s14 =	sshll.u32 s0, $0xA;
	s2 =	sadd.s32 s3, s2  }
0x8d: {  	s2 =	sadd.s32 s2, s14  }
0x8e: {  	[smem:$0x3FB5] =	sst s2  }
0x8f: {  	_ = 	snop  }
0x90: {  	s2 =	sld [smem:$0x3FD0];
	_ =	sdelay $0x1  }
0x91: {  	s15 =	sld [smem:$0x3FC6]  }
0x92: {  	s5 =	simm.s32 $0xA;
	s6 =	simm.s32 $0x10;
	s4 =	sld [smem:$0x3FC5]  }
0x93: {  	[smem:s6], [sflag:s5] =	dma.local [hbm:s2], $0x1  }
0x94: {  	_ =	swait.eq [sflag:s5], $0x1  }
0x95: {  	[sflag:s5] =	ssyncset.done $0x0  }
0x96: {  	s16 =	sld [smem:$0x10];
	[sflag:s5] =	ssyncadd.s32 $0xFFFFFFFF  }
0x97: {  	s17 =	sld [smem:$0x11];
	(tm) =	ssettm $0x1  }
0x98: {  	s18 =	sld [smem:$0x3FFB];
	_ =	sdelay $0x3  }
0x99: {  	_ =	strace s18  }
0x9a: {  	s6 =	sld [smem:$0x3FFC];
	_ =	sdelay $0x3  }
0x9b: {  	_ =	strace s6  }
0x9c: {  	s6 =	sld [smem:$0x3FFD];
	_ =	sdelay $0x3  }
0x9d: {  	_ =	strace s6  }
0x9e: {  	_ =	strace $0x8FFFFFFF  }
0x9f: {  	s19 =	sld [smem:$0x3FDB];
	_ =	sdelay $0x1  }
0xa0: {  	s7 =	simm.s32 $_scs_section_size  }
0xa1: {  	s8 =	simm.s32 $_size__tile_overlayer_lowered;
	s9 =	simm.s32 $_tile_overlayer_lowered  }
0xa2: {  	s22 =	simm.s32 $0x1BFF;
	s21 =	sshll.u32 s9, $0x1;
	s6 =	sadd.s32 s7, s19  }
0xa3: {  	s10 =	simm.s32 $0x0;
	s20 =	sshll.u32 s8, $0x1;
	s8 =	sadd.s32 s21, s6  }
0xa4: {  	[timem:s10], [sflag:s22] =	dma.local [hbm:s8], s20  }
0xa5: {  	_ =	swait.ge [sflag:s22], s20  }
0xa6: {  	s7 =	ssub.s32 $0x0, s20;
	[sflag:s22] =	ssyncset.done $0x0  }
0xa7: {  	[sflag:s22] =	ssyncadd.s32 s7;
	_ =	sdelay $0x1  }
0xa8: {  	s23 =	simm.s32 $0x1B8B  }
0xa9: {  	_ =	swait.ge [sflag:s23], $0x1  }
0xaa: {  	[sflag:s23] =	ssyncset.done $0x0  }
0xab: {  	s25 =	simm.s32 $0x1B8E;
	s24 =	sld [smem:$0x3FFE];
	[sflag:s23] =	ssyncadd.s32 $0xFFFFFFFF  }
0xac: {  	s26 =	simm.s32 $execute0_lowered;
	[smem:$0x3FD2] =	sst s25  }
0xad: {  	s8 =	sshll.u32 s26, $0x1;
	_ =	strace $0x80000046;
	[dreg:$0x1] =	wrdreg $0xFFFFFFFF  }
0xae: {  	s28 =	simm.s32 $_size_execute0_lowered;
	s6 =	sadd.s32 s6, s8;
	[dreg:$0x0] =	wrdreg $0x0  }
0xaf: {  	s8 =	sshll.u32 s28, $0x1;
	[dreg:$0x2] =	wrdreg s6  }
0xb0: {  	[dreg:$0x3] =	wrdreg s8  }
0xb1: {  	[dreg:$0x4] =	wrdreg $0xC0  }
0xb2: {  	_ =	task [dreg:s10], $0x5FFFF  }
0xb3: {  	[dreg:$0x1] =	wrdreg $0xFFFFFFFF  }
0xb4: {  	[dreg:$0x0] =	wrdreg $0x60  }
0xb5: {  	[dreg:$0x2] =	wrdreg s4  }
0xb6: {  	[dreg:$0x3] =	wrdreg s17  }
0xb7: {  	[dreg:$0x4] =	wrdreg s24  }
0xb8: {  	[dreg:$0x5] =	wrdreg s15  }
0xb9: {  	[dreg:$0x6] =	wrdreg s16  }
0xba: {  	[dreg:$0x7] =	wrdreg $0x9  }
0xbb: {  	_ =	task.clear_ibuf [dreg:s10], $0x8FFFF;
	_ =	strace $0x90000046  }
0xbc: {  	s29 =	simm.s32 $0x9;
	_ =	strace $0x80000048  }
0xbd: {  	_ =	swait.ge [sflag:s29], $0x1  }
0xbe: {  	[sflag:s29] =	ssyncadd.s32 $0xFFFFFFFF  }
0xbf: {  	_ =	strace $0x90000048  }
0xc0: {  	_ =	sfence  }
0xc1: {  	s30 =	sld [smem:$0x0];
	_ =	sdelay $0x2  }
0xc2: {  	s31 =	sshll.u32 s1, $0xD;
	s1 =	sshrl.u32 s1, $0x2  }
0xc3: {  	s3 =	sand.u32 $0x4000, s31;
	s1 =	sadd.s32 s1, s30  }
0xc4: {  	s0 =	sor.u32 s3, s0;
	s1 =	sshll.u32 s1, $0x11  }
0xc5: {  	s0 =	sor.u32 s1, s0  }
0xc6: {  	s0 =	sadd.s32 $0x8F2B, s0  }
0xc7: {  	[sflag:s0] =	ssyncadd.remote.s32 $0x1  }
0xc8: {  	_ =	sfence.sel $0xFFFF  }
0xc9: {  	[dreg:$0x0] =	wrdreg $0xFFFFFFFF;
	(pc) =	sbr.abs _section_cstart, $3  }
0xca: {  	[dreg:$0x1] =	wrdreg $0xFFFFFFFF  }
0xcb: {  	_ =	task.clear_ibuf [dreg:s10], $0x2FFFF;
	_ =	strace $0x9FFFFFFF  }
0xcc: {  	(tm) =	ssettm $0x7FFFFFFF  }
0xcd: {  	_ =	shalt  }
tec
execute0_lowered:
.L_overlay_start_1:
0x0: {  	(tag) =	ssettag $0x1  }
0x1: {  	s1 =	rddreg [dreg:$0x0]  }
0x2: {  	s0 =	rddreg [dreg:$0x1]  }
0x3: {  	s2 =	rddreg [dreg:$0x2];
	s3 =	srdreg.scid  }
0x4: {  	s12 =	stileid.u32;
	s7 =	rddreg [dreg:$0x3]  }
0x5: {  	s9 =	rddreg [dreg:$0x4];
	s15 =	simm.s32 $0x5400;
	s16 =	simm.s32 $0x9400  }
0x6: {  	s17 =	simm.s32 $0xF400;
	s18 =	simm.s32 $0x2;
	s19 =	simm.s32 $0xD400  }
0x7: {  	s20 =	simm.s32 $0x3;
	s21 =	simm.s32 $0x5;
	s22 =	simm.s32 $0xE400  }
0x8: {  	s23 =	simm.s32 $0x4;
	s4 =	sand.u32 $0x1, s3;
	s25 =	sshll.u32 s12, $0x1  }
0x9: {  	s3 =	simm.s32 $0x0;
	s26 =	sshrl.u32 s12, $0x2;
	s8 =	sor.u32 s4, s25  }
0xa: {  	[smem:$0x7FF] =	sst s3;
	s5 =	ssub.s32 $0x2, s4;
	s13 =	smul.u32 $0x50000, s26  }
0xb: {  	s4 =	sadd.s32 $0x18C00, s2;
	s25 =	simm.s32 $0x6;
	s10 =	smul.u32 $0x4E2, s8  }
0xc: {  	s26 =	simm.s32 $0x0;
	_ =	strace $0x80000047;
	s11 =	smul.u32 $0xA0, s8  }
0xd: {  	s28 =	sshrl.u32 s5, $0x1;
	s14 =	sshll.u32 s8, $0x7;
	s8 =	smul.u32 $0xA000, s8  }
0xe: {  	s29 =	ssub.s32 s5, s28;
	s30 =	sand.u32 $0x380, s14;
	s14 =	simm.s32 $0x80  }
0xf: {  	s6 =	sadd.s32 s10, s2;
	s5 =	sadd.s32 s0, s11;
	s31 =	sor.u32 s13, s30  }
0x10: {  	s7 =	sadd.s32 s7, s10;
	s10 =	smax.u32 s29, $0x1;
	s0 =	sshrl.u32 s31, $0x3  }
0x11: {  	v0 =	vimm.f32 $0.0e+00;
	v1 =	vimm.f32 $1.000000000e+00;
	s13 =	simm.s32 $0x1;
	s6 =	sadd.s32 $0xEE00, s6;
	s9 =	sadd.s32 s9, s0  }
.LBB2_1:
0x12: {  	[tilespmem:s3], [sflag:$0x1] =	stream.linear.gather [hbm4b:s5+s3], $0x500, $0x38;
	[tilespmem:$0x19400] =	vst v63  }
0x13: {  	s0 =	simm.s32 $0x500  }
0x14: {  	[tilespmem:s0], [sflag:$0x1] =	stream.linear.gather [hbm4b:s6+s3], $0x2710, $0x38;
	[tilespmem:$0x19400] =	vst v63  }
0x15: {  	s31 =	simm.s32 $0x2C80;
	s2 =	simm.s32 $0x0;
	s0 =	simm.s32 $0x40  }
0x16: {  	[tilespmem:s31], [sflag:$0x1] =	stream.linear.gather [hbm4b:s7+s3], $0x2710, $0x38;
	[tilespmem:$0x19400] =	vst v63  }
.LBB2_2:
0x17: {  	p0 =	sne.s32 s0, $0x27FC0;
	[tilespmem:s2+$0xF400] =	vst v0;
	s2 =	smov.u32 s0;
	s0 =	sadd.s32 $0x40, s0  }
.Ltmp0:
0x18: {  	(pc) =	sbr.rel @p0 .LBB2_2-.Ltmp0, $2  }
0x19: {  	_ =	sdelay $0x2  }
0x1a: {  	s2 =	sshra.s32 s2, $0x2  }
0x1b: {  	[tilespmem:s2+$0xF400] =	vst v0  }
0x1c: {  	_ =	swait.ge [sflag:s13], $0x500  }
0x1d: {  	[sflag:s13] =	ssyncset.done $0x0  }
0x1e: {  	[sflag:s13] =	ssyncadd.s32 $0xFFFFFB00  }
0x1f: {  	_ =	swait.ge [sflag:s13], $0x2710  }
0x20: {  	[sflag:s13] =	ssyncset.done $0x0  }
0x21: {  	[sflag:s13] =	ssyncadd.s32 $0xFFFFD8F0  }
0x22: {  	_ =	swait.ge [sflag:s13], $0x2710  }
0x23: {  	s30 =	simm.s32 $0x0;
	[sflag:s13] =	ssyncset.done $0x0  }
0x24: {  	s28 =	simm.s32 $0x500;
	s29 =	simm.s32 $0x2C80;
	[sflag:s13] =	ssyncadd.s32 $0xFFFFD8F0  }
0x25: {  	[tilespmem:s15], [sflag:$0x2] =	stream.indirect.gather [hbm4b:s1+s14], $0x80, s30, s14, $0xb8;
	[tilespmem:$0x19400] =	vst v63  }
.LBB2_4:
0x26: {  	s31 =	sshllo.u32 s30, $0x1;
	v3 =	vmov s29  }
0x27: {  	s0 =	sshll.u32 s31, $0x7  }
0x28: {  	v2 =	vmov s28;
	s0 =	sand.u32 $0x3FFFFF80, s0  }
0x29: {  	[tilespmem:s16], [sflag:$0x3] =	stream.indirect.gather [hbm4b:s1+s14], $0x80, s0, s14, $0xb8;
	[tilespmem:$0x19400] =	vst v63  }
0x2a: {  	s2 =	sadd.s32 $0x1, s30;
	s11 =	simm.s32 $0x0;
	s0 =	simm.s32 $0x40  }
.LBB2_5:
0x2b: {  	p0 =	sne.s32 s0, $0x1F00;
	v4 =	vld.idx.msk [tilespmem:v3+s11+$0x0 ss:$0x1], $0xffff;
	_ =	sdelay $0x1  }
0x2c: {  	v5 =	vld.idx.msk [tilespmem:v2+s11+$0x0 ss:$0x1], $0xffff;
	_ =	sdelay $0x3  }
0x2d: {  	v4 =	vmul.u32 $0x2800, v4;
	_ =	sdelay $0x1  }
0x2e: {  	v4 =	vadd.s32 v5, v4  }
.Ltmp1:
0x2f: {  	(pc) =	sbr.rel @p0 .LBB2_5-.Ltmp1, $2  }
0x30: {  	_ =	sdelay $0x2  }
0x31: {  	s11 =	sshra.s32 s0, $0x2;
	s0 =	sadd.s32 $0x40, s0;
	[tilespmem:v4+s17+$0x0] =	vst.idx.add.f32.msk $0xffff, v1  }
0x32: {  	_ =	sdelay $0x3  }
0x33: {  	v3 =	vld.idx.msk [tilespmem:v3+s11+$0x0 ss:$0x1], $0xffff;
	_ =	sdelay $0x1  }
0x34: {  	v2 =	vld.idx.msk [tilespmem:v2+s11+$0x0 ss:$0x1], $0xffff;
	_ =	sdelay $0x2  }
0x35: {  	v3 =	vmul.u32 $0x2800, v3;
	_ =	sdelay $0x1  }
0x36: {  	v2 =	vadd.s32 v2, v3;
	_ =	sdelay $0x4  }
0x37: {  	[tilespmem:v2+s17+$0x0] =	vst.idx.add.f32.msk $0xffff, v1  }
0x38: {  	_ =	swait.ge [sflag:s18], $0x4000  }
0x39: {  	p0 =	seq.s32 s30, $0x0;
	[sflag:s18] =	ssyncset.done $0x0  }
0x3a: {  	s0 =	simm.s32 @!p0 $0x4;
	[sflag:s18] =	ssyncadd.s32 $0xFFFFC000  }
0x3b: {  	_ =	swait.ge @!p0 [sflag:s0], $0x1000  }
0x3c: {  	[sflag:s0] =	ssyncset.done @!p0 $0x0  }
0x3d: {  	[sflag:s0] =	ssyncadd.s32 @!p0 $0xFFFFF000;
	s0 =	simm.s32 $0x5500  }
0x3e: {  	v2 =	vld [tilespmem:s0+$0xFFFFFF00]  }
0x3f: {  	v3 =	vld [tilespmem:s0+$0xFFFFFF80];
	_ =	sdelay $0x1  }
0x40: {  	v4 =	vld [tilespmem:s0+$0x0];
	_ =	sdelay $0x1  }
0x41: {  	v5 =	vld [tilespmem:s0+$0x80]  }
0x42: {  	v2 =	vadd.f32 v3, v2;
	_ =	sdelay $0x1  }
0x43: {  	v2 =	vadd.f32 v4, v2;
	_ =	sdelay $0x1  }
0x44: {  	v2 =	vadd.f32 v5, v2  }
0x45: {  	s11 =	simm.s32 $0x0  }
0x46: {  	[tilespmem:s11+$0xD400] =	vst v2  }
0x47: {  	v2 =	vld [tilespmem:s0+$0xFFFFFF10]  }
0x48: {  	v3 =	vld [tilespmem:s0+$0xFFFFFF90];
	_ =	sdelay $0x1  }
0x49: {  	v4 =	vld [tilespmem:s0+$0x10];
	_ =	sdelay $0x1  }
0x4a: {  	v5 =	vld [tilespmem:s0+$0x90]  }
0x4b: {  	v2 =	vadd.f32 v3, v2;
	_ =	sdelay $0x1  }
0x4c: {  	v2 =	vadd.f32 v4, v2;
	_ =	sdelay $0x1  }
0x4d: {  	v2 =	vadd.f32 v5, v2;
	_ =	sdelay $0x1  }
0x4e: {  	[tilespmem:s11+$0xD410] =	vst v2  }
0x4f: {  	v2 =	vld [tilespmem:s0+$0xFFFFFF20]  }
0x50: {  	v3 =	vld [tilespmem:s0+$0xFFFFFFA0];
	_ =	sdelay $0x1  }
0x51: {  	v4 =	vld [tilespmem:s0+$0x20];
	_ =	sdelay $0x1  }
0x52: {  	v5 =	vld [tilespmem:s0+$0xA0]  }
0x53: {  	v2 =	vadd.f32 v3, v2;
	_ =	sdelay $0x1  }
0x54: {  	v2 =	vadd.f32 v4, v2;
	_ =	sdelay $0x1  }
0x55: {  	v2 =	vadd.f32 v5, v2;
	_ =	sdelay $0x1  }
0x56: {  	[tilespmem:s11+$0xD420] =	vst v2  }
0x57: {  	v2 =	vld [tilespmem:s0+$0xFFFFFF30]  }
0x58: {  	v3 =	vld [tilespmem:s0+$0xFFFFFFB0];
	_ =	sdelay $0x1  }
0x59: {  	v4 =	vld [tilespmem:s0+$0x30];
	_ =	sdelay $0x1  }
0x5a: {  	v5 =	vld [tilespmem:s0+$0xB0]  }
0x5b: {  	v2 =	vadd.f32 v3, v2;
	_ =	sdelay $0x1  }
0x5c: {  	v2 =	vadd.f32 v4, v2;
	_ =	sdelay $0x1  }
0x5d: {  	v2 =	vadd.f32 v5, v2;
	_ =	sdelay $0x1  }
0x5e: {  	[tilespmem:s11+$0xD430] =	vst v2  }
0x5f: {  	v2 =	vld [tilespmem:s0+$0xFFFFFF40]  }
0x60: {  	v3 =	vld [tilespmem:s0+$0xFFFFFFC0];
	_ =	sdelay $0x1  }
0x61: {  	v4 =	vld [tilespmem:s0+$0x40];
	_ =	sdelay $0x1  }
0x62: {  	v5 =	vld [tilespmem:s0+$0xC0]  }
0x63: {  	v2 =	vadd.f32 v3, v2;
	_ =	sdelay $0x1  }
0x64: {  	v2 =	vadd.f32 v4, v2;
	_ =	sdelay $0x1  }
0x65: {  	v2 =	vadd.f32 v5, v2;
	_ =	sdelay $0x1  }
0x66: {  	[tilespmem:s11+$0xD440] =	vst v2  }
0x67: {  	v2 =	vld [tilespmem:s0+$0xFFFFFF50]  }
0x68: {  	v3 =	vld [tilespmem:s0+$0xFFFFFFD0];
	_ =	sdelay $0x1  }
0x69: {  	v4 =	vld [tilespmem:s0+$0x50];
	_ =	sdelay $0x1  }
0x6a: {  	v5 =	vld [tilespmem:s0+$0xD0]  }
0x6b: {  	v2 =	vadd.f32 v3, v2;
	_ =	sdelay $0x1  }
0x6c: {  	v2 =	vadd.f32 v4, v2;
	_ =	sdelay $0x1  }
0x6d: {  	v2 =	vadd.f32 v5, v2;
	_ =	sdelay $0x1  }
0x6e: {  	[tilespmem:s11+$0xD450] =	vst v2  }
0x6f: {  	v2 =	vld [tilespmem:s0+$0xFFFFFF60]  }
0x70: {  	v3 =	vld [tilespmem:s0+$0xFFFFFFE0];
	_ =	sdelay $0x1  }
0x71: {  	v4 =	vld [tilespmem:s0+$0x60];
	_ =	sdelay $0x1  }
0x72: {  	v5 =	vld [tilespmem:s0+$0xE0]  }
0x73: {  	v2 =	vadd.f32 v3, v2;
	_ =	sdelay $0x1  }
0x74: {  	v2 =	vadd.f32 v4, v2;
	_ =	sdelay $0x1  }
0x75: {  	v2 =	vadd.f32 v5, v2;
	_ =	sdelay $0x1  }
0x76: {  	[tilespmem:s11+$0xD460] =	vst v2  }
0x77: {  	v2 =	vld [tilespmem:s0+$0xFFFFFF70]  }
0x78: {  	v5 =	vld [tilespmem:s0+$0xFFFFFFF0]  }
0x79: {  	v4 =	vld [tilespmem:s0+$0x70]  }
0x7a: {  	s12 =	simm.s32 $0x200;
	v3 =	vld [tilespmem:s0+$0xF0]  }
.LBB2_7:
0x7b: {  	p1 =	sne.s32 s12, $0x3E00  }
0x7c: {  	s0 =	sadd.s32 $0x200, s0;
	s24 =	smov.u32 s12;
	s12 =	sadd.s32 $0x200, s12  }
0x7d: {  	_ = 	snop  }
0x7e: {  	v2 =	vadd.f32 v5, v2;
	_ =	sdelay $0x1  }
0x7f: {  	v2 =	vadd.f32 v4, v2;
	_ =	sdelay $0x1  }
0x80: {  	v2 =	vadd.f32 v3, v2;
	_ =	sdelay $0x1  }
0x81: {  	[tilespmem:s11+$0xD470] =	vst v2  }
0x82: {  	v2 =	vld [tilespmem:s0+$0xFFFFFF00]  }
0x83: {  	v3 =	vld [tilespmem:s0+$0xFFFFFF80]  }
0x84: {  	v4 =	vld [tilespmem:s0+$0x0];
	_ =	sdelay $0x2  }
0x85: {  	v5 =	vld [tilespmem:s0+$0x80]  }
0x86: {  	v2 =	vadd.f32 v3, v2;
	_ =	sdelay $0x1  }
0x87: {  	v2 =	vadd.f32 v4, v2;
	_ =	sdelay $0x1  }
0x88: {  	v2 =	vadd.f32 v5, v2  }
0x89: {  	s11 =	sshra.s32 s24, $0x2  }
0x8a: {  	[tilespmem:s11+$0xD400] =	vst v2  }
0x8b: {  	v2 =	vld [tilespmem:s0+$0xFFFFFF10]  }
0x8c: {  	v3 =	vld [tilespmem:s0+$0xFFFFFF90];
	_ =	sdelay $0x1  }
0x8d: {  	v4 =	vld [tilespmem:s0+$0x10];
	_ =	sdelay $0x1  }
0x8e: {  	v5 =	vld [tilespmem:s0+$0x90]  }
0x8f: {  	v2 =	vadd.f32 v3, v2;
	_ =	sdelay $0x1  }
0x90: {  	v2 =	vadd.f32 v4, v2;
	_ =	sdelay $0x1  }
0x91: {  	v2 =	vadd.f32 v5, v2;
	_ =	sdelay $0x1  }
0x92: {  	[tilespmem:s11+$0xD410] =	vst v2  }
0x93: {  	v2 =	vld [tilespmem:s0+$0xFFFFFF20]  }
0x94: {  	v3 =	vld [tilespmem:s0+$0xFFFFFFA0];
	_ =	sdelay $0x1  }
0x95: {  	v4 =	vld [tilespmem:s0+$0x20];
	_ =	sdelay $0x1  }
0x96: {  	v5 =	vld [tilespmem:s0+$0xA0]  }
0x97: {  	v2 =	vadd.f32 v3, v2;
	_ =	sdelay $0x1  }
0x98: {  	v2 =	vadd.f32 v4, v2;
	_ =	sdelay $0x1  }
0x99: {  	v2 =	vadd.f32 v5, v2;
	_ =	sdelay $0x1  }
0x9a: {  	[tilespmem:s11+$0xD420] =	vst v2  }
0x9b: {  	v2 =	vld [tilespmem:s0+$0xFFFFFF30]  }
0x9c: {  	v3 =	vld [tilespmem:s0+$0xFFFFFFB0]  }
0x9d: {  	v4 =	vld [tilespmem:s0+$0x30];
	_ =	sdelay $0x2  }
0x9e: {  	v5 =	vld [tilespmem:s0+$0xB0]  }
0x9f: {  	v2 =	vadd.f32 v3, v2;
	_ =	sdelay $0x1  }
0xa0: {  	v2 =	vadd.f32 v4, v2;
	_ =	sdelay $0x1  }
0xa1: {  	v2 =	vadd.f32 v5, v2;
	_ =	sdelay $0x1  }
0xa2: {  	[tilespmem:s11+$0xD430] =	vst v2  }
0xa3: {  	v2 =	vld [tilespmem:s0+$0xFFFFFF40]  }
0xa4: {  	v3 =	vld [tilespmem:s0+$0xFFFFFFC0];
	_ =	sdelay $0x1  }
0xa5: {  	v4 =	vld [tilespmem:s0+$0x40];
	_ =	sdelay $0x1  }
0xa6: {  	v5 =	vld [tilespmem:s0+$0xC0]  }
0xa7: {  	v2 =	vadd.f32 v3, v2;
	_ =	sdelay $0x1  }
0xa8: {  	v2 =	vadd.f32 v4, v2;
	_ =	sdelay $0x1  }
0xa9: {  	v2 =	vadd.f32 v5, v2;
	_ =	sdelay $0x1  }
0xaa: {  	[tilespmem:s11+$0xD440] =	vst v2  }
0xab: {  	v2 =	vld [tilespmem:s0+$0xFFFFFF50]  }
0xac: {  	v3 =	vld [tilespmem:s0+$0xFFFFFFD0]  }
0xad: {  	v4 =	vld [tilespmem:s0+$0x50]  }
0xae: {  	v5 =	vld [tilespmem:s0+$0xD0];
	_ =	sdelay $0x2  }
0xaf: {  	v2 =	vadd.f32 v3, v2;
	_ =	sdelay $0x1  }
0xb0: {  	v2 =	vadd.f32 v4, v2;
	_ =	sdelay $0x1  }
0xb1: {  	v2 =	vadd.f32 v5, v2;
	_ =	sdelay $0x1  }
0xb2: {  	[tilespmem:s11+$0xD450] =	vst v2  }
0xb3: {  	v2 =	vld [tilespmem:s0+$0xFFFFFF60]  }
0xb4: {  	v3 =	vld [tilespmem:s0+$0xFFFFFFE0]  }
0xb5: {  	v4 =	vld [tilespmem:s0+$0x60]  }
0xb6: {  	v5 =	vld [tilespmem:s0+$0xE0];
	_ =	sdelay $0x2  }
0xb7: {  	v2 =	vadd.f32 v3, v2;
	_ =	sdelay $0x1  }
0xb8: {  	v2 =	vadd.f32 v4, v2;
	_ =	sdelay $0x1  }
0xb9: {  	v2 =	vadd.f32 v5, v2;
	_ =	sdelay $0x1  }
.Ltmp2:
0xba: {  	[tilespmem:s11+$0xD460] =	vst v2;
	(pc) =	sbr.rel @p1 .LBB2_7-.Ltmp2, $4  }
0xbb: {  	v2 =	vld [tilespmem:s0+$0xFFFFFF70]  }
0xbc: {  	v5 =	vld [tilespmem:s0+$0xFFFFFFF0]  }
0xbd: {  	v4 =	vld [tilespmem:s0+$0x70]  }
0xbe: {  	v3 =	vld [tilespmem:s0+$0xF0]  }
0xbf: {  	_ =	sdelay $0x1  }
0xc0: {  	v2 =	vadd.f32 v5, v2;
	_ =	sdelay $0x1  }
0xc1: {  	p1 =	sne.s32 s30, $0x4;
	v2 =	vadd.f32 v4, v2  }
.Ltmp3:
0xc2: {  	s0 =	sshll.u32 s30, $0xD;
	(pc) =	sbr.rel @p1 .LBB2_10-.Ltmp3, $4  }
0xc3: {  	s0 =	sadd.s32 s8, s0;
	v2 =	vadd.f32 v3, v2  }
0xc4: {  	s0 =	sshrl.u32 s0, $0x3  }
0xc5: {  	s0 =	sadd.s32 s4, s0;
	[tilespmem:s11+$0xD470] =	vst v2  }
0xc6: {  	[hbm4b:s0+s3] =	stream.linear.scatter [tilespmem:s19], [sflag:$0x4], $0x1000, $0x38;
	[tilespmem:$0x19400] =	vst v63  }
.Ltmp4:
0xc7: {  	(pc) =	sbr.rel .LBB2_11-.Ltmp4, $4  }
0xc8: {  	_ = 	snop  }
0xc9: {  	_ =	swait.ge [sflag:s20], $0x4000  }
0xca: {  	[sflag:s20] =	ssyncset.done $0x0  }
0xcb: {  	[sflag:s20] =	ssyncadd.s32 $0xFFFFC000  }
.LBB2_10:
0xcc: {  	s0 =	sshll.u32 s30, $0x8  }
0xcd: {  	s0 =	sand.u32 $0x3FFFFF00, s0  }
.Ltmp5:
0xce: {  	s0 =	sadd.s32 $0x100, s0;
	(pc) =	sbr.rel @p0 .LBB2_12-.Ltmp5, $4  }
0xcf: {  	[tilespmem:s15], [sflag:$0x2] =	stream.indirect.gather [hbm4b:s1+s14], $0x80, s0, s14, $0xb8;
	[tilespmem:$0x19400] =	vst v63  }
0xd0: {  	_ =	swait.ge [sflag:s20], $0x4000  }
0xd1: {  	[sflag:s20] =	ssyncset.done $0x0  }
0xd2: {  	[sflag:s20] =	ssyncadd.s32 $0xFFFFC000  }
.LBB2_11:
0xd3: {  	_ =	swait.ge [sflag:s21], $0x1000  }
0xd4: {  	[sflag:s21] =	ssyncset.done $0x0  }
0xd5: {  	[sflag:s21] =	ssyncadd.s32 $0xFFFFF000  }
.LBB2_12:
0xd6: {  	s0 =	simm.s32 $0x9500  }
0xd7: {  	v2 =	vld [tilespmem:s0+$0xFFFFFF00]  }
0xd8: {  	v3 =	vld [tilespmem:s0+$0xFFFFFF80];
	_ =	sdelay $0x1  }
0xd9: {  	v4 =	vld [tilespmem:s0+$0x0];
	_ =	sdelay $0x1  }
0xda: {  	v5 =	vld [tilespmem:s0+$0x80]  }
0xdb: {  	v2 =	vadd.f32 v3, v2;
	_ =	sdelay $0x1  }
0xdc: {  	v2 =	vadd.f32 v4, v2;
	_ =	sdelay $0x1  }
0xdd: {  	v2 =	vadd.f32 v5, v2  }
0xde: {  	s11 =	simm.s32 $0x0  }
0xdf: {  	[tilespmem:s11+$0xE400] =	vst v2  }
0xe0: {  	v2 =	vld [tilespmem:s0+$0xFFFFFF10]  }
0xe1: {  	v3 =	vld [tilespmem:s0+$0xFFFFFF90];
	_ =	sdelay $0x1  }
0xe2: {  	v4 =	vld [tilespmem:s0+$0x10];
	_ =	sdelay $0x1  }
0xe3: {  	v5 =	vld [tilespmem:s0+$0x90]  }
0xe4: {  	v2 =	vadd.f32 v3, v2;
	_ =	sdelay $0x1  }
0xe5: {  	v2 =	vadd.f32 v4, v2;
	_ =	sdelay $0x1  }
0xe6: {  	v2 =	vadd.f32 v5, v2;
	_ =	sdelay $0x1  }
0xe7: {  	[tilespmem:s11+$0xE410] =	vst v2  }
0xe8: {  	v2 =	vld [tilespmem:s0+$0xFFFFFF20]  }
0xe9: {  	v3 =	vld [tilespmem:s0+$0xFFFFFFA0];
	_ =	sdelay $0x1  }
0xea: {  	v4 =	vld [tilespmem:s0+$0x20];
	_ =	sdelay $0x1  }
0xeb: {  	v5 =	vld [tilespmem:s0+$0xA0]  }
0xec: {  	v2 =	vadd.f32 v3, v2;
	_ =	sdelay $0x1  }
0xed: {  	v2 =	vadd.f32 v4, v2;
	_ =	sdelay $0x1  }
0xee: {  	v2 =	vadd.f32 v5, v2;
	_ =	sdelay $0x1  }
0xef: {  	[tilespmem:s11+$0xE420] =	vst v2  }
0xf0: {  	v2 =	vld [tilespmem:s0+$0xFFFFFF30]  }
0xf1: {  	v3 =	vld [tilespmem:s0+$0xFFFFFFB0];
	_ =	sdelay $0x1  }
0xf2: {  	v4 =	vld [tilespmem:s0+$0x30];
	_ =	sdelay $0x1  }
0xf3: {  	v5 =	vld [tilespmem:s0+$0xB0]  }
0xf4: {  	v2 =	vadd.f32 v3, v2;
	_ =	sdelay $0x1  }
0xf5: {  	v2 =	vadd.f32 v4, v2;
	_ =	sdelay $0x1  }
0xf6: {  	v2 =	vadd.f32 v5, v2;
	_ =	sdelay $0x1  }
0xf7: {  	[tilespmem:s11+$0xE430] =	vst v2  }
0xf8: {  	v2 =	vld [tilespmem:s0+$0xFFFFFF40]  }
0xf9: {  	v3 =	vld [tilespmem:s0+$0xFFFFFFC0];
	_ =	sdelay $0x1  }
0xfa: {  	v4 =	vld [tilespmem:s0+$0x40];
	_ =	sdelay $0x1  }
0xfb: {  	v5 =	vld [tilespmem:s0+$0xC0]  }
0xfc: {  	v2 =	vadd.f32 v3, v2;
	_ =	sdelay $0x1  }
0xfd: {  	v2 =	vadd.f32 v4, v2;
	_ =	sdelay $0x1  }
0xfe: {  	v2 =	vadd.f32 v5, v2;
	_ =	sdelay $0x1  }
0xff: {  	[tilespmem:s11+$0xE440] =	vst v2  }
0x100: {  	v2 =	vld [tilespmem:s0+$0xFFFFFF50]  }
0x101: {  	v3 =	vld [tilespmem:s0+$0xFFFFFFD0];
	_ =	sdelay $0x1  }
0x102: {  	v4 =	vld [tilespmem:s0+$0x50];
	_ =	sdelay $0x1  }
0x103: {  	v5 =	vld [tilespmem:s0+$0xD0]  }
0x104: {  	v2 =	vadd.f32 v3, v2;
	_ =	sdelay $0x1  }
0x105: {  	v2 =	vadd.f32 v4, v2;
	_ =	sdelay $0x1  }
0x106: {  	v2 =	vadd.f32 v5, v2;
	_ =	sdelay $0x1  }
0x107: {  	[tilespmem:s11+$0xE450] =	vst v2  }
0x108: {  	v2 =	vld [tilespmem:s0+$0xFFFFFF60]  }
0x109: {  	v3 =	vld [tilespmem:s0+$0xFFFFFFE0];
	_ =	sdelay $0x1  }
0x10a: {  	v4 =	vld [tilespmem:s0+$0x60];
	_ =	sdelay $0x1  }
0x10b: {  	v5 =	vld [tilespmem:s0+$0xE0]  }
0x10c: {  	v2 =	vadd.f32 v3, v2;
	_ =	sdelay $0x1  }
0x10d: {  	v2 =	vadd.f32 v4, v2;
	_ =	sdelay $0x1  }
0x10e: {  	v2 =	vadd.f32 v5, v2;
	_ =	sdelay $0x1  }
0x10f: {  	[tilespmem:s11+$0xE460] =	vst v2  }
0x110: {  	v2 =	vld [tilespmem:s0+$0xFFFFFF70]  }
0x111: {  	v5 =	vld [tilespmem:s0+$0xFFFFFFF0]  }
0x112: {  	v4 =	vld [tilespmem:s0+$0x70]  }
0x113: {  	s12 =	simm.s32 $0x200;
	v3 =	vld [tilespmem:s0+$0xF0]  }
.LBB2_13:
0x114: {  	p0 =	sne.s32 s12, $0x3E00  }
0x115: {  	s0 =	sadd.s32 $0x200, s0;
	s24 =	smov.u32 s12;
	s12 =	sadd.s32 $0x200, s12  }
0x116: {  	_ = 	snop  }
0x117: {  	v2 =	vadd.f32 v5, v2;
	_ =	sdelay $0x1  }
0x118: {  	v2 =	vadd.f32 v4, v2;
	_ =	sdelay $0x1  }
0x119: {  	v2 =	vadd.f32 v3, v2;
	_ =	sdelay $0x1  }
0x11a: {  	[tilespmem:s11+$0xE470] =	vst v2  }
0x11b: {  	v2 =	vld [tilespmem:s0+$0xFFFFFF00]  }
0x11c: {  	v3 =	vld [tilespmem:s0+$0xFFFFFF80]  }
0x11d: {  	v4 =	vld [tilespmem:s0+$0x0];
	_ =	sdelay $0x2  }
0x11e: {  	v5 =	vld [tilespmem:s0+$0x80]  }
0x11f: {  	v2 =	vadd.f32 v3, v2;
	_ =	sdelay $0x1  }
0x120: {  	v2 =	vadd.f32 v4, v2;
	_ =	sdelay $0x1  }
0x121: {  	v2 =	vadd.f32 v5, v2  }
0x122: {  	s11 =	sshra.s32 s24, $0x2  }
0x123: {  	[tilespmem:s11+$0xE400] =	vst v2  }
0x124: {  	v2 =	vld [tilespmem:s0+$0xFFFFFF10]  }
0x125: {  	v3 =	vld [tilespmem:s0+$0xFFFFFF90];
	_ =	sdelay $0x1  }
0x126: {  	v4 =	vld [tilespmem:s0+$0x10];
	_ =	sdelay $0x1  }
0x127: {  	v5 =	vld [tilespmem:s0+$0x90]  }
0x128: {  	v2 =	vadd.f32 v3, v2;
	_ =	sdelay $0x1  }
0x129: {  	v2 =	vadd.f32 v4, v2;
	_ =	sdelay $0x1  }
0x12a: {  	v2 =	vadd.f32 v5, v2;
	_ =	sdelay $0x1  }
0x12b: {  	[tilespmem:s11+$0xE410] =	vst v2  }
0x12c: {  	v2 =	vld [tilespmem:s0+$0xFFFFFF20]  }
0x12d: {  	v3 =	vld [tilespmem:s0+$0xFFFFFFA0];
	_ =	sdelay $0x1  }
0x12e: {  	v4 =	vld [tilespmem:s0+$0x20];
	_ =	sdelay $0x1  }
0x12f: {  	v5 =	vld [tilespmem:s0+$0xA0]  }
0x130: {  	v2 =	vadd.f32 v3, v2;
	_ =	sdelay $0x1  }
0x131: {  	v2 =	vadd.f32 v4, v2;
	_ =	sdelay $0x1  }
0x132: {  	v2 =	vadd.f32 v5, v2;
	_ =	sdelay $0x1  }
0x133: {  	[tilespmem:s11+$0xE420] =	vst v2  }
0x134: {  	v2 =	vld [tilespmem:s0+$0xFFFFFF30]  }
0x135: {  	v3 =	vld [tilespmem:s0+$0xFFFFFFB0]  }
0x136: {  	v4 =	vld [tilespmem:s0+$0x30];
	_ =	sdelay $0x2  }
0x137: {  	v5 =	vld [tilespmem:s0+$0xB0]  }
0x138: {  	v2 =	vadd.f32 v3, v2;
	_ =	sdelay $0x1  }
0x139: {  	v2 =	vadd.f32 v4, v2;
	_ =	sdelay $0x1  }
0x13a: {  	v2 =	vadd.f32 v5, v2;
	_ =	sdelay $0x1  }
0x13b: {  	[tilespmem:s11+$0xE430] =	vst v2  }
0x13c: {  	v2 =	vld [tilespmem:s0+$0xFFFFFF40]  }
0x13d: {  	v3 =	vld [tilespmem:s0+$0xFFFFFFC0];
	_ =	sdelay $0x1  }
0x13e: {  	v4 =	vld [tilespmem:s0+$0x40];
	_ =	sdelay $0x1  }
0x13f: {  	v5 =	vld [tilespmem:s0+$0xC0]  }
0x140: {  	v2 =	vadd.f32 v3, v2;
	_ =	sdelay $0x1  }
0x141: {  	v2 =	vadd.f32 v4, v2;
	_ =	sdelay $0x1  }
0x142: {  	v2 =	vadd.f32 v5, v2;
	_ =	sdelay $0x1  }
0x143: {  	[tilespmem:s11+$0xE440] =	vst v2  }
0x144: {  	v2 =	vld [tilespmem:s0+$0xFFFFFF50]  }
0x145: {  	v3 =	vld [tilespmem:s0+$0xFFFFFFD0]  }
0x146: {  	v4 =	vld [tilespmem:s0+$0x50]  }
0x147: {  	v5 =	vld [tilespmem:s0+$0xD0];
	_ =	sdelay $0x2  }
0x148: {  	v2 =	vadd.f32 v3, v2;
	_ =	sdelay $0x1  }
0x149: {  	v2 =	vadd.f32 v4, v2;
	_ =	sdelay $0x1  }
0x14a: {  	v2 =	vadd.f32 v5, v2;
	_ =	sdelay $0x1  }
0x14b: {  	[tilespmem:s11+$0xE450] =	vst v2  }
0x14c: {  	v2 =	vld [tilespmem:s0+$0xFFFFFF60]  }
0x14d: {  	v3 =	vld [tilespmem:s0+$0xFFFFFFE0]  }
0x14e: {  	v4 =	vld [tilespmem:s0+$0x60]  }
0x14f: {  	v5 =	vld [tilespmem:s0+$0xE0];
	_ =	sdelay $0x2  }
0x150: {  	v2 =	vadd.f32 v3, v2;
	_ =	sdelay $0x1  }
0x151: {  	v2 =	vadd.f32 v4, v2;
	_ =	sdelay $0x1  }
0x152: {  	v2 =	vadd.f32 v5, v2;
	_ =	sdelay $0x1  }
.Ltmp6:
0x153: {  	[tilespmem:s11+$0xE460] =	vst v2;
	(pc) =	sbr.rel @p0 .LBB2_13-.Ltmp6, $4  }
0x154: {  	v2 =	vld [tilespmem:s0+$0xFFFFFF70]  }
0x155: {  	v5 =	vld [tilespmem:s0+$0xFFFFFFF0]  }
0x156: {  	v4 =	vld [tilespmem:s0+$0x70]  }
0x157: {  	v3 =	vld [tilespmem:s0+$0xF0]  }
0x158: {  	_ =	sdelay $0x1  }
0x159: {  	v2 =	vadd.f32 v5, v2;
	_ =	sdelay $0x1  }
0x15a: {  	p0 =	sne.s32 s2, $0x5;
	v2 =	vadd.f32 v4, v2  }
.Ltmp7:
0x15b: {  	s0 =	sshll.u32 s31, $0xC;
	(pc) =	sbr.rel @p0 .LBB2_4-.Ltmp7, $4  }
0x15c: {  	s0 =	sadd.s32 s8, s0;
	v2 =	vadd.f32 v3, v2  }
0x15d: {  	s28 =	sadd.s32 $0x7D0, s28;
	s0 =	sshrl.u32 s0, $0x3  }
0x15e: {  	s29 =	sadd.s32 $0x7D0, s29;
	s30 =	smov.u32 s2;
	s0 =	sadd.s32 s4, s0;
	[tilespmem:s11+$0xE470] =	vst v2  }
0x15f: {  	[hbm4b:s0+s3] =	stream.linear.scatter [tilespmem:s22], [sflag:$0x5], $0x1000, $0x38;
	[tilespmem:$0x19400] =	vst v63  }
0x160: {  	_ =	swait.ge [sflag:s23], $0x1000  }
0x161: {  	[sflag:s23] =	ssyncset.done $0x0  }
0x162: {  	[sflag:s23] =	ssyncadd.s32 $0xFFFFF000  }
0x163: {  	s26 =	sadd.s32 $0x1, s26;
	_ =	swait.ge [sflag:s21], $0x1000  }
0x164: {  	p0 =	sne.s32 s26, s10;
	[sflag:s21] =	ssyncset.done $0x0  }
.Ltmp8:
0x165: {  	s0 =	simm.s32 $0x400;
	[sflag:s21] =	ssyncadd.s32 $0xFFFFF000;
	(pc) =	sbr.rel @p0 .LBB2_1-.Ltmp8, $4  }
0x166: {  	[hbm4b:s9+s14] =	stream.strided.scatter [tilespmem:s17], [sflag:$0x6], $0xA000, s0, s14, $0x38;
	[tilespmem:$0x19400] =	vst v63  }
0x167: {  	_ =	swait.ge [sflag:s25], $0xA000  }
0x168: {  	[sflag:s25] =	ssyncset.done $0x0  }
0x169: {  	[sflag:s25] =	ssyncadd.s32 $0xFFFF6000  }
0x16a: {  	_ =	sfence.sel $0x180000  }
0x16b: {  	[bflag:$0x0] =	sbarrier.arrive $0xFFFF  }
0x16c: {  	_ =	strace $0x90000047  }
0x16d: {  	s0 =	stileid.u32;
	[bflag:$0x2] =	sbarrier.arrive $0xFFFF  }
0x16e: {  	p0 =	sne.s32 s0, $0x0;
	s0 =	rddreg [dreg:$0x5]  }
0x16f: {  	s0 =	sadd.s32 @!p0 $0x100000, s0  }
0x170: {  	[sflag:s0] =	ssyncadd.tile.s32 @!p0 $0x1;
	_ =	shalt  }
.Lfunc_end2:
_tile_overlayer_lowered:
.L_overlay_start_2:
0x171: {  	(tag) =	ssettag $0x2  }
0x172: {  	s0 =	rddreg [dreg:$0x0];
	s2 =	stileid.u32  }
0x173: {  	s1 =	rddreg [dreg:$0x1];
	p0 =	sne.s32 s2, $0x0  }
0x174: {  	s3 =	rddreg [dreg:$0x2];
	[bflag:$0x3] =	sbarrier.arrive $0xFFFF;
	s2 =	simm.s32 @!p0 $0x1C06  }
0x175: {  	[timem:s3], [sflag:s2] =	dma.local @!p0 [hbm:s0], s1  }
0x176: {  	s0 =	simm.s32 @!p0 $0x6  }
0x177: {  	_ =	swait.ge @!p0 [sflag:s0], s1  }
0x178: {  	s1 =	ssub.s32 @!p0 $0x0, s1;
	[sflag:s0] =	ssyncset.done @!p0 $0x0  }
0x179: {  	[sflag:s0] =	ssyncadd.s32 @!p0 s1  }
0x17a: {  	[bflag:$0x3] =	sbarrier.arrive $0xFFFF  }
0x17b: {  	_ =	shalt  }

// kernel: kernel.15.cloned.1.call-start
scs
__scs_entry_jumppad:
0x0: {  	(pc) =	sbr.rel $0x88, $3  }
0x1: {  	(tag) =	ssettag $0x0;
	lr =	simm.s32 $0x1  }
0x2: {  	[smem:$0x3F8E] =	sst lr;
	_ =	strace $0xD0000000  }
0x3: {  	_ = 	snop  }
0x4: {  	_ = 	snop  }
0x5: {  	_ = 	snop  }
0x6: {  	_ = 	snop  }
0x7: {  	_ = 	snop  }
__scs_overlays_trampoline_lowered:
0x8: {  	[smem:$0x3F9D] =	sst s0  }
0x9: {  	[smem:$0x3F9E] =	sst s1  }
0xa: {  	[smem:$0x3F9F] =	sst s2  }
0xb: {  	[smem:$0x3FA0] =	sst s3  }
0xc: {  	[smem:$0x3FA1] =	sst s4  }
0xd: {  	[smem:$0x3FA2] =	sst s5  }
0xe: {  	[smem:$0x3FA3] =	sst s6  }
0xf: {  	[smem:$0x3FA4] =	sst s7  }
0x10: {  	[smem:$0x3FA5] =	sst s8  }
0x11: {  	[smem:$0x3FA6] =	sst s9;
	s0 =	simm.s32 @!p0 $0x0  }
0x12: {  	s1 =	sld [smem:$0x3F8C];
	s0 =	simm.s32 @p0 $0x1  }
0x13: {  	[smem:$0x3FA7] =	sst s0;
	s0 =	simm.s32 @!p1 $0x0  }
0x14: {  	s2 =	sld [smem:$0x3F8B];
	s0 =	simm.s32 @p1 $0x1  }
0x15: {  	[smem:$0x3FA8] =	sst s0;
	s0 =	simm.s32 @!p2 $0x0  }
0x16: {  	s3 =	sld [smem:$0x3FDB];
	s0 =	simm.s32 @p2 $0x1  }
0x17: {  	s4 =	simm.s32 $0x1BF5;
	[smem:$0x3FAA] =	sst s0  }
0x18: {  	s0 =	sld [smem:$0x3F8D];
	_ =	swait.ge [sflag:s4], $0x0  }
0x19: {  	s7 =	sld [smem:$0x3F8E]  }
0x1a: {  	s8 =	sadd.s32 $0xFFFFE003, lr  }
0x1b: {  	s9 =	sadd.s32 $0xFFFFFEF7, lr;
	s5 =	simm.s32 $0xFFFFFFFF;
	p2 =	slt.u32 s8, $0xFFFFF086  }
0x1c: {  	p1 =	slt.u32 s9, $0xF7A;
	s5 =	simm.s32 @!p2 $0x0  }
0x1d: {  	s5 =	simm.s32 @p1 $0x1;
	p0 =	seq.s32 s7, s2  }
0x1e: {  	s7 =	smul.u32 @!p0 $0xF7A, s2;
	p2 =	seq.s32 @!p0 s5, $0x0  }
0x1f: {  	s9 =	smul.u32 $0xF7A, s1;
	s8 =	simm.s32 @!p0 $0x1BF5;
	p2 =	por !p2, p0  }
0x20: {  	[sflag:s8] =	ssyncset.s32 @!p0 $0xFFFFF086;
	s6 =	sadd.s32 @!p0 s3, s7;
	s7 =	simm.s32 @!p0 $0x108  }
0x21: {  	s3 =	sadd.s32 s3, s9;
	s6 =	sadd.s32 @!p0 $0x88, s6;
	s7 =	simm.s32 @p2 $0x1082  }
0x22: {  	[simem:s7], [sflag:s8] =	dma.local @!p0 [hbm:s6], $0xF7A  }
0x23: {  	s9 =	sor.u32 $0xD0000000, s2;
	s6 =	simm.s32 $0x108;
	_ =	swait.ge @!p0 [sflag:s8], $0x0  }
0x24: {  	s3 =	sadd.s32 $0x88, s3;
	s6 =	simm.s32 @!p1 $0x1082;
	[sflag:s4] =	ssyncset.s32 $0xFFFFF086  }
0x25: {  	[simem:s6], [sflag:s4] =	dma.local [hbm:s3], $0xF7A  }
0x26: {  	[smem:$0x3F8E] =	sst s1;
	(tag) =	ssettag s2;
	_ =	strace s9  }
0x27: {  	s1 =	sld [smem:$0x3F9E]  }
0x28: {  	s2 =	sld [smem:$0x3F9F]  }
0x29: {  	s4 =	sld [smem:$0x3FA1]  }
0x2a: {  	p0 =	seq.s32 s5, $0x0;
	s5 =	sld [smem:$0x3FA2]  }
0x2b: {  	s6 =	sld [smem:$0x3FA3]  }
0x2c: {  	s7 =	sld [smem:$0x3FA4]  }
0x2d: {  	s3 =	simm.s32 $0x108;
	s8 =	sld [smem:$0x3FA5]  }
0x2e: {  	s3 =	simm.s32 @!p0 $0x1082;
	s9 =	sld [smem:$0x3FA6]  }
0x2f: {  	lr =	sadd.s32 s0, s3;
	s0 =	sld [smem:$0x3F9D]  }
0x30: {  	s3 =	sld [smem:$0x3FA0]  }
0x31: {  	[smem:$0x3FA9] =	sst s10  }
0x32: {  	s10 =	sld [smem:$0x3FA7];
	_ =	sdelay $0x3  }
0x33: {  	p0 =	seq.s32 s10, $0x1;
	s10 =	sld [smem:$0x3FA9];
	_ =	sdelay $0x3  }
0x34: {  	[smem:$0x3FA9] =	sst s10  }
0x35: {  	s10 =	sld [smem:$0x3FA8];
	_ =	sdelay $0x3  }
0x36: {  	p1 =	seq.s32 s10, $0x1;
	s10 =	sld [smem:$0x3FA9];
	_ =	sdelay $0x3  }
0x37: {  	[smem:$0x3FA9] =	sst s10  }
0x38: {  	s10 =	sld [smem:$0x3FAA]  }
0x39: {  	_ = 	snop;
	(pc) =	sbr.ind lr, $3  }
0x3a: {  	_ = 	snop  }
0x3b: {  	_ = 	snop  }
0x3c: {  	p2 =	seq.s32 s10, $0x1;
	s10 =	sld [smem:$0x3FA9]  }
0x3d: {  	_ =	shalt  }
0x3e: {  	_ =	shalt  }
0x3f: {  	_ =	shalt  }
0x40: {  	_ =	shalt  }
0x41: {  	_ =	shalt  }
0x42: {  	_ =	shalt  }
0x43: {  	_ =	shalt  }
0x44: {  	_ =	shalt  }
0x45: {  	_ =	shalt  }
0x46: {  	_ =	shalt  }
0x47: {  	_ =	shalt  }
0x48: {  	_ =	shalt  }
0x49: {  	_ =	shalt  }
0x4a: {  	_ =	shalt  }
0x4b: {  	_ =	shalt  }
0x4c: {  	_ =	shalt  }
0x4d: {  	_ =	shalt  }
0x4e: {  	_ =	shalt  }
0x4f: {  	_ =	shalt  }
0x50: {  	_ =	shalt  }
0x51: {  	_ =	shalt  }
0x52: {  	_ =	shalt  }
0x53: {  	_ =	shalt  }
0x54: {  	_ =	shalt  }
0x55: {  	_ =	shalt  }
0x56: {  	_ =	shalt  }
0x57: {  	_ =	shalt  }
0x58: {  	_ =	shalt  }
0x59: {  	_ =	shalt  }
0x5a: {  	_ =	shalt  }
0x5b: {  	_ =	shalt  }
0x5c: {  	_ =	shalt  }
0x5d: {  	_ =	shalt  }
0x5e: {  	_ =	shalt  }
0x5f: {  	_ =	shalt  }
0x60: {  	_ =	shalt  }
0x61: {  	_ =	shalt  }
0x62: {  	_ =	shalt  }
0x63: {  	_ =	shalt  }
0x64: {  	_ =	shalt  }
0x65: {  	_ =	shalt  }
0x66: {  	_ =	shalt  }
0x67: {  	_ =	shalt  }
0x68: {  	_ =	shalt  }
0x69: {  	_ =	shalt  }
0x6a: {  	_ =	shalt  }
0x6b: {  	_ =	shalt  }
0x6c: {  	_ =	shalt  }
0x6d: {  	_ =	shalt  }
0x6e: {  	_ =	shalt  }
0x6f: {  	_ =	shalt  }
0x70: {  	_ =	shalt  }
0x71: {  	_ =	shalt  }
0x72: {  	_ =	shalt  }
0x73: {  	_ =	shalt  }
0x74: {  	_ =	shalt  }
0x75: {  	_ =	shalt  }
0x76: {  	_ =	shalt  }
0x77: {  	_ =	shalt  }
0x78: {  	_ =	shalt  }
0x79: {  	_ =	shalt  }
0x7a: {  	_ =	shalt  }
0x7b: {  	_ =	shalt  }
0x7c: {  	_ =	shalt  }
0x7d: {  	_ =	shalt  }
0x7e: {  	_ =	shalt  }
0x7f: {  	_ =	shalt  }
0x80: {  	_ =	shalt  }
0x81: {  	_ =	shalt  }
0x82: {  	_ =	shalt  }
0x83: {  	_ =	shalt  }
0x84: {  	_ =	shalt  }
0x85: {  	_ =	shalt  }
0x86: {  	_ =	shalt  }
0x87: {  	_ =	shalt  }
.Lfunc_end0:
.L_simem_size_0:
called_computation.1_lowered:
.L_overlay_start_0:
0x88: {  	s2 =	sld [smem:$0x3FD9]  }
0x89: {  	s3 =	sld [smem:$0x3FFE];
	_ =	sdelay $0x1  }
0x8a: {  	s1 =	srdreg.scid  }
0x8b: {  	s0 =	sand.u32 $0x1, s1  }
0x8c: {  	s14 =	sshll.u32 s0, $0xA;
	s2 =	sadd.s32 s3, s2  }
0x8d: {  	s2 =	sadd.s32 s2, s14  }
0x8e: {  	[smem:$0x3FB5] =	sst s2  }
0x8f: {  	_ = 	snop  }
0x90: {  	s2 =	sld [smem:$0x3FD0];
	_ =	sdelay $0x2  }
0x91: {  	s15 =	simm.s32 $0xA;
	s4 =	simm.s32 $0x10  }
0x92: {  	[smem:s4], [sflag:s15] =	dma.local [hbm:s2], $0x1  }
0x93: {  	_ =	swait.eq [sflag:s15], $0x1  }
0x94: {  	[sflag:s15] =	ssyncset.done $0x0  }
0x95: {  	[sflag:s15] =	ssyncadd.s32 $0xFFFFFFFF  }
0x96: {  	s16 =	sld [smem:$0x11];
	(tm) =	ssettm $0x1  }
0x97: {  	s17 =	sld [smem:$0x3FFB];
	_ =	sdelay $0x3  }
0x98: {  	_ =	strace s17  }
0x99: {  	s3 =	sld [smem:$0x3FFC];
	_ =	sdelay $0x3  }
0x9a: {  	_ =	strace s3  }
0x9b: {  	s3 =	sld [smem:$0x3FFD];
	_ =	sdelay $0x3  }
0x9c: {  	_ =	strace s3  }
0x9d: {  	_ =	strace $0x8FFFFFFF  }
0x9e: {  	s18 =	sld [smem:$0x3FDB];
	_ =	sdelay $0x1  }
0x9f: {  	s19 =	simm.s32 $_scs_section_size  }
0xa0: {  	s5 =	simm.s32 $_size__tile_overlayer_lowered;
	s6 =	simm.s32 $_tile_overlayer_lowered  }
0xa1: {  	s22 =	simm.s32 $0x1BFF;
	s21 =	sshll.u32 s6, $0x1;
	s3 =	sadd.s32 s19, s18  }
0xa2: {  	s7 =	simm.s32 $0x0;
	s20 =	sshll.u32 s5, $0x1;
	s5 =	sadd.s32 s21, s3  }
0xa3: {  	[timem:s7], [sflag:s22] =	dma.local [hbm:s5], s20  }
0xa4: {  	_ =	swait.ge [sflag:s22], s20  }
0xa5: {  	s4 =	ssub.s32 $0x0, s20;
	[sflag:s22] =	ssyncset.done $0x0  }
0xa6: {  	[sflag:s22] =	ssyncadd.s32 s4;
	_ =	sdelay $0x1  }
0xa7: {  	s23 =	simm.s32 $0x1B8B  }
0xa8: {  	_ =	swait.ge [sflag:s23], $0x1  }
0xa9: {  	[sflag:s23] =	ssyncset.done $0x0  }
0xaa: {  	s25 =	simm.s32 $0x1B8E;
	s24 =	sld [smem:$0x3FFE];
	[sflag:s23] =	ssyncadd.s32 $0xFFFFFFFF  }
0xab: {  	s26 =	simm.s32 $execute0_lowered;
	[smem:$0x3FD2] =	sst s25  }
0xac: {  	s5 =	sshll.u32 s26, $0x1;
	_ =	strace $0x80000049;
	[dreg:$0x1] =	wrdreg $0xFFFFFFFF  }
0xad: {  	s28 =	simm.s32 $_size_execute0_lowered;
	s3 =	sadd.s32 s3, s5;
	[dreg:$0x0] =	wrdreg $0x0  }
0xae: {  	s5 =	sshll.u32 s28, $0x1;
	[dreg:$0x2] =	wrdreg s3  }
0xaf: {  	[dreg:$0x3] =	wrdreg s5  }
0xb0: {  	[dreg:$0x4] =	wrdreg $0xC0  }
0xb1: {  	_ =	task [dreg:s7], $0x5FFFF  }
0xb2: {  	[dreg:$0x1] =	wrdreg $0xFFFFFFFF  }
0xb3: {  	[dreg:$0x0] =	wrdreg $0x60  }
0xb4: {  	[dreg:$0x2] =	wrdreg s24  }
0xb5: {  	[dreg:$0x3] =	wrdreg s16  }
0xb6: {  	[dreg:$0x4] =	wrdreg $0x0  }
0xb7: {  	[dreg:$0x5] =	wrdreg $0x9  }
0xb8: {  	_ =	task.clear_ibuf [dreg:s7], $0x6FFFF;
	_ =	strace $0x90000049  }
0xb9: {  	s29 =	simm.s32 $0x9;
	_ =	strace $0x8000004B  }
0xba: {  	_ =	swait.ge [sflag:s29], $0x1  }
0xbb: {  	[sflag:s29] =	ssyncadd.s32 $0xFFFFFFFF  }
0xbc: {  	_ =	strace $0x9000004B  }
0xbd: {  	_ =	sfence  }
0xbe: {  	s30 =	sld [smem:$0x0];
	_ =	sdelay $0x2  }
0xbf: {  	s31 =	sshll.u32 s1, $0xD;
	s1 =	sshrl.u32 s1, $0x2  }
0xc0: {  	s3 =	sand.u32 $0x4000, s31;
	s1 =	sadd.s32 s1, s30  }
0xc1: {  	s0 =	sor.u32 s3, s0;
	s1 =	sshll.u32 s1, $0x11  }
0xc2: {  	s0 =	sor.u32 s1, s0  }
0xc3: {  	s0 =	sadd.s32 $0x8F2B, s0  }
0xc4: {  	[sflag:s0] =	ssyncadd.remote.s32 $0x1  }
0xc5: {  	_ =	sfence.sel $0xFFFF  }
0xc6: {  	[dreg:$0x0] =	wrdreg $0xFFFFFFFF;
	(pc) =	sbr.abs _section_cstart, $3  }
0xc7: {  	[dreg:$0x1] =	wrdreg $0xFFFFFFFF  }
0xc8: {  	_ =	task.clear_ibuf [dreg:s7], $0x2FFFF;
	_ =	strace $0x9FFFFFFF  }
0xc9: {  	(tm) =	ssettm $0x7FFFFFFF  }
tec
execute0_lowered:
.L_overlay_start_1:
0x0: {  	(tag) =	ssettag $0x1  }
0x1: {  	s0 =	rddreg [dreg:$0x0]  }
0x2: {  	s1 =	rddreg [dreg:$0x1]  }
0x3: {  	s2 =	rddreg [dreg:$0x2]  }
0x4: {  	s4 =	srdreg.scid;
	s14 =	stileid.u32;
	s3 =	simm.s32 $0x0  }
0x5: {  	s29 =	simm.s32 $0x19200;
	s30 =	simm.s32 $0x5;
	s10 =	smul.u32 $0x50000, s14  }
0x6: {  	s31 =	simm.s32 $0x14000;
	s8 =	sand.u32 $0x1, s4;
	s13 =	smul.u32 $0x14000, s14  }
0x7: {  	s21 =	sshll.u32 s14, $0x1;
	[smem:$0x7FF] =	sst s3;
	s14 =	smul.u32 $0x4E20, s14  }
0x8: {  	s4 =	sadd.s32 $0x18C00, s0;
	s6 =	sadd.s32 $0xEE00, s0;
	s11 =	smul.u32 $0x140000, s8  }
0x9: {  	s5 =	sor.u32 s8, s21;
	_ =	strace $0x8000004A;
	s15 =	smul.u32 $0x2710, s8  }
0xa: {  	s9 =	ssub.s32 $0x2, s8;
	s8 =	simm.s32 $0x50;
	s7 =	smul.u32 $0x2710, s5  }
0xb: {  	s5 =	sadd.s32 $0x5000, s0;
	s22 =	sshrl.u32 s9, $0x1;
	s10 =	sshrl.u32 s10, $0x2  }
0xc: {  	s0 =	ssub.s32 s9, s22;
	s26 =	sadd.s32 s13, s11;
	s20 =	sadd.s32 s15, s14  }
0xd: {  	s11 =	simm.s32 $0x14180;
	s12 =	sshrl.u32 s7, $0x3;
	s0 =	smax.u32 s0, $0x1  }
0xe: {  	s7 =	sadd.s32 s10, s2;
	s23 =	sadd.s32 s5, s12;
	[dreg:$0x9] =	wrdreg s0  }
0xf: {  	s10 =	sshrl.u32 s26, $0x3;
	s24 =	sadd.s32 s6, s12;
	[dreg:$0x4] =	wrdreg s23  }
0x10: {  	s14 =	simm.s32 $0x3;
	s1 =	sadd.s32 s1, s10;
	[dreg:$0x5] =	wrdreg s24  }
0x11: {  	s15 =	simm.s32 $0x4;
	s16 =	sadd.s32 $0x2000, s7;
	[dreg:$0x8] =	wrdreg s1  }
0x12: {  	s25 =	sadd.s32 $0xA, s12;
	s17 =	sadd.s32 $0x4000, s7;
	[dreg:$0xa] =	wrdreg s16  }
0x13: {  	s18 =	sadd.s32 $0x6000, s7;
	s19 =	sadd.s32 $0x8000, s7;
	[dreg:$0xb] =	wrdreg s17  }
0x14: {  	s21 =	sadd.s32 $0xA000, s7;
	s22 =	sadd.s32 $0xC000, s7;
	[dreg:$0xc] =	wrdreg s18  }
0x15: {  	s28 =	sadd.s32 $0x12000, s7;
	s0 =	simm.s32 $0x14100;
	[dreg:$0xd] =	wrdreg s19  }
0x16: {  	s10 =	simm.s32 $0x14080;
	s13 =	sadd.s32 s5, s25;
	[dreg:$0xe] =	wrdreg s21  }
0x17: {  	s9 =	sadd.s32 s6, s25;
	[dreg:$0xf] =	wrdreg s22;
	s23 =	sadd.s32 $0xF0, s20  }
0x18: {  	s24 =	sadd.s32 $0xE000, s7;
	s25 =	sadd.s32 $0x4D8, s12;
	[dreg:$0x6] =	wrdreg s13  }
0x19: {  	s12 =	simm.s32 $0x2;
	s16 =	simm.s32 $0x0;
	[dreg:$0x7] =	wrdreg s9  }
0x1a: {  	[dreg:$0x10] =	wrdreg s24;
	s1 =	sshrl.u32 s23, $0x3;
	s26 =	sadd.s32 s5, s25  }
0x1b: {  	s22 =	sadd.s32 s6, s25;
	s25 =	sadd.s32 $0xA0, s20;
	s9 =	simm.s32 $0x14200  }
0x1c: {  	s13 =	simm.s32 $0x16A00;
	[dreg:$0x11] =	wrdreg s26;
	s23 =	sadd.s32 s1, s6  }
0x1d: {  	v0 =	vimm.f32 $0.0e+00;
	s24 =	sadd.s32 s1, s5;
	s26 =	sadd.s32 $0x10000, s7;
	s1 =	simm.s32 $0x1  }
.LBB2_1:
0x1e: {  	s17 =	simm.s32 $0x0;
	s18 =	simm.s32 $0x200  }
.LBB2_2:
0x1f: {  	p0 =	sne.s32 s18, $0x7E00;
	[tilespmem:s17+$0x19270] =	vst v0  }
0x20: {  	[tilespmem:s17+$0x19200] =	vst v0  }
0x21: {  	[tilespmem:s17+$0x19210] =	vst v0  }
.Ltmp0:
0x22: {  	[tilespmem:s17+$0x19220] =	vst v0;
	(pc) =	sbr.rel @p0 .LBB2_2-.Ltmp0, $4  }
0x23: {  	[tilespmem:s17+$0x19230] =	vst v0  }
0x24: {  	[tilespmem:s17+$0x19240] =	vst v0  }
0x25: {  	[tilespmem:s17+$0x19250] =	vst v0  }
0x26: {  	[tilespmem:s17+$0x19260] =	vst v0;
	s17 =	sshra.s32 s18, $0x2;
	s18 =	sadd.s32 $0x200, s18  }
0x27: {  	[tilespmem:s17+$0x19270] =	vst v0  }
0x28: {  	[tilespmem:s17+$0x19200] =	vst v0  }
0x29: {  	[tilespmem:s17+$0x19210] =	vst v0  }
0x2a: {  	[tilespmem:s17+$0x19220] =	vst v0  }
0x2b: {  	[tilespmem:s17+$0x19230] =	vst v0  }
0x2c: {  	[tilespmem:s17+$0x19240] =	vst v0  }
0x2d: {  	[tilespmem:s17+$0x19250] =	vst v0  }
0x2e: {  	[tilespmem:s17+$0x19260] =	vst v0  }
0x2f: {  	[spmem:s7] =	stream.linear.scatter [tilespmem:s29], [sflag:$0x5], $0x2000, $0x38;
	[tilespmem:$0x1B200] =	vst v63  }
0x30: {  	_ =	swait.ge [sflag:s30], $0x2000  }
0x31: {  	[sflag:s30] =	ssyncset.done $0x0  }
0x32: {  	s20 =	rddreg [dreg:$0xa];
	[sflag:s30] =	ssyncadd.s32 $0xFFFFE000  }
0x33: {  	[spmem:s20] =	stream.linear.scatter [tilespmem:s29], [sflag:$0x5], $0x2000, $0x38;
	[tilespmem:$0x1B200] =	vst v63  }
0x34: {  	_ =	swait.ge [sflag:s30], $0x2000  }
0x35: {  	[sflag:s30] =	ssyncset.done $0x0  }
0x36: {  	s21 =	rddreg [dreg:$0xb];
	[sflag:s30] =	ssyncadd.s32 $0xFFFFE000  }
0x37: {  	[spmem:s21] =	stream.linear.scatter [tilespmem:s29], [sflag:$0x5], $0x2000, $0x38;
	[tilespmem:$0x1B200] =	vst v63  }
0x38: {  	_ =	swait.ge [sflag:s30], $0x2000  }
0x39: {  	[sflag:s30] =	ssyncset.done $0x0  }
0x3a: {  	s18 =	rddreg [dreg:$0xc];
	[sflag:s30] =	ssyncadd.s32 $0xFFFFE000  }
0x3b: {  	[spmem:s18] =	stream.linear.scatter [tilespmem:s29], [sflag:$0x5], $0x2000, $0x38;
	[tilespmem:$0x1B200] =	vst v63  }
0x3c: {  	_ =	swait.ge [sflag:s30], $0x2000  }
0x3d: {  	[sflag:s30] =	ssyncset.done $0x0  }
0x3e: {  	s19 =	rddreg [dreg:$0xd];
	[sflag:s30] =	ssyncadd.s32 $0xFFFFE000  }
0x3f: {  	[spmem:s19] =	stream.linear.scatter [tilespmem:s29], [sflag:$0x5], $0x2000, $0x38;
	[tilespmem:$0x1B200] =	vst v63  }
0x40: {  	_ =	swait.ge [sflag:s30], $0x2000  }
0x41: {  	[sflag:s30] =	ssyncset.done $0x0  }
0x42: {  	s20 =	rddreg [dreg:$0xe];
	[sflag:s30] =	ssyncadd.s32 $0xFFFFE000  }
0x43: {  	[spmem:s20] =	stream.linear.scatter [tilespmem:s29], [sflag:$0x5], $0x2000, $0x38;
	[tilespmem:$0x1B200] =	vst v63  }
0x44: {  	_ =	swait.ge [sflag:s30], $0x2000  }
0x45: {  	[sflag:s30] =	ssyncset.done $0x0  }
0x46: {  	s21 =	rddreg [dreg:$0xf];
	[sflag:s30] =	ssyncadd.s32 $0xFFFFE000  }
0x47: {  	[spmem:s21] =	stream.linear.scatter [tilespmem:s29], [sflag:$0x5], $0x2000, $0x38;
	[tilespmem:$0x1B200] =	vst v63  }
0x48: {  	_ =	swait.ge [sflag:s30], $0x2000  }
0x49: {  	[sflag:s30] =	ssyncset.done $0x0  }
0x4a: {  	s18 =	rddreg [dreg:$0x10];
	[sflag:s30] =	ssyncadd.s32 $0xFFFFE000  }
0x4b: {  	[spmem:s18] =	stream.linear.scatter [tilespmem:s29], [sflag:$0x5], $0x2000, $0x38;
	[tilespmem:$0x1B200] =	vst v63  }
0x4c: {  	_ =	swait.ge [sflag:s30], $0x2000  }
0x4d: {  	[sflag:s30] =	ssyncset.done $0x0  }
0x4e: {  	[sflag:s30] =	ssyncadd.s32 $0xFFFFE000  }
0x4f: {  	[spmem:s26] =	stream.linear.scatter [tilespmem:s29], [sflag:$0x5], $0x2000, $0x38;
	[tilespmem:$0x1B200] =	vst v63  }
0x50: {  	_ =	swait.ge [sflag:s30], $0x2000  }
0x51: {  	[sflag:s30] =	ssyncset.done $0x0  }
0x52: {  	[sflag:s30] =	ssyncadd.s32 $0xFFFFE000  }
0x53: {  	[spmem:s28] =	stream.linear.scatter [tilespmem:s29], [sflag:$0x5], $0x2000, $0x38;
	[tilespmem:$0x1B200] =	vst v63  }
0x54: {  	_ =	swait.ge [sflag:s30], $0x2000  }
0x55: {  	[sflag:s30] =	ssyncset.done $0x0  }
0x56: {  	[sflag:s30] =	ssyncadd.s32 $0xFFFFE000  }
0x57: {  	[bflag:$0x0] =	sbarrier.arrive $0xFFFF  }
0x58: {  	s17 =	simm.s32 $0x0;
	s18 =	rddreg [dreg:$0x4]  }
0x59: {  	[tilespmem:s31], [sflag:$0x1] =	stream.linear.gather [hbm4b:s18+s17], $0x50, $0x38;
	[tilespmem:$0x1B200] =	vst v63  }
0x5a: {  	s19 =	rddreg [dreg:$0x5]  }
0x5b: {  	[tilespmem:s0], [sflag:$0x1] =	stream.linear.gather [hbm4b:s19+s17], $0x50, $0x38;
	[tilespmem:$0x1B200] =	vst v63  }
0x5c: {  	_ =	swait.ge [sflag:s1], $0x50  }
0x5d: {  	[sflag:s1] =	ssyncset.done $0x0  }
0x5e: {  	[sflag:s1] =	ssyncadd.s32 $0xFFFFFFB0  }
0x5f: {  	_ =	swait.ge [sflag:s1], $0x50  }
0x60: {  	[sflag:s1] =	ssyncset.done $0x0  }
0x61: {  	[sflag:s1] =	ssyncadd.s32 $0xFFFFFFB0  }
0x62: {  	[tilespmem:s9], [sflag:$0x3] =	stream.indirect.gather [hbm4b:s4+s8], $0x80, s31, s8, $0xb8;
	[tilespmem:$0x1B200] =	vst v63  }
0x63: {  	s20 =	rddreg [dreg:$0x6]  }
0x64: {  	[tilespmem:s10], [sflag:$0x2] =	stream.linear.gather [hbm4b:s20+s17], $0x50, $0x38;
	[tilespmem:$0x1B200] =	vst v63  }
0x65: {  	s21 =	rddreg [dreg:$0x7]  }
0x66: {  	[tilespmem:s11], [sflag:$0x2] =	stream.linear.gather [hbm4b:s21+s17], $0x50, $0x38;
	[tilespmem:$0x1B200] =	vst v63  }
0x67: {  	_ =	swait.ge [sflag:s12], $0x50  }
0x68: {  	[sflag:s12] =	ssyncset.done $0x0  }
0x69: {  	[sflag:s12] =	ssyncadd.s32 $0xFFFFFFB0  }
0x6a: {  	_ =	swait.ge [sflag:s12], $0x50  }
0x6b: {  	[sflag:s12] =	ssyncset.done $0x0  }
0x6c: {  	[sflag:s12] =	ssyncadd.s32 $0xFFFFFFB0  }
0x6d: {  	[tilespmem:s13], [sflag:$0x4] =	stream.indirect.gather [hbm4b:s4+s8], $0x80, s10, s8, $0xb8;
	[tilespmem:$0x1B200] =	vst v63  }
0x6e: {  	_ =	swait.ge [sflag:s14], $0x2800  }
0x6f: {  	[sflag:s14] =	ssyncset.done $0x0  }
0x70: {  	[sflag:s14] =	ssyncadd.s32 $0xFFFFD800  }
0x71: {  	[spmem:s2] =	stream.indirect.scatter.add.f32 [tilespmem:s9], [sflag:$0x5], $0x80, s0, s8, $0xb8;
	[tilespmem:$0x1B200] =	vst v63  }
0x72: {  	_ =	swait.ge [sflag:s30], $0x2800  }
0x73: {  	s19 =	sshrl.u32 s25, $0x3;
	[sflag:s30] =	ssyncset.done $0x0  }
0x74: {  	s20 =	sadd.s32 s5, s19;
	[sflag:s30] =	ssyncadd.s32 $0xFFFFD800  }
0x75: {  	[tilespmem:s31], [sflag:$0x1] =	stream.linear.gather [hbm4b:s20+s3], $0x50, $0x38;
	[tilespmem:$0x1B200] =	vst v63  }
0x76: {  	s17 =	sadd.s32 s6, s19  }
0x77: {  	[tilespmem:s0], [sflag:$0x1] =	stream.linear.gather [hbm4b:s17+s3], $0x50, $0x38;
	[tilespmem:$0x1B200] =	vst v63  }
0x78: {  	_ =	swait.ge [sflag:s1], $0x50  }
0x79: {  	[sflag:s1] =	ssyncset.done $0x0  }
0x7a: {  	[sflag:s1] =	ssyncadd.s32 $0xFFFFFFB0  }
0x7b: {  	_ =	swait.ge [sflag:s1], $0x50  }
0x7c: {  	[sflag:s1] =	ssyncset.done $0x0  }
0x7d: {  	[sflag:s1] =	ssyncadd.s32 $0xFFFFFFB0  }
0x7e: {  	[tilespmem:s9], [sflag:$0x3] =	stream.indirect.gather [hbm4b:s4+s8], $0x80, s31, s8, $0xb8;
	[tilespmem:$0x1B200] =	vst v63  }
0x7f: {  	_ =	swait.ge [sflag:s15], $0x2800  }
0x80: {  	[sflag:s15] =	ssyncset.done $0x0  }
0x81: {  	[sflag:s15] =	ssyncadd.s32 $0xFFFFD800  }
0x82: {  	[spmem:s2] =	stream.indirect.scatter.add.f32 [tilespmem:s13], [sflag:$0x5], $0x80, s11, s8, $0xb8;
	[tilespmem:$0x1B200] =	vst v63  }
0x83: {  	_ =	swait.ge [sflag:s30], $0x2800  }
0x84: {  	s18 =	sadd.s32 $0xA0, s25;
	s21 =	sadd.s32 $0x0, s24;
	[sflag:s30] =	ssyncset.done $0x0  }
0x85: {  	s19 =	sadd.s32 $0x0, s23;
	s17 =	simm.s32 $0x14;
	[sflag:s30] =	ssyncadd.s32 $0xFFFFD800  }
0x86: {  	[tilespmem:s10], [sflag:$0x2] =	stream.linear.gather [hbm4b:s21+s3], $0x50, $0x38;
	[tilespmem:$0x1B200] =	vst v63  }
.LBB2_4:
0x87: {  	[tilespmem:s11], [sflag:$0x2] =	stream.linear.gather [hbm4b:s19+s3], $0x50, $0x38;
	[tilespmem:$0x1B200] =	vst v63  }
0x88: {  	s19 =	smov.u32 s17  }
0x89: {  	p0 =	sne.s32 s17, $0x4B0;
	s17 =	sadd.s32 $0x14, s17;
	_ =	swait.ge [sflag:s12], $0x50  }
0x8a: {  	[sflag:s12] =	ssyncset.done $0x0  }
0x8b: {  	[sflag:s12] =	ssyncadd.s32 $0xFFFFFFB0  }
0x8c: {  	_ =	swait.ge [sflag:s12], $0x50  }
0x8d: {  	[sflag:s12] =	ssyncset.done $0x0  }
0x8e: {  	[sflag:s12] =	ssyncadd.s32 $0xFFFFFFB0  }
0x8f: {  	[tilespmem:s13], [sflag:$0x4] =	stream.indirect.gather [hbm4b:s4+s8], $0x80, s10, s8, $0xb8;
	[tilespmem:$0x1B200] =	vst v63  }
0x90: {  	_ =	swait.ge [sflag:s14], $0x2800  }
0x91: {  	[sflag:s14] =	ssyncset.done $0x0  }
0x92: {  	[sflag:s14] =	ssyncadd.s32 $0xFFFFD800  }
0x93: {  	[spmem:s2] =	stream.indirect.scatter.add.f32 [tilespmem:s9], [sflag:$0x5], $0x80, s0, s8, $0xb8;
	[tilespmem:$0x1B200] =	vst v63  }
0x94: {  	_ =	swait.ge [sflag:s30], $0x2800  }
0x95: {  	s20 =	sshrl.u32 s18, $0x3;
	[sflag:s30] =	ssyncset.done $0x0  }
0x96: {  	s21 =	sadd.s32 s5, s20;
	[sflag:s30] =	ssyncadd.s32 $0xFFFFD800  }
0x97: {  	[tilespmem:s31], [sflag:$0x1] =	stream.linear.gather [hbm4b:s21+s3], $0x50, $0x38;
	[tilespmem:$0x1B200] =	vst v63  }
0x98: {  	s20 =	sadd.s32 s6, s20  }
0x99: {  	[tilespmem:s0], [sflag:$0x1] =	stream.linear.gather [hbm4b:s20+s3], $0x50, $0x38;
	[tilespmem:$0x1B200] =	vst v63  }
0x9a: {  	_ =	swait.ge [sflag:s1], $0x50  }
0x9b: {  	[sflag:s1] =	ssyncset.done $0x0  }
0x9c: {  	[sflag:s1] =	ssyncadd.s32 $0xFFFFFFB0  }
0x9d: {  	_ =	swait.ge [sflag:s1], $0x50  }
0x9e: {  	[sflag:s1] =	ssyncset.done $0x0  }
0x9f: {  	[sflag:s1] =	ssyncadd.s32 $0xFFFFFFB0  }
0xa0: {  	[tilespmem:s9], [sflag:$0x3] =	stream.indirect.gather [hbm4b:s4+s8], $0x80, s31, s8, $0xb8;
	[tilespmem:$0x1B200] =	vst v63  }
0xa1: {  	_ =	swait.ge [sflag:s15], $0x2800  }
0xa2: {  	[sflag:s15] =	ssyncset.done $0x0  }
0xa3: {  	[sflag:s15] =	ssyncadd.s32 $0xFFFFD800  }
0xa4: {  	[spmem:s2] =	stream.indirect.scatter.add.f32 [tilespmem:s13], [sflag:$0x5], $0x80, s11, s8, $0xb8;
	[tilespmem:$0x1B200] =	vst v63  }
.Ltmp1:
0xa5: {  	_ =	swait.ge [sflag:s30], $0x2800;
	(pc) =	sbr.rel @p0 .LBB2_4-.Ltmp1, $4  }
0xa6: {  	[sflag:s30] =	ssyncset.done $0x0  }
0xa7: {  	s20 =	sadd.s32 s19, s24;
	[sflag:s30] =	ssyncadd.s32 $0xFFFFD800  }
0xa8: {  	[tilespmem:s10], [sflag:$0x2] =	stream.linear.gather [hbm4b:s20+s3], $0x50, $0x38;
	[tilespmem:$0x1B200] =	vst v63  }
0xa9: {  	s18 =	sadd.s32 $0xA0, s18;
	s19 =	sadd.s32 s19, s23  }
0xaa: {  	[tilespmem:s11], [sflag:$0x2] =	stream.linear.gather [hbm4b:s19+s3], $0x50, $0x38;
	[tilespmem:$0x1B200] =	vst v63  }
0xab: {  	_ =	swait.ge [sflag:s12], $0x50  }
0xac: {  	[sflag:s12] =	ssyncset.done $0x0  }
0xad: {  	[sflag:s12] =	ssyncadd.s32 $0xFFFFFFB0  }
0xae: {  	_ =	swait.ge [sflag:s12], $0x50  }
0xaf: {  	[sflag:s12] =	ssyncset.done $0x0  }
0xb0: {  	[sflag:s12] =	ssyncadd.s32 $0xFFFFFFB0  }
0xb1: {  	[tilespmem:s13], [sflag:$0x4] =	stream.indirect.gather [hbm4b:s4+s8], $0x80, s10, s8, $0xb8;
	[tilespmem:$0x1B200] =	vst v63  }
0xb2: {  	_ =	swait.ge [sflag:s14], $0x2800  }
0xb3: {  	[sflag:s14] =	ssyncset.done $0x0  }
0xb4: {  	[sflag:s14] =	ssyncadd.s32 $0xFFFFD800  }
0xb5: {  	[spmem:s2] =	stream.indirect.scatter.add.f32 [tilespmem:s9], [sflag:$0x5], $0x80, s0, s8, $0xb8;
	[tilespmem:$0x1B200] =	vst v63  }
0xb6: {  	_ =	swait.ge [sflag:s30], $0x2800  }
0xb7: {  	[sflag:s30] =	ssyncset.done $0x0  }
0xb8: {  	s17 =	rddreg [dreg:$0x11];
	[sflag:s30] =	ssyncadd.s32 $0xFFFFD800  }
0xb9: {  	[tilespmem:s31], [sflag:$0x1] =	stream.linear.gather [hbm4b:s17+s3], $0x50, $0x38;
	[tilespmem:$0x1B200] =	vst v63  }
0xba: {  	_ = 	snop  }
0xbb: {  	[tilespmem:s0], [sflag:$0x1] =	stream.linear.gather [hbm4b:s22+s3], $0x50, $0x38;
	[tilespmem:$0x1B200] =	vst v63  }
0xbc: {  	_ =	swait.ge [sflag:s1], $0x50  }
0xbd: {  	[sflag:s1] =	ssyncset.done $0x0  }
0xbe: {  	[sflag:s1] =	ssyncadd.s32 $0xFFFFFFB0  }
0xbf: {  	_ =	swait.ge [sflag:s1], $0x50  }
0xc0: {  	[sflag:s1] =	ssyncset.done $0x0  }
0xc1: {  	[sflag:s1] =	ssyncadd.s32 $0xFFFFFFB0  }
0xc2: {  	[tilespmem:s9], [sflag:$0x3] =	stream.indirect.gather [hbm4b:s4+s8], $0x80, s31, s8, $0xb8;
	[tilespmem:$0x1B200] =	vst v63  }
0xc3: {  	_ =	swait.ge [sflag:s15], $0x2800  }
0xc4: {  	[sflag:s15] =	ssyncset.done $0x0  }
0xc5: {  	[sflag:s15] =	ssyncadd.s32 $0xFFFFD800  }
0xc6: {  	[spmem:s2] =	stream.indirect.scatter.add.f32 [tilespmem:s13], [sflag:$0x5], $0x80, s11, s8, $0xb8;
	[tilespmem:$0x1B200] =	vst v63  }
0xc7: {  	_ =	swait.ge [sflag:s30], $0x2800  }
0xc8: {  	[sflag:s30] =	ssyncset.done $0x0  }
0xc9: {  	[sflag:s30] =	ssyncadd.s32 $0xFFFFD800  }
0xca: {  	_ =	swait.ge [sflag:s14], $0x2800  }
0xcb: {  	[sflag:s14] =	ssyncset.done $0x0  }
0xcc: {  	[sflag:s14] =	ssyncadd.s32 $0xFFFFD800  }
0xcd: {  	[spmem:s2] =	stream.indirect.scatter.add.f32 [tilespmem:s9], [sflag:$0x5], $0x80, s0, s8, $0xb8;
	[tilespmem:$0x1B200] =	vst v63  }
0xce: {  	_ =	swait.ge [sflag:s30], $0x2800  }
0xcf: {  	[sflag:s30] =	ssyncset.done $0x0  }
0xd0: {  	s19 =	stileid.u32;
	[sflag:s30] =	ssyncadd.s32 $0xFFFFD800  }
0xd1: {  	s17 =	sshll.u32 s19, $0x6;
	[bflag:$0x0] =	sbarrier.arrive $0xFFFF  }
0xd2: {  	s18 =	sshrl.u32 s7, $0x3;
	s17 =	sor.u32 $0x1C05, s17;
	s20 =	rddreg [dreg:$0x8]  }
0xd3: {  	[hbm:s20], [sflag:s17] =	dma.local [spmem:s18], $0x2800  }
0xd4: {  	_ =	swait.ge [sflag:s30], $0x2800  }
0xd5: {  	s16 =	sadd.s32 $0x1, s16;
	s21 =	rddreg [dreg:$0x9]  }
0xd6: {  	p0 =	sne.s32 s16, s21  }
.Ltmp2:
0xd7: {  	_ = 	snop;
	(pc) =	sbr.rel @p0 .LBB2_1-.Ltmp2, $3  }
0xd8: {  	_ =	sdelay $0x1  }
0xd9: {  	[sflag:s30] =	ssyncset.done $0x0  }
0xda: {  	[sflag:s30] =	ssyncadd.s32 $0xFFFFD800  }
0xdb: {  	_ =	sfence.sel $0x180000  }
0xdc: {  	[bflag:$0x0] =	sbarrier.arrive $0xFFFF  }
0xdd: {  	_ =	strace $0x9000004A  }
0xde: {  	s0 =	stileid.u32;
	[bflag:$0x2] =	sbarrier.arrive $0xFFFF  }
0xdf: {  	p0 =	sne.s32 s0, $0x0;
	s0 =	rddreg [dreg:$0x3]  }
0xe0: {  	s0 =	sadd.s32 @!p0 $0x100000, s0  }
0xe1: {  	[sflag:s0] =	ssyncadd.tile.s32 @!p0 $0x1;
	_ =	shalt  }
.Lfunc_end2:
_tile_overlayer_lowered:
.L_overlay_start_2:
0xe2: {  	(tag) =	ssettag $0x2  }
0xe3: {  	s0 =	rddreg [dreg:$0x0];
	s2 =	stileid.u32  }
0xe4: {  	s1 =	rddreg [dreg:$0x1];
	p0 =	sne.s32 s2, $0x0  }
0xe5: {  	s3 =	rddreg [dreg:$0x2];
	[bflag:$0x3] =	sbarrier.arrive $0xFFFF;
	s2 =	simm.s32 @!p0 $0x1C05  }
0xe6: {  	[timem:s3], [sflag:s2] =	dma.local @!p0 [hbm:s0], s1  }
0xe7: {  	s0 =	simm.s32 @!p0 $0x5  }
0xe8: {  	_ =	swait.ge @!p0 [sflag:s0], s1  }
0xe9: {  	s1 =	ssub.s32 @!p0 $0x0, s1;
	[sflag:s0] =	ssyncset.done @!p0 $0x0  }
0xea: {  	[sflag:s0] =	ssyncadd.s32 @!p0 s1  }
0xeb: {  	[bflag:$0x3] =	sbarrier.arrive $0xFFFF  }
0xec: {  	_ =	shalt  }

// kernel: kernel.18.cloned.1.call-start
scs
__scs_entry_jumppad:
0x0: {  	(pc) =	sbr.rel $0x88, $3  }
0x1: {  	(tag) =	ssettag $0x0;
	lr =	simm.s32 $0x1  }
0x2: {  	[smem:$0x3F8E] =	sst lr;
	_ =	strace $0xD0000000  }
0x3: {  	_ = 	snop  }
0x4: {  	_ = 	snop  }
0x5: {  	_ = 	snop  }
0x6: {  	_ = 	snop  }
0x7: {  	_ = 	snop  }
__scs_overlays_trampoline_lowered:
0x8: {  	[smem:$0x3F9D] =	sst s0  }
0x9: {  	[smem:$0x3F9E] =	sst s1  }
0xa: {  	[smem:$0x3F9F] =	sst s2  }
0xb: {  	[smem:$0x3FA0] =	sst s3  }
0xc: {  	[smem:$0x3FA1] =	sst s4  }
0xd: {  	[smem:$0x3FA2] =	sst s5  }
0xe: {  	[smem:$0x3FA3] =	sst s6  }
0xf: {  	[smem:$0x3FA4] =	sst s7  }
0x10: {  	[smem:$0x3FA5] =	sst s8  }
0x11: {  	[smem:$0x3FA6] =	sst s9;
	s0 =	simm.s32 @!p0 $0x0  }
0x12: {  	s1 =	sld [smem:$0x3F8C];
	s0 =	simm.s32 @p0 $0x1  }
0x13: {  	[smem:$0x3FA7] =	sst s0;
	s0 =	simm.s32 @!p1 $0x0  }
0x14: {  	s2 =	sld [smem:$0x3F8B];
	s0 =	simm.s32 @p1 $0x1  }
0x15: {  	[smem:$0x3FA8] =	sst s0;
	s0 =	simm.s32 @!p2 $0x0  }
0x16: {  	s3 =	sld [smem:$0x3FDB];
	s0 =	simm.s32 @p2 $0x1  }
0x17: {  	s4 =	simm.s32 $0x1BF5;
	[smem:$0x3FAA] =	sst s0  }
0x18: {  	s0 =	sld [smem:$0x3F8D];
	_ =	swait.ge [sflag:s4], $0x0  }
0x19: {  	s7 =	sld [smem:$0x3F8E]  }
0x1a: {  	s8 =	sadd.s32 $0xFFFFE003, lr  }
0x1b: {  	s9 =	sadd.s32 $0xFFFFFEF7, lr;
	s5 =	simm.s32 $0xFFFFFFFF;
	p2 =	slt.u32 s8, $0xFFFFF086  }
0x1c: {  	p1 =	slt.u32 s9, $0xF7A;
	s5 =	simm.s32 @!p2 $0x0  }
0x1d: {  	s5 =	simm.s32 @p1 $0x1;
	p0 =	seq.s32 s7, s2  }
0x1e: {  	s7 =	smul.u32 @!p0 $0xF7A, s2;
	p2 =	seq.s32 @!p0 s5, $0x0  }
0x1f: {  	s9 =	smul.u32 $0xF7A, s1;
	s8 =	simm.s32 @!p0 $0x1BF5;
	p2 =	por !p2, p0  }
0x20: {  	[sflag:s8] =	ssyncset.s32 @!p0 $0xFFFFF086;
	s6 =	sadd.s32 @!p0 s3, s7;
	s7 =	simm.s32 @!p0 $0x108  }
0x21: {  	s3 =	sadd.s32 s3, s9;
	s6 =	sadd.s32 @!p0 $0x88, s6;
	s7 =	simm.s32 @p2 $0x1082  }
0x22: {  	[simem:s7], [sflag:s8] =	dma.local @!p0 [hbm:s6], $0xF7A  }
0x23: {  	s9 =	sor.u32 $0xD0000000, s2;
	s6 =	simm.s32 $0x108;
	_ =	swait.ge @!p0 [sflag:s8], $0x0  }
0x24: {  	s3 =	sadd.s32 $0x88, s3;
	s6 =	simm.s32 @!p1 $0x1082;
	[sflag:s4] =	ssyncset.s32 $0xFFFFF086  }
0x25: {  	[simem:s6], [sflag:s4] =	dma.local [hbm:s3], $0xF7A  }
0x26: {  	[smem:$0x3F8E] =	sst s1;
	(tag) =	ssettag s2;
	_ =	strace s9  }
0x27: {  	s1 =	sld [smem:$0x3F9E]  }
0x28: {  	s2 =	sld [smem:$0x3F9F]  }
0x29: {  	s4 =	sld [smem:$0x3FA1]  }
0x2a: {  	p0 =	seq.s32 s5, $0x0;
	s5 =	sld [smem:$0x3FA2]  }
0x2b: {  	s6 =	sld [smem:$0x3FA3]  }
0x2c: {  	s7 =	sld [smem:$0x3FA4]  }
0x2d: {  	s3 =	simm.s32 $0x108;
	s8 =	sld [smem:$0x3FA5]  }
0x2e: {  	s3 =	simm.s32 @!p0 $0x1082;
	s9 =	sld [smem:$0x3FA6]  }
0x2f: {  	lr =	sadd.s32 s0, s3;
	s0 =	sld [smem:$0x3F9D]  }
0x30: {  	s3 =	sld [smem:$0x3FA0]  }
0x31: {  	[smem:$0x3FA9] =	sst s10  }
0x32: {  	s10 =	sld [smem:$0x3FA7];
	_ =	sdelay $0x3  }
0x33: {  	p0 =	seq.s32 s10, $0x1;
	s10 =	sld [smem:$0x3FA9];
	_ =	sdelay $0x3  }
0x34: {  	[smem:$0x3FA9] =	sst s10  }
0x35: {  	s10 =	sld [smem:$0x3FA8];
	_ =	sdelay $0x3  }
0x36: {  	p1 =	seq.s32 s10, $0x1;
	s10 =	sld [smem:$0x3FA9];
	_ =	sdelay $0x3  }
0x37: {  	[smem:$0x3FA9] =	sst s10  }
0x38: {  	s10 =	sld [smem:$0x3FAA]  }
0x39: {  	_ = 	snop;
	(pc) =	sbr.ind lr, $3  }
0x3a: {  	_ = 	snop  }
0x3b: {  	_ = 	snop  }
0x3c: {  	p2 =	seq.s32 s10, $0x1;
	s10 =	sld [smem:$0x3FA9]  }
0x3d: {  	_ =	shalt  }
0x3e: {  	_ =	shalt  }
0x3f: {  	_ =	shalt  }
0x40: {  	_ =	shalt  }
0x41: {  	_ =	shalt  }
0x42: {  	_ =	shalt  }
0x43: {  	_ =	shalt  }
0x44: {  	_ =	shalt  }
0x45: {  	_ =	shalt  }
0x46: {  	_ =	shalt  }
0x47: {  	_ =	shalt  }
0x48: {  	_ =	shalt  }
0x49: {  	_ =	shalt  }
0x4a: {  	_ =	shalt  }
0x4b: {  	_ =	shalt  }
0x4c: {  	_ =	shalt  }
0x4d: {  	_ =	shalt  }
0x4e: {  	_ =	shalt  }
0x4f: {  	_ =	shalt  }
0x50: {  	_ =	shalt  }
0x51: {  	_ =	shalt  }
0x52: {  	_ =	shalt  }
0x53: {  	_ =	shalt  }
0x54: {  	_ =	shalt  }
0x55: {  	_ =	shalt  }
0x56: {  	_ =	shalt  }
0x57: {  	_ =	shalt  }
0x58: {  	_ =	shalt  }
0x59: {  	_ =	shalt  }
0x5a: {  	_ =	shalt  }
0x5b: {  	_ =	shalt  }
0x5c: {  	_ =	shalt  }
0x5d: {  	_ =	shalt  }
0x5e: {  	_ =	shalt  }
0x5f: {  	_ =	shalt  }
0x60: {  	_ =	shalt  }
0x61: {  	_ =	shalt  }
0x62: {  	_ =	shalt  }
0x63: {  	_ =	shalt  }
0x64: {  	_ =	shalt  }
0x65: {  	_ =	shalt  }
0x66: {  	_ =	shalt  }
0x67: {  	_ =	shalt  }
0x68: {  	_ =	shalt  }
0x69: {  	_ =	shalt  }
0x6a: {  	_ =	shalt  }
0x6b: {  	_ =	shalt  }
0x6c: {  	_ =	shalt  }
0x6d: {  	_ =	shalt  }
0x6e: {  	_ =	shalt  }
0x6f: {  	_ =	shalt  }
0x70: {  	_ =	shalt  }
0x71: {  	_ =	shalt  }
0x72: {  	_ =	shalt  }
0x73: {  	_ =	shalt  }
0x74: {  	_ =	shalt  }
0x75: {  	_ =	shalt  }
0x76: {  	_ =	shalt  }
0x77: {  	_ =	shalt  }
0x78: {  	_ =	shalt  }
0x79: {  	_ =	shalt  }
0x7a: {  	_ =	shalt  }
0x7b: {  	_ =	shalt  }
0x7c: {  	_ =	shalt  }
0x7d: {  	_ =	shalt  }
0x7e: {  	_ =	shalt  }
0x7f: {  	_ =	shalt  }
0x80: {  	_ =	shalt  }
0x81: {  	_ =	shalt  }
0x82: {  	_ =	shalt  }
0x83: {  	_ =	shalt  }
0x84: {  	_ =	shalt  }
0x85: {  	_ =	shalt  }
0x86: {  	_ =	shalt  }
0x87: {  	_ =	shalt  }
.Lfunc_end0:
.L_simem_size_0:
called_computation.2_lowered:
.L_overlay_start_0:
0x88: {  	s2 =	sld [smem:$0x3FD9]  }
0x89: {  	s3 =	sld [smem:$0x3FFE];
	_ =	sdelay $0x1  }
0x8a: {  	s1 =	srdreg.scid  }
0x8b: {  	s0 =	sand.u32 $0x1, s1  }
0x8c: {  	s14 =	sshll.u32 s0, $0xA;
	s2 =	sadd.s32 s3, s2  }
0x8d: {  	s2 =	sadd.s32 s2, s14  }
0x8e: {  	[smem:$0x3FB5] =	sst s2  }
0x8f: {  	_ = 	snop  }
0x90: {  	s2 =	sld [smem:$0x3FD0];
	_ =	sdelay $0x2  }
0x91: {  	s15 =	simm.s32 $0xA;
	s4 =	simm.s32 $0x10  }
0x92: {  	[smem:s4], [sflag:s15] =	dma.local [hbm:s2], $0x1  }
0x93: {  	_ =	swait.eq [sflag:s15], $0x1  }
0x94: {  	[sflag:s15] =	ssyncset.done $0x0  }
0x95: {  	s16 =	sld [smem:$0x10];
	[sflag:s15] =	ssyncadd.s32 $0xFFFFFFFF  }
0x96: {  	s17 =	sld [smem:$0x11];
	(tm) =	ssettm $0x1  }
0x97: {  	s18 =	sld [smem:$0x3FFB];
	_ =	sdelay $0x3  }
0x98: {  	_ =	strace s18  }
0x99: {  	s4 =	sld [smem:$0x3FFC];
	_ =	sdelay $0x3  }
0x9a: {  	_ =	strace s4  }
0x9b: {  	s4 =	sld [smem:$0x3FFD];
	_ =	sdelay $0x3  }
0x9c: {  	_ =	strace s4  }
0x9d: {  	_ =	strace $0x8FFFFFFF  }
0x9e: {  	s19 =	sld [smem:$0x3FDB];
	_ =	sdelay $0x1  }
0x9f: {  	s5 =	simm.s32 $_scs_section_size  }
0xa0: {  	s6 =	simm.s32 $_size__tile_overlayer_lowered;
	s7 =	simm.s32 $_tile_overlayer_lowered  }
0xa1: {  	s22 =	simm.s32 $0x1BFF;
	s21 =	sshll.u32 s7, $0x1;
	s4 =	sadd.s32 s5, s19  }
0xa2: {  	s8 =	simm.s32 $0x0;
	s20 =	sshll.u32 s6, $0x1;
	s6 =	sadd.s32 s21, s4  }
0xa3: {  	[timem:s8], [sflag:s22] =	dma.local [hbm:s6], s20  }
0xa4: {  	_ =	swait.ge [sflag:s22], s20  }
0xa5: {  	s5 =	ssub.s32 $0x0, s20;
	[sflag:s22] =	ssyncset.done $0x0  }
0xa6: {  	[sflag:s22] =	ssyncadd.s32 s5;
	_ =	sdelay $0x1  }
0xa7: {  	s23 =	simm.s32 $0x1B8B  }
0xa8: {  	_ =	swait.ge [sflag:s23], $0x1  }
0xa9: {  	[sflag:s23] =	ssyncset.done $0x0  }
0xaa: {  	s25 =	simm.s32 $0x1B8E;
	s24 =	sld [smem:$0x3FFE];
	[sflag:s23] =	ssyncadd.s32 $0xFFFFFFFF  }
0xab: {  	s26 =	simm.s32 $execute0_lowered;
	[smem:$0x3FD2] =	sst s25  }
0xac: {  	s6 =	sshll.u32 s26, $0x1;
	_ =	strace $0x8000004C;
	[dreg:$0x1] =	wrdreg $0xFFFFFFFF  }
0xad: {  	s28 =	simm.s32 $_size_execute0_lowered;
	s4 =	sadd.s32 s4, s6;
	[dreg:$0x0] =	wrdreg $0x0  }
0xae: {  	s6 =	sshll.u32 s28, $0x1;
	[dreg:$0x2] =	wrdreg s4  }
0xaf: {  	[dreg:$0x3] =	wrdreg s6  }
0xb0: {  	[dreg:$0x4] =	wrdreg $0xC0  }
0xb1: {  	_ =	task [dreg:s8], $0x5FFFF  }
0xb2: {  	[dreg:$0x1] =	wrdreg $0xFFFFFFFF  }
0xb3: {  	[dreg:$0x0] =	wrdreg $0x60  }
0xb4: {  	[dreg:$0x2] =	wrdreg s16  }
0xb5: {  	[dreg:$0x3] =	wrdreg s24  }
0xb6: {  	[dreg:$0x4] =	wrdreg s17  }
0xb7: {  	[dreg:$0x5] =	wrdreg $0x0  }
0xb8: {  	[dreg:$0x6] =	wrdreg $0x9  }
0xb9: {  	_ =	task.clear_ibuf [dreg:s8], $0x7FFFF;
	_ =	strace $0x9000004C  }
0xba: {  	s29 =	simm.s32 $0x9;
	_ =	strace $0x8000004E  }
0xbb: {  	_ =	swait.ge [sflag:s29], $0x1  }
0xbc: {  	[sflag:s29] =	ssyncadd.s32 $0xFFFFFFFF  }
0xbd: {  	_ =	strace $0x9000004E  }
0xbe: {  	_ =	sfence  }
0xbf: {  	s30 =	sld [smem:$0x0];
	_ =	sdelay $0x2  }
0xc0: {  	s31 =	sshll.u32 s1, $0xD;
	s1 =	sshrl.u32 s1, $0x2  }
0xc1: {  	s3 =	sand.u32 $0x4000, s31;
	s1 =	sadd.s32 s1, s30  }
0xc2: {  	s0 =	sor.u32 s3, s0;
	s1 =	sshll.u32 s1, $0x11  }
0xc3: {  	s0 =	sor.u32 s1, s0  }
0xc4: {  	s0 =	sadd.s32 $0x8F2B, s0  }
0xc5: {  	[sflag:s0] =	ssyncadd.remote.s32 $0x1  }
0xc6: {  	_ =	sfence.sel $0xFFFF  }
0xc7: {  	[dreg:$0x0] =	wrdreg $0xFFFFFFFF;
	(pc) =	sbr.abs _section_cstart, $3  }
0xc8: {  	[dreg:$0x1] =	wrdreg $0xFFFFFFFF  }
0xc9: {  	_ =	task.clear_ibuf [dreg:s8], $0x2FFFF;
	_ =	strace $0x9FFFFFFF  }
0xca: {  	(tm) =	ssettm $0x7FFFFFFF  }
0xcb: {  	_ =	shalt  }
tec
execute0_lowered:
.L_overlay_start_1:
0x0: {  	(tag) =	ssettag $0x1  }
0x1: {  	s1 =	rddreg [dreg:$0x0]  }
0x2: {  	s0 =	rddreg [dreg:$0x1]  }
0x3: {  	s2 =	rddreg [dreg:$0x2]  }
0x4: {  	s3 =	rddreg [dreg:$0x3]  }
0x5: {  	s5 =	srdreg.scid;
	s14 =	stileid.u32  }
0x6: {  	s4 =	simm.s32 $0x0;
	s29 =	simm.s32 $0x19200;
	s10 =	smul.u32 $0x50000, s14  }
0x7: {  	s30 =	simm.s32 $0x5;
	s31 =	simm.s32 $0x14000;
	s13 =	smul.u32 $0x14000, s14  }
0x8: {  	s8 =	sand.u32 $0x1, s5;
	s21 =	sshll.u32 s14, $0x1;
	s14 =	smul.u32 $0x4E20, s14  }
0x9: {  	[smem:$0x7FF] =	sst s4;
	s6 =	sadd.s32 $0xEE00, s0;
	s11 =	smul.u32 $0x140000, s8  }
0xa: {  	s5 =	sor.u32 s8, s21;
	_ =	strace $0x8000004D;
	s15 =	smul.u32 $0x2710, s8  }
0xb: {  	s9 =	ssub.s32 $0x2, s8;
	s8 =	simm.s32 $0x50;
	s7 =	smul.u32 $0x2710, s5  }
0xc: {  	s5 =	sadd.s32 $0x5000, s0;
	s22 =	sshrl.u32 s9, $0x1;
	s10 =	sshrl.u32 s10, $0x2  }
0xd: {  	s0 =	ssub.s32 s9, s22;
	s26 =	sadd.s32 s13, s11;
	s20 =	sadd.s32 s15, s14  }
0xe: {  	s11 =	simm.s32 $0x14180;
	s12 =	sshrl.u32 s7, $0x3;
	s0 =	smax.u32 s0, $0x1  }
0xf: {  	s7 =	sadd.s32 s10, s3;
	s23 =	sadd.s32 s5, s12;
	[dreg:$0xa] =	wrdreg s0  }
0x10: {  	s10 =	sshrl.u32 s26, $0x3;
	s24 =	sadd.s32 s6, s12;
	[dreg:$0x5] =	wrdreg s23  }
0x11: {  	s14 =	simm.s32 $0x3;
	s2 =	sadd.s32 s2, s10;
	[dreg:$0x6] =	wrdreg s24  }
0x12: {  	s15 =	simm.s32 $0x4;
	s16 =	sadd.s32 $0x2000, s7;
	[dreg:$0x9] =	wrdreg s2  }
0x13: {  	s25 =	sadd.s32 $0xA, s12;
	s17 =	sadd.s32 $0x4000, s7;
	[dreg:$0xb] =	wrdreg s16  }
0x14: {  	s18 =	sadd.s32 $0x6000, s7;
	s19 =	sadd.s32 $0x8000, s7;
	[dreg:$0xc] =	wrdreg s17  }
0x15: {  	s21 =	sadd.s32 $0xA000, s7;
	s22 =	sadd.s32 $0xC000, s7;
	[dreg:$0xd] =	wrdreg s18  }
0x16: {  	s28 =	sadd.s32 $0x12000, s7;
	s0 =	simm.s32 $0x14100;
	[dreg:$0xe] =	wrdreg s19  }
0x17: {  	s10 =	simm.s32 $0x14080;
	s13 =	sadd.s32 s5, s25;
	[dreg:$0xf] =	wrdreg s21  }
0x18: {  	s9 =	sadd.s32 s6, s25;
	[dreg:$0x10] =	wrdreg s22;
	s23 =	sadd.s32 $0xF0, s20  }
0x19: {  	s24 =	sadd.s32 $0xE000, s7;
	s25 =	sadd.s32 $0x4D8, s12;
	[dreg:$0x7] =	wrdreg s13  }
0x1a: {  	s12 =	simm.s32 $0x2;
	s16 =	simm.s32 $0x0;
	[dreg:$0x8] =	wrdreg s9  }
0x1b: {  	[dreg:$0x11] =	wrdreg s24;
	s2 =	sshrl.u32 s23, $0x3;
	s26 =	sadd.s32 s5, s25  }
0x1c: {  	s22 =	sadd.s32 s6, s25;
	s25 =	sadd.s32 $0xA0, s20;
	s9 =	simm.s32 $0x14200  }
0x1d: {  	s13 =	simm.s32 $0x16A00;
	[dreg:$0x12] =	wrdreg s26;
	s23 =	sadd.s32 s2, s6  }
0x1e: {  	v0 =	vimm.f32 $0.0e+00;
	s24 =	sadd.s32 s2, s5;
	s26 =	sadd.s32 $0x10000, s7;
	s2 =	simm.s32 $0x1  }
.LBB2_1:
0x1f: {  	s17 =	simm.s32 $0x0;
	s18 =	simm.s32 $0x200  }
.LBB2_2:
0x20: {  	p0 =	sne.s32 s18, $0x7E00;
	[tilespmem:s17+$0x19270] =	vst v0  }
0x21: {  	[tilespmem:s17+$0x19200] =	vst v0  }
0x22: {  	[tilespmem:s17+$0x19210] =	vst v0  }
.Ltmp0:
0x23: {  	[tilespmem:s17+$0x19220] =	vst v0;
	(pc) =	sbr.rel @p0 .LBB2_2-.Ltmp0, $4  }
0x24: {  	[tilespmem:s17+$0x19230] =	vst v0  }
0x25: {  	[tilespmem:s17+$0x19240] =	vst v0  }
0x26: {  	[tilespmem:s17+$0x19250] =	vst v0  }
0x27: {  	[tilespmem:s17+$0x19260] =	vst v0;
	s17 =	sshra.s32 s18, $0x2;
	s18 =	sadd.s32 $0x200, s18  }
0x28: {  	[tilespmem:s17+$0x19270] =	vst v0  }
0x29: {  	[tilespmem:s17+$0x19200] =	vst v0  }
0x2a: {  	[tilespmem:s17+$0x19210] =	vst v0  }
0x2b: {  	[tilespmem:s17+$0x19220] =	vst v0  }
0x2c: {  	[tilespmem:s17+$0x19230] =	vst v0  }
0x2d: {  	[tilespmem:s17+$0x19240] =	vst v0  }
0x2e: {  	[tilespmem:s17+$0x19250] =	vst v0  }
0x2f: {  	[tilespmem:s17+$0x19260] =	vst v0  }
0x30: {  	[spmem:s7] =	stream.linear.scatter [tilespmem:s29], [sflag:$0x5], $0x2000, $0x38;
	[tilespmem:$0x1B200] =	vst v63  }
0x31: {  	_ =	swait.ge [sflag:s30], $0x2000  }
0x32: {  	[sflag:s30] =	ssyncset.done $0x0  }
0x33: {  	s20 =	rddreg [dreg:$0xb];
	[sflag:s30] =	ssyncadd.s32 $0xFFFFE000  }
0x34: {  	[spmem:s20] =	stream.linear.scatter [tilespmem:s29], [sflag:$0x5], $0x2000, $0x38;
	[tilespmem:$0x1B200] =	vst v63  }
0x35: {  	_ =	swait.ge [sflag:s30], $0x2000  }
0x36: {  	[sflag:s30] =	ssyncset.done $0x0  }
0x37: {  	s21 =	rddreg [dreg:$0xc];
	[sflag:s30] =	ssyncadd.s32 $0xFFFFE000  }
0x38: {  	[spmem:s21] =	stream.linear.scatter [tilespmem:s29], [sflag:$0x5], $0x2000, $0x38;
	[tilespmem:$0x1B200] =	vst v63  }
0x39: {  	_ =	swait.ge [sflag:s30], $0x2000  }
0x3a: {  	[sflag:s30] =	ssyncset.done $0x0  }
0x3b: {  	s18 =	rddreg [dreg:$0xd];
	[sflag:s30] =	ssyncadd.s32 $0xFFFFE000  }
0x3c: {  	[spmem:s18] =	stream.linear.scatter [tilespmem:s29], [sflag:$0x5], $0x2000, $0x38;
	[tilespmem:$0x1B200] =	vst v63  }
0x3d: {  	_ =	swait.ge [sflag:s30], $0x2000  }
0x3e: {  	[sflag:s30] =	ssyncset.done $0x0  }
0x3f: {  	s19 =	rddreg [dreg:$0xe];
	[sflag:s30] =	ssyncadd.s32 $0xFFFFE000  }
0x40: {  	[spmem:s19] =	stream.linear.scatter [tilespmem:s29], [sflag:$0x5], $0x2000, $0x38;
	[tilespmem:$0x1B200] =	vst v63  }
0x41: {  	_ =	swait.ge [sflag:s30], $0x2000  }
0x42: {  	[sflag:s30] =	ssyncset.done $0x0  }
0x43: {  	s20 =	rddreg [dreg:$0xf];
	[sflag:s30] =	ssyncadd.s32 $0xFFFFE000  }
0x44: {  	[spmem:s20] =	stream.linear.scatter [tilespmem:s29], [sflag:$0x5], $0x2000, $0x38;
	[tilespmem:$0x1B200] =	vst v63  }
0x45: {  	_ =	swait.ge [sflag:s30], $0x2000  }
0x46: {  	[sflag:s30] =	ssyncset.done $0x0  }
0x47: {  	s21 =	rddreg [dreg:$0x10];
	[sflag:s30] =	ssyncadd.s32 $0xFFFFE000  }
0x48: {  	[spmem:s21] =	stream.linear.scatter [tilespmem:s29], [sflag:$0x5], $0x2000, $0x38;
	[tilespmem:$0x1B200] =	vst v63  }
0x49: {  	_ =	swait.ge [sflag:s30], $0x2000  }
0x4a: {  	[sflag:s30] =	ssyncset.done $0x0  }
0x4b: {  	s18 =	rddreg [dreg:$0x11];
	[sflag:s30] =	ssyncadd.s32 $0xFFFFE000  }
0x4c: {  	[spmem:s18] =	stream.linear.scatter [tilespmem:s29], [sflag:$0x5], $0x2000, $0x38;
	[tilespmem:$0x1B200] =	vst v63  }
0x4d: {  	_ =	swait.ge [sflag:s30], $0x2000  }
0x4e: {  	[sflag:s30] =	ssyncset.done $0x0  }
0x4f: {  	[sflag:s30] =	ssyncadd.s32 $0xFFFFE000  }
0x50: {  	[spmem:s26] =	stream.linear.scatter [tilespmem:s29], [sflag:$0x5], $0x2000, $0x38;
	[tilespmem:$0x1B200] =	vst v63  }
0x51: {  	_ =	swait.ge [sflag:s30], $0x2000  }
0x52: {  	[sflag:s30] =	ssyncset.done $0x0  }
0x53: {  	[sflag:s30] =	ssyncadd.s32 $0xFFFFE000  }
0x54: {  	[spmem:s28] =	stream.linear.scatter [tilespmem:s29], [sflag:$0x5], $0x2000, $0x38;
	[tilespmem:$0x1B200] =	vst v63  }
0x55: {  	_ =	swait.ge [sflag:s30], $0x2000  }
0x56: {  	[sflag:s30] =	ssyncset.done $0x0  }
0x57: {  	[sflag:s30] =	ssyncadd.s32 $0xFFFFE000  }
0x58: {  	[bflag:$0x0] =	sbarrier.arrive $0xFFFF  }
0x59: {  	s17 =	simm.s32 $0x0;
	s18 =	rddreg [dreg:$0x5]  }
0x5a: {  	[tilespmem:s31], [sflag:$0x1] =	stream.linear.gather [hbm4b:s18+s17], $0x50, $0x38;
	[tilespmem:$0x1B200] =	vst v63  }
0x5b: {  	s19 =	rddreg [dreg:$0x6]  }
0x5c: {  	[tilespmem:s0], [sflag:$0x1] =	stream.linear.gather [hbm4b:s19+s17], $0x50, $0x38;
	[tilespmem:$0x1B200] =	vst v63  }
0x5d: {  	_ =	swait.ge [sflag:s2], $0x50  }
0x5e: {  	[sflag:s2] =	ssyncset.done $0x0  }
0x5f: {  	[sflag:s2] =	ssyncadd.s32 $0xFFFFFFB0  }
0x60: {  	_ =	swait.ge [sflag:s2], $0x50  }
0x61: {  	[sflag:s2] =	ssyncset.done $0x0  }
0x62: {  	[sflag:s2] =	ssyncadd.s32 $0xFFFFFFB0  }
0x63: {  	[tilespmem:s9], [sflag:$0x3] =	stream.indirect.gather [hbm4b:s1+s8], $0x80, s31, s8, $0xb8;
	[tilespmem:$0x1B200] =	vst v63  }
0x64: {  	s20 =	rddreg [dreg:$0x7]  }
0x65: {  	[tilespmem:s10], [sflag:$0x2] =	stream.linear.gather [hbm4b:s20+s17], $0x50, $0x38;
	[tilespmem:$0x1B200] =	vst v63  }
0x66: {  	s21 =	rddreg [dreg:$0x8]  }
0x67: {  	[tilespmem:s11], [sflag:$0x2] =	stream.linear.gather [hbm4b:s21+s17], $0x50, $0x38;
	[tilespmem:$0x1B200] =	vst v63  }
0x68: {  	_ =	swait.ge [sflag:s12], $0x50  }
0x69: {  	[sflag:s12] =	ssyncset.done $0x0  }
0x6a: {  	[sflag:s12] =	ssyncadd.s32 $0xFFFFFFB0  }
0x6b: {  	_ =	swait.ge [sflag:s12], $0x50  }
0x6c: {  	[sflag:s12] =	ssyncset.done $0x0  }
0x6d: {  	[sflag:s12] =	ssyncadd.s32 $0xFFFFFFB0  }
0x6e: {  	[tilespmem:s13], [sflag:$0x4] =	stream.indirect.gather [hbm4b:s1+s8], $0x80, s10, s8, $0xb8;
	[tilespmem:$0x1B200] =	vst v63  }
0x6f: {  	_ =	swait.ge [sflag:s14], $0x2800  }
0x70: {  	[sflag:s14] =	ssyncset.done $0x0  }
0x71: {  	[sflag:s14] =	ssyncadd.s32 $0xFFFFD800  }
0x72: {  	[spmem:s3] =	stream.indirect.scatter.add.f32 [tilespmem:s9], [sflag:$0x5], $0x80, s0, s8, $0xb8;
	[tilespmem:$0x1B200] =	vst v63  }
0x73: {  	_ =	swait.ge [sflag:s30], $0x2800  }
0x74: {  	s19 =	sshrl.u32 s25, $0x3;
	[sflag:s30] =	ssyncset.done $0x0  }
0x75: {  	s20 =	sadd.s32 s5, s19;
	[sflag:s30] =	ssyncadd.s32 $0xFFFFD800  }
0x76: {  	[tilespmem:s31], [sflag:$0x1] =	stream.linear.gather [hbm4b:s20+s4], $0x50, $0x38;
	[tilespmem:$0x1B200] =	vst v63  }
0x77: {  	s17 =	sadd.s32 s6, s19  }
0x78: {  	[tilespmem:s0], [sflag:$0x1] =	stream.linear.gather [hbm4b:s17+s4], $0x50, $0x38;
	[tilespmem:$0x1B200] =	vst v63  }
0x79: {  	_ =	swait.ge [sflag:s2], $0x50  }
0x7a: {  	[sflag:s2] =	ssyncset.done $0x0  }
0x7b: {  	[sflag:s2] =	ssyncadd.s32 $0xFFFFFFB0  }
0x7c: {  	_ =	swait.ge [sflag:s2], $0x50  }
0x7d: {  	[sflag:s2] =	ssyncset.done $0x0  }
0x7e: {  	[sflag:s2] =	ssyncadd.s32 $0xFFFFFFB0  }
0x7f: {  	[tilespmem:s9], [sflag:$0x3] =	stream.indirect.gather [hbm4b:s1+s8], $0x80, s31, s8, $0xb8;
	[tilespmem:$0x1B200] =	vst v63  }
0x80: {  	_ =	swait.ge [sflag:s15], $0x2800  }
0x81: {  	[sflag:s15] =	ssyncset.done $0x0  }
0x82: {  	[sflag:s15] =	ssyncadd.s32 $0xFFFFD800  }
0x83: {  	[spmem:s3] =	stream.indirect.scatter.add.f32 [tilespmem:s13], [sflag:$0x5], $0x80, s11, s8, $0xb8;
	[tilespmem:$0x1B200] =	vst v63  }
0x84: {  	_ =	swait.ge [sflag:s30], $0x2800  }
0x85: {  	s18 =	sadd.s32 $0xA0, s25;
	s21 =	sadd.s32 $0x0, s24;
	[sflag:s30] =	ssyncset.done $0x0  }
0x86: {  	s19 =	sadd.s32 $0x0, s23;
	s17 =	simm.s32 $0x14;
	[sflag:s30] =	ssyncadd.s32 $0xFFFFD800  }
0x87: {  	[tilespmem:s10], [sflag:$0x2] =	stream.linear.gather [hbm4b:s21+s4], $0x50, $0x38;
	[tilespmem:$0x1B200] =	vst v63  }
.LBB2_4:
0x88: {  	[tilespmem:s11], [sflag:$0x2] =	stream.linear.gather [hbm4b:s19+s4], $0x50, $0x38;
	[tilespmem:$0x1B200] =	vst v63  }
0x89: {  	s19 =	smov.u32 s17  }
0x8a: {  	p0 =	sne.s32 s17, $0x4B0;
	s17 =	sadd.s32 $0x14, s17;
	_ =	swait.ge [sflag:s12], $0x50  }
0x8b: {  	[sflag:s12] =	ssyncset.done $0x0  }
0x8c: {  	[sflag:s12] =	ssyncadd.s32 $0xFFFFFFB0  }
0x8d: {  	_ =	swait.ge [sflag:s12], $0x50  }
0x8e: {  	[sflag:s12] =	ssyncset.done $0x0  }
0x8f: {  	[sflag:s12] =	ssyncadd.s32 $0xFFFFFFB0  }
0x90: {  	[tilespmem:s13], [sflag:$0x4] =	stream.indirect.gather [hbm4b:s1+s8], $0x80, s10, s8, $0xb8;
	[tilespmem:$0x1B200] =	vst v63  }
0x91: {  	_ =	swait.ge [sflag:s14], $0x2800  }
0x92: {  	[sflag:s14] =	ssyncset.done $0x0  }
0x93: {  	[sflag:s14] =	ssyncadd.s32 $0xFFFFD800  }
0x94: {  	[spmem:s3] =	stream.indirect.scatter.add.f32 [tilespmem:s9], [sflag:$0x5], $0x80, s0, s8, $0xb8;
	[tilespmem:$0x1B200] =	vst v63  }
0x95: {  	_ =	swait.ge [sflag:s30], $0x2800  }
0x96: {  	s20 =	sshrl.u32 s18, $0x3;
	[sflag:s30] =	ssyncset.done $0x0  }
0x97: {  	s21 =	sadd.s32 s5, s20;
	[sflag:s30] =	ssyncadd.s32 $0xFFFFD800  }
0x98: {  	[tilespmem:s31], [sflag:$0x1] =	stream.linear.gather [hbm4b:s21+s4], $0x50, $0x38;
	[tilespmem:$0x1B200] =	vst v63  }
0x99: {  	s20 =	sadd.s32 s6, s20  }
0x9a: {  	[tilespmem:s0], [sflag:$0x1] =	stream.linear.gather [hbm4b:s20+s4], $0x50, $0x38;
	[tilespmem:$0x1B200] =	vst v63  }
0x9b: {  	_ =	swait.ge [sflag:s2], $0x50  }
0x9c: {  	[sflag:s2] =	ssyncset.done $0x0  }
0x9d: {  	[sflag:s2] =	ssyncadd.s32 $0xFFFFFFB0  }
0x9e: {  	_ =	swait.ge [sflag:s2], $0x50  }
0x9f: {  	[sflag:s2] =	ssyncset.done $0x0  }
0xa0: {  	[sflag:s2] =	ssyncadd.s32 $0xFFFFFFB0  }
0xa1: {  	[tilespmem:s9], [sflag:$0x3] =	stream.indirect.gather [hbm4b:s1+s8], $0x80, s31, s8, $0xb8;
	[tilespmem:$0x1B200] =	vst v63  }
0xa2: {  	_ =	swait.ge [sflag:s15], $0x2800  }
0xa3: {  	[sflag:s15] =	ssyncset.done $0x0  }
0xa4: {  	[sflag:s15] =	ssyncadd.s32 $0xFFFFD800  }
0xa5: {  	[spmem:s3] =	stream.indirect.scatter.add.f32 [tilespmem:s13], [sflag:$0x5], $0x80, s11, s8, $0xb8;
	[tilespmem:$0x1B200] =	vst v63  }
.Ltmp1:
0xa6: {  	_ =	swait.ge [sflag:s30], $0x2800;
	(pc) =	sbr.rel @p0 .LBB2_4-.Ltmp1, $4  }
0xa7: {  	[sflag:s30] =	ssyncset.done $0x0  }
0xa8: {  	s20 =	sadd.s32 s19, s24;
	[sflag:s30] =	ssyncadd.s32 $0xFFFFD800  }
0xa9: {  	[tilespmem:s10], [sflag:$0x2] =	stream.linear.gather [hbm4b:s20+s4], $0x50, $0x38;
	[tilespmem:$0x1B200] =	vst v63  }
0xaa: {  	s18 =	sadd.s32 $0xA0, s18;
	s19 =	sadd.s32 s19, s23  }
0xab: {  	[tilespmem:s11], [sflag:$0x2] =	stream.linear.gather [hbm4b:s19+s4], $0x50, $0x38;
	[tilespmem:$0x1B200] =	vst v63  }
0xac: {  	_ =	swait.ge [sflag:s12], $0x50  }
0xad: {  	[sflag:s12] =	ssyncset.done $0x0  }
0xae: {  	[sflag:s12] =	ssyncadd.s32 $0xFFFFFFB0  }
0xaf: {  	_ =	swait.ge [sflag:s12], $0x50  }
0xb0: {  	[sflag:s12] =	ssyncset.done $0x0  }
0xb1: {  	[sflag:s12] =	ssyncadd.s32 $0xFFFFFFB0  }
0xb2: {  	[tilespmem:s13], [sflag:$0x4] =	stream.indirect.gather [hbm4b:s1+s8], $0x80, s10, s8, $0xb8;
	[tilespmem:$0x1B200] =	vst v63  }
0xb3: {  	_ =	swait.ge [sflag:s14], $0x2800  }
0xb4: {  	[sflag:s14] =	ssyncset.done $0x0  }
0xb5: {  	[sflag:s14] =	ssyncadd.s32 $0xFFFFD800  }
0xb6: {  	[spmem:s3] =	stream.indirect.scatter.add.f32 [tilespmem:s9], [sflag:$0x5], $0x80, s0, s8, $0xb8;
	[tilespmem:$0x1B200] =	vst v63  }
0xb7: {  	_ =	swait.ge [sflag:s30], $0x2800  }
0xb8: {  	[sflag:s30] =	ssyncset.done $0x0  }
0xb9: {  	s17 =	rddreg [dreg:$0x12];
	[sflag:s30] =	ssyncadd.s32 $0xFFFFD800  }
0xba: {  	[tilespmem:s31], [sflag:$0x1] =	stream.linear.gather [hbm4b:s17+s4], $0x50, $0x38;
	[tilespmem:$0x1B200] =	vst v63  }
0xbb: {  	_ = 	snop  }
0xbc: {  	[tilespmem:s0], [sflag:$0x1] =	stream.linear.gather [hbm4b:s22+s4], $0x50, $0x38;
	[tilespmem:$0x1B200] =	vst v63  }
0xbd: {  	_ =	swait.ge [sflag:s2], $0x50  }
0xbe: {  	[sflag:s2] =	ssyncset.done $0x0  }
0xbf: {  	[sflag:s2] =	ssyncadd.s32 $0xFFFFFFB0  }
0xc0: {  	_ =	swait.ge [sflag:s2], $0x50  }
0xc1: {  	[sflag:s2] =	ssyncset.done $0x0  }
0xc2: {  	[sflag:s2] =	ssyncadd.s32 $0xFFFFFFB0  }
0xc3: {  	[tilespmem:s9], [sflag:$0x3] =	stream.indirect.gather [hbm4b:s1+s8], $0x80, s31, s8, $0xb8;
	[tilespmem:$0x1B200] =	vst v63  }
0xc4: {  	_ =	swait.ge [sflag:s15], $0x2800  }
0xc5: {  	[sflag:s15] =	ssyncset.done $0x0  }
0xc6: {  	[sflag:s15] =	ssyncadd.s32 $0xFFFFD800  }
0xc7: {  	[spmem:s3] =	stream.indirect.scatter.add.f32 [tilespmem:s13], [sflag:$0x5], $0x80, s11, s8, $0xb8;
	[tilespmem:$0x1B200] =	vst v63  }
0xc8: {  	_ =	swait.ge [sflag:s30], $0x2800  }
0xc9: {  	[sflag:s30] =	ssyncset.done $0x0  }
0xca: {  	[sflag:s30] =	ssyncadd.s32 $0xFFFFD800  }
0xcb: {  	_ =	swait.ge [sflag:s14], $0x2800  }
0xcc: {  	[sflag:s14] =	ssyncset.done $0x0  }
0xcd: {  	[sflag:s14] =	ssyncadd.s32 $0xFFFFD800  }
0xce: {  	[spmem:s3] =	stream.indirect.scatter.add.f32 [tilespmem:s9], [sflag:$0x5], $0x80, s0, s8, $0xb8;
	[tilespmem:$0x1B200] =	vst v63  }
0xcf: {  	_ =	swait.ge [sflag:s30], $0x2800  }
0xd0: {  	[sflag:s30] =	ssyncset.done $0x0  }
0xd1: {  	s19 =	stileid.u32;
	[sflag:s30] =	ssyncadd.s32 $0xFFFFD800  }
0xd2: {  	s17 =	sshll.u32 s19, $0x6;
	[bflag:$0x0] =	sbarrier.arrive $0xFFFF  }
0xd3: {  	s18 =	sshrl.u32 s7, $0x3;
	s17 =	sor.u32 $0x1C05, s17;
	s20 =	rddreg [dreg:$0x9]  }
0xd4: {  	[hbm:s20], [sflag:s17] =	dma.local [spmem:s18], $0x2800  }
0xd5: {  	_ =	swait.ge [sflag:s30], $0x2800  }
0xd6: {  	s16 =	sadd.s32 $0x1, s16;
	s21 =	rddreg [dreg:$0xa]  }
0xd7: {  	p0 =	sne.s32 s16, s21  }
.Ltmp2:
0xd8: {  	_ = 	snop;
	(pc) =	sbr.rel @p0 .LBB2_1-.Ltmp2, $3  }
0xd9: {  	_ =	sdelay $0x1  }
0xda: {  	[sflag:s30] =	ssyncset.done $0x0  }
0xdb: {  	[sflag:s30] =	ssyncadd.s32 $0xFFFFD800  }
0xdc: {  	_ =	sfence.sel $0x180000  }
0xdd: {  	[bflag:$0x0] =	sbarrier.arrive $0xFFFF  }
0xde: {  	_ =	strace $0x9000004D  }
0xdf: {  	s0 =	stileid.u32;
	[bflag:$0x2] =	sbarrier.arrive $0xFFFF  }
0xe0: {  	p0 =	sne.s32 s0, $0x0;
	s0 =	rddreg [dreg:$0x4]  }
0xe1: {  	s0 =	sadd.s32 @!p0 $0x100000, s0  }
0xe2: {  	[sflag:s0] =	ssyncadd.tile.s32 @!p0 $0x1;
	_ =	shalt  }
.Lfunc_end2:
_tile_overlayer_lowered:
.L_overlay_start_2:
0xe3: {  	(tag) =	ssettag $0x2  }
0xe4: {  	s0 =	rddreg [dreg:$0x0];
	s2 =	stileid.u32  }
0xe5: {  	s1 =	rddreg [dreg:$0x1];
	p0 =	sne.s32 s2, $0x0  }
0xe6: {  	s3 =	rddreg [dreg:$0x2];
	[bflag:$0x3] =	sbarrier.arrive $0xFFFF;
	s2 =	simm.s32 @!p0 $0x1C05  }
0xe7: {  	[timem:s3], [sflag:s2] =	dma.local @!p0 [hbm:s0], s1  }
0xe8: {  	s0 =	simm.s32 @!p0 $0x5  }
0xe9: {  	_ =	swait.ge @!p0 [sflag:s0], s1  }
0xea: {  	s1 =	ssub.s32 @!p0 $0x0, s1;
	[sflag:s0] =	ssyncset.done @!p0 $0x0  }
0xeb: {  	[sflag:s0] =	ssyncadd.s32 @!p0 s1  }
0xec: {  	[bflag:$0x3] =	sbarrier.arrive $0xFFFF  }
0xed: {  	_ =	shalt  }

// kernel: kernel.21.cloned.1.call-start
scs
__scs_entry_jumppad:
0x0: {  	(pc) =	sbr.rel $0x88, $3  }
0x1: {  	(tag) =	ssettag $0x0;
	lr =	simm.s32 $0x1  }
0x2: {  	[smem:$0x3F8E] =	sst lr;
	_ =	strace $0xD0000000  }
0x3: {  	_ = 	snop  }
0x4: {  	_ = 	snop  }
0x5: {  	_ = 	snop  }
0x6: {  	_ = 	snop  }
0x7: {  	_ = 	snop  }
__scs_overlays_trampoline_lowered:
0x8: {  	[smem:$0x3F9D] =	sst s0  }
0x9: {  	[smem:$0x3F9E] =	sst s1  }
0xa: {  	[smem:$0x3F9F] =	sst s2  }
0xb: {  	[smem:$0x3FA0] =	sst s3  }
0xc: {  	[smem:$0x3FA1] =	sst s4  }
0xd: {  	[smem:$0x3FA2] =	sst s5  }
0xe: {  	[smem:$0x3FA3] =	sst s6  }
0xf: {  	[smem:$0x3FA4] =	sst s7  }
0x10: {  	[smem:$0x3FA5] =	sst s8  }
0x11: {  	[smem:$0x3FA6] =	sst s9;
	s0 =	simm.s32 @!p0 $0x0  }
0x12: {  	s1 =	sld [smem:$0x3F8C];
	s0 =	simm.s32 @p0 $0x1  }
0x13: {  	[smem:$0x3FA7] =	sst s0;
	s0 =	simm.s32 @!p1 $0x0  }
0x14: {  	s2 =	sld [smem:$0x3F8B];
	s0 =	simm.s32 @p1 $0x1  }
0x15: {  	[smem:$0x3FA8] =	sst s0;
	s0 =	simm.s32 @!p2 $0x0  }
0x16: {  	s3 =	sld [smem:$0x3FDB];
	s0 =	simm.s32 @p2 $0x1  }
0x17: {  	s4 =	simm.s32 $0x1BF5;
	[smem:$0x3FAA] =	sst s0  }
0x18: {  	s0 =	sld [smem:$0x3F8D];
	_ =	swait.ge [sflag:s4], $0x0  }
0x19: {  	s7 =	sld [smem:$0x3F8E]  }
0x1a: {  	s8 =	sadd.s32 $0xFFFFE003, lr  }
0x1b: {  	s9 =	sadd.s32 $0xFFFFFEF7, lr;
	s5 =	simm.s32 $0xFFFFFFFF;
	p2 =	slt.u32 s8, $0xFFFFF086  }
0x1c: {  	p1 =	slt.u32 s9, $0xF7A;
	s5 =	simm.s32 @!p2 $0x0  }
0x1d: {  	s5 =	simm.s32 @p1 $0x1;
	p0 =	seq.s32 s7, s2  }
0x1e: {  	s7 =	smul.u32 @!p0 $0xF7A, s2;
	p2 =	seq.s32 @!p0 s5, $0x0  }
0x1f: {  	s9 =	smul.u32 $0xF7A, s1;
	s8 =	simm.s32 @!p0 $0x1BF5;
	p2 =	por !p2, p0  }
0x20: {  	[sflag:s8] =	ssyncset.s32 @!p0 $0xFFFFF086;
	s6 =	sadd.s32 @!p0 s3, s7;
	s7 =	simm.s32 @!p0 $0x108  }
0x21: {  	s3 =	sadd.s32 s3, s9;
	s6 =	sadd.s32 @!p0 $0x88, s6;
	s7 =	simm.s32 @p2 $0x1082  }
0x22: {  	[simem:s7], [sflag:s8] =	dma.local @!p0 [hbm:s6], $0xF7A  }
0x23: {  	s9 =	sor.u32 $0xD0000000, s2;
	s6 =	simm.s32 $0x108;
	_ =	swait.ge @!p0 [sflag:s8], $0x0  }
0x24: {  	s3 =	sadd.s32 $0x88, s3;
	s6 =	simm.s32 @!p1 $0x1082;
	[sflag:s4] =	ssyncset.s32 $0xFFFFF086  }
0x25: {  	[simem:s6], [sflag:s4] =	dma.local [hbm:s3], $0xF7A  }
0x26: {  	[smem:$0x3F8E] =	sst s1;
	(tag) =	ssettag s2;
	_ =	strace s9  }
0x27: {  	s1 =	sld [smem:$0x3F9E]  }
0x28: {  	s2 =	sld [smem:$0x3F9F]  }
0x29: {  	s4 =	sld [smem:$0x3FA1]  }
0x2a: {  	p0 =	seq.s32 s5, $0x0;
	s5 =	sld [smem:$0x3FA2]  }
0x2b: {  	s6 =	sld [smem:$0x3FA3]  }
0x2c: {  	s7 =	sld [smem:$0x3FA4]  }
0x2d: {  	s3 =	simm.s32 $0x108;
	s8 =	sld [smem:$0x3FA5]  }
0x2e: {  	s3 =	simm.s32 @!p0 $0x1082;
	s9 =	sld [smem:$0x3FA6]  }
0x2f: {  	lr =	sadd.s32 s0, s3;
	s0 =	sld [smem:$0x3F9D]  }
0x30: {  	s3 =	sld [smem:$0x3FA0]  }
0x31: {  	[smem:$0x3FA9] =	sst s10  }
0x32: {  	s10 =	sld [smem:$0x3FA7];
	_ =	sdelay $0x3  }
0x33: {  	p0 =	seq.s32 s10, $0x1;
	s10 =	sld [smem:$0x3FA9];
	_ =	sdelay $0x3  }
0x34: {  	[smem:$0x3FA9] =	sst s10  }
0x35: {  	s10 =	sld [smem:$0x3FA8];
	_ =	sdelay $0x3  }
0x36: {  	p1 =	seq.s32 s10, $0x1;
	s10 =	sld [smem:$0x3FA9];
	_ =	sdelay $0x3  }
0x37: {  	[smem:$0x3FA9] =	sst s10  }
0x38: {  	s10 =	sld [smem:$0x3FAA]  }
0x39: {  	_ = 	snop;
	(pc) =	sbr.ind lr, $3  }
0x3a: {  	_ = 	snop  }
0x3b: {  	_ = 	snop  }
0x3c: {  	p2 =	seq.s32 s10, $0x1;
	s10 =	sld [smem:$0x3FA9]  }
0x3d: {  	_ =	shalt  }
0x3e: {  	_ =	shalt  }
0x3f: {  	_ =	shalt  }
0x40: {  	_ =	shalt  }
0x41: {  	_ =	shalt  }
0x42: {  	_ =	shalt  }
0x43: {  	_ =	shalt  }
0x44: {  	_ =	shalt  }
0x45: {  	_ =	shalt  }
0x46: {  	_ =	shalt  }
0x47: {  	_ =	shalt  }
0x48: {  	_ =	shalt  }
0x49: {  	_ =	shalt  }
0x4a: {  	_ =	shalt  }
0x4b: {  	_ =	shalt  }
0x4c: {  	_ =	shalt  }
0x4d: {  	_ =	shalt  }
0x4e: {  	_ =	shalt  }
0x4f: {  	_ =	shalt  }
0x50: {  	_ =	shalt  }
0x51: {  	_ =	shalt  }
0x52: {  	_ =	shalt  }
0x53: {  	_ =	shalt  }
0x54: {  	_ =	shalt  }
0x55: {  	_ =	shalt  }
0x56: {  	_ =	shalt  }
0x57: {  	_ =	shalt  }
0x58: {  	_ =	shalt  }
0x59: {  	_ =	shalt  }
0x5a: {  	_ =	shalt  }
0x5b: {  	_ =	shalt  }
0x5c: {  	_ =	shalt  }
0x5d: {  	_ =	shalt  }
0x5e: {  	_ =	shalt  }
0x5f: {  	_ =	shalt  }
0x60: {  	_ =	shalt  }
0x61: {  	_ =	shalt  }
0x62: {  	_ =	shalt  }
0x63: {  	_ =	shalt  }
0x64: {  	_ =	shalt  }
0x65: {  	_ =	shalt  }
0x66: {  	_ =	shalt  }
0x67: {  	_ =	shalt  }
0x68: {  	_ =	shalt  }
0x69: {  	_ =	shalt  }
0x6a: {  	_ =	shalt  }
0x6b: {  	_ =	shalt  }
0x6c: {  	_ =	shalt  }
0x6d: {  	_ =	shalt  }
0x6e: {  	_ =	shalt  }
0x6f: {  	_ =	shalt  }
0x70: {  	_ =	shalt  }
0x71: {  	_ =	shalt  }
0x72: {  	_ =	shalt  }
0x73: {  	_ =	shalt  }
0x74: {  	_ =	shalt  }
0x75: {  	_ =	shalt  }
0x76: {  	_ =	shalt  }
0x77: {  	_ =	shalt  }
0x78: {  	_ =	shalt  }
0x79: {  	_ =	shalt  }
0x7a: {  	_ =	shalt  }
0x7b: {  	_ =	shalt  }
0x7c: {  	_ =	shalt  }
0x7d: {  	_ =	shalt  }
0x7e: {  	_ =	shalt  }
0x7f: {  	_ =	shalt  }
0x80: {  	_ =	shalt  }
0x81: {  	_ =	shalt  }
0x82: {  	_ =	shalt  }
0x83: {  	_ =	shalt  }
0x84: {  	_ =	shalt  }
0x85: {  	_ =	shalt  }
0x86: {  	_ =	shalt  }
0x87: {  	_ =	shalt  }
.Lfunc_end0:
.L_simem_size_0:
called_computation.3_lowered:
.L_overlay_start_0:
0x88: {  	s2 =	sld [smem:$0x3FD9]  }
0x89: {  	s3 =	sld [smem:$0x3FFE];
	_ =	sdelay $0x1  }
0x8a: {  	s1 =	srdreg.scid  }
0x8b: {  	s0 =	sand.u32 $0x1, s1  }
0x8c: {  	s14 =	sshll.u32 s0, $0xA;
	s2 =	sadd.s32 s3, s2  }
0x8d: {  	s2 =	sadd.s32 s2, s14  }
0x8e: {  	[smem:$0x3FB5] =	sst s2  }
0x8f: {  	_ = 	snop  }
0x90: {  	s2 =	sld [smem:$0x3FD0];
	_ =	sdelay $0x2  }
0x91: {  	s15 =	simm.s32 $0xA;
	s4 =	simm.s32 $0x10  }
0x92: {  	[smem:s4], [sflag:s15] =	dma.local [hbm:s2], $0x1  }
0x93: {  	_ =	swait.eq [sflag:s15], $0x1  }
0x94: {  	[sflag:s15] =	ssyncset.done $0x0  }
0x95: {  	[sflag:s15] =	ssyncadd.s32 $0xFFFFFFFF  }
0x96: {  	s16 =	sld [smem:$0x11];
	(tm) =	ssettm $0x1  }
0x97: {  	s17 =	sld [smem:$0x3FFB];
	_ =	sdelay $0x3  }
0x98: {  	_ =	strace s17  }
0x99: {  	s3 =	sld [smem:$0x3FFC];
	_ =	sdelay $0x3  }
0x9a: {  	_ =	strace s3  }
0x9b: {  	s3 =	sld [smem:$0x3FFD];
	_ =	sdelay $0x3  }
0x9c: {  	_ =	strace s3  }
0x9d: {  	_ =	strace $0x8FFFFFFF  }
0x9e: {  	s18 =	sld [smem:$0x3FDB];
	_ =	sdelay $0x1  }
0x9f: {  	s19 =	simm.s32 $_scs_section_size  }
0xa0: {  	s5 =	simm.s32 $_size__tile_overlayer_lowered;
	s6 =	simm.s32 $_tile_overlayer_lowered  }
0xa1: {  	s22 =	simm.s32 $0x1BFF;
	s21 =	sshll.u32 s6, $0x1;
	s3 =	sadd.s32 s19, s18  }
0xa2: {  	s7 =	simm.s32 $0x0;
	s20 =	sshll.u32 s5, $0x1;
	s5 =	sadd.s32 s21, s3  }
0xa3: {  	[timem:s7], [sflag:s22] =	dma.local [hbm:s5], s20  }
0xa4: {  	_ =	swait.ge [sflag:s22], s20  }
0xa5: {  	s4 =	ssub.s32 $0x0, s20;
	[sflag:s22] =	ssyncset.done $0x0  }
0xa6: {  	[sflag:s22] =	ssyncadd.s32 s4;
	_ =	sdelay $0x1  }
0xa7: {  	s23 =	simm.s32 $0x1B8B  }
0xa8: {  	_ =	swait.ge [sflag:s23], $0x1  }
0xa9: {  	[sflag:s23] =	ssyncset.done $0x0  }
0xaa: {  	s25 =	simm.s32 $0x1B8E;
	s24 =	sld [smem:$0x3FFE];
	[sflag:s23] =	ssyncadd.s32 $0xFFFFFFFF  }
0xab: {  	s26 =	simm.s32 $execute0_lowered;
	[smem:$0x3FD2] =	sst s25  }
0xac: {  	s5 =	sshll.u32 s26, $0x1;
	_ =	strace $0x8000004F;
	[dreg:$0x1] =	wrdreg $0xFFFFFFFF  }
0xad: {  	s28 =	simm.s32 $_size_execute0_lowered;
	s3 =	sadd.s32 s3, s5;
	[dreg:$0x0] =	wrdreg $0x0  }
0xae: {  	s5 =	sshll.u32 s28, $0x1;
	[dreg:$0x2] =	wrdreg s3  }
0xaf: {  	[dreg:$0x3] =	wrdreg s5  }
0xb0: {  	[dreg:$0x4] =	wrdreg $0xC0  }
0xb1: {  	_ =	task [dreg:s7], $0x5FFFF  }
0xb2: {  	[dreg:$0x1] =	wrdreg $0xFFFFFFFF  }
0xb3: {  	[dreg:$0x0] =	wrdreg $0x60  }
0xb4: {  	[dreg:$0x2] =	wrdreg s24  }
0xb5: {  	[dreg:$0x3] =	wrdreg s16  }
0xb6: {  	[dreg:$0x4] =	wrdreg $0x9  }
0xb7: {  	_ =	task.clear_ibuf [dreg:s7], $0x5FFFF;
	_ =	strace $0x9000004F  }
0xb8: {  	s29 =	simm.s32 $0x9;
	_ =	strace $0x80000051  }
0xb9: {  	_ =	swait.ge [sflag:s29], $0x1  }
0xba: {  	[sflag:s29] =	ssyncadd.s32 $0xFFFFFFFF  }
0xbb: {  	_ =	strace $0x90000051  }
0xbc: {  	_ =	sfence  }
0xbd: {  	s30 =	sld [smem:$0x0];
	_ =	sdelay $0x2  }
0xbe: {  	s31 =	sshll.u32 s1, $0xD;
	s1 =	sshrl.u32 s1, $0x2  }
0xbf: {  	s3 =	sand.u32 $0x4000, s31;
	s1 =	sadd.s32 s1, s30  }
0xc0: {  	s0 =	sor.u32 s3, s0;
	s1 =	sshll.u32 s1, $0x11  }
0xc1: {  	s0 =	sor.u32 s1, s0  }
0xc2: {  	s0 =	sadd.s32 $0x8F2B, s0  }
0xc3: {  	[sflag:s0] =	ssyncadd.remote.s32 $0x1  }
0xc4: {  	_ =	sfence.sel $0xFFFF  }
0xc5: {  	[dreg:$0x0] =	wrdreg $0xFFFFFFFF;
	(pc) =	sbr.abs _section_cstart, $3  }
0xc6: {  	[dreg:$0x1] =	wrdreg $0xFFFFFFFF  }
0xc7: {  	_ =	task.clear_ibuf [dreg:s7], $0x2FFFF;
	_ =	strace $0x9FFFFFFF  }
0xc8: {  	(tm) =	ssettm $0x7FFFFFFF  }
0xc9: {  	_ =	shalt  }
tec
execute0_lowered:
.L_overlay_start_1:
0x0: {  	(tag) =	ssettag $0x1  }
0x1: {  	s0 =	rddreg [dreg:$0x0]  }
0x2: {  	s2 =	rddreg [dreg:$0x1]  }
0x3: {  	s3 =	simm.s32 $0x0;
	s1 =	srdreg.scid;
	s4 =	stileid.u32  }
0x4: {  	s18 =	simm.s32 $0xA0;
	s19 =	simm.s32 $0x1;
	s20 =	simm.s32 $0x50  }
0x5: {  	s21 =	simm.s32 $0x140;
	s28 =	simm.s32 $0x3;
	s29 =	simm.s32 $0x5  }
0x6: {  	s30 =	simm.s32 $0x1540;
	s31 =	simm.s32 $0x4;
	[smem:$0x7FF] =	sst s3  }
0x7: {  	s1 =	sand.u32 $0x1, s1;
	s5 =	sshll.u32 s4, $0x1;
	s4 =	sadd.s32 $0x1DC00, s0  }
0x8: {  	s7 =	sadd.s32 $0x5000, s0;
	s8 =	sadd.s32 $0xEE00, s0;
	s10 =	sor.u32 s1, s5  }
0x9: {  	_ =	strace $0x80000050;
	s1 =	ssub.s32 $0x2, s1;
	s6 =	smul.u32 $0x2710, s10  }
0xa: {  	s5 =	sadd.s32 $0x18C00, s0;
	s22 =	sshrl.u32 s1, $0x1;
	s10 =	smul.u32 $0x27100, s10  }
0xb: {  	s0 =	ssub.s32 s1, s22;
	s22 =	simm.s32 $0xB40;
	s11 =	sshrl.u32 s6, $0x3  }
0xc: {  	s9 =	sadd.s32 $0x50, s6;
	s10 =	sshrl.u32 s10, $0x3;
	s14 =	sadd.s32 $0xA0, s6  }
0xd: {  	s15 =	sadd.s32 $0xF0, s6;
	s0 =	smax.u32 s0, $0x1;
	s23 =	sadd.s32 s7, s11  }
0xe: {  	s24 =	sshrl.u32 s9, $0x3;
	s11 =	sadd.s32 s8, s11;
	[dreg:$0x8] =	wrdreg s0  }
0xf: {  	s26 =	sadd.s32 s2, s10;
	s0 =	simm.s32 $0x6;
	[dreg:$0x3] =	wrdreg s23  }
0x10: {  	[dreg:$0x4] =	wrdreg s11;
	s25 =	sadd.s32 s7, s24;
	s1 =	sadd.s32 s8, s24  }
0x11: {  	s23 =	simm.s32 $0xF0;
	s24 =	simm.s32 $0x2;
	[dreg:$0x5] =	wrdreg s25  }
0x12: {  	s11 =	simm.s32 $0x0;
	[dreg:$0x6] =	wrdreg s1;
	s1 =	sadd.s32 $0x4D80, s26  }
0x13: {  	s26 =	simm.s32 $0x1040;
	[dreg:$0x7] =	wrdreg s1;
	s1 =	simm.s32 $0x1A40  }
.LBB2_1:
0x14: {  	[dreg:$0x9] =	wrdreg s11  }
0x15: {  	s10 =	rddreg [dreg:$0x3]  }
0x16: {  	[tilespmem:s3], [sflag:$0x1] =	stream.linear.gather [hbm4b:s10+s3], $0x50, $0x38;
	[tilespmem:$0x1F40] =	vst v63  }
0x17: {  	s16 =	rddreg [dreg:$0x4]  }
0x18: {  	[tilespmem:s18], [sflag:$0x1] =	stream.linear.gather [hbm4b:s16+s3], $0x50, $0x38;
	[tilespmem:$0x1F40] =	vst v63  }
0x19: {  	_ =	swait.ge [sflag:s19], $0x50  }
0x1a: {  	[sflag:s19] =	ssyncset.done $0x0  }
0x1b: {  	[sflag:s19] =	ssyncadd.s32 $0xFFFFFFB0  }
0x1c: {  	_ =	swait.ge [sflag:s19], $0x50  }
0x1d: {  	[sflag:s19] =	ssyncset.done $0x0  }
0x1e: {  	[sflag:s19] =	ssyncadd.s32 $0xFFFFFFB0  }
0x1f: {  	[tilespmem:s21], [sflag:$0x3] =	stream.indirect.gather [hbm4b:s4+s20], $0x10, s3, s20, $0xb8;
	[tilespmem:$0x1F40] =	vst v63  }
0x20: {  	_ = 	snop  }
0x21: {  	[tilespmem:s22], [sflag:$0x5] =	stream.indirect.gather [hbm4b:s5+s20], $0x10, s18, s20, $0xb8;
	[tilespmem:$0x1F40] =	vst v63  }
0x22: {  	s17 =	rddreg [dreg:$0x5]  }
0x23: {  	[tilespmem:s20], [sflag:$0x2] =	stream.linear.gather [hbm4b:s17+s3], $0x50, $0x38;
	[tilespmem:$0x1F40] =	vst v63  }
0x24: {  	s13 =	simm.s32 $0x0;
	s25 =	rddreg [dreg:$0x6]  }
0x25: {  	[tilespmem:s23], [sflag:$0x2] =	stream.linear.gather [hbm4b:s25+s3], $0x50, $0x38;
	[tilespmem:$0x1F40] =	vst v63  }
.LBB2_2:
0x26: {  	_ =	swait.ge [sflag:s24], $0x50  }
0x27: {  	[sflag:s24] =	ssyncset.done $0x0  }
0x28: {  	[sflag:s24] =	ssyncadd.s32 $0xFFFFFFB0  }
0x29: {  	_ =	swait.ge [sflag:s24], $0x50  }
0x2a: {  	[sflag:s24] =	ssyncset.done $0x0  }
0x2b: {  	s10 =	simm.s32 $0x640;
	[sflag:s24] =	ssyncadd.s32 $0xFFFFFFB0  }
0x2c: {  	[tilespmem:s10], [sflag:$0x4] =	stream.indirect.gather [hbm4b:s4+s20], $0x10, s20, s20, $0xb8;
	[tilespmem:$0x1F40] =	vst v63  }
0x2d: {  	_ = 	snop  }
0x2e: {  	[tilespmem:s26], [sflag:$0x6] =	stream.indirect.gather [hbm4b:s5+s20], $0x10, s23, s20, $0xb8;
	[tilespmem:$0x1F40] =	vst v63  }
0x2f: {  	_ =	swait.ge [sflag:s28], $0x500  }
0x30: {  	[sflag:s28] =	ssyncset.done $0x0  }
0x31: {  	[sflag:s28] =	ssyncadd.s32 $0xFFFFFB00  }
0x32: {  	_ =	swait.ge [sflag:s29], $0x500  }
0x33: {  	p0 =	seq.s32 s13, $0x0;
	[sflag:s29] =	ssyncset.done $0x0  }
0x34: {  	s10 =	simm.s32 @!p0 $0x7;
	[sflag:s29] =	ssyncadd.s32 $0xFFFFFB00  }
0x35: {  	_ =	swait.ge @!p0 [sflag:s10], $0x500  }
0x36: {  	[sflag:s10] =	ssyncset.done @!p0 $0x0  }
0x37: {  	s17 =	simm.s32 $0x0;
	[sflag:s10] =	ssyncadd.s32 @!p0 $0xFFFFFB00  }
0x38: {  	v0 =	vld [tilespmem:s17+$0xB40]  }
0x39: {  	v1 =	vld [tilespmem:s17+$0x140];
	_ =	sdelay $0x2  }
0x3a: {  	s17 =	simm.s32 $0x0  }
0x3b: {  	s25 =	sand.u32 $0x1E00, s17  }
0x3c: {  	s11 =	sand.u32 $0x70, s17;
	s10 =	sshrl.u32 s25, $0x2;
	v0 =	vadd.f32 v0, v1  }
0x3d: {  	s11 =	sor.u32 s11, s10  }
0x3e: {  	s10 =	simm.s32 $0x10;
	[tilespmem:s11+$0x1540] =	vst v0  }
0x3f: {  	s16 =	simm.s32 $0x80;
	s11 =	simm.s32 $0x40;
	v0 =	vld [tilespmem:s10+$0xB40]  }
.LBB2_3:
0x40: {  	p1 =	sne.s32 s16, $0x13C0;
	v1 =	vld [tilespmem:s10+$0x140];
	_ =	sdelay $0x3  }
.Ltmp0:
0x41: {  	s10 =	sand.u32 $0x1E00, s11;
	s17 =	sadd.s32 $0x10, s17;
	(pc) =	sbr.rel @p1 .LBB2_3-.Ltmp0, $4  }
0x42: {  	s11 =	smov.u32 s16;
	s12 =	sand.u32 $0x70, s17;
	s10 =	sshrl.u32 s10, $0x2;
	v0 =	vadd.f32 v0, v1  }
0x43: {  	s12 =	sor.u32 s12, s10  }
0x44: {  	s10 =	sshra.s32 s16, $0x2;
	[tilespmem:s12+$0x1540] =	vst v0  }
0x45: {  	s16 =	sadd.s32 $0x40, s16;
	v0 =	vld [tilespmem:s10+$0xB40]  }
0x46: {  	v1 =	vld [tilespmem:s10+$0x140];
	_ =	sdelay $0x2  }
0x47: {  	s16 =	smul.u32 $0xA0, s13  }
0x48: {  	s12 =	sand.u32 $0x1E00, s11;
	s17 =	sadd.s32 $0x10, s17  }
0x49: {  	s11 =	sand.u32 $0x70, s17;
	s10 =	sshrl.u32 s12, $0x2;
	s12 =	sadd.s32 s16, s14;
	v0 =	vadd.f32 v0, v1  }
0x4a: {  	s10 =	sor.u32 s11, s10;
	s25 =	sshrl.u32 s12, $0x3  }
0x4b: {  	s12 =	sadd.s32 s7, s25;
	s17 =	sadd.s32 s8, s25;
	s25 =	sadd.s32 s6, s16;
	[tilespmem:s10+$0x1540] =	vst v0  }
0x4c: {  	[tilespmem:s3], [sflag:$0x1] =	stream.linear.gather [hbm4b:s12+s3], $0x50, $0x38;
	[tilespmem:$0x1F40] =	vst v63  }
0x4d: {  	s10 =	sshll.u32 s25, $0x1  }
0x4e: {  	[tilespmem:s18], [sflag:$0x1] =	stream.linear.gather [hbm4b:s17+s3], $0x50, $0x38;
	[tilespmem:$0x1F40] =	vst v63  }
0x4f: {  	s10 =	sadd.s32 s2, s10  }
0x50: {  	[hbm4b:s10+s3] =	stream.linear.scatter [tilespmem:s30], [sflag:$0x7], $0x500, $0x38;
	[tilespmem:$0x1F40] =	vst v63  }
0x51: {  	_ =	swait.ge [sflag:s19], $0x50  }
0x52: {  	[sflag:s19] =	ssyncset.done $0x0  }
0x53: {  	[sflag:s19] =	ssyncadd.s32 $0xFFFFFFB0  }
0x54: {  	_ =	swait.ge [sflag:s19], $0x50  }
0x55: {  	[sflag:s19] =	ssyncset.done $0x0  }
0x56: {  	[sflag:s19] =	ssyncadd.s32 $0xFFFFFFB0  }
0x57: {  	[tilespmem:s21], [sflag:$0x3] =	stream.indirect.gather [hbm4b:s4+s20], $0x10, s3, s20, $0xb8;
	[tilespmem:$0x1F40] =	vst v63  }
0x58: {  	_ = 	snop  }
0x59: {  	[tilespmem:s22], [sflag:$0x5] =	stream.indirect.gather [hbm4b:s5+s20], $0x10, s18, s20, $0xb8;
	[tilespmem:$0x1F40] =	vst v63  }
0x5a: {  	_ =	swait.ge [sflag:s31], $0x500  }
0x5b: {  	[sflag:s31] =	ssyncset.done $0x0  }
0x5c: {  	[sflag:s31] =	ssyncadd.s32 $0xFFFFFB00  }
0x5d: {  	_ =	swait.ge [sflag:s0], $0x500  }
0x5e: {  	[sflag:s0] =	ssyncset.done $0x0  }
0x5f: {  	s10 =	simm.s32 @!p0 $0x8;
	[sflag:s0] =	ssyncadd.s32 $0xFFFFFB00  }
0x60: {  	_ =	swait.ge @!p0 [sflag:s10], $0x500  }
0x61: {  	[sflag:s10] =	ssyncset.done @!p0 $0x0  }
0x62: {  	s11 =	simm.s32 $0x0;
	[sflag:s10] =	ssyncadd.s32 @!p0 $0xFFFFFB00  }
0x63: {  	v0 =	vld [tilespmem:s11+$0x1040]  }
0x64: {  	v1 =	vld [tilespmem:s11+$0x640];
	_ =	sdelay $0x2  }
0x65: {  	s17 =	simm.s32 $0x0  }
0x66: {  	s12 =	sand.u32 $0x1E00, s17  }
0x67: {  	s25 =	sand.u32 $0x70, s17;
	s10 =	sshrl.u32 s12, $0x2;
	v0 =	vadd.f32 v0, v1  }
0x68: {  	s10 =	sor.u32 s25, s10  }
0x69: {  	s12 =	simm.s32 $0x10;
	[tilespmem:s10+$0x1A40] =	vst v0  }
0x6a: {  	s11 =	simm.s32 $0x80;
	s10 =	simm.s32 $0x40;
	v0 =	vld [tilespmem:s12+$0x1040]  }
.LBB2_5:
0x6b: {  	p0 =	sne.s32 s11, $0x13C0;
	v1 =	vld [tilespmem:s12+$0x640];
	_ =	sdelay $0x3  }
.Ltmp1:
0x6c: {  	s10 =	sand.u32 $0x1E00, s10;
	s17 =	sadd.s32 $0x10, s17;
	(pc) =	sbr.rel @p0 .LBB2_5-.Ltmp1, $4  }
0x6d: {  	s12 =	sand.u32 $0x70, s17;
	s25 =	sshrl.u32 s10, $0x2;
	s10 =	smov.u32 s11;
	v0 =	vadd.f32 v0, v1  }
0x6e: {  	s25 =	sor.u32 s12, s25  }
0x6f: {  	s12 =	sshra.s32 s11, $0x2;
	[tilespmem:s25+$0x1A40] =	vst v0  }
0x70: {  	s11 =	sadd.s32 $0x40, s11;
	v0 =	vld [tilespmem:s12+$0x1040]  }
0x71: {  	v1 =	vld [tilespmem:s12+$0x640];
	_ =	sdelay $0x3  }
0x72: {  	s10 =	sand.u32 $0x1E00, s10;
	s11 =	sadd.s32 $0x10, s17;
	p0 =	seq.s32 s13, $0x3D  }
0x73: {  	s11 =	sand.u32 $0x70, s11;
	s10 =	sshrl.u32 s10, $0x2;
	s12 =	sadd.s32 @!p0 s16, s15;
	v0 =	vadd.f32 v0, v1  }
0x74: {  	s10 =	sor.u32 s11, s10;
	s11 =	sshrl.u32 @!p0 s12, $0x3  }
0x75: {  	s17 =	simm.s32 @!p0 $0x50;
	s12 =	simm.s32 @!p0 $0x0;
	[tilespmem:s10+$0x1A40] =	vst v0;
	s10 =	sadd.s32 @!p0 s7, s11  }
0x76: {  	[tilespmem:s17], [sflag:$0x2] =	stream.linear.gather @!p0 [hbm4b:s10+s12], $0x50, $0x38;
	[tilespmem:$0x1F40] =	vst v63  }
0x77: {  	s13 =	sadd.s32 $0x1, s13;
	s10 =	sadd.s32 @!p0 s8, s11;
	s11 =	simm.s32 @!p0 $0xF0  }
0x78: {  	[tilespmem:s11], [sflag:$0x2] =	stream.linear.gather @!p0 [hbm4b:s10+s12], $0x50, $0x38;
	[tilespmem:$0x1F40] =	vst v63  }
0x79: {  	p0 =	sne.s32 s13, $0x3E  }
.Ltmp2:
0x7a: {  	s25 =	sadd.s32 s16, s9;
	(pc) =	sbr.rel @p0 .LBB2_2-.Ltmp2, $4  }
0x7b: {  	s10 =	sshll.u32 s25, $0x1  }
0x7c: {  	s10 =	sand.u32 $0x1FFFFFE0, s10  }
0x7d: {  	s10 =	sadd.s32 s2, s10  }
0x7e: {  	[hbm4b:s10+s3] =	stream.linear.scatter [tilespmem:s1], [sflag:$0x8], $0x500, $0x38;
	[tilespmem:$0x1F40] =	vst v63  }
0x7f: {  	_ =	swait.ge [sflag:s28], $0x500  }
0x80: {  	[sflag:s28] =	ssyncset.done $0x0  }
0x81: {  	[sflag:s28] =	ssyncadd.s32 $0xFFFFFB00  }
0x82: {  	_ =	swait.ge [sflag:s29], $0x500  }
0x83: {  	[sflag:s29] =	ssyncset.done $0x0  }
0x84: {  	s17 =	simm.s32 $0x7;
	[sflag:s29] =	ssyncadd.s32 $0xFFFFFB00  }
0x85: {  	_ =	swait.ge [sflag:s17], $0x500  }
0x86: {  	[sflag:s17] =	ssyncset.done $0x0  }
0x87: {  	s10 =	simm.s32 $0x0;
	[sflag:s17] =	ssyncadd.s32 $0xFFFFFB00  }
0x88: {  	v0 =	vld [tilespmem:s10+$0xB40]  }
0x89: {  	v1 =	vld [tilespmem:s10+$0x140];
	_ =	sdelay $0x2  }
0x8a: {  	s13 =	simm.s32 $0x0  }
0x8b: {  	s25 =	sand.u32 $0x1E00, s13  }
0x8c: {  	s11 =	sand.u32 $0x70, s13;
	s10 =	sshrl.u32 s25, $0x2;
	v0 =	vadd.f32 v0, v1  }
0x8d: {  	s10 =	sor.u32 s11, s10  }
0x8e: {  	s12 =	simm.s32 $0x10;
	[tilespmem:s10+$0x1540] =	vst v0  }
0x8f: {  	s11 =	simm.s32 $0x80;
	s10 =	simm.s32 $0x40;
	v0 =	vld [tilespmem:s12+$0xB40]  }
.LBB2_8:
0x90: {  	p0 =	sne.s32 s11, $0x13C0;
	v1 =	vld [tilespmem:s12+$0x140];
	_ =	sdelay $0x3  }
.Ltmp3:
0x91: {  	s10 =	sand.u32 $0x1E00, s10;
	s13 =	sadd.s32 $0x10, s13;
	(pc) =	sbr.rel @p0 .LBB2_8-.Ltmp3, $4  }
0x92: {  	s12 =	sand.u32 $0x70, s13;
	s16 =	sshrl.u32 s10, $0x2;
	s10 =	smov.u32 s11;
	v0 =	vadd.f32 v0, v1  }
0x93: {  	s16 =	sor.u32 s12, s16  }
0x94: {  	s12 =	sshra.s32 s11, $0x2;
	[tilespmem:s16+$0x1540] =	vst v0  }
0x95: {  	s11 =	sadd.s32 $0x40, s11;
	v0 =	vld [tilespmem:s12+$0xB40]  }
0x96: {  	v1 =	vld [tilespmem:s12+$0x140];
	_ =	sdelay $0x3  }
0x97: {  	s10 =	sand.u32 $0x1E00, s10;
	s11 =	sadd.s32 $0x10, s13  }
0x98: {  	s11 =	sand.u32 $0x70, s11;
	s10 =	sshrl.u32 s10, $0x2;
	v0 =	vadd.f32 v0, v1  }
0x99: {  	s10 =	sor.u32 s11, s10  }
0x9a: {  	s12 =	rddreg [dreg:$0x7];
	s13 =	simm.s32 $0x8;
	[tilespmem:s10+$0x1540] =	vst v0  }
0x9b: {  	[hbm4b:s12+s3] =	stream.linear.scatter [tilespmem:s30], [sflag:$0x7], $0x500, $0x38;
	[tilespmem:$0x1F40] =	vst v63  }
0x9c: {  	_ =	swait.ge [sflag:s13], $0x500  }
0x9d: {  	[sflag:s13] =	ssyncset.done $0x0  }
0x9e: {  	[sflag:s13] =	ssyncadd.s32 $0xFFFFFB00  }
0x9f: {  	_ =	swait.ge [sflag:s17], $0x500  }
0xa0: {  	s16 =	rddreg [dreg:$0x9]  }
0xa1: {  	s25 =	rddreg [dreg:$0x8];
	s11 =	sadd.s32 $0x1, s16  }
0xa2: {  	p0 =	sne.s32 s11, s25  }
.Ltmp4:
0xa3: {  	_ = 	snop;
	(pc) =	sbr.rel @p0 .LBB2_1-.Ltmp4, $3  }
0xa4: {  	_ =	sdelay $0x1  }
0xa5: {  	[sflag:s17] =	ssyncset.done $0x0  }
0xa6: {  	[sflag:s17] =	ssyncadd.s32 $0xFFFFFB00  }
0xa7: {  	_ =	sfence.sel $0x180000  }
0xa8: {  	[bflag:$0x0] =	sbarrier.arrive $0xFFFF  }
0xa9: {  	_ =	strace $0x90000050  }
0xaa: {  	s0 =	stileid.u32;
	[bflag:$0x2] =	sbarrier.arrive $0xFFFF  }
0xab: {  	p0 =	sne.s32 s0, $0x0;
	s0 =	rddreg [dreg:$0x2]  }
0xac: {  	s0 =	sadd.s32 @!p0 $0x100000, s0  }
0xad: {  	[sflag:s0] =	ssyncadd.tile.s32 @!p0 $0x1;
	_ =	shalt  }
.Lfunc_end2:
_tile_overlayer_lowered:
.L_overlay_start_2:
0xae: {  	(tag) =	ssettag $0x2  }
0xaf: {  	s0 =	rddreg [dreg:$0x0];
	s2 =	stileid.u32  }
0xb0: {  	s1 =	rddreg [dreg:$0x1];
	p0 =	sne.s32 s2, $0x0  }
0xb1: {  	s3 =	rddreg [dreg:$0x2];
	[bflag:$0x3] =	sbarrier.arrive $0xFFFF;
	s2 =	simm.s32 @!p0 $0x1C09  }
0xb2: {  	[timem:s3], [sflag:s2] =	dma.local @!p0 [hbm:s0], s1  }
0xb3: {  	s0 =	simm.s32 @!p0 $0x9  }
0xb4: {  	_ =	swait.ge @!p0 [sflag:s0], s1  }
0xb5: {  	s1 =	ssub.s32 @!p0 $0x0, s1;
	[sflag:s0] =	ssyncset.done @!p0 $0x0  }
0xb6: {  	[sflag:s0] =	ssyncadd.s32 @!p0 s1  }
0xb7: {  	[bflag:$0x3] =	sbarrier.arrive $0xFFFF  }
0xb8: {  	_ =	shalt  }

// kernel: kernel.24.cloned.1.call-start
scs
__scs_entry_jumppad:
0x0: {  	(pc) =	sbr.rel $0x88, $3  }
0x1: {  	(tag) =	ssettag $0x0;
	lr =	simm.s32 $0x1  }
0x2: {  	[smem:$0x3F8E] =	sst lr;
	_ =	strace $0xD0000000  }
0x3: {  	_ = 	snop  }
0x4: {  	_ = 	snop  }
0x5: {  	_ = 	snop  }
0x6: {  	_ = 	snop  }
0x7: {  	_ = 	snop  }
__scs_overlays_trampoline_lowered:
0x8: {  	[smem:$0x3F9D] =	sst s0  }
0x9: {  	[smem:$0x3F9E] =	sst s1  }
0xa: {  	[smem:$0x3F9F] =	sst s2  }
0xb: {  	[smem:$0x3FA0] =	sst s3  }
0xc: {  	[smem:$0x3FA1] =	sst s4  }
0xd: {  	[smem:$0x3FA2] =	sst s5  }
0xe: {  	[smem:$0x3FA3] =	sst s6  }
0xf: {  	[smem:$0x3FA4] =	sst s7  }
0x10: {  	[smem:$0x3FA5] =	sst s8  }
0x11: {  	[smem:$0x3FA6] =	sst s9;
	s0 =	simm.s32 @!p0 $0x0  }
0x12: {  	s1 =	sld [smem:$0x3F8C];
	s0 =	simm.s32 @p0 $0x1  }
0x13: {  	[smem:$0x3FA7] =	sst s0;
	s0 =	simm.s32 @!p1 $0x0  }
0x14: {  	s2 =	sld [smem:$0x3F8B];
	s0 =	simm.s32 @p1 $0x1  }
0x15: {  	[smem:$0x3FA8] =	sst s0;
	s0 =	simm.s32 @!p2 $0x0  }
0x16: {  	s3 =	sld [smem:$0x3FDB];
	s0 =	simm.s32 @p2 $0x1  }
0x17: {  	s4 =	simm.s32 $0x1BF5;
	[smem:$0x3FAA] =	sst s0  }
0x18: {  	s0 =	sld [smem:$0x3F8D];
	_ =	swait.ge [sflag:s4], $0x0  }
0x19: {  	s7 =	sld [smem:$0x3F8E]  }
0x1a: {  	s8 =	sadd.s32 $0xFFFFE003, lr  }
0x1b: {  	s9 =	sadd.s32 $0xFFFFFEF7, lr;
	s5 =	simm.s32 $0xFFFFFFFF;
	p2 =	slt.u32 s8, $0xFFFFF086  }
0x1c: {  	p1 =	slt.u32 s9, $0xF7A;
	s5 =	simm.s32 @!p2 $0x0  }
0x1d: {  	s5 =	simm.s32 @p1 $0x1;
	p0 =	seq.s32 s7, s2  }
0x1e: {  	s7 =	smul.u32 @!p0 $0xF7A, s2;
	p2 =	seq.s32 @!p0 s5, $0x0  }
0x1f: {  	s9 =	smul.u32 $0xF7A, s1;
	s8 =	simm.s32 @!p0 $0x1BF5;
	p2 =	por !p2, p0  }
0x20: {  	[sflag:s8] =	ssyncset.s32 @!p0 $0xFFFFF086;
	s6 =	sadd.s32 @!p0 s3, s7;
	s7 =	simm.s32 @!p0 $0x108  }
0x21: {  	s3 =	sadd.s32 s3, s9;
	s6 =	sadd.s32 @!p0 $0x88, s6;
	s7 =	simm.s32 @p2 $0x1082  }
0x22: {  	[simem:s7], [sflag:s8] =	dma.local @!p0 [hbm:s6], $0xF7A  }
0x23: {  	s9 =	sor.u32 $0xD0000000, s2;
	s6 =	simm.s32 $0x108;
	_ =	swait.ge @!p0 [sflag:s8], $0x0  }
0x24: {  	s3 =	sadd.s32 $0x88, s3;
	s6 =	simm.s32 @!p1 $0x1082;
	[sflag:s4] =	ssyncset.s32 $0xFFFFF086  }
0x25: {  	[simem:s6], [sflag:s4] =	dma.local [hbm:s3], $0xF7A  }
0x26: {  	[smem:$0x3F8E] =	sst s1;
	(tag) =	ssettag s2;
	_ =	strace s9  }
0x27: {  	s1 =	sld [smem:$0x3F9E]  }
0x28: {  	s2 =	sld [smem:$0x3F9F]  }
0x29: {  	s4 =	sld [smem:$0x3FA1]  }
0x2a: {  	p0 =	seq.s32 s5, $0x0;
	s5 =	sld [smem:$0x3FA2]  }
0x2b: {  	s6 =	sld [smem:$0x3FA3]  }
0x2c: {  	s7 =	sld [smem:$0x3FA4]  }
0x2d: {  	s3 =	simm.s32 $0x108;
	s8 =	sld [smem:$0x3FA5]  }
0x2e: {  	s3 =	simm.s32 @!p0 $0x1082;
	s9 =	sld [smem:$0x3FA6]  }
0x2f: {  	lr =	sadd.s32 s0, s3;
	s0 =	sld [smem:$0x3F9D]  }
0x30: {  	s3 =	sld [smem:$0x3FA0]  }
0x31: {  	[smem:$0x3FA9] =	sst s10  }
0x32: {  	s10 =	sld [smem:$0x3FA7];
	_ =	sdelay $0x3  }
0x33: {  	p0 =	seq.s32 s10, $0x1;
	s10 =	sld [smem:$0x3FA9];
	_ =	sdelay $0x3  }
0x34: {  	[smem:$0x3FA9] =	sst s10  }
0x35: {  	s10 =	sld [smem:$0x3FA8];
	_ =	sdelay $0x3  }
0x36: {  	p1 =	seq.s32 s10, $0x1;
	s10 =	sld [smem:$0x3FA9];
	_ =	sdelay $0x3  }
0x37: {  	[smem:$0x3FA9] =	sst s10  }
0x38: {  	s10 =	sld [smem:$0x3FAA]  }
0x39: {  	_ = 	snop;
	(pc) =	sbr.ind lr, $3  }
0x3a: {  	_ = 	snop  }
0x3b: {  	_ = 	snop  }
0x3c: {  	p2 =	seq.s32 s10, $0x1;
	s10 =	sld [smem:$0x3FA9]  }
0x3d: {  	_ =	shalt  }
0x3e: {  	_ =	shalt  }
0x3f: {  	_ =	shalt  }
0x40: {  	_ =	shalt  }
0x41: {  	_ =	shalt  }
0x42: {  	_ =	shalt  }
0x43: {  	_ =	shalt  }
0x44: {  	_ =	shalt  }
0x45: {  	_ =	shalt  }
0x46: {  	_ =	shalt  }
0x47: {  	_ =	shalt  }
0x48: {  	_ =	shalt  }
0x49: {  	_ =	shalt  }
0x4a: {  	_ =	shalt  }
0x4b: {  	_ =	shalt  }
0x4c: {  	_ =	shalt  }
0x4d: {  	_ =	shalt  }
0x4e: {  	_ =	shalt  }
0x4f: {  	_ =	shalt  }
0x50: {  	_ =	shalt  }
0x51: {  	_ =	shalt  }
0x52: {  	_ =	shalt  }
0x53: {  	_ =	shalt  }
0x54: {  	_ =	shalt  }
0x55: {  	_ =	shalt  }
0x56: {  	_ =	shalt  }
0x57: {  	_ =	shalt  }
0x58: {  	_ =	shalt  }
0x59: {  	_ =	shalt  }
0x5a: {  	_ =	shalt  }
0x5b: {  	_ =	shalt  }
0x5c: {  	_ =	shalt  }
0x5d: {  	_ =	shalt  }
0x5e: {  	_ =	shalt  }
0x5f: {  	_ =	shalt  }
0x60: {  	_ =	shalt  }
0x61: {  	_ =	shalt  }
0x62: {  	_ =	shalt  }
0x63: {  	_ =	shalt  }
0x64: {  	_ =	shalt  }
0x65: {  	_ =	shalt  }
0x66: {  	_ =	shalt  }
0x67: {  	_ =	shalt  }
0x68: {  	_ =	shalt  }
0x69: {  	_ =	shalt  }
0x6a: {  	_ =	shalt  }
0x6b: {  	_ =	shalt  }
0x6c: {  	_ =	shalt  }
0x6d: {  	_ =	shalt  }
0x6e: {  	_ =	shalt  }
0x6f: {  	_ =	shalt  }
0x70: {  	_ =	shalt  }
0x71: {  	_ =	shalt  }
0x72: {  	_ =	shalt  }
0x73: {  	_ =	shalt  }
0x74: {  	_ =	shalt  }
0x75: {  	_ =	shalt  }
0x76: {  	_ =	shalt  }
0x77: {  	_ =	shalt  }
0x78: {  	_ =	shalt  }
0x79: {  	_ =	shalt  }
0x7a: {  	_ =	shalt  }
0x7b: {  	_ =	shalt  }
0x7c: {  	_ =	shalt  }
0x7d: {  	_ =	shalt  }
0x7e: {  	_ =	shalt  }
0x7f: {  	_ =	shalt  }
0x80: {  	_ =	shalt  }
0x81: {  	_ =	shalt  }
0x82: {  	_ =	shalt  }
0x83: {  	_ =	shalt  }
0x84: {  	_ =	shalt  }
0x85: {  	_ =	shalt  }
0x86: {  	_ =	shalt  }
0x87: {  	_ =	shalt  }
.Lfunc_end0:
.L_simem_size_0:
called_computation.4_lowered:
.L_overlay_start_0:
0x88: {  	s2 =	sld [smem:$0x3FD9]  }
0x89: {  	s3 =	sld [smem:$0x3FFE];
	_ =	sdelay $0x1  }
0x8a: {  	s1 =	srdreg.scid  }
0x8b: {  	s0 =	sand.u32 $0x1, s1  }
0x8c: {  	s14 =	sshll.u32 s0, $0xA;
	s2 =	sadd.s32 s3, s2  }
0x8d: {  	s2 =	sadd.s32 s2, s14  }
0x8e: {  	[smem:$0x3FB5] =	sst s2  }
0x8f: {  	_ = 	snop  }
0x90: {  	s2 =	sld [smem:$0x3FD0];
	_ =	sdelay $0x2  }
0x91: {  	s15 =	simm.s32 $0xA;
	s4 =	simm.s32 $0x10  }
0x92: {  	[smem:s4], [sflag:s15] =	dma.local [hbm:s2], $0x1  }
0x93: {  	_ =	swait.eq [sflag:s15], $0x1  }
0x94: {  	[sflag:s15] =	ssyncset.done $0x0  }
0x95: {  	[sflag:s15] =	ssyncadd.s32 $0xFFFFFFFF  }
0x96: {  	s16 =	sld [smem:$0x11];
	(tm) =	ssettm $0x1  }
0x97: {  	s17 =	sld [smem:$0x3FFB];
	_ =	sdelay $0x3  }
0x98: {  	_ =	strace s17  }
0x99: {  	s3 =	sld [smem:$0x3FFC];
	_ =	sdelay $0x3  }
0x9a: {  	_ =	strace s3  }
0x9b: {  	s3 =	sld [smem:$0x3FFD];
	_ =	sdelay $0x3  }
0x9c: {  	_ =	strace s3  }
0x9d: {  	_ =	strace $0x8FFFFFFF  }
0x9e: {  	s18 =	sld [smem:$0x3FDB];
	_ =	sdelay $0x1  }
0x9f: {  	s19 =	simm.s32 $_scs_section_size  }
0xa0: {  	s5 =	simm.s32 $_size__tile_overlayer_lowered;
	s6 =	simm.s32 $_tile_overlayer_lowered  }
0xa1: {  	s22 =	simm.s32 $0x1BFF;
	s21 =	sshll.u32 s6, $0x1;
	s3 =	sadd.s32 s19, s18  }
0xa2: {  	s7 =	simm.s32 $0x0;
	s20 =	sshll.u32 s5, $0x1;
	s5 =	sadd.s32 s21, s3  }
0xa3: {  	[timem:s7], [sflag:s22] =	dma.local [hbm:s5], s20  }
0xa4: {  	_ =	swait.ge [sflag:s22], s20  }
0xa5: {  	s4 =	ssub.s32 $0x0, s20;
	[sflag:s22] =	ssyncset.done $0x0  }
0xa6: {  	[sflag:s22] =	ssyncadd.s32 s4;
	_ =	sdelay $0x1  }
0xa7: {  	s23 =	simm.s32 $0x1B8B  }
0xa8: {  	_ =	swait.ge [sflag:s23], $0x1  }
0xa9: {  	[sflag:s23] =	ssyncset.done $0x0  }
0xaa: {  	s25 =	simm.s32 $0x1B8E;
	s24 =	sld [smem:$0x3FFE];
	[sflag:s23] =	ssyncadd.s32 $0xFFFFFFFF  }
0xab: {  	s26 =	simm.s32 $execute0_lowered;
	[smem:$0x3FD2] =	sst s25  }
0xac: {  	s5 =	sshll.u32 s26, $0x1;
	_ =	strace $0x80000052;
	[dreg:$0x1] =	wrdreg $0xFFFFFFFF  }
0xad: {  	s28 =	simm.s32 $_size_execute0_lowered;
	s3 =	sadd.s32 s3, s5;
	[dreg:$0x0] =	wrdreg $0x0  }
0xae: {  	s5 =	sshll.u32 s28, $0x1;
	[dreg:$0x2] =	wrdreg s3  }
0xaf: {  	[dreg:$0x3] =	wrdreg s5  }
0xb0: {  	[dreg:$0x4] =	wrdreg $0xC0  }
0xb1: {  	_ =	task [dreg:s7], $0x5FFFF  }
0xb2: {  	[dreg:$0x1] =	wrdreg $0xFFFFFFFF  }
0xb3: {  	[dreg:$0x0] =	wrdreg $0x60  }
0xb4: {  	[dreg:$0x2] =	wrdreg s16  }
0xb5: {  	[dreg:$0x3] =	wrdreg s24  }
0xb6: {  	[dreg:$0x4] =	wrdreg $0x9  }
0xb7: {  	_ =	task.clear_ibuf [dreg:s7], $0x5FFFF;
	_ =	strace $0x90000052  }
0xb8: {  	s29 =	simm.s32 $0x9;
	_ =	strace $0x80000054  }
0xb9: {  	_ =	swait.ge [sflag:s29], $0x1  }
0xba: {  	[sflag:s29] =	ssyncadd.s32 $0xFFFFFFFF  }
0xbb: {  	_ =	strace $0x90000054  }
0xbc: {  	_ =	sfence  }
0xbd: {  	s30 =	sld [smem:$0x0];
	_ =	sdelay $0x2  }
0xbe: {  	s31 =	sshll.u32 s1, $0xD;
	s1 =	sshrl.u32 s1, $0x2  }
0xbf: {  	s3 =	sand.u32 $0x4000, s31;
	s1 =	sadd.s32 s1, s30  }
0xc0: {  	s0 =	sor.u32 s3, s0;
	s1 =	sshll.u32 s1, $0x11  }
0xc1: {  	s0 =	sor.u32 s1, s0  }
0xc2: {  	s0 =	sadd.s32 $0x8F2B, s0  }
0xc3: {  	[sflag:s0] =	ssyncadd.remote.s32 $0x1  }
0xc4: {  	_ =	sfence.sel $0xFFFF  }
0xc5: {  	[dreg:$0x0] =	wrdreg $0xFFFFFFFF;
	(pc) =	sbr.abs _section_cstart, $3  }
0xc6: {  	[dreg:$0x1] =	wrdreg $0xFFFFFFFF  }
0xc7: {  	_ =	task.clear_ibuf [dreg:s7], $0x2FFFF;
	_ =	strace $0x9FFFFFFF  }
0xc8: {  	(tm) =	ssettm $0x7FFFFFFF  }
0xc9: {  	_ =	shalt  }
tec
execute0_lowered:
.L_overlay_start_1:
0x0: {  	(tag) =	ssettag $0x1  }
0x1: {  	v0 =	vlaneseq.u32  }
0x2: {  	s0 =	rddreg [dreg:$0x0];
	v0 =	vmul.u32 $0x10, v0  }
0x3: {  	s1 =	srdreg.scid;
	s8 =	stileid.u32  }
0x4: {  	s3 =	rddreg [dreg:$0x1];
	s2 =	simm.s32 $0x0;
	s16 =	simm.s32 $0x500;
	v1 =	vor.u32 $0x1, v0;
	v2 =	vor.u32 $0x2, v0  }
0x5: {  	s17 =	simm.s32 $0x1;
	s18 =	simm.s32 $0x2;
	s20 =	simm.s32 $0x3;
	v3 =	vor.u32 $0x3, v0;
	v4 =	vor.u32 $0x4, v0;
	v5 =	vor.u32 $0x5, v0  }
0x6: {  	s21 =	simm.s32 $0x3110;
	s22 =	simm.s32 $0x5820;
	s23 =	simm.s32 $0x7F30;
	v6 =	vor.u32 $0x6, v0;
	v7 =	vor.u32 $0x7, v0;
	v8 =	vor.u32 $0x8, v0  }
0x7: {  	s24 =	simm.s32 $0xA640;
	s25 =	simm.s32 $0xCD50;
	s26 =	simm.s32 $0xF460;
	v9 =	vor.u32 $0x100, v0;
	v10 =	vor.u32 $0x101, v0;
	v11 =	vor.u32 $0x102, v0  }
0x8: {  	s28 =	simm.s32 $0x11B70;
	s29 =	simm.s32 $0x14280;
	s1 =	sand.u32 $0x1, s1;
	v12 =	vor.u32 $0x103, v0;
	v13 =	vor.u32 $0x104, v0;
	v14 =	vor.u32 $0x105, v0  }
0x9: {  	s4 =	sshll.u32 s8, $0x1;
	[smem:$0x7FF] =	sst s2;
	s8 =	smul.u32 $0x9C4, s8;
	v15 =	vor.u32 $0x106, v0;
	v16 =	vor.u32 $0x107, v0;
	v17 =	vor.u32 $0x108, v0  }
0xa: {  	s4 =	sor.u32 s1, s4;
	s6 =	ssub.s32 $0x2, s1;
	s1 =	smul.u32 $0x4E2, s1;
	v18 =	vor.u32 $0x200, v0;
	v19 =	vor.u32 $0x201, v0;
	v20 =	vor.u32 $0x202, v0  }
0xb: {  	s30 =	simm.s32 $0x0;
	_ =	strace $0x80000053;
	s5 =	smul.u32 $0x2710, s4;
	v21 =	vor.u32 $0x203, v0;
	v22 =	vor.u32 $0x204, v0;
	v23 =	vor.u32 $0x205, v0  }
0xc: {  	s4 =	smul.u32 $0x4E20, s4;
	s7 =	sshrl.u32 s6, $0x1;
	v24 =	vor.u32 $0x206, v0;
	v25 =	vor.u32 $0x207, v0;
	v26 =	vor.u32 $0x208, v0;
	s1 =	sadd.s32 s1, s8  }
0xd: {  	v27 =	vor.u32 $0x300, v0;
	v28 =	vor.u32 $0x301, v0;
	v29 =	vor.u32 $0x302, v0;
	s13 =	ssub.s32 s6, s7;
	s5 =	sshrl.u32 s5, $0x3;
	s1 =	sshll.u32 s1, $0x4  }
0xe: {  	v30 =	vor.u32 $0x303, v0;
	v31 =	vor.u32 $0x304, v0;
	v32 =	vor.u32 $0x305, v0;
	s13 =	smax.u32 s13, $0x1;
	s12 =	sadd.s32 s5, s3;
	s3 =	sadd.s32 s0, s4  }
0xf: {  	v33 =	vor.u32 $0x306, v0;
	v34 =	vor.u32 $0x307, v0;
	v35 =	vor.u32 $0x308, v0;
	s0 =	sadd.s32 s0, s1;
	s4 =	sadd.s32 $0x5000, s12;
	s5 =	sadd.s32 $0xEC40, s12  }
0x10: {  	v36 =	vor.u32 $0x400, v0;
	v37 =	vor.u32 $0x401, v0;
	v38 =	vor.u32 $0x402, v0;
	s6 =	sadd.s32 $0x18880, s12;
	s7 =	sadd.s32 $0x224C0, s12;
	s8 =	sadd.s32 $0x2C100, s12  }
0x11: {  	v39 =	vor.u32 $0x403, v0;
	v40 =	vor.u32 $0x404, v0;
	v41 =	vor.u32 $0x405, v0;
	s9 =	sadd.s32 $0x35D40, s12;
	s10 =	sadd.s32 $0x3F980, s12;
	s11 =	sadd.s32 $0x495C0, s12  }
0x12: {  	v42 =	vor.u32 $0x406, v0;
	v43 =	vor.u32 $0x407, v0;
	v44 =	vor.u32 $0x408, v0;
	s12 =	sadd.s32 $0x53200, s12;
	s1 =	sadd.s32 $0xA0, s0;
	s15 =	sadd.s32 $0x140, s0  }
.LBB2_1:
0x13: {  	[tilespmem:s2], [sflag:$0x1] =	stream.linear.gather [hbm4b:s3+s2], $0x500, $0x38;
	[tilespmem:$0x16990] =	vst v63  }
0x14: {  	s31 =	smov.u32 s15;
	s14 =	smov.u32 s1;
	s0 =	simm.s32 $0x0  }
.LBB2_2:
0x15: {  	[tilespmem:s16], [sflag:$0x2] =	stream.linear.gather [hbm4b:s14+s2], $0x500, $0x38;
	[tilespmem:$0x16990] =	vst v63  }
0x16: {  	_ =	swait.ge [sflag:s17], $0x500  }
0x17: {  	[sflag:s17] =	ssyncset.done $0x0  }
0x18: {  	[sflag:s17] =	ssyncadd.s32 $0xFFFFFB00  }
0x19: {  	v45 =	vld.idx.msk [tilespmem:v0+s2+$0x0], $0xffff;
	_ =	sdelay $0x3  }
0x1a: {  	s19 =	sshra.s32 s0, $0x2  }
0x1b: {  	[tilespmem:s19+$0xA00] =	vst v45  }
0x1c: {  	v45 =	vld.idx.msk [tilespmem:v1+s2+$0x0], $0xffff;
	_ =	sdelay $0x4  }
0x1d: {  	[tilespmem:s19+$0x3110] =	vst v45  }
0x1e: {  	v45 =	vld.idx.msk [tilespmem:v2+s2+$0x0], $0xffff;
	_ =	sdelay $0x4  }
0x1f: {  	[tilespmem:s19+$0x5820] =	vst v45  }
0x20: {  	v45 =	vld.idx.msk [tilespmem:v3+s2+$0x0], $0xffff;
	_ =	sdelay $0x4  }
0x21: {  	[tilespmem:s19+$0x7F30] =	vst v45  }
0x22: {  	v45 =	vld.idx.msk [tilespmem:v4+s2+$0x0], $0xffff;
	_ =	sdelay $0x4  }
0x23: {  	[tilespmem:s19+$0xA640] =	vst v45  }
0x24: {  	v45 =	vld.idx.msk [tilespmem:v5+s2+$0x0], $0xffff;
	_ =	sdelay $0x4  }
0x25: {  	[tilespmem:s19+$0xCD50] =	vst v45  }
0x26: {  	v45 =	vld.idx.msk [tilespmem:v6+s2+$0x0], $0xffff;
	_ =	sdelay $0x4  }
0x27: {  	[tilespmem:s19+$0xF460] =	vst v45  }
0x28: {  	v45 =	vld.idx.msk [tilespmem:v7+s2+$0x0], $0xffff;
	_ =	sdelay $0x4  }
0x29: {  	[tilespmem:s19+$0x11B70] =	vst v45  }
0x2a: {  	v45 =	vld.idx.msk [tilespmem:v8+s2+$0x0], $0xffff;
	_ =	sdelay $0x4  }
0x2b: {  	[tilespmem:s19+$0x14280] =	vst v45  }
0x2c: {  	v45 =	vld.idx.msk [tilespmem:v9+s2+$0x0], $0xffff;
	_ =	sdelay $0x4  }
0x2d: {  	[tilespmem:s19+$0xA10] =	vst v45  }
0x2e: {  	v45 =	vld.idx.msk [tilespmem:v10+s2+$0x0], $0xffff;
	_ =	sdelay $0x4  }
0x2f: {  	[tilespmem:s19+$0x3120] =	vst v45  }
0x30: {  	v45 =	vld.idx.msk [tilespmem:v11+s2+$0x0], $0xffff;
	_ =	sdelay $0x4  }
0x31: {  	[tilespmem:s19+$0x5830] =	vst v45  }
0x32: {  	v45 =	vld.idx.msk [tilespmem:v12+s2+$0x0], $0xffff;
	_ =	sdelay $0x4  }
0x33: {  	[tilespmem:s19+$0x7F40] =	vst v45  }
0x34: {  	v45 =	vld.idx.msk [tilespmem:v13+s2+$0x0], $0xffff;
	_ =	sdelay $0x4  }
0x35: {  	[tilespmem:s19+$0xA650] =	vst v45  }
0x36: {  	v45 =	vld.idx.msk [tilespmem:v14+s2+$0x0], $0xffff;
	_ =	sdelay $0x4  }
0x37: {  	[tilespmem:s19+$0xCD60] =	vst v45  }
0x38: {  	v45 =	vld.idx.msk [tilespmem:v15+s2+$0x0], $0xffff;
	_ =	sdelay $0x4  }
0x39: {  	[tilespmem:s19+$0xF470] =	vst v45  }
0x3a: {  	v45 =	vld.idx.msk [tilespmem:v16+s2+$0x0], $0xffff;
	_ =	sdelay $0x4  }
0x3b: {  	[tilespmem:s19+$0x11B80] =	vst v45  }
0x3c: {  	v45 =	vld.idx.msk [tilespmem:v17+s2+$0x0], $0xffff;
	_ =	sdelay $0x4  }
0x3d: {  	[tilespmem:s19+$0x14290] =	vst v45  }
0x3e: {  	v45 =	vld.idx.msk [tilespmem:v18+s2+$0x0], $0xffff;
	_ =	sdelay $0x4  }
0x3f: {  	[tilespmem:s19+$0xA20] =	vst v45  }
0x40: {  	v45 =	vld.idx.msk [tilespmem:v19+s2+$0x0], $0xffff;
	_ =	sdelay $0x4  }
0x41: {  	[tilespmem:s19+$0x3130] =	vst v45  }
0x42: {  	v45 =	vld.idx.msk [tilespmem:v20+s2+$0x0], $0xffff;
	_ =	sdelay $0x4  }
0x43: {  	[tilespmem:s19+$0x5840] =	vst v45  }
0x44: {  	v45 =	vld.idx.msk [tilespmem:v21+s2+$0x0], $0xffff;
	_ =	sdelay $0x4  }
0x45: {  	[tilespmem:s19+$0x7F50] =	vst v45  }
0x46: {  	v45 =	vld.idx.msk [tilespmem:v22+s2+$0x0], $0xffff;
	_ =	sdelay $0x4  }
0x47: {  	[tilespmem:s19+$0xA660] =	vst v45  }
0x48: {  	v45 =	vld.idx.msk [tilespmem:v23+s2+$0x0], $0xffff;
	_ =	sdelay $0x4  }
0x49: {  	[tilespmem:s19+$0xCD70] =	vst v45  }
0x4a: {  	v45 =	vld.idx.msk [tilespmem:v24+s2+$0x0], $0xffff;
	_ =	sdelay $0x4  }
0x4b: {  	[tilespmem:s19+$0xF480] =	vst v45  }
0x4c: {  	v45 =	vld.idx.msk [tilespmem:v25+s2+$0x0], $0xffff;
	_ =	sdelay $0x4  }
0x4d: {  	[tilespmem:s19+$0x11B90] =	vst v45  }
0x4e: {  	v45 =	vld.idx.msk [tilespmem:v26+s2+$0x0], $0xffff;
	_ =	sdelay $0x4  }
0x4f: {  	[tilespmem:s19+$0x142A0] =	vst v45  }
0x50: {  	v45 =	vld.idx.msk [tilespmem:v27+s2+$0x0], $0xffff;
	_ =	sdelay $0x4  }
0x51: {  	[tilespmem:s19+$0xA30] =	vst v45  }
0x52: {  	v45 =	vld.idx.msk [tilespmem:v28+s2+$0x0], $0xffff;
	_ =	sdelay $0x4  }
0x53: {  	[tilespmem:s19+$0x3140] =	vst v45  }
0x54: {  	v45 =	vld.idx.msk [tilespmem:v29+s2+$0x0], $0xffff;
	_ =	sdelay $0x4  }
0x55: {  	[tilespmem:s19+$0x5850] =	vst v45  }
0x56: {  	v45 =	vld.idx.msk [tilespmem:v30+s2+$0x0], $0xffff;
	_ =	sdelay $0x4  }
0x57: {  	[tilespmem:s19+$0x7F60] =	vst v45  }
0x58: {  	v45 =	vld.idx.msk [tilespmem:v31+s2+$0x0], $0xffff;
	_ =	sdelay $0x4  }
0x59: {  	[tilespmem:s19+$0xA670] =	vst v45  }
0x5a: {  	v45 =	vld.idx.msk [tilespmem:v32+s2+$0x0], $0xffff;
	_ =	sdelay $0x4  }
0x5b: {  	[tilespmem:s19+$0xCD80] =	vst v45  }
0x5c: {  	v45 =	vld.idx.msk [tilespmem:v33+s2+$0x0], $0xffff;
	_ =	sdelay $0x4  }
0x5d: {  	[tilespmem:s19+$0xF490] =	vst v45  }
0x5e: {  	v45 =	vld.idx.msk [tilespmem:v34+s2+$0x0], $0xffff;
	_ =	sdelay $0x4  }
0x5f: {  	[tilespmem:s19+$0x11BA0] =	vst v45  }
0x60: {  	v45 =	vld.idx.msk [tilespmem:v35+s2+$0x0], $0xffff;
	_ =	sdelay $0x4  }
0x61: {  	[tilespmem:s19+$0x142B0] =	vst v45  }
0x62: {  	v45 =	vld.idx.msk [tilespmem:v36+s2+$0x0], $0xffff;
	_ =	sdelay $0x4  }
0x63: {  	[tilespmem:s19+$0xA40] =	vst v45  }
0x64: {  	v45 =	vld.idx.msk [tilespmem:v37+s2+$0x0], $0xffff;
	_ =	sdelay $0x4  }
0x65: {  	[tilespmem:s19+$0x3150] =	vst v45  }
0x66: {  	v45 =	vld.idx.msk [tilespmem:v38+s2+$0x0], $0xffff;
	_ =	sdelay $0x4  }
0x67: {  	[tilespmem:s19+$0x5860] =	vst v45  }
0x68: {  	v45 =	vld.idx.msk [tilespmem:v39+s2+$0x0], $0xffff;
	_ =	sdelay $0x4  }
0x69: {  	[tilespmem:s19+$0x7F70] =	vst v45  }
0x6a: {  	v45 =	vld.idx.msk [tilespmem:v40+s2+$0x0], $0xffff;
	_ =	sdelay $0x4  }
0x6b: {  	[tilespmem:s19+$0xA680] =	vst v45  }
0x6c: {  	v45 =	vld.idx.msk [tilespmem:v41+s2+$0x0], $0xffff;
	_ =	sdelay $0x4  }
0x6d: {  	[tilespmem:s19+$0xCD90] =	vst v45  }
0x6e: {  	v45 =	vld.idx.msk [tilespmem:v42+s2+$0x0], $0xffff;
	_ =	sdelay $0x4  }
0x6f: {  	[tilespmem:s19+$0xF4A0] =	vst v45  }
0x70: {  	v45 =	vld.idx.msk [tilespmem:v43+s2+$0x0], $0xffff;
	_ =	sdelay $0x4  }
0x71: {  	[tilespmem:s19+$0x11BB0] =	vst v45  }
0x72: {  	v45 =	vld.idx.msk [tilespmem:v44+s2+$0x0], $0xffff;
	_ =	sdelay $0x4  }
0x73: {  	[tilespmem:s19+$0x142C0] =	vst v45  }
0x74: {  	[tilespmem:s2], [sflag:$0x1] =	stream.linear.gather [hbm4b:s31+s2], $0x500, $0x38;
	[tilespmem:$0x16990] =	vst v63  }
0x75: {  	_ =	swait.ge [sflag:s18], $0x500  }
0x76: {  	[sflag:s18] =	ssyncset.done $0x0  }
0x77: {  	[sflag:s18] =	ssyncadd.s32 $0xFFFFFB00  }
0x78: {  	v63 =	vld.idx.msk [tilespmem:v0+s16+$0x0], $0xffff;
	_ =	sdelay $0x4  }
0x79: {  	[tilespmem:s19+$0xA50] =	vst v63  }
0x7a: {  	v45 =	vld.idx.msk [tilespmem:v1+s16+$0x0], $0xffff;
	_ =	sdelay $0x4  }
0x7b: {  	[tilespmem:s19+$0x3160] =	vst v45  }
0x7c: {  	v45 =	vld.idx.msk [tilespmem:v2+s16+$0x0], $0xffff;
	_ =	sdelay $0x4  }
0x7d: {  	[tilespmem:s19+$0x5870] =	vst v45  }
0x7e: {  	v45 =	vld.idx.msk [tilespmem:v3+s16+$0x0], $0xffff;
	_ =	sdelay $0x4  }
0x7f: {  	[tilespmem:s19+$0x7F80] =	vst v45  }
0x80: {  	v45 =	vld.idx.msk [tilespmem:v4+s16+$0x0], $0xffff;
	_ =	sdelay $0x4  }
0x81: {  	[tilespmem:s19+$0xA690] =	vst v45  }
0x82: {  	v45 =	vld.idx.msk [tilespmem:v5+s16+$0x0], $0xffff;
	_ =	sdelay $0x4  }
0x83: {  	[tilespmem:s19+$0xCDA0] =	vst v45  }
0x84: {  	v45 =	vld.idx.msk [tilespmem:v6+s16+$0x0], $0xffff;
	_ =	sdelay $0x4  }
0x85: {  	[tilespmem:s19+$0xF4B0] =	vst v45  }
0x86: {  	v45 =	vld.idx.msk [tilespmem:v7+s16+$0x0], $0xffff;
	_ =	sdelay $0x4  }
0x87: {  	[tilespmem:s19+$0x11BC0] =	vst v45  }
0x88: {  	v45 =	vld.idx.msk [tilespmem:v8+s16+$0x0], $0xffff;
	_ =	sdelay $0x4  }
0x89: {  	[tilespmem:s19+$0x142D0] =	vst v45  }
0x8a: {  	v45 =	vld.idx.msk [tilespmem:v9+s16+$0x0], $0xffff;
	_ =	sdelay $0x4  }
0x8b: {  	[tilespmem:s19+$0xA60] =	vst v45  }
0x8c: {  	v45 =	vld.idx.msk [tilespmem:v10+s16+$0x0], $0xffff;
	_ =	sdelay $0x4  }
0x8d: {  	[tilespmem:s19+$0x3170] =	vst v45  }
0x8e: {  	v45 =	vld.idx.msk [tilespmem:v11+s16+$0x0], $0xffff;
	_ =	sdelay $0x4  }
0x8f: {  	[tilespmem:s19+$0x5880] =	vst v45  }
0x90: {  	v45 =	vld.idx.msk [tilespmem:v12+s16+$0x0], $0xffff;
	_ =	sdelay $0x4  }
0x91: {  	[tilespmem:s19+$0x7F90] =	vst v45  }
0x92: {  	v45 =	vld.idx.msk [tilespmem:v13+s16+$0x0], $0xffff;
	_ =	sdelay $0x4  }
0x93: {  	[tilespmem:s19+$0xA6A0] =	vst v45  }
0x94: {  	v45 =	vld.idx.msk [tilespmem:v14+s16+$0x0], $0xffff;
	_ =	sdelay $0x4  }
0x95: {  	[tilespmem:s19+$0xCDB0] =	vst v45  }
0x96: {  	v45 =	vld.idx.msk [tilespmem:v15+s16+$0x0], $0xffff;
	_ =	sdelay $0x4  }
0x97: {  	[tilespmem:s19+$0xF4C0] =	vst v45  }
0x98: {  	v45 =	vld.idx.msk [tilespmem:v16+s16+$0x0], $0xffff;
	_ =	sdelay $0x4  }
0x99: {  	[tilespmem:s19+$0x11BD0] =	vst v45  }
0x9a: {  	v45 =	vld.idx.msk [tilespmem:v17+s16+$0x0], $0xffff;
	_ =	sdelay $0x4  }
0x9b: {  	[tilespmem:s19+$0x142E0] =	vst v45  }
0x9c: {  	v45 =	vld.idx.msk [tilespmem:v18+s16+$0x0], $0xffff;
	_ =	sdelay $0x4  }
0x9d: {  	[tilespmem:s19+$0xA70] =	vst v45  }
0x9e: {  	v45 =	vld.idx.msk [tilespmem:v19+s16+$0x0], $0xffff;
	_ =	sdelay $0x4  }
0x9f: {  	[tilespmem:s19+$0x3180] =	vst v45  }
0xa0: {  	v45 =	vld.idx.msk [tilespmem:v20+s16+$0x0], $0xffff;
	_ =	sdelay $0x4  }
0xa1: {  	[tilespmem:s19+$0x5890] =	vst v45  }
0xa2: {  	v45 =	vld.idx.msk [tilespmem:v21+s16+$0x0], $0xffff;
	_ =	sdelay $0x4  }
0xa3: {  	[tilespmem:s19+$0x7FA0] =	vst v45  }
0xa4: {  	v45 =	vld.idx.msk [tilespmem:v22+s16+$0x0], $0xffff;
	_ =	sdelay $0x4  }
0xa5: {  	[tilespmem:s19+$0xA6B0] =	vst v45  }
0xa6: {  	v45 =	vld.idx.msk [tilespmem:v23+s16+$0x0], $0xffff;
	_ =	sdelay $0x4  }
0xa7: {  	[tilespmem:s19+$0xCDC0] =	vst v45  }
0xa8: {  	v45 =	vld.idx.msk [tilespmem:v24+s16+$0x0], $0xffff;
	_ =	sdelay $0x4  }
0xa9: {  	[tilespmem:s19+$0xF4D0] =	vst v45  }
0xaa: {  	v45 =	vld.idx.msk [tilespmem:v25+s16+$0x0], $0xffff;
	_ =	sdelay $0x4  }
0xab: {  	[tilespmem:s19+$0x11BE0] =	vst v45  }
0xac: {  	v45 =	vld.idx.msk [tilespmem:v26+s16+$0x0], $0xffff;
	_ =	sdelay $0x4  }
0xad: {  	[tilespmem:s19+$0x142F0] =	vst v45  }
0xae: {  	v45 =	vld.idx.msk [tilespmem:v27+s16+$0x0], $0xffff;
	_ =	sdelay $0x4  }
0xaf: {  	[tilespmem:s19+$0xA80] =	vst v45  }
0xb0: {  	v45 =	vld.idx.msk [tilespmem:v28+s16+$0x0], $0xffff;
	_ =	sdelay $0x4  }
0xb1: {  	[tilespmem:s19+$0x3190] =	vst v45  }
0xb2: {  	v45 =	vld.idx.msk [tilespmem:v29+s16+$0x0], $0xffff;
	_ =	sdelay $0x4  }
0xb3: {  	[tilespmem:s19+$0x58A0] =	vst v45  }
0xb4: {  	v45 =	vld.idx.msk [tilespmem:v30+s16+$0x0], $0xffff;
	_ =	sdelay $0x4  }
0xb5: {  	[tilespmem:s19+$0x7FB0] =	vst v45  }
0xb6: {  	v45 =	vld.idx.msk [tilespmem:v31+s16+$0x0], $0xffff;
	_ =	sdelay $0x4  }
0xb7: {  	[tilespmem:s19+$0xA6C0] =	vst v45  }
0xb8: {  	v45 =	vld.idx.msk [tilespmem:v32+s16+$0x0], $0xffff;
	_ =	sdelay $0x4  }
0xb9: {  	[tilespmem:s19+$0xCDD0] =	vst v45  }
0xba: {  	v45 =	vld.idx.msk [tilespmem:v33+s16+$0x0], $0xffff;
	_ =	sdelay $0x4  }
0xbb: {  	[tilespmem:s19+$0xF4E0] =	vst v45  }
0xbc: {  	v45 =	vld.idx.msk [tilespmem:v34+s16+$0x0], $0xffff;
	_ =	sdelay $0x4  }
0xbd: {  	[tilespmem:s19+$0x11BF0] =	vst v45  }
0xbe: {  	v45 =	vld.idx.msk [tilespmem:v35+s16+$0x0], $0xffff;
	_ =	sdelay $0x4  }
0xbf: {  	[tilespmem:s19+$0x14300] =	vst v45  }
0xc0: {  	v45 =	vld.idx.msk [tilespmem:v36+s16+$0x0], $0xffff;
	_ =	sdelay $0x4  }
0xc1: {  	[tilespmem:s19+$0xA90] =	vst v45  }
0xc2: {  	v45 =	vld.idx.msk [tilespmem:v37+s16+$0x0], $0xffff;
	_ =	sdelay $0x4  }
0xc3: {  	[tilespmem:s19+$0x31A0] =	vst v45  }
0xc4: {  	v45 =	vld.idx.msk [tilespmem:v38+s16+$0x0], $0xffff;
	_ =	sdelay $0x4  }
0xc5: {  	[tilespmem:s19+$0x58B0] =	vst v45  }
0xc6: {  	v45 =	vld.idx.msk [tilespmem:v39+s16+$0x0], $0xffff;
	_ =	sdelay $0x4  }
0xc7: {  	[tilespmem:s19+$0x7FC0] =	vst v45  }
0xc8: {  	v45 =	vld.idx.msk [tilespmem:v40+s16+$0x0], $0xffff;
	_ =	sdelay $0x4  }
0xc9: {  	[tilespmem:s19+$0xA6D0] =	vst v45  }
0xca: {  	v45 =	vld.idx.msk [tilespmem:v41+s16+$0x0], $0xffff;
	_ =	sdelay $0x4  }
0xcb: {  	[tilespmem:s19+$0xCDE0] =	vst v45  }
0xcc: {  	v45 =	vld.idx.msk [tilespmem:v42+s16+$0x0], $0xffff;
	_ =	sdelay $0x4  }
0xcd: {  	[tilespmem:s19+$0xF4F0] =	vst v45  }
0xce: {  	v45 =	vld.idx.msk [tilespmem:v43+s16+$0x0], $0xffff;
	_ =	sdelay $0x4  }
0xcf: {  	[tilespmem:s19+$0x11C00] =	vst v45  }
0xd0: {  	p0 =	sne.s32 s0, $0x9880;
	v45 =	vld.idx.msk [tilespmem:v44+s16+$0x0], $0xffff  }
.Ltmp0:
0xd1: {  	_ = 	snop;
	(pc) =	sbr.rel @p0 .LBB2_2-.Ltmp0, $2  }
0xd2: {  	_ =	sdelay $0x2  }
0xd3: {  	s14 =	sadd.s32 $0x140, s14;
	s0 =	sadd.s32 $0x280, s0;
	s31 =	sadd.s32 $0x140, s31;
	[tilespmem:s19+$0x14310] =	vst v45  }
0xd4: {  	_ = 	snop  }
0xd5: {  	_ =	swait.ge [sflag:s17], $0x500  }
0xd6: {  	[sflag:s17] =	ssyncset.done $0x0  }
0xd7: {  	[sflag:s17] =	ssyncadd.s32 $0xFFFFFB00  }
0xd8: {  	v45 =	vld.idx.msk [tilespmem:v0+s2+$0x0], $0xffff;
	_ =	sdelay $0x4  }
0xd9: {  	[tilespmem:$0x30C0] =	vst v45  }
0xda: {  	v45 =	vld.idx.msk [tilespmem:v1+s2+$0x0], $0xffff;
	_ =	sdelay $0x4  }
0xdb: {  	[tilespmem:$0x57D0] =	vst v45  }
0xdc: {  	v45 =	vld.idx.msk [tilespmem:v2+s2+$0x0], $0xffff;
	_ =	sdelay $0x4  }
0xdd: {  	[tilespmem:$0x7EE0] =	vst v45  }
0xde: {  	v45 =	vld.idx.msk [tilespmem:v3+s2+$0x0], $0xffff;
	_ =	sdelay $0x4  }
0xdf: {  	[tilespmem:$0xA5F0] =	vst v45  }
0xe0: {  	v45 =	vld.idx.msk [tilespmem:v4+s2+$0x0], $0xffff;
	_ =	sdelay $0x4  }
0xe1: {  	[tilespmem:$0xCD00] =	vst v45  }
0xe2: {  	v45 =	vld.idx.msk [tilespmem:v5+s2+$0x0], $0xffff;
	_ =	sdelay $0x4  }
0xe3: {  	[tilespmem:$0xF410] =	vst v45  }
0xe4: {  	v45 =	vld.idx.msk [tilespmem:v6+s2+$0x0], $0xffff;
	_ =	sdelay $0x4  }
0xe5: {  	[tilespmem:$0x11B20] =	vst v45  }
0xe6: {  	v45 =	vld.idx.msk [tilespmem:v7+s2+$0x0], $0xffff;
	_ =	sdelay $0x4  }
0xe7: {  	[tilespmem:$0x14230] =	vst v45  }
0xe8: {  	v45 =	vld.idx.msk [tilespmem:v8+s2+$0x0], $0xffff;
	_ =	sdelay $0x4  }
0xe9: {  	[tilespmem:$0x16940] =	vst v45  }
0xea: {  	v45 =	vld.idx.msk [tilespmem:v9+s2+$0x0], $0xffff;
	_ =	sdelay $0x4  }
0xeb: {  	[tilespmem:$0x30D0] =	vst v45  }
0xec: {  	v45 =	vld.idx.msk [tilespmem:v10+s2+$0x0], $0xffff;
	_ =	sdelay $0x4  }
0xed: {  	[tilespmem:$0x57E0] =	vst v45  }
0xee: {  	v45 =	vld.idx.msk [tilespmem:v11+s2+$0x0], $0xffff;
	_ =	sdelay $0x4  }
0xef: {  	[tilespmem:$0x7EF0] =	vst v45  }
0xf0: {  	v45 =	vld.idx.msk [tilespmem:v12+s2+$0x0], $0xffff;
	_ =	sdelay $0x4  }
0xf1: {  	[tilespmem:$0xA600] =	vst v45  }
0xf2: {  	v45 =	vld.idx.msk [tilespmem:v13+s2+$0x0], $0xffff;
	_ =	sdelay $0x4  }
0xf3: {  	[tilespmem:$0xCD10] =	vst v45  }
0xf4: {  	v45 =	vld.idx.msk [tilespmem:v14+s2+$0x0], $0xffff;
	_ =	sdelay $0x4  }
0xf5: {  	[tilespmem:$0xF420] =	vst v45  }
0xf6: {  	v45 =	vld.idx.msk [tilespmem:v15+s2+$0x0], $0xffff;
	_ =	sdelay $0x4  }
0xf7: {  	[tilespmem:$0x11B30] =	vst v45  }
0xf8: {  	v45 =	vld.idx.msk [tilespmem:v16+s2+$0x0], $0xffff;
	_ =	sdelay $0x4  }
0xf9: {  	[tilespmem:$0x14240] =	vst v45  }
0xfa: {  	v45 =	vld.idx.msk [tilespmem:v17+s2+$0x0], $0xffff;
	_ =	sdelay $0x4  }
0xfb: {  	[tilespmem:$0x16950] =	vst v45  }
0xfc: {  	v45 =	vld.idx.msk [tilespmem:v18+s2+$0x0], $0xffff;
	_ =	sdelay $0x4  }
0xfd: {  	[tilespmem:$0x30E0] =	vst v45  }
0xfe: {  	v45 =	vld.idx.msk [tilespmem:v19+s2+$0x0], $0xffff;
	_ =	sdelay $0x4  }
0xff: {  	[tilespmem:$0x57F0] =	vst v45  }
0x100: {  	v45 =	vld.idx.msk [tilespmem:v20+s2+$0x0], $0xffff;
	_ =	sdelay $0x4  }
0x101: {  	[tilespmem:$0x7F00] =	vst v45  }
0x102: {  	v45 =	vld.idx.msk [tilespmem:v21+s2+$0x0], $0xffff;
	_ =	sdelay $0x4  }
0x103: {  	[tilespmem:$0xA610] =	vst v45  }
0x104: {  	v45 =	vld.idx.msk [tilespmem:v22+s2+$0x0], $0xffff;
	_ =	sdelay $0x4  }
0x105: {  	[tilespmem:$0xCD20] =	vst v45  }
0x106: {  	v45 =	vld.idx.msk [tilespmem:v23+s2+$0x0], $0xffff;
	_ =	sdelay $0x4  }
0x107: {  	[tilespmem:$0xF430] =	vst v45  }
0x108: {  	v45 =	vld.idx.msk [tilespmem:v24+s2+$0x0], $0xffff;
	_ =	sdelay $0x4  }
0x109: {  	[tilespmem:$0x11B40] =	vst v45  }
0x10a: {  	v45 =	vld.idx.msk [tilespmem:v25+s2+$0x0], $0xffff;
	_ =	sdelay $0x4  }
0x10b: {  	[tilespmem:$0x14250] =	vst v45  }
0x10c: {  	v45 =	vld.idx.msk [tilespmem:v26+s2+$0x0], $0xffff;
	_ =	sdelay $0x4  }
0x10d: {  	[tilespmem:$0x16960] =	vst v45  }
0x10e: {  	v45 =	vld.idx.msk [tilespmem:v27+s2+$0x0], $0xffff;
	_ =	sdelay $0x4  }
0x10f: {  	[tilespmem:$0x30F0] =	vst v45  }
0x110: {  	v45 =	vld.idx.msk [tilespmem:v28+s2+$0x0], $0xffff;
	_ =	sdelay $0x4  }
0x111: {  	[tilespmem:$0x5800] =	vst v45  }
0x112: {  	v45 =	vld.idx.msk [tilespmem:v29+s2+$0x0], $0xffff;
	_ =	sdelay $0x4  }
0x113: {  	[tilespmem:$0x7F10] =	vst v45  }
0x114: {  	v45 =	vld.idx.msk [tilespmem:v30+s2+$0x0], $0xffff;
	_ =	sdelay $0x4  }
0x115: {  	[tilespmem:$0xA620] =	vst v45  }
0x116: {  	v45 =	vld.idx.msk [tilespmem:v31+s2+$0x0], $0xffff;
	_ =	sdelay $0x4  }
0x117: {  	[tilespmem:$0xCD30] =	vst v45  }
0x118: {  	v45 =	vld.idx.msk [tilespmem:v32+s2+$0x0], $0xffff;
	_ =	sdelay $0x4  }
0x119: {  	[tilespmem:$0xF440] =	vst v45  }
0x11a: {  	v45 =	vld.idx.msk [tilespmem:v33+s2+$0x0], $0xffff;
	_ =	sdelay $0x4  }
0x11b: {  	[tilespmem:$0x11B50] =	vst v45  }
0x11c: {  	v45 =	vld.idx.msk [tilespmem:v34+s2+$0x0], $0xffff;
	_ =	sdelay $0x4  }
0x11d: {  	[tilespmem:$0x14260] =	vst v45  }
0x11e: {  	v45 =	vld.idx.msk [tilespmem:v35+s2+$0x0], $0xffff;
	_ =	sdelay $0x4  }
0x11f: {  	[tilespmem:$0x16970] =	vst v45  }
0x120: {  	v45 =	vld.idx.msk [tilespmem:v36+s2+$0x0], $0xffff;
	_ =	sdelay $0x4  }
0x121: {  	[tilespmem:$0x3100] =	vst v45  }
0x122: {  	v45 =	vld.idx.msk [tilespmem:v37+s2+$0x0], $0xffff;
	_ =	sdelay $0x4  }
0x123: {  	[tilespmem:$0x5810] =	vst v45  }
0x124: {  	v45 =	vld.idx.msk [tilespmem:v38+s2+$0x0], $0xffff;
	_ =	sdelay $0x4  }
0x125: {  	[tilespmem:$0x7F20] =	vst v45  }
0x126: {  	v45 =	vld.idx.msk [tilespmem:v39+s2+$0x0], $0xffff;
	_ =	sdelay $0x4  }
0x127: {  	[tilespmem:$0xA630] =	vst v45  }
0x128: {  	v45 =	vld.idx.msk [tilespmem:v40+s2+$0x0], $0xffff;
	_ =	sdelay $0x4  }
0x129: {  	[tilespmem:$0xCD40] =	vst v45  }
0x12a: {  	v45 =	vld.idx.msk [tilespmem:v41+s2+$0x0], $0xffff;
	_ =	sdelay $0x4  }
0x12b: {  	[tilespmem:$0xF450] =	vst v45  }
0x12c: {  	v45 =	vld.idx.msk [tilespmem:v42+s2+$0x0], $0xffff;
	_ =	sdelay $0x4  }
0x12d: {  	[tilespmem:$0x11B60] =	vst v45  }
0x12e: {  	v45 =	vld.idx.msk [tilespmem:v43+s2+$0x0], $0xffff;
	_ =	sdelay $0x4  }
0x12f: {  	[tilespmem:$0x14270] =	vst v45  }
0x130: {  	v45 =	vld.idx.msk [tilespmem:v44+s2+$0x0], $0xffff;
	_ =	sdelay $0x4  }
0x131: {  	s0 =	simm.s32 $0xA00;
	[tilespmem:$0x16980] =	vst v45  }
0x132: {  	[hbm4b:s4+s2] =	stream.linear.scatter [tilespmem:s0], [sflag:$0x3], $0x2710, $0x38;
	[tilespmem:$0x16990] =	vst v63  }
0x133: {  	_ =	swait.ge [sflag:s20], $0x2710  }
0x134: {  	[sflag:s20] =	ssyncset.done $0x0  }
0x135: {  	[sflag:s20] =	ssyncadd.s32 $0xFFFFD8F0  }
0x136: {  	[hbm4b:s5+s2] =	stream.linear.scatter [tilespmem:s21], [sflag:$0x3], $0x2710, $0x38;
	[tilespmem:$0x16990] =	vst v63  }
0x137: {  	_ =	swait.ge [sflag:s20], $0x2710  }
0x138: {  	[sflag:s20] =	ssyncset.done $0x0  }
0x139: {  	[sflag:s20] =	ssyncadd.s32 $0xFFFFD8F0  }
0x13a: {  	[hbm4b:s6+s2] =	stream.linear.scatter [tilespmem:s22], [sflag:$0x3], $0x2710, $0x38;
	[tilespmem:$0x16990] =	vst v63  }
0x13b: {  	_ =	swait.ge [sflag:s20], $0x2710  }
0x13c: {  	[sflag:s20] =	ssyncset.done $0x0  }
0x13d: {  	[sflag:s20] =	ssyncadd.s32 $0xFFFFD8F0  }
0x13e: {  	[hbm4b:s7+s2] =	stream.linear.scatter [tilespmem:s23], [sflag:$0x3], $0x2710, $0x38;
	[tilespmem:$0x16990] =	vst v63  }
0x13f: {  	_ =	swait.ge [sflag:s20], $0x2710  }
0x140: {  	[sflag:s20] =	ssyncset.done $0x0  }
0x141: {  	[sflag:s20] =	ssyncadd.s32 $0xFFFFD8F0  }
0x142: {  	[hbm4b:s8+s2] =	stream.linear.scatter [tilespmem:s24], [sflag:$0x3], $0x2710, $0x38;
	[tilespmem:$0x16990] =	vst v63  }
0x143: {  	_ =	swait.ge [sflag:s20], $0x2710  }
0x144: {  	[sflag:s20] =	ssyncset.done $0x0  }
0x145: {  	[sflag:s20] =	ssyncadd.s32 $0xFFFFD8F0  }
0x146: {  	[hbm4b:s9+s2] =	stream.linear.scatter [tilespmem:s25], [sflag:$0x3], $0x2710, $0x38;
	[tilespmem:$0x16990] =	vst v63  }
0x147: {  	_ =	swait.ge [sflag:s20], $0x2710  }
0x148: {  	[sflag:s20] =	ssyncset.done $0x0  }
0x149: {  	[sflag:s20] =	ssyncadd.s32 $0xFFFFD8F0  }
0x14a: {  	[hbm4b:s10+s2] =	stream.linear.scatter [tilespmem:s26], [sflag:$0x3], $0x2710, $0x38;
	[tilespmem:$0x16990] =	vst v63  }
0x14b: {  	_ =	swait.ge [sflag:s20], $0x2710  }
0x14c: {  	[sflag:s20] =	ssyncset.done $0x0  }
0x14d: {  	[sflag:s20] =	ssyncadd.s32 $0xFFFFD8F0  }
0x14e: {  	[hbm4b:s11+s2] =	stream.linear.scatter [tilespmem:s28], [sflag:$0x3], $0x2710, $0x38;
	[tilespmem:$0x16990] =	vst v63  }
0x14f: {  	s30 =	sadd.s32 $0x1, s30;
	_ =	swait.ge [sflag:s20], $0x2710  }
0x150: {  	p0 =	sne.s32 s30, s13;
	[sflag:s20] =	ssyncset.done $0x0  }
.Ltmp1:
0x151: {  	[sflag:s20] =	ssyncadd.s32 $0xFFFFD8F0;
	(pc) =	sbr.rel @p0 .LBB2_1-.Ltmp1, $4  }
0x152: {  	[hbm4b:s12+s2] =	stream.linear.scatter [tilespmem:s29], [sflag:$0x3], $0x2710, $0x38;
	[tilespmem:$0x16990] =	vst v63  }
0x153: {  	_ =	swait.ge [sflag:s20], $0x2710  }
0x154: {  	[sflag:s20] =	ssyncset.done $0x0  }
0x155: {  	[sflag:s20] =	ssyncadd.s32 $0xFFFFD8F0  }
0x156: {  	_ =	sfence.sel $0x180000  }
0x157: {  	[bflag:$0x0] =	sbarrier.arrive $0xFFFF  }
0x158: {  	_ =	strace $0x90000053  }
0x159: {  	s0 =	stileid.u32;
	[bflag:$0x2] =	sbarrier.arrive $0xFFFF  }
0x15a: {  	p0 =	sne.s32 s0, $0x0;
	s0 =	rddreg [dreg:$0x2]  }
0x15b: {  	s0 =	sadd.s32 @!p0 $0x100000, s0  }
0x15c: {  	[sflag:s0] =	ssyncadd.tile.s32 @!p0 $0x1;
	_ =	shalt  }
.Lfunc_end2:
_tile_overlayer_lowered:
.L_overlay_start_2:
0x15d: {  	(tag) =	ssettag $0x2  }
0x15e: {  	s0 =	rddreg [dreg:$0x0];
	s2 =	stileid.u32  }
0x15f: {  	s1 =	rddreg [dreg:$0x1];
	p0 =	sne.s32 s2, $0x0  }
0x160: {  	s3 =	rddreg [dreg:$0x2];
	[bflag:$0x3] =	sbarrier.arrive $0xFFFF;
	s2 =	simm.s32 @!p0 $0x1C03  }
0x161: {  	[timem:s3], [sflag:s2] =	dma.local @!p0 [hbm:s0], s1  }
0x162: {  	s0 =	simm.s32 @!p0 $0x3  }
0x163: {  	_ =	swait.ge @!p0 [sflag:s0], s1  }
0x164: {  	s1 =	ssub.s32 @!p0 $0x0, s1;
	[sflag:s0] =	ssyncset.done @!p0 $0x0  }
0x165: {  	[sflag:s0] =	ssyncadd.s32 @!p0 s1  }
0x166: {  	[bflag:$0x3] =	sbarrier.arrive $0xFFFF  }
0x167: {  	_ =	shalt  }

</sc_bundles>
